<compile_context>
chip_gen: v7x
topology: tpu7x:2x2x1
jax: 0.10.2.dev20260603
libtpu: 0.0.44.dev20260713+nightly
codegen_flags: <defaults>
</compile_context>

<pallas_src>
import functools

import jax
import jax.numpy as jnp
from jax import lax
from jax.experimental import pallas as pl
from jax.experimental.pallas import tpu as pltpu
from jax.experimental.pallas import tpu_sc as plsc

NC = 2
NS = 16
NW = NC * NS
L = 16

_MESH = plsc.VectorSubcoreMesh(core_axis_name="c", subcore_axis_name="s",
                               num_cores=NC, num_subcores=NS)
_SC_PARAMS = pltpu.CompilerParams(needs_layout_passes=False)


def _degree(ei_flat, n_nodes, n_pad, epw_p):
    e = ei_flat.shape[0] // 2
    epw = e // NW
    npw = epw_p - epw

    @functools.partial(
        pl.kernel,
        out_type=[
            jax.ShapeDtypeStruct((NW, n_pad), jnp.float32),
            jax.ShapeDtypeStruct((2 * NW, epw_p), jnp.int32),
        ],
        mesh=_MESH,
        compiler_params=_SC_PARAMS,
        scratch_types=[
            pltpu.VMEM((n_pad,), jnp.float32),
            pltpu.VMEM((epw_p,), jnp.int32),
            pltpu.VMEM((epw_p,), jnp.int32),
            pltpu.SemaphoreType.DMA,
            pltpu.SemaphoreType.DMA,
        ],
    )
    def deg_kernel(ei_hbm, out_hbm, eip_hbm, cnt_v, src_v, dst_v, sem,
                   sem2):
        c = lax.axis_index("c")
        s = lax.axis_index("s")
        wid = c * NS + s
        pltpu.async_copy(ei_hbm.at[pl.ds(wid * epw, epw)],
                         src_v.at[pl.ds(0, epw)], sem)
        pltpu.sync_copy(ei_hbm.at[pl.ds(e + wid * epw, epw)],
                        dst_v.at[pl.ds(0, epw)])

        iota = lax.iota(jnp.int32, L)
        for k in range(npw // L):
            src_v[pl.ds(epw + k * L, L)] = wid * npw + k * L + iota
            dst_v[pl.ds(epw + k * L, L)] = n_nodes + k * L + iota

        def zero_body(i, _):
            cnt_v[pl.ds(i * L, L)] = jnp.zeros((L,), jnp.float32)
            return 0

        lax.fori_loop(0, n_pad // L, zero_body, 0)

        ones = jnp.full((L,), 1.0, jnp.float32)
        UNROLL = 5
        assert epw % (L * UNROLL) == 0

        def body(i, _):
            for u in range(UNROLL):
                idx = dst_v[pl.ds(i * L * UNROLL + u * L, L)]
                plsc.addupdate_scatter(cnt_v, [idx], ones)
            return 0

        pltpu.async_copy(dst_v, eip_hbm.at[2 * wid + 1], sem2)
        pltpu.make_async_copy(ei_hbm.at[pl.ds(0, epw)],
                              src_v.at[pl.ds(0, epw)], sem).wait()
        pltpu.async_copy(src_v, eip_hbm.at[2 * wid], sem2)
        lax.fori_loop(0, epw // (L * UNROLL), body, 0)
        pltpu.sync_copy(cnt_v, out_hbm.at[wid])
        pltpu.make_async_copy(dst_v, eip_hbm.at[2 * wid + 1], sem2).wait()
        pltpu.make_async_copy(src_v, eip_hbm.at[2 * wid], sem2).wait()

    return deg_kernel(ei_flat)


def _mm1_body(x_ref, w_ref, cnt_ref, g_ref):
    h = jnp.dot(x_ref[...], w_ref[...], preferred_element_type=jnp.float32)
    deg = jnp.sum(cnt_ref[...], axis=1, keepdims=True) + 1.0
    dinv = lax.rsqrt(deg)
    g_ref[...] = h * dinv


def _mm1(x, w1, cnt_t, nb):
    n, d = x.shape
    h = w1.shape[1]
    grid = n // nb
    return pl.pallas_call(
        _mm1_body,
        grid=(grid,),
        in_specs=[
            pl.BlockSpec((nb, d), lambda i: (i, 0)),
            pl.BlockSpec((d, h), lambda i: (0, 0)),
            pl.BlockSpec((nb, NW), lambda i: (i, 0)),
        ],
        out_specs=pl.BlockSpec((nb, h), lambda i: (i, 0)),
        out_shape=jax.ShapeDtypeStruct((n, h), jnp.float32),
    )(x, w1, cnt_t)


def _agg1(g1, ei_p, n_nodes, n_pad, c):
    h = g1.shape[1]
    epw = ei_p.shape[1]
    nch = epw // c
    rpt = n_pad // NS
    assert nch % 8 == 0 and rpt % c == 0 and epw % c == 0

    @functools.partial(
        pl.kernel,
        out_type=jax.ShapeDtypeStruct((NC, n_pad, h), jnp.float32),
        mesh=_MESH,
        compiler_params=_SC_PARAMS,
        scratch_types=[
            [pltpu.VMEM((c,), jnp.int32) for _ in range(8)],
            [pltpu.VMEM((c,), jnp.int32) for _ in range(8)],
            [pltpu.VMEM((c, h), jnp.float32) for _ in range(4)],
            pltpu.VMEM_SHARED((n_pad, h), jnp.float32),
            [pltpu.SemaphoreType.DMA for _ in range(8)],
            [pltpu.SemaphoreType.DMA for _ in range(4)],
            [pltpu.SemaphoreType.DMA for _ in range(4)],
        ],
    )
    def agg_kernel(g_hbm, ei_hbm, out_hbm,
                   srcc, dstc, rows, acc_sh, si, sg, ss):
        cc = lax.axis_index("c")
        s = lax.axis_index("s")
        wid = cc * NS + s
        off = s * rpt

        def idx_start(i, q):
            pltpu.async_copy(ei_hbm.at[2 * wid, pl.ds(i * c, c)], srcc[q],
                             si[q])
            pltpu.async_copy(ei_hbm.at[2 * wid + 1, pl.ds(i * c, c)],
                             dstc[q], si[q])

        def idx_wait(q):
            pltpu.make_async_copy(ei_hbm.at[0, pl.ds(0, c)], srcc[q],
                                  si[q]).wait()
            pltpu.make_async_copy(ei_hbm.at[1, pl.ds(0, c)], dstc[q],
                                  si[q]).wait()

        def gather_start(q, r):
            pltpu.async_copy(g_hbm.at[srcc[q]], rows[r], sg[r])

        def gather_wait(r):
            pltpu.make_async_copy(g_hbm.at[srcc[0]], rows[r], sg[r]).wait()

        def scatter_start(q, r):
            pltpu.async_copy(rows[r], acc_sh.at[dstc[q]], ss[r], add=True)

        def scatter_wait(r):
            pltpu.make_async_copy(rows[r], acc_sh.at[dstc[0]], ss[r]).wait()

        for q in range(7):
            idx_start(q, q)

        def zbody(i, _):
            r = i // (h // L)
            cs = (i % (h // L)) * L
            rows[0][r, pl.ds(cs, L)] = jnp.zeros((L,), jnp.float32)
            return 0

        lax.fori_loop(0, c * h // L, zbody, 0)
        idx_wait(1)
        gather_start(1, 1)
        idx_wait(2)
        gather_start(2, 2)

        @pl.when(cc == 0)
        def _():
            @pl.when(s < NS - 1)
            def _():
                pltpu.sync_copy(g_hbm.at[pl.ds(off, rpt)],
                                acc_sh.at[pl.ds(off, rpt)])

            @pl.when(s == NS - 1)
            def _():
                last = n_nodes - (NS - 1) * rpt
                pltpu.sync_copy(g_hbm.at[pl.ds(off, last)],
                                acc_sh.at[pl.ds(off, last)])
                pad = n_pad - n_nodes
                done = 0
                while done < pad:
                    step = min(c, pad - done)
                    pltpu.sync_copy(rows[0].at[pl.ds(0, step)],
                                    acc_sh.at[pl.ds(n_nodes + done, step)])
                    done += step

        @pl.when(cc == 1)
        def _():
            for k in range(rpt // c):
                pltpu.sync_copy(rows[0], acc_sh.at[pl.ds(off + k * c, c)])

        idx_wait(0)
        gather_start(0, 0)
        plsc.subcore_barrier()

        def step(jm, t, first, last_oct):
            r = t % 4
            q = t % 8
            gather_wait(r)
            scatter_start(q, r)
            if not first:
                scatter_wait((t - 1) % 4)
            if not (last_oct and t >= 1):
                idx_start(jm + t + 7, (t - 1) % 8)
            if not (last_oct and t >= 5):
                idx_wait((t + 3) % 8)
                gather_start((t + 3) % 8, (t - 1) % 4)

        for t in range(8):
            step(0, t, t == 0, False)

        def octave(i, _):
            j = 8 * i
            for t in range(8):
                step(j, t, False, False)
            return 0

        lax.fori_loop(1, nch // 8 - 1, octave, 0)

        for t in range(8):
            step(nch - 8, t, False, True)
        scatter_wait(3)

        plsc.subcore_barrier()
        pltpu.sync_copy(acc_sh.at[pl.ds(off, rpt)],
                        out_hbm.at[cc, pl.ds(off, rpt)])

    return agg_kernel(g1, ei_p)


def _mm2_body(sp_ref, cnt_ref, wd_ref, b1_ref, g2d_ref):
    deg = jnp.sum(cnt_ref[...], axis=1, keepdims=True) + 1.0
    dinv = lax.rsqrt(deg)
    pre = (sp_ref[0] + sp_ref[1]) * dinv + b1_ref[...]
    u = jnp.maximum(pre, 0.0)
    h2d = jnp.sum(u * wd_ref[...], axis=1, keepdims=True)
    g2d_ref[...] = (h2d * dinv)[:, 0]


def _mm2(sp, cnt_t, wd_row, b1_row):
    n_pad = cnt_t.shape[0]
    h = wd_row.shape[1]
    nb = 5120
    grid = n_pad // nb
    return pl.pallas_call(
        _mm2_body,
        grid=(grid,),
        in_specs=[
            pl.BlockSpec((NC, nb, h), lambda i: (0, i, 0)),
            pl.BlockSpec((nb, NW), lambda i: (i, 0)),
            pl.BlockSpec((1, h), lambda i: (0, 0)),
            pl.BlockSpec((1, h), lambda i: (0, 0)),
        ],
        out_specs=pl.BlockSpec((nb,), lambda i: (i,)),
        out_shape=jax.ShapeDtypeStruct((n_pad,), jnp.float32),
    )(sp, cnt_t, wd_row, b1_row)


def _agg2(g2d, ei_p, n_nodes, n_pad):
    epw = ei_p.shape[1]

    @functools.partial(
        pl.kernel,
        out_type=jax.ShapeDtypeStruct((NW, n_pad), jnp.float32),
        mesh=_MESH,
        compiler_params=_SC_PARAMS,
        scratch_types=[
            pltpu.VMEM((n_pad,), jnp.float32),
            pltpu.VMEM((n_pad,), jnp.float32),
            pltpu.VMEM((epw,), jnp.int32),
            pltpu.VMEM((epw,), jnp.int32),
            pltpu.SemaphoreType.DMA,
        ],
    )
    def agg2_kernel(g_hbm, ei_hbm, out_hbm, tab_v, acc_v, src_v, dst_v,
                    sem):
        c = lax.axis_index("c")
        s = lax.axis_index("s")
        wid = c * NS + s
        pltpu.async_copy(g_hbm, tab_v, sem)
        pltpu.async_copy(ei_hbm.at[2 * wid], src_v, sem)
        pltpu.async_copy(ei_hbm.at[2 * wid + 1], dst_v, sem)

        def zero_body(i, _):
            acc_v[pl.ds(i * L, L)] = jnp.zeros((L,), jnp.float32)
            return 0

        lax.fori_loop(0, n_pad // L, zero_body, 0)
        pltpu.make_async_copy(g_hbm, tab_v, sem).wait()
        pltpu.make_async_copy(ei_hbm.at[0], src_v, sem).wait()
        pltpu.make_async_copy(ei_hbm.at[1], dst_v, sem).wait()

        @pl.when(wid == 0)
        def _():
            pltpu.sync_copy(g_hbm, acc_v)

        UNROLL = 4
        assert epw % (L * UNROLL) == 0

        def body(i, _):
            for u in range(UNROLL):
                o = i * L * UNROLL + u * L
                sv = src_v[pl.ds(o, L)]
                dv = dst_v[pl.ds(o, L)]
                vals = plsc.load_gather(tab_v, [sv])
                plsc.addupdate_scatter(acc_v, [dv], vals)
            return 0

        lax.fori_loop(0, epw // (L * UNROLL), body, 0)
        pltpu.sync_copy(acc_v, out_hbm.at[wid])

    return agg2_kernel(g2d, ei_p)


def _fin_body(s2_ref, cnt_ref, bd_ref, p_ref):
    deg = jnp.sum(cnt_ref[...], axis=0) + 1.0
    dinv = lax.rsqrt(deg)
    s2 = jnp.sum(s2_ref[...], axis=0)
    dlt = dinv * s2 + bd_ref[0]
    p_ref[0, :] = 1.0 / (1.0 + jnp.exp(-dlt))
    p_ref[1, :] = 1.0 / (1.0 + jnp.exp(dlt))


def _final(s2p, counts, bd, n_pad):
    nb = 2048
    grid = n_pad // nb
    return pl.pallas_call(
        _fin_body,
        grid=(grid,),
        in_specs=[
            pl.BlockSpec((NW, nb), lambda i: (0, i)),
            pl.BlockSpec((NW, nb), lambda i: (0, i)),
            pl.BlockSpec((1, 1), lambda i: (0, 0)),
        ],
        out_specs=pl.BlockSpec((2, nb), lambda i: (0, i)),
        out_shape=jax.ShapeDtypeStruct((2, n_pad), jnp.float32),
    )(s2p, counts, bd)


def kernel(x, edge_index, W1, b1, W2, b2):
    n, d = x.shape
    h = W1.shape[1]
    e = edge_index.shape[1]
    assert e % NW == 0 and n % NS == 0 and n % L == 0

    n_pad = 10240
    assert n_pad % (NS * 8) == 0 and n_pad > n

    chunk = 64
    epw_p = e // NW + (n_pad - n)
    assert epw_p % (chunk * 8) == 0

    ei_flat = edge_index.reshape(2 * e)
    counts, ei_p = _degree(ei_flat, n, n_pad, epw_p)
    cnt_t = counts.T
    g1 = _mm1(x, W1, cnt_t, 5000)
    s1p = _agg1(g1, ei_p, n, n_pad, chunk)
    wd_row = (W2[:, 0] - W2[:, 1]).reshape(1, h)
    b1_row = b1.reshape(1, h)
    g2d = _mm2(s1p, cnt_t, wd_row, b1_row)
    s2p = _agg2(g2d, ei_p, n, n_pad)
    bd = (b2[0] - b2[1]).reshape(1, 1)
    p = _final(s2p, counts, bd, n_pad)
    return p[:, :n].T

# --- scband reference (transcript-rebuilt; emitter-appended) ---
"""Pipeline reference for scband-gcn-9861244911801 (READ-ONLY COPY).

The authoritative reference and input builder live on the scoring server;
editing this copy changes nothing except your own understanding.
"""

import jax, jax.numpy as jnp
import numpy as np

N_NODES = 10000
D_FEAT = 128
HIDDEN = 128
OUT = 2
N_EDGES = 320000


def gcn_conv(x, edge_index, W, b):
    num_nodes = x.shape[0]
    loops = jnp.arange(num_nodes, dtype=edge_index.dtype)
    src = jnp.concatenate([edge_index[0], loops])
    dst = jnp.concatenate([edge_index[1], loops])
    ones = jnp.ones(src.shape[0], dtype=x.dtype)
    deg = jnp.zeros(num_nodes, dtype=x.dtype).at[dst].add(ones)
    deg_inv_sqrt = jnp.where(deg > 0, 1.0 / jnp.sqrt(deg), 0.0)
    norm = deg_inv_sqrt[src] * deg_inv_sqrt[dst]
    h = x @ W
    msgs = h[src] * norm[:, None]
    out = jnp.zeros((num_nodes, W.shape[1]), dtype=x.dtype).at[dst].add(msgs)
    return out + b


def setup_inputs(seed: int = 0):
    key = jax.random.key(seed)
    k1, k2, k3, k4 = jax.random.split(key, 4)
    x = jax.random.normal(k1, (N_NODES, D_FEAT), dtype=jnp.float32)
    edge_index = jax.random.randint(k2, (2, N_EDGES), 0, N_NODES, dtype=jnp.int32)
    # GCNConv weights (glorot init), biases zero-init as in PyG defaults
    s1 = float(np.sqrt(6.0 / (D_FEAT + HIDDEN)))
    W1 = jax.random.uniform(k3, (D_FEAT, HIDDEN), minval=-s1, maxval=s1, dtype=jnp.float32)
    b1 = jnp.zeros((HIDDEN,), dtype=jnp.float32)
    s2 = float(np.sqrt(6.0 / (HIDDEN + OUT)))
    W2 = jax.random.uniform(k4, (HIDDEN, OUT), minval=-s2, maxval=s2, dtype=jnp.float32)
    b2 = jnp.zeros((OUT,), dtype=jnp.float32)
    return {"x": x, "edge_index": edge_index, "W1": W1, "b1": b1, "W2": W2, "b2": b2}


def reference(x, edge_index, W1, b1, W2, b2):
    # conv1 -> relu -> dropout(eval: identity) -> conv2 -> softmax
    h = gcn_conv(x, edge_index, W1, b1)
    h = jax.nn.relu(h)
    h = gcn_conv(h, edge_index, W2, b2)
    return jax.nn.softmax(h, axis=-1)

if __name__ == "__main__":
    import jax
    _d = setup_inputs()
    print(jax.jit(kernel)(*tuple(_d.values())))

</pallas_src>

<mosaic_0001>
#map = affine_map<(d0, d1) -> (0)>
#map1 = affine_map<(d0, d1) -> (0, 0)>
module attributes {stable_mosaic.version = 14 : i64} {
  func.func @deg_kernel(%arg0: i32, %arg1: i32, %arg2: memref<640000xi32, #tpu.memory_space<hbm>>, %arg3: memref<32x10240xf32, #tpu.memory_space<hbm>>, %arg4: memref<64x10240xi32, #tpu.memory_space<hbm>>, %arg5: memref<10240xf32, #tpu.memory_space<vmem>>, %arg6: memref<10240xi32, #tpu.memory_space<vmem>>, %arg7: memref<10240xi32, #tpu.memory_space<vmem>>, %arg8: memref<!tpu.dma_semaphore, #tpu.memory_space<semaphore_mem>>, %arg9: memref<!tpu.dma_semaphore, #tpu.memory_space<semaphore_mem>>) attributes {dimension_semantics = [#tpu.dimension_semantics<core_parallel>, #tpu.dimension_semantics<subcore_parallel>], iteration_bounds = array<i64: 2, 16>, scalar_prefetch = 0 : i64, scratch_operands = 5 : i64, tpu.core_type = #tpu.core_type<sc_vector_subcore>, window_params = [{transform_indices = #map}, {transform_indices = #map1}, {transform_indices = #map1}]} {
    %mul3A = arith.constant 16 : i32
    %mul3A_0 = arith.muli %arg0, %mul3A : i32
    %add3A = arith.addi %mul3A_0, %arg1 : i32
    %mul3A_1 = arith.constant 10000 : i32
    %mul3A_2 = arith.muli %add3A, %mul3A_1 : i32
    %dma_start3A = arith.constant 0 : i32
    %dma_start3A_3 = tpu.memref_slice %arg6[%dma_start3A] : memref<10240xi32, #tpu.memory_space<vmem>> -> memref<10000xi32, #tpu.memory_space<vmem>>
    %dma_start3A_4 = tpu.memref_slice %arg2[%mul3A_2] : memref<640000xi32, #tpu.memory_space<hbm>> -> memref<10000xi32, #tpu.memory_space<hbm>>
    %dma_start3A_5 = arith.constant 0 : i32
    %dma_start3A_6 = tpu.memref_slice %arg6[%dma_start3A_5] : memref<10240xi32, #tpu.memory_space<vmem>> -> memref<10000xi32, #tpu.memory_space<vmem>>
    %dma_start3A_7 = tpu.memref_slice %arg2[%mul3A_2] : memref<640000xi32, #tpu.memory_space<hbm>> -> memref<10000xi32, #tpu.memory_space<hbm>>
    tpu.enqueue_dma source(%dma_start3A_7 : memref<10000xi32, #tpu.memory_space<hbm>>) target(%dma_start3A_6 : memref<10000xi32, #tpu.memory_space<vmem>>) target_semaphore(%arg8 : memref<!tpu.dma_semaphore, #tpu.memory_space<semaphore_mem>>)
    %mul3A_8 = arith.constant 10000 : i32
    %mul3A_9 = arith.muli %add3A, %mul3A_8 : i32
    %add3A_10 = arith.constant 320000 : i32
    %add3A_11 = arith.addi %add3A_10, %mul3A_9 : i32
    "tpu.region"() ({
      %run_scoped3A = tpu.sem_alloc : memref<!tpu.dma_semaphore, #tpu.memory_space<semaphore_mem>>
      %dma_start3A_263 = arith.constant 0 : i32
      %dma_start3A_264 = tpu.memref_slice %arg7[%dma_start3A_263] : memref<10240xi32, #tpu.memory_space<vmem>> -> memref<10000xi32, #tpu.memory_space<vmem>>
      %dma_start3A_265 = tpu.memref_slice %arg2[%add3A_11] : memref<640000xi32, #tpu.memory_space<hbm>> -> memref<10000xi32, #tpu.memory_space<hbm>>
      %dma_start3A_266 = arith.constant 0 : i32
      %dma_start3A_267 = tpu.memref_slice %arg7[%dma_start3A_266] : memref<10240xi32, #tpu.memory_space<vmem>> -> memref<10000xi32, #tpu.memory_space<vmem>>
      %dma_start3A_268 = tpu.memref_slice %arg2[%add3A_11] : memref<640000xi32, #tpu.memory_space<hbm>> -> memref<10000xi32, #tpu.memory_space<hbm>>
      tpu.enqueue_dma source(%dma_start3A_268 : memref<10000xi32, #tpu.memory_space<hbm>>) target(%dma_start3A_267 : memref<10000xi32, #tpu.memory_space<vmem>>) target_semaphore(%run_scoped3A : memref<!tpu.dma_semaphore, #tpu.memory_space<semaphore_mem>>)
      %dma_wait3A_269 = arith.constant 0 : i32
      %dma_wait3A_270 = tpu.memref_slice %arg7[%dma_wait3A_269] : memref<10240xi32, #tpu.memory_space<vmem>> -> memref<10000xi32, #tpu.memory_space<vmem>>
      %dma_wait3A_271 = tpu.memref_slice %arg2[%add3A_11] : memref<640000xi32, #tpu.memory_space<hbm>> -> memref<10000xi32, #tpu.memory_space<hbm>>
      %dma_wait3A_272 = arith.constant 0 : i32
      %dma_wait3A_273 = tpu.memref_slice %arg7[%dma_wait3A_272] : memref<10240xi32, #tpu.memory_space<vmem>> -> memref<10000xi32, #tpu.memory_space<vmem>>
      %dma_wait3A_274 = tpu.memref_slice %arg2[%add3A_11] : memref<640000xi32, #tpu.memory_space<hbm>> -> memref<10000xi32, #tpu.memory_space<hbm>>
      tpu.wait_dma2 semaphore(%run_scoped3A : memref<!tpu.dma_semaphore, #tpu.memory_space<semaphore_mem>>) src(%dma_wait3A_274 : memref<10000xi32, #tpu.memory_space<hbm>>) dst(%dma_wait3A_273 : memref<10000xi32, #tpu.memory_space<vmem>>)
      tpu.yield
    }) : () -> ()
    %iota3A = tpu.iota {dimensions = array<i32: 0>} : vector<16xi32>
    %mul3A_12 = arith.constant 240 : i32
    %mul3A_13 = arith.muli %add3A, %mul3A_12 : i32
    %add3A_14 = arith.constant 0 : i32
    %add3A_15 = arith.addi %mul3A_13, %add3A_14 : i32
    %add3A_16 = vector.broadcast %add3A_15 : i32 to vector<16xi32>
    %add3A_17 = arith.addi %add3A_16, %iota3A : vector<16xi32>
    %swap3A = arith.constant 10000 : index
    %swap3A_18 = tpu.vector_load %arg6[%swap3A] {strides = array<i32>} : memref<10240xi32, #tpu.memory_space<vmem>>, vector<16xi32>,
    tpu.vector_store %arg6[%swap3A], %add3A_17 {strides = array<i32>} : memref<10240xi32, #tpu.memory_space<vmem>>, vector<16xi32>,
    %add3A_19 = arith.constant 10000 : i32
    %add3A_20 = vector.broadcast %add3A_19 : i32 to vector<16xi32>
    %add3A_21 = arith.addi %add3A_20, %iota3A : vector<16xi32>
    %swap3A_22 = arith.constant 10000 : index
    %swap3A_23 = tpu.vector_load %arg7[%swap3A_22] {strides = array<i32>} : memref<10240xi32, #tpu.memory_space<vmem>>, vector<16xi32>,
    tpu.vector_store %arg7[%swap3A_22], %add3A_21 {strides = array<i32>} : memref<10240xi32, #tpu.memory_space<vmem>>, vector<16xi32>,
    %mul3A_24 = arith.constant 240 : i32
    %mul3A_25 = arith.muli %add3A, %mul3A_24 : i32
    %add3A_26 = arith.constant 16 : i32
    %add3A_27 = arith.addi %mul3A_25, %add3A_26 : i32
    %add3A_28 = vector.broadcast %add3A_27 : i32 to vector<16xi32>
    %add3A_29 = arith.addi %add3A_28, %iota3A : vector<16xi32>
    %swap3A_30 = arith.constant 10016 : index
    %swap3A_31 = tpu.vector_load %arg6[%swap3A_30] {strides = array<i32>} : memref<10240xi32, #tpu.memory_space<vmem>>, vector<16xi32>,
    tpu.vector_store %arg6[%swap3A_30], %add3A_29 {strides = array<i32>} : memref<10240xi32, #tpu.memory_space<vmem>>, vector<16xi32>,
    %add3A_32 = arith.constant 10016 : i32
    %add3A_33 = vector.broadcast %add3A_32 : i32 to vector<16xi32>
    %add3A_34 = arith.addi %add3A_33, %iota3A : vector<16xi32>
    %swap3A_35 = arith.constant 10016 : index
    %swap3A_36 = tpu.vector_load %arg7[%swap3A_35] {strides = array<i32>} : memref<10240xi32, #tpu.memory_space<vmem>>, vector<16xi32>,
    tpu.vector_store %arg7[%swap3A_35], %add3A_34 {strides = array<i32>} : memref<10240xi32, #tpu.memory_space<vmem>>, vector<16xi32>,
    %mul3A_37 = arith.constant 240 : i32
    %mul3A_38 = arith.muli %add3A, %mul3A_37 : i32
    %add3A_39 = arith.constant 32 : i32
    %add3A_40 = arith.addi %mul3A_38, %add3A_39 : i32
    %add3A_41 = vector.broadcast %add3A_40 : i32 to vector<16xi32>
    %add3A_42 = arith.addi %add3A_41, %iota3A : vector<16xi32>
    %swap3A_43 = arith.constant 10032 : index
    %swap3A_44 = tpu.vector_load %arg6[%swap3A_43] {strides = array<i32>} : memref<10240xi32, #tpu.memory_space<vmem>>, vector<16xi32>,
    tpu.vector_store %arg6[%swap3A_43], %add3A_42 {strides = array<i32>} : memref<10240xi32, #tpu.memory_space<vmem>>, vector<16xi32>,
    %add3A_45 = arith.constant 10032 : i32
    %add3A_46 = vector.broadcast %add3A_45 : i32 to vector<16xi32>
    %add3A_47 = arith.addi %add3A_46, %iota3A : vector<16xi32>
    %swap3A_48 = arith.constant 10032 : index
    %swap3A_49 = tpu.vector_load %arg7[%swap3A_48] {strides = array<i32>} : memref<10240xi32, #tpu.memory_space<vmem>>, vector<16xi32>,
    tpu.vector_store %arg7[%swap3A_48], %add3A_47 {strides = array<i32>} : memref<10240xi32, #tpu.memory_space<vmem>>, vector<16xi32>,
    %mul3A_50 = arith.constant 240 : i32
    %mul3A_51 = arith.muli %add3A, %mul3A_50 : i32
    %add3A_52 = arith.constant 48 : i32
    %add3A_53 = arith.addi %mul3A_51, %add3A_52 : i32
    %add3A_54 = vector.broadcast %add3A_53 : i32 to vector<16xi32>
    %add3A_55 = arith.addi %add3A_54, %iota3A : vector<16xi32>
    %swap3A_56 = arith.constant 10048 : index
    %swap3A_57 = tpu.vector_load %arg6[%swap3A_56] {strides = array<i32>} : memref<10240xi32, #tpu.memory_space<vmem>>, vector<16xi32>,
    tpu.vector_store %arg6[%swap3A_56], %add3A_55 {strides = array<i32>} : memref<10240xi32, #tpu.memory_space<vmem>>, vector<16xi32>,
    %add3A_58 = arith.constant 10048 : i32
    %add3A_59 = vector.broadcast %add3A_58 : i32 to vector<16xi32>
    %add3A_60 = arith.addi %add3A_59, %iota3A : vector<16xi32>
    %swap3A_61 = arith.constant 10048 : index
    %swap3A_62 = tpu.vector_load %arg7[%swap3A_61] {strides = array<i32>} : memref<10240xi32, #tpu.memory_space<vmem>>, vector<16xi32>,
    tpu.vector_store %arg7[%swap3A_61], %add3A_60 {strides = array<i32>} : memref<10240xi32, #tpu.memory_space<vmem>>, vector<16xi32>,
    %mul3A_63 = arith.constant 240 : i32
    %mul3A_64 = arith.muli %add3A, %mul3A_63 : i32
    %add3A_65 = arith.constant 64 : i32
    %add3A_66 = arith.addi %mul3A_64, %add3A_65 : i32
    %add3A_67 = vector.broadcast %add3A_66 : i32 to vector<16xi32>
    %add3A_68 = arith.addi %add3A_67, %iota3A : vector<16xi32>
    %swap3A_69 = arith.constant 10064 : index
    %swap3A_70 = tpu.vector_load %arg6[%swap3A_69] {strides = array<i32>} : memref<10240xi32, #tpu.memory_space<vmem>>, vector<16xi32>,
    tpu.vector_store %arg6[%swap3A_69], %add3A_68 {strides = array<i32>} : memref<10240xi32, #tpu.memory_space<vmem>>, vector<16xi32>,
    %add3A_71 = arith.constant 10064 : i32
    %add3A_72 = vector.broadcast %add3A_71 : i32 to vector<16xi32>
    %add3A_73 = arith.addi %add3A_72, %iota3A : vector<16xi32>
    %swap3A_74 = arith.constant 10064 : index
    %swap3A_75 = tpu.vector_load %arg7[%swap3A_74] {strides = array<i32>} : memref<10240xi32, #tpu.memory_space<vmem>>, vector<16xi32>,
    tpu.vector_store %arg7[%swap3A_74], %add3A_73 {strides = array<i32>} : memref<10240xi32, #tpu.memory_space<vmem>>, vector<16xi32>,
    %mul3A_76 = arith.constant 240 : i32
    %mul3A_77 = arith.muli %add3A, %mul3A_76 : i32
    %add3A_78 = arith.constant 80 : i32
    %add3A_79 = arith.addi %mul3A_77, %add3A_78 : i32
    %add3A_80 = vector.broadcast %add3A_79 : i32 to vector<16xi32>
    %add3A_81 = arith.addi %add3A_80, %iota3A : vector<16xi32>
    %swap3A_82 = arith.constant 10080 : index
    %swap3A_83 = tpu.vector_load %arg6[%swap3A_82] {strides = array<i32>} : memref<10240xi32, #tpu.memory_space<vmem>>, vector<16xi32>,
    tpu.vector_store %arg6[%swap3A_82], %add3A_81 {strides = array<i32>} : memref<10240xi32, #tpu.memory_space<vmem>>, vector<16xi32>,
    %add3A_84 = arith.constant 10080 : i32
    %add3A_85 = vector.broadcast %add3A_84 : i32 to vector<16xi32>
    %add3A_86 = arith.addi %add3A_85, %iota3A : vector<16xi32>
    %swap3A_87 = arith.constant 10080 : index
    %swap3A_88 = tpu.vector_load %arg7[%swap3A_87] {strides = array<i32>} : memref<10240xi32, #tpu.memory_space<vmem>>, vector<16xi32>,
    tpu.vector_store %arg7[%swap3A_87], %add3A_86 {strides = array<i32>} : memref<10240xi32, #tpu.memory_space<vmem>>, vector<16xi32>,
    %mul3A_89 = arith.constant 240 : i32
    %mul3A_90 = arith.muli %add3A, %mul3A_89 : i32
    %add3A_91 = arith.constant 96 : i32
    %add3A_92 = arith.addi %mul3A_90, %add3A_91 : i32
    %add3A_93 = vector.broadcast %add3A_92 : i32 to vector<16xi32>
    %add3A_94 = arith.addi %add3A_93, %iota3A : vector<16xi32>
    %swap3A_95 = arith.constant 10096 : index
    %swap3A_96 = tpu.vector_load %arg6[%swap3A_95] {strides = array<i32>} : memref<10240xi32, #tpu.memory_space<vmem>>, vector<16xi32>,
    tpu.vector_store %arg6[%swap3A_95], %add3A_94 {strides = array<i32>} : memref<10240xi32, #tpu.memory_space<vmem>>, vector<16xi32>,
    %add3A_97 = arith.constant 10096 : i32
    %add3A_98 = vector.broadcast %add3A_97 : i32 to vector<16xi32>
    %add3A_99 = arith.addi %add3A_98, %iota3A : vector<16xi32>
    %swap3A_100 = arith.constant 10096 : index
    %swap3A_101 = tpu.vector_load %arg7[%swap3A_100] {strides = array<i32>} : memref<10240xi32, #tpu.memory_space<vmem>>, vector<16xi32>,
    tpu.vector_store %arg7[%swap3A_100], %add3A_99 {strides = array<i32>} : memref<10240xi32, #tpu.memory_space<vmem>>, vector<16xi32>,
    %mul3A_102 = arith.constant 240 : i32
    %mul3A_103 = arith.muli %add3A, %mul3A_102 : i32
    %add3A_104 = arith.constant 112 : i32
    %add3A_105 = arith.addi %mul3A_103, %add3A_104 : i32
    %add3A_106 = vector.broadcast %add3A_105 : i32 to vector<16xi32>
    %add3A_107 = arith.addi %add3A_106, %iota3A : vector<16xi32>
    %swap3A_108 = arith.constant 10112 : index
    %swap3A_109 = tpu.vector_load %arg6[%swap3A_108] {strides = array<i32>} : memref<10240xi32, #tpu.memory_space<vmem>>, vector<16xi32>,
    tpu.vector_store %arg6[%swap3A_108], %add3A_107 {strides = array<i32>} : memref<10240xi32, #tpu.memory_space<vmem>>, vector<16xi32>,
    %add3A_110 = arith.constant 10112 : i32
    %add3A_111 = vector.broadcast %add3A_110 : i32 to vector<16xi32>
    %add3A_112 = arith.addi %add3A_111, %iota3A : vector<16xi32>
    %swap3A_113 = arith.constant 10112 : index
    %swap3A_114 = tpu.vector_load %arg7[%swap3A_113] {strides = array<i32>} : memref<10240xi32, #tpu.memory_space<vmem>>, vector<16xi32>,
    tpu.vector_store %arg7[%swap3A_113], %add3A_112 {strides = array<i32>} : memref<10240xi32, #tpu.memory_space<vmem>>, vector<16xi32>,
    %mul3A_115 = arith.constant 240 : i32
    %mul3A_116 = arith.muli %add3A, %mul3A_115 : i32
    %add3A_117 = arith.constant 128 : i32
    %add3A_118 = arith.addi %mul3A_116, %add3A_117 : i32
    %add3A_119 = vector.broadcast %add3A_118 : i32 to vector<16xi32>
    %add3A_120 = arith.addi %add3A_119, %iota3A : vector<16xi32>
    %swap3A_121 = arith.constant 10128 : index
    %swap3A_122 = tpu.vector_load %arg6[%swap3A_121] {strides = array<i32>} : memref<10240xi32, #tpu.memory_space<vmem>>, vector<16xi32>,
    tpu.vector_store %arg6[%swap3A_121], %add3A_120 {strides = array<i32>} : memref<10240xi32, #tpu.memory_space<vmem>>, vector<16xi32>,
    %add3A_123 = arith.constant 10128 : i32
    %add3A_124 = vector.broadcast %add3A_123 : i32 to vector<16xi32>
    %add3A_125 = arith.addi %add3A_124, %iota3A : vector<16xi32>
    %swap3A_126 = arith.constant 10128 : index
    %swap3A_127 = tpu.vector_load %arg7[%swap3A_126] {strides = array<i32>} : memref<10240xi32, #tpu.memory_space<vmem>>, vector<16xi32>,
    tpu.vector_store %arg7[%swap3A_126], %add3A_125 {strides = array<i32>} : memref<10240xi32, #tpu.memory_space<vmem>>, vector<16xi32>,
    %mul3A_128 = arith.constant 240 : i32
    %mul3A_129 = arith.muli %add3A, %mul3A_128 : i32
    %add3A_130 = arith.constant 144 : i32
    %add3A_131 = arith.addi %mul3A_129, %add3A_130 : i32
    %add3A_132 = vector.broadcast %add3A_131 : i32 to vector<16xi32>
    %add3A_133 = arith.addi %add3A_132, %iota3A : vector<16xi32>
    %swap3A_134 = arith.constant 10144 : index
    %swap3A_135 = tpu.vector_load %arg6[%swap3A_134] {strides = array<i32>} : memref<10240xi32, #tpu.memory_space<vmem>>, vector<16xi32>,
    tpu.vector_store %arg6[%swap3A_134], %add3A_133 {strides = array<i32>} : memref<10240xi32, #tpu.memory_space<vmem>>, vector<16xi32>,
    %add3A_136 = arith.constant 10144 : i32
    %add3A_137 = vector.broadcast %add3A_136 : i32 to vector<16xi32>
    %add3A_138 = arith.addi %add3A_137, %iota3A : vector<16xi32>
    %swap3A_139 = arith.constant 10144 : index
    %swap3A_140 = tpu.vector_load %arg7[%swap3A_139] {strides = array<i32>} : memref<10240xi32, #tpu.memory_space<vmem>>, vector<16xi32>,
    tpu.vector_store %arg7[%swap3A_139], %add3A_138 {strides = array<i32>} : memref<10240xi32, #tpu.memory_space<vmem>>, vector<16xi32>,
    %mul3A_141 = arith.constant 240 : i32
    %mul3A_142 = arith.muli %add3A, %mul3A_141 : i32
    %add3A_143 = arith.constant 160 : i32
    %add3A_144 = arith.addi %mul3A_142, %add3A_143 : i32
    %add3A_145 = vector.broadcast %add3A_144 : i32 to vector<16xi32>
    %add3A_146 = arith.addi %add3A_145, %iota3A : vector<16xi32>
    %swap3A_147 = arith.constant 10160 : index
    %swap3A_148 = tpu.vector_load %arg6[%swap3A_147] {strides = array<i32>} : memref<10240xi32, #tpu.memory_space<vmem>>, vector<16xi32>,
    tpu.vector_store %arg6[%swap3A_147], %add3A_146 {strides = array<i32>} : memref<10240xi32, #tpu.memory_space<vmem>>, vector<16xi32>,
    %add3A_149 = arith.constant 10160 : i32
    %add3A_150 = vector.broadcast %add3A_149 : i32 to vector<16xi32>
    %add3A_151 = arith.addi %add3A_150, %iota3A : vector<16xi32>
    %swap3A_152 = arith.constant 10160 : index
    %swap3A_153 = tpu.vector_load %arg7[%swap3A_152] {strides = array<i32>} : memref<10240xi32, #tpu.memory_space<vmem>>, vector<16xi32>,
    tpu.vector_store %arg7[%swap3A_152], %add3A_151 {strides = array<i32>} : memref<10240xi32, #tpu.memory_space<vmem>>, vector<16xi32>,
    %mul3A_154 = arith.constant 240 : i32
    %mul3A_155 = arith.muli %add3A, %mul3A_154 : i32
    %add3A_156 = arith.constant 176 : i32
    %add3A_157 = arith.addi %mul3A_155, %add3A_156 : i32
    %add3A_158 = vector.broadcast %add3A_157 : i32 to vector<16xi32>
    %add3A_159 = arith.addi %add3A_158, %iota3A : vector<16xi32>
    %swap3A_160 = arith.constant 10176 : index
    %swap3A_161 = tpu.vector_load %arg6[%swap3A_160] {strides = array<i32>} : memref<10240xi32, #tpu.memory_space<vmem>>, vector<16xi32>,
    tpu.vector_store %arg6[%swap3A_160], %add3A_159 {strides = array<i32>} : memref<10240xi32, #tpu.memory_space<vmem>>, vector<16xi32>,
    %add3A_162 = arith.constant 10176 : i32
    %add3A_163 = vector.broadcast %add3A_162 : i32 to vector<16xi32>
    %add3A_164 = arith.addi %add3A_163, %iota3A : vector<16xi32>
    %swap3A_165 = arith.constant 10176 : index
    %swap3A_166 = tpu.vector_load %arg7[%swap3A_165] {strides = array<i32>} : memref<10240xi32, #tpu.memory_space<vmem>>, vector<16xi32>,
    tpu.vector_store %arg7[%swap3A_165], %add3A_164 {strides = array<i32>} : memref<10240xi32, #tpu.memory_space<vmem>>, vector<16xi32>,
    %mul3A_167 = arith.constant 240 : i32
    %mul3A_168 = arith.muli %add3A, %mul3A_167 : i32
    %add3A_169 = arith.constant 192 : i32
    %add3A_170 = arith.addi %mul3A_168, %add3A_169 : i32
    %add3A_171 = vector.broadcast %add3A_170 : i32 to vector<16xi32>
    %add3A_172 = arith.addi %add3A_171, %iota3A : vector<16xi32>
    %swap3A_173 = arith.constant 10192 : index
    %swap3A_174 = tpu.vector_load %arg6[%swap3A_173] {strides = array<i32>} : memref<10240xi32, #tpu.memory_space<vmem>>, vector<16xi32>,
    tpu.vector_store %arg6[%swap3A_173], %add3A_172 {strides = array<i32>} : memref<10240xi32, #tpu.memory_space<vmem>>, vector<16xi32>,
    %add3A_175 = arith.constant 10192 : i32
    %add3A_176 = vector.broadcast %add3A_175 : i32 to vector<16xi32>
    %add3A_177 = arith.addi %add3A_176, %iota3A : vector<16xi32>
    %swap3A_178 = arith.constant 10192 : index
    %swap3A_179 = tpu.vector_load %arg7[%swap3A_178] {strides = array<i32>} : memref<10240xi32, #tpu.memory_space<vmem>>, vector<16xi32>,
    tpu.vector_store %arg7[%swap3A_178], %add3A_177 {strides = array<i32>} : memref<10240xi32, #tpu.memory_space<vmem>>, vector<16xi32>,
    %mul3A_180 = arith.constant 240 : i32
    %mul3A_181 = arith.muli %add3A, %mul3A_180 : i32
    %add3A_182 = arith.constant 208 : i32
    %add3A_183 = arith.addi %mul3A_181, %add3A_182 : i32
    %add3A_184 = vector.broadcast %add3A_183 : i32 to vector<16xi32>
    %add3A_185 = arith.addi %add3A_184, %iota3A : vector<16xi32>
    %swap3A_186 = arith.constant 10208 : index
    %swap3A_187 = tpu.vector_load %arg6[%swap3A_186] {strides = array<i32>} : memref<10240xi32, #tpu.memory_space<vmem>>, vector<16xi32>,
    tpu.vector_store %arg6[%swap3A_186], %add3A_185 {strides = array<i32>} : memref<10240xi32, #tpu.memory_space<vmem>>, vector<16xi32>,
    %add3A_188 = arith.constant 10208 : i32
    %add3A_189 = vector.broadcast %add3A_188 : i32 to vector<16xi32>
    %add3A_190 = arith.addi %add3A_189, %iota3A : vector<16xi32>
    %swap3A_191 = arith.constant 10208 : index
    %swap3A_192 = tpu.vector_load %arg7[%swap3A_191] {strides = array<i32>} : memref<10240xi32, #tpu.memory_space<vmem>>, vector<16xi32>,
    tpu.vector_store %arg7[%swap3A_191], %add3A_190 {strides = array<i32>} : memref<10240xi32, #tpu.memory_space<vmem>>, vector<16xi32>,
    %mul3A_193 = arith.constant 240 : i32
    %mul3A_194 = arith.muli %add3A, %mul3A_193 : i32
    %add3A_195 = arith.constant 224 : i32
    %add3A_196 = arith.addi %mul3A_194, %add3A_195 : i32
    %add3A_197 = vector.broadcast %add3A_196 : i32 to vector<16xi32>
    %add3A_198 = arith.addi %add3A_197, %iota3A : vector<16xi32>
    %swap3A_199 = arith.constant 10224 : index
    %swap3A_200 = tpu.vector_load %arg6[%swap3A_199] {strides = array<i32>} : memref<10240xi32, #tpu.memory_space<vmem>>, vector<16xi32>,
    tpu.vector_store %arg6[%swap3A_199], %add3A_198 {strides = array<i32>} : memref<10240xi32, #tpu.memory_space<vmem>>, vector<16xi32>,
    %add3A_201 = arith.constant 10224 : i32
    %add3A_202 = vector.broadcast %add3A_201 : i32 to vector<16xi32>
    %add3A_203 = arith.addi %add3A_202, %iota3A : vector<16xi32>
    %swap3A_204 = arith.constant 10224 : index
    %swap3A_205 = tpu.vector_load %arg7[%swap3A_204] {strides = array<i32>} : memref<10240xi32, #tpu.memory_space<vmem>>, vector<16xi32>,
    tpu.vector_store %arg7[%swap3A_204], %add3A_203 {strides = array<i32>} : memref<10240xi32, #tpu.memory_space<vmem>>, vector<16xi32>,
    %scan3A = arith.constant 0 : i32
    %scan3A_206 = arith.constant 0 : i32
    %scan3A_207 = arith.constant 640 : i32
    %scan3A_208 = arith.addi %scan3A_206, %scan3A_207 : i32
    %scan3A_209 = arith.constant 1 : i32
    %scan3A_210 = scf.for %scan3A_263 = %scan3A_206 to %scan3A_208 step %scan3A_209 iter_args(%scan3A_264 = %scan3A) -> (i32)  : i32 {
      %broadcast_in_dim3A_265 = arith.constant 0.000000e+00 : f32
      %broadcast_in_dim3A_266 = vector.broadcast %broadcast_in_dim3A_265 : f32 to vector<16xf32>
      %mul3A_267 = arith.constant 16 : i32
      %mul3A_268 = arith.muli %scan3A_263, %mul3A_267 : i32
      %swap3A_269 = arith.index_cast %mul3A_268 : i32 to index
      %swap3A_270 = tpu.vector_load %arg5[%swap3A_269] {strides = array<i32>} : memref<10240xf32, #tpu.memory_space<vmem>>, vector<16xf32>,
      tpu.vector_store %arg5[%swap3A_269], %broadcast_in_dim3A_266 {strides = array<i32>} : memref<10240xf32, #tpu.memory_space<vmem>>, vector<16xf32>,
      %scan3A_271 = arith.constant 0 : i32
      scf.yield %scan3A_271 : i32
    }
    %scan3A_211 = arith.constant 640 : i32
    %broadcast_in_dim3A = arith.constant 1.000000e+00 : f32
    %broadcast_in_dim3A_212 = vector.broadcast %broadcast_in_dim3A : f32 to vector<16xf32>
    %mul3A_213 = arith.constant 2 : i32
    %mul3A_214 = arith.muli %mul3A_213, %add3A : i32
    %add3A_215 = arith.constant 1 : i32
    %add3A_216 = arith.addi %mul3A_214, %add3A_215 : i32
    %dma_start3A_217 = arith.constant 0 : i32
    %dma_start3A_218 = tpu.memref_slice %arg4[%add3A_216, %dma_start3A_217] : memref<64x10240xi32, #tpu.memory_space<hbm>> -> memref<1x10240xi32, #tpu.memory_space<hbm>>
    %dma_start3A_219 = tpu.memref_squeeze %dma_start3A_218 : memref<1x10240xi32, #tpu.memory_space<hbm>> -> memref<10240xi32, #tpu.memory_space<hbm>>
    %dma_start3A_220 = arith.constant 0 : i32
    %dma_start3A_221 = tpu.memref_slice %arg4[%add3A_216, %dma_start3A_220] : memref<64x10240xi32, #tpu.memory_space<hbm>> -> memref<1x10240xi32, #tpu.memory_space<hbm>>
    %dma_start3A_222 = tpu.memref_squeeze %dma_start3A_221 : memref<1x10240xi32, #tpu.memory_space<hbm>> -> memref<10240xi32, #tpu.memory_space<hbm>>
    tpu.enqueue_dma source(%arg7 : memref<10240xi32, #tpu.memory_space<vmem>>) target(%dma_start3A_222 : memref<10240xi32, #tpu.memory_space<hbm>>) target_semaphore(%arg9 : memref<!tpu.dma_semaphore, #tpu.memory_space<semaphore_mem>>)
    %dma_wait3A = arith.constant 0 : i32
    %dma_wait3A_223 = tpu.memref_slice %arg6[%dma_wait3A] : memref<10240xi32, #tpu.memory_space<vmem>> -> memref<10000xi32, #tpu.memory_space<vmem>>
    %dma_wait3A_224 = arith.constant 0 : i32
    %dma_wait3A_225 = tpu.memref_slice %arg2[%dma_wait3A_224] : memref<640000xi32, #tpu.memory_space<hbm>> -> memref<10000xi32, #tpu.memory_space<hbm>>
    %dma_wait3A_226 = arith.constant 0 : i32
    %dma_wait3A_227 = tpu.memref_slice %arg6[%dma_wait3A_226] : memref<10240xi32, #tpu.memory_space<vmem>> -> memref<10000xi32, #tpu.memory_space<vmem>>
    %dma_wait3A_228 = arith.constant 0 : i32
    %dma_wait3A_229 = tpu.memref_slice %arg2[%dma_wait3A_228] : memref<640000xi32, #tpu.memory_space<hbm>> -> memref<10000xi32, #tpu.memory_space<hbm>>
    tpu.wait_dma2 semaphore(%arg8 : memref<!tpu.dma_semaphore, #tpu.memory_space<semaphore_mem>>) src(%dma_wait3A_229 : memref<10000xi32, #tpu.memory_space<hbm>>) dst(%dma_wait3A_227 : memref<10000xi32, #tpu.memory_space<vmem>>)
    %mul3A_230 = arith.constant 2 : i32
    %mul3A_231 = arith.muli %mul3A_230, %add3A : i32
    %dma_start3A_232 = arith.constant 0 : i32
    %dma_start3A_233 = tpu.memref_slice %arg4[%mul3A_231, %dma_start3A_232] : memref<64x10240xi32, #tpu.memory_space<hbm>> -> memref<1x10240xi32, #tpu.memory_space<hbm>>
    %dma_start3A_234 = tpu.memref_squeeze %dma_start3A_233 : memref<1x10240xi32, #tpu.memory_space<hbm>> -> memref<10240xi32, #tpu.memory_space<hbm>>
    %dma_start3A_235 = arith.constant 0 : i32
    %dma_start3A_236 = tpu.memref_slice %arg4[%mul3A_231, %dma_start3A_235] : memref<64x10240xi32, #tpu.memory_space<hbm>> -> memref<1x10240xi32, #tpu.memory_space<hbm>>
    %dma_start3A_237 = tpu.memref_squeeze %dma_start3A_236 : memref<1x10240xi32, #tpu.memory_space<hbm>> -> memref<10240xi32, #tpu.memory_space<hbm>>
    tpu.enqueue_dma source(%arg6 : memref<10240xi32, #tpu.memory_space<vmem>>) target(%dma_start3A_237 : memref<10240xi32, #tpu.memory_space<hbm>>) target_semaphore(%arg9 : memref<!tpu.dma_semaphore, #tpu.memory_space<semaphore_mem>>)
    %scan3A_238 = arith.constant 0 : i32
    %scan3A_239 = arith.constant 0 : i32
    %scan3A_240 = arith.constant 125 : i32
    %scan3A_241 = arith.addi %scan3A_239, %scan3A_240 : i32
    %scan3A_242 = arith.constant 1 : i32
    %scan3A_243 = scf.for %scan3A_263 = %scan3A_239 to %scan3A_241 step %scan3A_242 iter_args(%scan3A_264 = %scan3A_238) -> (i32)  : i32 {
      %mul3A_265 = arith.constant 16 : i32
      %mul3A_266 = arith.muli %scan3A_263, %mul3A_265 : i32
      %mul3A_267 = arith.constant 5 : i32
      %mul3A_268 = arith.muli %mul3A_266, %mul3A_267 : i32
      %add3A_269 = arith.constant 0 : i32
      %add3A_270 = arith.addi %mul3A_268, %add3A_269 : i32
      %get3A = arith.index_cast %add3A_270 : i32 to index
      %get3A_271 = tpu.vector_load %arg7[%get3A] {strides = array<i32>} : memref<10240xi32, #tpu.memory_space<vmem>>, vector<16xi32>,
      tpu.vector_store_idx %arg5[%get3A_271], %broadcast_in_dim3A_212 {add = true} : memref<10240xf32, #tpu.memory_space<vmem>>[vector<16xi32>], vector<16xf32>,
      %mul3A_272 = arith.constant 16 : i32
      %mul3A_273 = arith.muli %scan3A_263, %mul3A_272 : i32
      %mul3A_274 = arith.constant 5 : i32
      %mul3A_275 = arith.muli %mul3A_273, %mul3A_274 : i32
      %add3A_276 = arith.constant 16 : i32
      %add3A_277 = arith.addi %mul3A_275, %add3A_276 : i32
      %get3A_278 = arith.index_cast %add3A_277 : i32 to index
      %get3A_279 = tpu.vector_load %arg7[%get3A_278] {strides = array<i32>} : memref<10240xi32, #tpu.memory_space<vmem>>, vector<16xi32>,
      tpu.vector_store_idx %arg5[%get3A_279], %broadcast_in_dim3A_212 {add = true} : memref<10240xf32, #tpu.memory_space<vmem>>[vector<16xi32>], vector<16xf32>,
      %mul3A_280 = arith.constant 16 : i32
      %mul3A_281 = arith.muli %scan3A_263, %mul3A_280 : i32
      %mul3A_282 = arith.constant 5 : i32
      %mul3A_283 = arith.muli %mul3A_281, %mul3A_282 : i32
      %add3A_284 = arith.constant 32 : i32
      %add3A_285 = arith.addi %mul3A_283, %add3A_284 : i32
      %get3A_286 = arith.index_cast %add3A_285 : i32 to index
      %get3A_287 = tpu.vector_load %arg7[%get3A_286] {strides = array<i32>} : memref<10240xi32, #tpu.memory_space<vmem>>, vector<16xi32>,
      tpu.vector_store_idx %arg5[%get3A_287], %broadcast_in_dim3A_212 {add = true} : memref<10240xf32, #tpu.memory_space<vmem>>[vector<16xi32>], vector<16xf32>,
      %mul3A_288 = arith.constant 16 : i32
      %mul3A_289 = arith.muli %scan3A_263, %mul3A_288 : i32
      %mul3A_290 = arith.constant 5 : i32
      %mul3A_291 = arith.muli %mul3A_289, %mul3A_290 : i32
      %add3A_292 = arith.constant 48 : i32
      %add3A_293 = arith.addi %mul3A_291, %add3A_292 : i32
      %get3A_294 = arith.index_cast %add3A_293 : i32 to index
      %get3A_295 = tpu.vector_load %arg7[%get3A_294] {strides = array<i32>} : memref<10240xi32, #tpu.memory_space<vmem>>, vector<16xi32>,
      tpu.vector_store_idx %arg5[%get3A_295], %broadcast_in_dim3A_212 {add = true} : memref<10240xf32, #tpu.memory_space<vmem>>[vector<16xi32>], vector<16xf32>,
      %mul3A_296 = arith.constant 16 : i32
      %mul3A_297 = arith.muli %scan3A_263, %mul3A_296 : i32
      %mul3A_298 = arith.constant 5 : i32
      %mul3A_299 = arith.muli %mul3A_297, %mul3A_298 : i32
      %add3A_300 = arith.constant 64 : i32
      %add3A_301 = arith.addi %mul3A_299, %add3A_300 : i32
      %get3A_302 = arith.index_cast %add3A_301 : i32 to index
      %get3A_303 = tpu.vector_load %arg7[%get3A_302] {strides = array<i32>} : memref<10240xi32, #tpu.memory_space<vmem>>, vector<16xi32>,
      tpu.vector_store_idx %arg5[%get3A_303], %broadcast_in_dim3A_212 {add = true} : memref<10240xf32, #tpu.memory_space<vmem>>[vector<16xi32>], vector<16xf32>,
      %scan3A_304 = arith.constant 0 : i32
      scf.yield %scan3A_304 : i32
    }
    %scan3A_244 = arith.constant 125 : i32
    "tpu.region"() ({
      %run_scoped3A = tpu.sem_alloc : memref<!tpu.dma_semaphore, #tpu.memory_space<semaphore_mem>>
      %dma_start3A_263 = arith.constant 0 : i32
      %dma_start3A_264 = tpu.memref_slice %arg3[%add3A, %dma_start3A_263] : memref<32x10240xf32, #tpu.memory_space<hbm>> -> memref<1x10240xf32, #tpu.memory_space<hbm>>
      %dma_start3A_265 = tpu.memref_squeeze %dma_start3A_264 : memref<1x10240xf32, #tpu.memory_space<hbm>> -> memref<10240xf32, #tpu.memory_space<hbm>>
      %dma_start3A_266 = arith.constant 0 : i32
      %dma_start3A_267 = tpu.memref_slice %arg3[%add3A, %dma_start3A_266] : memref<32x10240xf32, #tpu.memory_space<hbm>> -> memref<1x10240xf32, #tpu.memory_space<hbm>>
      %dma_start3A_268 = tpu.memref_squeeze %dma_start3A_267 : memref<1x10240xf32, #tpu.memory_space<hbm>> -> memref<10240xf32, #tpu.memory_space<hbm>>
      tpu.enqueue_dma source(%arg5 : memref<10240xf32, #tpu.memory_space<vmem>>) target(%dma_start3A_268 : memref<10240xf32, #tpu.memory_space<hbm>>) target_semaphore(%run_scoped3A : memref<!tpu.dma_semaphore, #tpu.memory_space<semaphore_mem>>)
      %dma_wait3A_269 = arith.constant 0 : i32
      %dma_wait3A_270 = tpu.memref_slice %arg3[%add3A, %dma_wait3A_269] : memref<32x10240xf32, #tpu.memory_space<hbm>> -> memref<1x10240xf32, #tpu.memory_space<hbm>>
      %dma_wait3A_271 = tpu.memref_squeeze %dma_wait3A_270 : memref<1x10240xf32, #tpu.memory_space<hbm>> -> memref<10240xf32, #tpu.memory_space<hbm>>
      %dma_wait3A_272 = arith.constant 0 : i32
      %dma_wait3A_273 = tpu.memref_slice %arg3[%add3A, %dma_wait3A_272] : memref<32x10240xf32, #tpu.memory_space<hbm>> -> memref<1x10240xf32, #tpu.memory_space<hbm>>
      %dma_wait3A_274 = tpu.memref_squeeze %dma_wait3A_273 : memref<1x10240xf32, #tpu.memory_space<hbm>> -> memref<10240xf32, #tpu.memory_space<hbm>>
      tpu.wait_dma2 semaphore(%run_scoped3A : memref<!tpu.dma_semaphore, #tpu.memory_space<semaphore_mem>>) src(%arg5 : memref<10240xf32, #tpu.memory_space<vmem>>) dst(%dma_wait3A_274 : memref<10240xf32, #tpu.memory_space<hbm>>)
      tpu.yield
    }) : () -> ()
    %mul3A_245 = arith.constant 2 : i32
    %mul3A_246 = arith.muli %mul3A_245, %add3A : i32
    %add3A_247 = arith.constant 1 : i32
    %add3A_248 = arith.addi %mul3A_246, %add3A_247 : i32
    %dma_wait3A_249 = arith.constant 0 : i32
    %dma_wait3A_250 = tpu.memref_slice %arg4[%add3A_248, %dma_wait3A_249] : memref<64x10240xi32, #tpu.memory_space<hbm>> -> memref<1x10240xi32, #tpu.memory_space<hbm>>
    %dma_wait3A_251 = tpu.memref_squeeze %dma_wait3A_250 : memref<1x10240xi32, #tpu.memory_space<hbm>> -> memref<10240xi32, #tpu.memory_space<hbm>>
    %dma_wait3A_252 = arith.constant 0 : i32
    %dma_wait3A_253 = tpu.memref_slice %arg4[%add3A_248, %dma_wait3A_252] : memref<64x10240xi32, #tpu.memory_space<hbm>> -> memref<1x10240xi32, #tpu.memory_space<hbm>>
    %dma_wait3A_254 = tpu.memref_squeeze %dma_wait3A_253 : memref<1x10240xi32, #tpu.memory_space<hbm>> -> memref<10240xi32, #tpu.memory_space<hbm>>
    tpu.wait_dma2 semaphore(%arg9 : memref<!tpu.dma_semaphore, #tpu.memory_space<semaphore_mem>>) src(%arg7 : memref<10240xi32, #tpu.memory_space<vmem>>) dst(%dma_wait3A_254 : memref<10240xi32, #tpu.memory_space<hbm>>)
    %mul3A_255 = arith.constant 2 : i32
    %mul3A_256 = arith.muli %mul3A_255, %add3A : i32
    %dma_wait3A_257 = arith.constant 0 : i32
    %dma_wait3A_258 = tpu.memref_slice %arg4[%mul3A_256, %dma_wait3A_257] : memref<64x10240xi32, #tpu.memory_space<hbm>> -> memref<1x10240xi32, #tpu.memory_space<hbm>>
    %dma_wait3A_259 = tpu.memref_squeeze %dma_wait3A_258 : memref<1x10240xi32, #tpu.memory_space<hbm>> -> memref<10240xi32, #tpu.memory_space<hbm>>
    %dma_wait3A_260 = arith.constant 0 : i32
    %dma_wait3A_261 = tpu.memref_slice %arg4[%mul3A_256, %dma_wait3A_260] : memref<64x10240xi32, #tpu.memory_space<hbm>> -> memref<1x10240xi32, #tpu.memory_space<hbm>>
    %dma_wait3A_262 = tpu.memref_squeeze %dma_wait3A_261 : memref<1x10240xi32, #tpu.memory_space<hbm>> -> memref<10240xi32, #tpu.memory_space<hbm>>
    tpu.wait_dma2 semaphore(%arg9 : memref<!tpu.dma_semaphore, #tpu.memory_space<semaphore_mem>>) src(%arg6 : memref<10240xi32, #tpu.memory_space<vmem>>) dst(%dma_wait3A_262 : memref<10240xi32, #tpu.memory_space<hbm>>)
    return
  }
}

#map = affine_map<(d0, d1) -> (0)>
#map1 = affine_map<(d0, d1) -> (0, 0)>
module attributes {stable_mosaic.version = 14 : i64} {
  func.func @agg2_kernel(%arg0: i32, %arg1: i32, %arg2: memref<10240xf32, #tpu.memory_space<hbm>>, %arg3: memref<64x10240xi32, #tpu.memory_space<hbm>>, %arg4: memref<32x10240xf32, #tpu.memory_space<hbm>>, %arg5: memref<10240xf32, #tpu.memory_space<vmem>>, %arg6: memref<10240xf32, #tpu.memory_space<vmem>>, %arg7: memref<10240xi32, #tpu.memory_space<vmem>>, %arg8: memref<10240xi32, #tpu.memory_space<vmem>>, %arg9: memref<!tpu.dma_semaphore, #tpu.memory_space<semaphore_mem>>) attributes {dimension_semantics = [#tpu.dimension_semantics<core_parallel>, #tpu.dimension_semantics<subcore_parallel>], iteration_bounds = array<i64: 2, 16>, scalar_prefetch = 0 : i64, scratch_operands = 5 : i64, tpu.core_type = #tpu.core_type<sc_vector_subcore>, window_params = [{transform_indices = #map}, {transform_indices = #map1}, {transform_indices = #map1}]} {
    %mul3A = arith.constant 16 : i32
    %mul3A_0 = arith.muli %arg0, %mul3A : i32
    %add3A = arith.addi %mul3A_0, %arg1 : i32
    tpu.enqueue_dma source(%arg2 : memref<10240xf32, #tpu.memory_space<hbm>>) target(%arg5 : memref<10240xf32, #tpu.memory_space<vmem>>) target_semaphore(%arg9 : memref<!tpu.dma_semaphore, #tpu.memory_space<semaphore_mem>>)
    %mul3A_1 = arith.constant 2 : i32
    %mul3A_2 = arith.muli %mul3A_1, %add3A : i32
    %dma_start3A = arith.constant 0 : i32
    %dma_start3A_3 = tpu.memref_slice %arg3[%mul3A_2, %dma_start3A] : memref<64x10240xi32, #tpu.memory_space<hbm>> -> memref<1x10240xi32, #tpu.memory_space<hbm>>
    %dma_start3A_4 = tpu.memref_squeeze %dma_start3A_3 : memref<1x10240xi32, #tpu.memory_space<hbm>> -> memref<10240xi32, #tpu.memory_space<hbm>>
    %dma_start3A_5 = arith.constant 0 : i32
    %dma_start3A_6 = tpu.memref_slice %arg3[%mul3A_2, %dma_start3A_5] : memref<64x10240xi32, #tpu.memory_space<hbm>> -> memref<1x10240xi32, #tpu.memory_space<hbm>>
    %dma_start3A_7 = tpu.memref_squeeze %dma_start3A_6 : memref<1x10240xi32, #tpu.memory_space<hbm>> -> memref<10240xi32, #tpu.memory_space<hbm>>
    tpu.enqueue_dma source(%dma_start3A_7 : memref<10240xi32, #tpu.memory_space<hbm>>) target(%arg7 : memref<10240xi32, #tpu.memory_space<vmem>>) target_semaphore(%arg9 : memref<!tpu.dma_semaphore, #tpu.memory_space<semaphore_mem>>)
    %mul3A_8 = arith.constant 2 : i32
    %mul3A_9 = arith.muli %mul3A_8, %add3A : i32
    %add3A_10 = arith.constant 1 : i32
    %add3A_11 = arith.addi %mul3A_9, %add3A_10 : i32
    %dma_start3A_12 = arith.constant 0 : i32
    %dma_start3A_13 = tpu.memref_slice %arg3[%add3A_11, %dma_start3A_12] : memref<64x10240xi32, #tpu.memory_space<hbm>> -> memref<1x10240xi32, #tpu.memory_space<hbm>>
    %dma_start3A_14 = tpu.memref_squeeze %dma_start3A_13 : memref<1x10240xi32, #tpu.memory_space<hbm>> -> memref<10240xi32, #tpu.memory_space<hbm>>
    %dma_start3A_15 = arith.constant 0 : i32
    %dma_start3A_16 = tpu.memref_slice %arg3[%add3A_11, %dma_start3A_15] : memref<64x10240xi32, #tpu.memory_space<hbm>> -> memref<1x10240xi32, #tpu.memory_space<hbm>>
    %dma_start3A_17 = tpu.memref_squeeze %dma_start3A_16 : memref<1x10240xi32, #tpu.memory_space<hbm>> -> memref<10240xi32, #tpu.memory_space<hbm>>
    tpu.enqueue_dma source(%dma_start3A_17 : memref<10240xi32, #tpu.memory_space<hbm>>) target(%arg8 : memref<10240xi32, #tpu.memory_space<vmem>>) target_semaphore(%arg9 : memref<!tpu.dma_semaphore, #tpu.memory_space<semaphore_mem>>)
    %scan3A = arith.constant 0 : i32
    %scan3A_18 = arith.constant 0 : i32
    %scan3A_19 = arith.constant 640 : i32
    %scan3A_20 = arith.addi %scan3A_18, %scan3A_19 : i32
    %scan3A_21 = arith.constant 1 : i32
    %scan3A_22 = scf.for %scan3A_46 = %scan3A_18 to %scan3A_20 step %scan3A_21 iter_args(%scan3A_47 = %scan3A) -> (i32)  : i32 {
      %broadcast_in_dim3A = arith.constant 0.000000e+00 : f32
      %broadcast_in_dim3A_48 = vector.broadcast %broadcast_in_dim3A : f32 to vector<16xf32>
      %mul3A_49 = arith.constant 16 : i32
      %mul3A_50 = arith.muli %scan3A_46, %mul3A_49 : i32
      %swap3A = arith.index_cast %mul3A_50 : i32 to index
      %swap3A_51 = tpu.vector_load %arg6[%swap3A] {strides = array<i32>} : memref<10240xf32, #tpu.memory_space<vmem>>, vector<16xf32>,
      tpu.vector_store %arg6[%swap3A], %broadcast_in_dim3A_48 {strides = array<i32>} : memref<10240xf32, #tpu.memory_space<vmem>>, vector<16xf32>,
      %scan3A_52 = arith.constant 0 : i32
      scf.yield %scan3A_52 : i32
    }
    %scan3A_23 = arith.constant 640 : i32
    tpu.wait_dma2 semaphore(%arg9 : memref<!tpu.dma_semaphore, #tpu.memory_space<semaphore_mem>>) src(%arg2 : memref<10240xf32, #tpu.memory_space<hbm>>) dst(%arg5 : memref<10240xf32, #tpu.memory_space<vmem>>)
    %dma_wait3A = arith.constant 0 : i32
    %dma_wait3A_24 = arith.constant 0 : i32
    %dma_wait3A_25 = tpu.memref_slice %arg3[%dma_wait3A, %dma_wait3A_24] : memref<64x10240xi32, #tpu.memory_space<hbm>> -> memref<1x10240xi32, #tpu.memory_space<hbm>>
    %dma_wait3A_26 = tpu.memref_squeeze %dma_wait3A_25 : memref<1x10240xi32, #tpu.memory_space<hbm>> -> memref<10240xi32, #tpu.memory_space<hbm>>
    %dma_wait3A_27 = arith.constant 0 : i32
    %dma_wait3A_28 = tpu.memref_slice %arg3[%dma_wait3A, %dma_wait3A_27] : memref<64x10240xi32, #tpu.memory_space<hbm>> -> memref<1x10240xi32, #tpu.memory_space<hbm>>
    %dma_wait3A_29 = tpu.memref_squeeze %dma_wait3A_28 : memref<1x10240xi32, #tpu.memory_space<hbm>> -> memref<10240xi32, #tpu.memory_space<hbm>>
    tpu.wait_dma2 semaphore(%arg9 : memref<!tpu.dma_semaphore, #tpu.memory_space<semaphore_mem>>) src(%dma_wait3A_29 : memref<10240xi32, #tpu.memory_space<hbm>>) dst(%arg7 : memref<10240xi32, #tpu.memory_space<vmem>>)
    %dma_wait3A_30 = arith.constant 1 : i32
    %dma_wait3A_31 = arith.constant 0 : i32
    %dma_wait3A_32 = tpu.memref_slice %arg3[%dma_wait3A_30, %dma_wait3A_31] : memref<64x10240xi32, #tpu.memory_space<hbm>> -> memref<1x10240xi32, #tpu.memory_space<hbm>>
    %dma_wait3A_33 = tpu.memref_squeeze %dma_wait3A_32 : memref<1x10240xi32, #tpu.memory_space<hbm>> -> memref<10240xi32, #tpu.memory_space<hbm>>
    %dma_wait3A_34 = arith.constant 0 : i32
    %dma_wait3A_35 = tpu.memref_slice %arg3[%dma_wait3A_30, %dma_wait3A_34] : memref<64x10240xi32, #tpu.memory_space<hbm>> -> memref<1x10240xi32, #tpu.memory_space<hbm>>
    %dma_wait3A_36 = tpu.memref_squeeze %dma_wait3A_35 : memref<1x10240xi32, #tpu.memory_space<hbm>> -> memref<10240xi32, #tpu.memory_space<hbm>>
    tpu.wait_dma2 semaphore(%arg9 : memref<!tpu.dma_semaphore, #tpu.memory_space<semaphore_mem>>) src(%dma_wait3A_36 : memref<10240xi32, #tpu.memory_space<hbm>>) dst(%arg8 : memref<10240xi32, #tpu.memory_space<vmem>>)
    %eq3A = arith.constant 0 : i32
    %eq3A_37 = arith.cmpi eq, %add3A, %eq3A : i32
    %convert_element_type3A = arith.extui %eq3A_37 : i1 to i32
    %cond3A = arith.constant 0 : i32
    %cond3A_38 = arith.cmpi ne, %convert_element_type3A, %cond3A : i32
    scf.if %cond3A_38 {
      "tpu.region"() ({
        %run_scoped3A = tpu.sem_alloc : memref<!tpu.dma_semaphore, #tpu.memory_space<semaphore_mem>>
        tpu.enqueue_dma source(%arg2 : memref<10240xf32, #tpu.memory_space<hbm>>) target(%arg6 : memref<10240xf32, #tpu.memory_space<vmem>>) target_semaphore(%run_scoped3A : memref<!tpu.dma_semaphore, #tpu.memory_space<semaphore_mem>>)
        tpu.wait_dma2 semaphore(%run_scoped3A : memref<!tpu.dma_semaphore, #tpu.memory_space<semaphore_mem>>) src(%arg2 : memref<10240xf32, #tpu.memory_space<hbm>>) dst(%arg6 : memref<10240xf32, #tpu.memory_space<vmem>>)
        tpu.yield
      }) : () -> ()
    } else {
    }
    %scan3A_39 = arith.constant 0 : i32
    %scan3A_40 = arith.constant 0 : i32
    %scan3A_41 = arith.constant 160 : i32
    %scan3A_42 = arith.addi %scan3A_40, %scan3A_41 : i32
    %scan3A_43 = arith.constant 1 : i32
    %scan3A_44 = scf.for %scan3A_46 = %scan3A_40 to %scan3A_42 step %scan3A_43 iter_args(%scan3A_47 = %scan3A_39) -> (i32)  : i32 {
      %mul3A_48 = arith.constant 16 : i32
      %mul3A_49 = arith.muli %scan3A_46, %mul3A_48 : i32
      %mul3A_50 = arith.constant 4 : i32
      %mul3A_51 = arith.muli %mul3A_49, %mul3A_50 : i32
      %add3A_52 = arith.constant 0 : i32
      %add3A_53 = arith.addi %mul3A_51, %add3A_52 : i32
      %get3A = arith.index_cast %add3A_53 : i32 to index
      %get3A_54 = tpu.vector_load %arg7[%get3A] {strides = array<i32>} : memref<10240xi32, #tpu.memory_space<vmem>>, vector<16xi32>,
      %get3A_55 = arith.index_cast %add3A_53 : i32 to index
      %get3A_56 = tpu.vector_load %arg8[%get3A_55] {strides = array<i32>} : memref<10240xi32, #tpu.memory_space<vmem>>, vector<16xi32>,
      %gather3A = tpu.vector_load_idx %arg5[%get3A_54] : memref<10240xf32, #tpu.memory_space<vmem>>[vector<16xi32>], vector<16xf32>,
      tpu.vector_store_idx %arg6[%get3A_56], %gather3A {add = true} : memref<10240xf32, #tpu.memory_space<vmem>>[vector<16xi32>], vector<16xf32>,
      %mul3A_57 = arith.constant 16 : i32
      %mul3A_58 = arith.muli %scan3A_46, %mul3A_57 : i32
      %mul3A_59 = arith.constant 4 : i32
      %mul3A_60 = arith.muli %mul3A_58, %mul3A_59 : i32
      %add3A_61 = arith.constant 16 : i32
      %add3A_62 = arith.addi %mul3A_60, %add3A_61 : i32
      %get3A_63 = arith.index_cast %add3A_62 : i32 to index
      %get3A_64 = tpu.vector_load %arg7[%get3A_63] {strides = array<i32>} : memref<10240xi32, #tpu.memory_space<vmem>>, vector<16xi32>,
      %get3A_65 = arith.index_cast %add3A_62 : i32 to index
      %get3A_66 = tpu.vector_load %arg8[%get3A_65] {strides = array<i32>} : memref<10240xi32, #tpu.memory_space<vmem>>, vector<16xi32>,
      %gather3A_67 = tpu.vector_load_idx %arg5[%get3A_64] : memref<10240xf32, #tpu.memory_space<vmem>>[vector<16xi32>], vector<16xf32>,
      tpu.vector_store_idx %arg6[%get3A_66], %gather3A_67 {add = true} : memref<10240xf32, #tpu.memory_space<vmem>>[vector<16xi32>], vector<16xf32>,
      %mul3A_68 = arith.constant 16 : i32
      %mul3A_69 = arith.muli %scan3A_46, %mul3A_68 : i32
      %mul3A_70 = arith.constant 4 : i32
      %mul3A_71 = arith.muli %mul3A_69, %mul3A_70 : i32
      %add3A_72 = arith.constant 32 : i32
      %add3A_73 = arith.addi %mul3A_71, %add3A_72 : i32
      %get3A_74 = arith.index_cast %add3A_73 : i32 to index
      %get3A_75 = tpu.vector_load %arg7[%get3A_74] {strides = array<i32>} : memref<10240xi32, #tpu.memory_space<vmem>>, vector<16xi32>,
      %get3A_76 = arith.index_cast %add3A_73 : i32 to index
      %get3A_77 = tpu.vector_load %arg8[%get3A_76] {strides = array<i32>} : memref<10240xi32, #tpu.memory_space<vmem>>, vector<16xi32>,
      %gather3A_78 = tpu.vector_load_idx %arg5[%get3A_75] : memref<10240xf32, #tpu.memory_space<vmem>>[vector<16xi32>], vector<16xf32>,
      tpu.vector_store_idx %arg6[%get3A_77], %gather3A_78 {add = true} : memref<10240xf32, #tpu.memory_space<vmem>>[vector<16xi32>], vector<16xf32>,
      %mul3A_79 = arith.constant 16 : i32
      %mul3A_80 = arith.muli %scan3A_46, %mul3A_79 : i32
      %mul3A_81 = arith.constant 4 : i32
      %mul3A_82 = arith.muli %mul3A_80, %mul3A_81 : i32
      %add3A_83 = arith.constant 48 : i32
      %add3A_84 = arith.addi %mul3A_82, %add3A_83 : i32
      %get3A_85 = arith.index_cast %add3A_84 : i32 to index
      %get3A_86 = tpu.vector_load %arg7[%get3A_85] {strides = array<i32>} : memref<10240xi32, #tpu.memory_space<vmem>>, vector<16xi32>,
      %get3A_87 = arith.index_cast %add3A_84 : i32 to index
      %get3A_88 = tpu.vector_load %arg8[%get3A_87] {strides = array<i32>} : memref<10240xi32, #tpu.memory_space<vmem>>, vector<16xi32>,
      %gather3A_89 = tpu.vector_load_idx %arg5[%get3A_86] : memref<10240xf32, #tpu.memory_space<vmem>>[vector<16xi32>], vector<16xf32>,
      tpu.vector_store_idx %arg6[%get3A_88], %gather3A_89 {add = true} : memref<10240xf32, #tpu.memory_space<vmem>>[vector<16xi32>], vector<16xf32>,
      %scan3A_90 = arith.constant 0 : i32
      scf.yield %scan3A_90 : i32
    }
    %scan3A_45 = arith.constant 160 : i32
    "tpu.region"() ({
      %run_scoped3A = tpu.sem_alloc : memref<!tpu.dma_semaphore, #tpu.memory_space<semaphore_mem>>
      %dma_start3A_46 = arith.constant 0 : i32
      %dma_start3A_47 = tpu.memref_slice %arg4[%add3A, %dma_start3A_46] : memref<32x10240xf32, #tpu.memory_space<hbm>> -> memref<1x10240xf32, #tpu.memory_space<hbm>>
      %dma_start3A_48 = tpu.memref_squeeze %dma_start3A_47 : memref<1x10240xf32, #tpu.memory_space<hbm>> -> memref<10240xf32, #tpu.memory_space<hbm>>
      %dma_start3A_49 = arith.constant 0 : i32
      %dma_start3A_50 = tpu.memref_slice %arg4[%add3A, %dma_start3A_49] : memref<32x10240xf32, #tpu.memory_space<hbm>> -> memref<1x10240xf32, #tpu.memory_space<hbm>>
      %dma_start3A_51 = tpu.memref_squeeze %dma_start3A_50 : memref<1x10240xf32, #tpu.memory_space<hbm>> -> memref<10240xf32, #tpu.memory_space<hbm>>
      tpu.enqueue_dma source(%arg6 : memref<10240xf32, #tpu.memory_space<vmem>>) target(%dma_start3A_51 : memref<10240xf32, #tpu.memory_space<hbm>>) target_semaphore(%run_scoped3A : memref<!tpu.dma_semaphore, #tpu.memory_space<semaphore_mem>>)
      %dma_wait3A_52 = arith.constant 0 : i32
      %dma_wait3A_53 = tpu.memref_slice %arg4[%add3A, %dma_wait3A_52] : memref<32x10240xf32, #tpu.memory_space<hbm>> -> memref<1x10240xf32, #tpu.memory_space<hbm>>
      %dma_wait3A_54 = tpu.memref_squeeze %dma_wait3A_53 : memref<1x10240xf32, #tpu.memory_space<hbm>> -> memref<10240xf32, #tpu.memory_space<hbm>>
      %dma_wait3A_55 = arith.constant 0 : i32
      %dma_wait3A_56 = tpu.memref_slice %arg4[%add3A, %dma_wait3A_55] : memref<32x10240xf32, #tpu.memory_space<hbm>> -> memref<1x10240xf32, #tpu.memory_space<hbm>>
      %dma_wait3A_57 = tpu.memref_squeeze %dma_wait3A_56 : memref<1x10240xf32, #tpu.memory_space<hbm>> -> memref<10240xf32, #tpu.memory_space<hbm>>
      tpu.wait_dma2 semaphore(%run_scoped3A : memref<!tpu.dma_semaphore, #tpu.memory_space<semaphore_mem>>) src(%arg6 : memref<10240xf32, #tpu.memory_space<vmem>>) dst(%dma_wait3A_57 : memref<10240xf32, #tpu.memory_space<hbm>>)
      tpu.yield
    }) : () -> ()
    return
  }
}

#map = affine_map<(d0, d1) -> (0, 0)>
#map1 = affine_map<(d0, d1) -> (0, 0, 0)>
module attributes {stable_mosaic.version = 14 : i64} {
  func.func @agg_kernel(%arg0: i32, %arg1: i32, %arg2: memref<10000x128xf32, #tpu.memory_space<hbm>>, %arg3: memref<64x10240xi32, #tpu.memory_space<hbm>>, %arg4: memref<2x10240x128xf32, #tpu.memory_space<hbm>>, %arg5: memref<64xi32, #tpu.memory_space<vmem>>, %arg6: memref<64xi32, #tpu.memory_space<vmem>>, %arg7: memref<64xi32, #tpu.memory_space<vmem>>, %arg8: memref<64xi32, #tpu.memory_space<vmem>>, %arg9: memref<64xi32, #tpu.memory_space<vmem>>, %arg10: memref<64xi32, #tpu.memory_space<vmem>>, %arg11: memref<64xi32, #tpu.memory_space<vmem>>, %arg12: memref<64xi32, #tpu.memory_space<vmem>>, %arg13: memref<64xi32, #tpu.memory_space<vmem>>, %arg14: memref<64xi32, #tpu.memory_space<vmem>>, %arg15: memref<64xi32, #tpu.memory_space<vmem>>, %arg16: memref<64xi32, #tpu.memory_space<vmem>>, %arg17: memref<64xi32, #tpu.memory_space<vmem>>, %arg18: memref<64xi32, #tpu.memory_space<vmem>>, %arg19: memref<64xi32, #tpu.memory_space<vmem>>, %arg20: memref<64xi32, #tpu.memory_space<vmem>>, %arg21: memref<64x128xf32, #tpu.memory_space<vmem>>, %arg22: memref<64x128xf32, #tpu.memory_space<vmem>>, %arg23: memref<64x128xf32, #tpu.memory_space<vmem>>, %arg24: memref<64x128xf32, #tpu.memory_space<vmem>>, %arg25: memref<10240x128xf32, #tpu.memory_space<vmem_shared>>, %arg26: memref<!tpu.dma_semaphore, #tpu.memory_space<semaphore_mem>>, %arg27: memref<!tpu.dma_semaphore, #tpu.memory_space<semaphore_mem>>, %arg28: memref<!tpu.dma_semaphore, #tpu.memory_space<semaphore_mem>>, %arg29: memref<!tpu.dma_semaphore, #tpu.memory_space<semaphore_mem>>, %arg30: memref<!tpu.dma_semaphore, #tpu.memory_space<semaphore_mem>>, %arg31: memref<!tpu.dma_semaphore, #tpu.memory_space<semaphore_mem>>, %arg32: memref<!tpu.dma_semaphore, #tpu.memory_space<semaphore_mem>>, %arg33: memref<!tpu.dma_semaphore, #tpu.memory_space<semaphore_mem>>, %arg34: memref<!tpu.dma_semaphore, #tpu.memory_space<semaphore_mem>>, %arg35: memref<!tpu.dma_semaphore, #tpu.memory_space<semaphore_mem>>, %arg36: memref<!tpu.dma_semaphore, #tpu.memory_space<semaphore_mem>>, %arg37: memref<!tpu.dma_semaphore, #tpu.memory_space<semaphore_mem>>, %arg38: memref<!tpu.dma_semaphore, #tpu.memory_space<semaphore_mem>>, %arg39: memref<!tpu.dma_semaphore, #tpu.memory_space<semaphore_mem>>, %arg40: memref<!tpu.dma_semaphore, #tpu.memory_space<semaphore_mem>>, %arg41: memref<!tpu.dma_semaphore, #tpu.memory_space<semaphore_mem>>) attributes {dimension_semantics = [#tpu.dimension_semantics<core_parallel>, #tpu.dimension_semantics<subcore_parallel>], iteration_bounds = array<i64: 2, 16>, scalar_prefetch = 0 : i64, scratch_operands = 37 : i64, tpu.core_type = #tpu.core_type<sc_vector_subcore>, window_params = [{transform_indices = #map}, {transform_indices = #map}, {transform_indices = #map1}]} {
    %mul3A = arith.constant 16 : i32
    %mul3A_0 = arith.muli %arg0, %mul3A : i32
    %add3A = arith.addi %mul3A_0, %arg1 : i32
    %mul3A_1 = arith.constant 640 : i32
    %mul3A_2 = arith.muli %arg1, %mul3A_1 : i32
    %mul3A_3 = arith.constant 2 : i32
    %mul3A_4 = arith.muli %mul3A_3, %add3A : i32
    %dma_start3A = arith.constant 0 : i32
    %dma_start3A_5 = tpu.memref_slice %arg3[%mul3A_4, %dma_start3A] : memref<64x10240xi32, #tpu.memory_space<hbm>> -> memref<1x64xi32, #tpu.memory_space<hbm>>
    %dma_start3A_6 = tpu.memref_squeeze %dma_start3A_5 : memref<1x64xi32, #tpu.memory_space<hbm>> -> memref<64xi32, #tpu.memory_space<hbm>>
    %dma_start3A_7 = arith.constant 0 : i32
    %dma_start3A_8 = tpu.memref_slice %arg3[%mul3A_4, %dma_start3A_7] : memref<64x10240xi32, #tpu.memory_space<hbm>> -> memref<1x64xi32, #tpu.memory_space<hbm>>
    %dma_start3A_9 = tpu.memref_squeeze %dma_start3A_8 : memref<1x64xi32, #tpu.memory_space<hbm>> -> memref<64xi32, #tpu.memory_space<hbm>>
    tpu.enqueue_dma source(%dma_start3A_9 : memref<64xi32, #tpu.memory_space<hbm>>) target(%arg5 : memref<64xi32, #tpu.memory_space<vmem>>) target_semaphore(%arg26 : memref<!tpu.dma_semaphore, #tpu.memory_space<semaphore_mem>>)
    %mul3A_10 = arith.constant 2 : i32
    %mul3A_11 = arith.muli %mul3A_10, %add3A : i32
    %add3A_12 = arith.constant 1 : i32
    %add3A_13 = arith.addi %mul3A_11, %add3A_12 : i32
    %dma_start3A_14 = arith.constant 0 : i32
    %dma_start3A_15 = tpu.memref_slice %arg3[%add3A_13, %dma_start3A_14] : memref<64x10240xi32, #tpu.memory_space<hbm>> -> memref<1x64xi32, #tpu.memory_space<hbm>>
    %dma_start3A_16 = tpu.memref_squeeze %dma_start3A_15 : memref<1x64xi32, #tpu.memory_space<hbm>> -> memref<64xi32, #tpu.memory_space<hbm>>
    %dma_start3A_17 = arith.constant 0 : i32
    %dma_start3A_18 = tpu.memref_slice %arg3[%add3A_13, %dma_start3A_17] : memref<64x10240xi32, #tpu.memory_space<hbm>> -> memref<1x64xi32, #tpu.memory_space<hbm>>
    %dma_start3A_19 = tpu.memref_squeeze %dma_start3A_18 : memref<1x64xi32, #tpu.memory_space<hbm>> -> memref<64xi32, #tpu.memory_space<hbm>>
    tpu.enqueue_dma source(%dma_start3A_19 : memref<64xi32, #tpu.memory_space<hbm>>) target(%arg13 : memref<64xi32, #tpu.memory_space<vmem>>) target_semaphore(%arg26 : memref<!tpu.dma_semaphore, #tpu.memory_space<semaphore_mem>>)
    %mul3A_20 = arith.constant 2 : i32
    %mul3A_21 = arith.muli %mul3A_20, %add3A : i32
    %dma_start3A_22 = arith.constant 64 : i32
    %dma_start3A_23 = tpu.memref_slice %arg3[%mul3A_21, %dma_start3A_22] : memref<64x10240xi32, #tpu.memory_space<hbm>> -> memref<1x64xi32, #tpu.memory_space<hbm>>
    %dma_start3A_24 = tpu.memref_squeeze %dma_start3A_23 : memref<1x64xi32, #tpu.memory_space<hbm>> -> memref<64xi32, #tpu.memory_space<hbm>>
    %dma_start3A_25 = arith.constant 64 : i32
    %dma_start3A_26 = tpu.memref_slice %arg3[%mul3A_21, %dma_start3A_25] : memref<64x10240xi32, #tpu.memory_space<hbm>> -> memref<1x64xi32, #tpu.memory_space<hbm>>
    %dma_start3A_27 = tpu.memref_squeeze %dma_start3A_26 : memref<1x64xi32, #tpu.memory_space<hbm>> -> memref<64xi32, #tpu.memory_space<hbm>>
    tpu.enqueue_dma source(%dma_start3A_27 : memref<64xi32, #tpu.memory_space<hbm>>) target(%arg6 : memref<64xi32, #tpu.memory_space<vmem>>) target_semaphore(%arg27 : memref<!tpu.dma_semaphore, #tpu.memory_space<semaphore_mem>>)
    %mul3A_28 = arith.constant 2 : i32
    %mul3A_29 = arith.muli %mul3A_28, %add3A : i32
    %add3A_30 = arith.constant 1 : i32
    %add3A_31 = arith.addi %mul3A_29, %add3A_30 : i32
    %dma_start3A_32 = arith.constant 64 : i32
    %dma_start3A_33 = tpu.memref_slice %arg3[%add3A_31, %dma_start3A_32] : memref<64x10240xi32, #tpu.memory_space<hbm>> -> memref<1x64xi32, #tpu.memory_space<hbm>>
    %dma_start3A_34 = tpu.memref_squeeze %dma_start3A_33 : memref<1x64xi32, #tpu.memory_space<hbm>> -> memref<64xi32, #tpu.memory_space<hbm>>
    %dma_start3A_35 = arith.constant 64 : i32
    %dma_start3A_36 = tpu.memref_slice %arg3[%add3A_31, %dma_start3A_35] : memref<64x10240xi32, #tpu.memory_space<hbm>> -> memref<1x64xi32, #tpu.memory_space<hbm>>
    %dma_start3A_37 = tpu.memref_squeeze %dma_start3A_36 : memref<1x64xi32, #tpu.memory_space<hbm>> -> memref<64xi32, #tpu.memory_space<hbm>>
    tpu.enqueue_dma source(%dma_start3A_37 : memref<64xi32, #tpu.memory_space<hbm>>) target(%arg14 : memref<64xi32, #tpu.memory_space<vmem>>) target_semaphore(%arg27 : memref<!tpu.dma_semaphore, #tpu.memory_space<semaphore_mem>>)
    %mul3A_38 = arith.constant 2 : i32
    %mul3A_39 = arith.muli %mul3A_38, %add3A : i32
    %dma_start3A_40 = arith.constant 128 : i32
    %dma_start3A_41 = tpu.memref_slice %arg3[%mul3A_39, %dma_start3A_40] : memref<64x10240xi32, #tpu.memory_space<hbm>> -> memref<1x64xi32, #tpu.memory_space<hbm>>
    %dma_start3A_42 = tpu.memref_squeeze %dma_start3A_41 : memref<1x64xi32, #tpu.memory_space<hbm>> -> memref<64xi32, #tpu.memory_space<hbm>>
    %dma_start3A_43 = arith.constant 128 : i32
    %dma_start3A_44 = tpu.memref_slice %arg3[%mul3A_39, %dma_start3A_43] : memref<64x10240xi32, #tpu.memory_space<hbm>> -> memref<1x64xi32, #tpu.memory_space<hbm>>
    %dma_start3A_45 = tpu.memref_squeeze %dma_start3A_44 : memref<1x64xi32, #tpu.memory_space<hbm>> -> memref<64xi32, #tpu.memory_space<hbm>>
    tpu.enqueue_dma source(%dma_start3A_45 : memref<64xi32, #tpu.memory_space<hbm>>) target(%arg7 : memref<64xi32, #tpu.memory_space<vmem>>) target_semaphore(%arg28 : memref<!tpu.dma_semaphore, #tpu.memory_space<semaphore_mem>>)
    %mul3A_46 = arith.constant 2 : i32
    %mul3A_47 = arith.muli %mul3A_46, %add3A : i32
    %add3A_48 = arith.constant 1 : i32
    %add3A_49 = arith.addi %mul3A_47, %add3A_48 : i32
    %dma_start3A_50 = arith.constant 128 : i32
    %dma_start3A_51 = tpu.memref_slice %arg3[%add3A_49, %dma_start3A_50] : memref<64x10240xi32, #tpu.memory_space<hbm>> -> memref<1x64xi32, #tpu.memory_space<hbm>>
    %dma_start3A_52 = tpu.memref_squeeze %dma_start3A_51 : memref<1x64xi32, #tpu.memory_space<hbm>> -> memref<64xi32, #tpu.memory_space<hbm>>
    %dma_start3A_53 = arith.constant 128 : i32
    %dma_start3A_54 = tpu.memref_slice %arg3[%add3A_49, %dma_start3A_53] : memref<64x10240xi32, #tpu.memory_space<hbm>> -> memref<1x64xi32, #tpu.memory_space<hbm>>
    %dma_start3A_55 = tpu.memref_squeeze %dma_start3A_54 : memref<1x64xi32, #tpu.memory_space<hbm>> -> memref<64xi32, #tpu.memory_space<hbm>>
    tpu.enqueue_dma source(%dma_start3A_55 : memref<64xi32, #tpu.memory_space<hbm>>) target(%arg15 : memref<64xi32, #tpu.memory_space<vmem>>) target_semaphore(%arg28 : memref<!tpu.dma_semaphore, #tpu.memory_space<semaphore_mem>>)
    %mul3A_56 = arith.constant 2 : i32
    %mul3A_57 = arith.muli %mul3A_56, %add3A : i32
    %dma_start3A_58 = arith.constant 192 : i32
    %dma_start3A_59 = tpu.memref_slice %arg3[%mul3A_57, %dma_start3A_58] : memref<64x10240xi32, #tpu.memory_space<hbm>> -> memref<1x64xi32, #tpu.memory_space<hbm>>
    %dma_start3A_60 = tpu.memref_squeeze %dma_start3A_59 : memref<1x64xi32, #tpu.memory_space<hbm>> -> memref<64xi32, #tpu.memory_space<hbm>>
    %dma_start3A_61 = arith.constant 192 : i32
    %dma_start3A_62 = tpu.memref_slice %arg3[%mul3A_57, %dma_start3A_61] : memref<64x10240xi32, #tpu.memory_space<hbm>> -> memref<1x64xi32, #tpu.memory_space<hbm>>
    %dma_start3A_63 = tpu.memref_squeeze %dma_start3A_62 : memref<1x64xi32, #tpu.memory_space<hbm>> -> memref<64xi32, #tpu.memory_space<hbm>>
    tpu.enqueue_dma source(%dma_start3A_63 : memref<64xi32, #tpu.memory_space<hbm>>) target(%arg8 : memref<64xi32, #tpu.memory_space<vmem>>) target_semaphore(%arg29 : memref<!tpu.dma_semaphore, #tpu.memory_space<semaphore_mem>>)
    %mul3A_64 = arith.constant 2 : i32
    %mul3A_65 = arith.muli %mul3A_64, %add3A : i32
    %add3A_66 = arith.constant 1 : i32
    %add3A_67 = arith.addi %mul3A_65, %add3A_66 : i32
    %dma_start3A_68 = arith.constant 192 : i32
    %dma_start3A_69 = tpu.memref_slice %arg3[%add3A_67, %dma_start3A_68] : memref<64x10240xi32, #tpu.memory_space<hbm>> -> memref<1x64xi32, #tpu.memory_space<hbm>>
    %dma_start3A_70 = tpu.memref_squeeze %dma_start3A_69 : memref<1x64xi32, #tpu.memory_space<hbm>> -> memref<64xi32, #tpu.memory_space<hbm>>
    %dma_start3A_71 = arith.constant 192 : i32
    %dma_start3A_72 = tpu.memref_slice %arg3[%add3A_67, %dma_start3A_71] : memref<64x10240xi32, #tpu.memory_space<hbm>> -> memref<1x64xi32, #tpu.memory_space<hbm>>
    %dma_start3A_73 = tpu.memref_squeeze %dma_start3A_72 : memref<1x64xi32, #tpu.memory_space<hbm>> -> memref<64xi32, #tpu.memory_space<hbm>>
    tpu.enqueue_dma source(%dma_start3A_73 : memref<64xi32, #tpu.memory_space<hbm>>) target(%arg16 : memref<64xi32, #tpu.memory_space<vmem>>) target_semaphore(%arg29 : memref<!tpu.dma_semaphore, #tpu.memory_space<semaphore_mem>>)
    %mul3A_74 = arith.constant 2 : i32
    %mul3A_75 = arith.muli %mul3A_74, %add3A : i32
    %dma_start3A_76 = arith.constant 256 : i32
    %dma_start3A_77 = tpu.memref_slice %arg3[%mul3A_75, %dma_start3A_76] : memref<64x10240xi32, #tpu.memory_space<hbm>> -> memref<1x64xi32, #tpu.memory_space<hbm>>
    %dma_start3A_78 = tpu.memref_squeeze %dma_start3A_77 : memref<1x64xi32, #tpu.memory_space<hbm>> -> memref<64xi32, #tpu.memory_space<hbm>>
    %dma_start3A_79 = arith.constant 256 : i32
    %dma_start3A_80 = tpu.memref_slice %arg3[%mul3A_75, %dma_start3A_79] : memref<64x10240xi32, #tpu.memory_space<hbm>> -> memref<1x64xi32, #tpu.memory_space<hbm>>
    %dma_start3A_81 = tpu.memref_squeeze %dma_start3A_80 : memref<1x64xi32, #tpu.memory_space<hbm>> -> memref<64xi32, #tpu.memory_space<hbm>>
    tpu.enqueue_dma source(%dma_start3A_81 : memref<64xi32, #tpu.memory_space<hbm>>) target(%arg9 : memref<64xi32, #tpu.memory_space<vmem>>) target_semaphore(%arg30 : memref<!tpu.dma_semaphore, #tpu.memory_space<semaphore_mem>>)
    %mul3A_82 = arith.constant 2 : i32
    %mul3A_83 = arith.muli %mul3A_82, %add3A : i32
    %add3A_84 = arith.constant 1 : i32
    %add3A_85 = arith.addi %mul3A_83, %add3A_84 : i32
    %dma_start3A_86 = arith.constant 256 : i32
    %dma_start3A_87 = tpu.memref_slice %arg3[%add3A_85, %dma_start3A_86] : memref<64x10240xi32, #tpu.memory_space<hbm>> -> memref<1x64xi32, #tpu.memory_space<hbm>>
    %dma_start3A_88 = tpu.memref_squeeze %dma_start3A_87 : memref<1x64xi32, #tpu.memory_space<hbm>> -> memref<64xi32, #tpu.memory_space<hbm>>
    %dma_start3A_89 = arith.constant 256 : i32
    %dma_start3A_90 = tpu.memref_slice %arg3[%add3A_85, %dma_start3A_89] : memref<64x10240xi32, #tpu.memory_space<hbm>> -> memref<1x64xi32, #tpu.memory_space<hbm>>
    %dma_start3A_91 = tpu.memref_squeeze %dma_start3A_90 : memref<1x64xi32, #tpu.memory_space<hbm>> -> memref<64xi32, #tpu.memory_space<hbm>>
    tpu.enqueue_dma source(%dma_start3A_91 : memref<64xi32, #tpu.memory_space<hbm>>) target(%arg17 : memref<64xi32, #tpu.memory_space<vmem>>) target_semaphore(%arg30 : memref<!tpu.dma_semaphore, #tpu.memory_space<semaphore_mem>>)
    %mul3A_92 = arith.constant 2 : i32
    %mul3A_93 = arith.muli %mul3A_92, %add3A : i32
    %dma_start3A_94 = arith.constant 320 : i32
    %dma_start3A_95 = tpu.memref_slice %arg3[%mul3A_93, %dma_start3A_94] : memref<64x10240xi32, #tpu.memory_space<hbm>> -> memref<1x64xi32, #tpu.memory_space<hbm>>
    %dma_start3A_96 = tpu.memref_squeeze %dma_start3A_95 : memref<1x64xi32, #tpu.memory_space<hbm>> -> memref<64xi32, #tpu.memory_space<hbm>>
    %dma_start3A_97 = arith.constant 320 : i32
    %dma_start3A_98 = tpu.memref_slice %arg3[%mul3A_93, %dma_start3A_97] : memref<64x10240xi32, #tpu.memory_space<hbm>> -> memref<1x64xi32, #tpu.memory_space<hbm>>
    %dma_start3A_99 = tpu.memref_squeeze %dma_start3A_98 : memref<1x64xi32, #tpu.memory_space<hbm>> -> memref<64xi32, #tpu.memory_space<hbm>>
    tpu.enqueue_dma source(%dma_start3A_99 : memref<64xi32, #tpu.memory_space<hbm>>) target(%arg10 : memref<64xi32, #tpu.memory_space<vmem>>) target_semaphore(%arg31 : memref<!tpu.dma_semaphore, #tpu.memory_space<semaphore_mem>>)
    %mul3A_100 = arith.constant 2 : i32
    %mul3A_101 = arith.muli %mul3A_100, %add3A : i32
    %add3A_102 = arith.constant 1 : i32
    %add3A_103 = arith.addi %mul3A_101, %add3A_102 : i32
    %dma_start3A_104 = arith.constant 320 : i32
    %dma_start3A_105 = tpu.memref_slice %arg3[%add3A_103, %dma_start3A_104] : memref<64x10240xi32, #tpu.memory_space<hbm>> -> memref<1x64xi32, #tpu.memory_space<hbm>>
    %dma_start3A_106 = tpu.memref_squeeze %dma_start3A_105 : memref<1x64xi32, #tpu.memory_space<hbm>> -> memref<64xi32, #tpu.memory_space<hbm>>
    %dma_start3A_107 = arith.constant 320 : i32
    %dma_start3A_108 = tpu.memref_slice %arg3[%add3A_103, %dma_start3A_107] : memref<64x10240xi32, #tpu.memory_space<hbm>> -> memref<1x64xi32, #tpu.memory_space<hbm>>
    %dma_start3A_109 = tpu.memref_squeeze %dma_start3A_108 : memref<1x64xi32, #tpu.memory_space<hbm>> -> memref<64xi32, #tpu.memory_space<hbm>>
    tpu.enqueue_dma source(%dma_start3A_109 : memref<64xi32, #tpu.memory_space<hbm>>) target(%arg18 : memref<64xi32, #tpu.memory_space<vmem>>) target_semaphore(%arg31 : memref<!tpu.dma_semaphore, #tpu.memory_space<semaphore_mem>>)
    %mul3A_110 = arith.constant 2 : i32
    %mul3A_111 = arith.muli %mul3A_110, %add3A : i32
    %dma_start3A_112 = arith.constant 384 : i32
    %dma_start3A_113 = tpu.memref_slice %arg3[%mul3A_111, %dma_start3A_112] : memref<64x10240xi32, #tpu.memory_space<hbm>> -> memref<1x64xi32, #tpu.memory_space<hbm>>
    %dma_start3A_114 = tpu.memref_squeeze %dma_start3A_113 : memref<1x64xi32, #tpu.memory_space<hbm>> -> memref<64xi32, #tpu.memory_space<hbm>>
    %dma_start3A_115 = arith.constant 384 : i32
    %dma_start3A_116 = tpu.memref_slice %arg3[%mul3A_111, %dma_start3A_115] : memref<64x10240xi32, #tpu.memory_space<hbm>> -> memref<1x64xi32, #tpu.memory_space<hbm>>
    %dma_start3A_117 = tpu.memref_squeeze %dma_start3A_116 : memref<1x64xi32, #tpu.memory_space<hbm>> -> memref<64xi32, #tpu.memory_space<hbm>>
    tpu.enqueue_dma source(%dma_start3A_117 : memref<64xi32, #tpu.memory_space<hbm>>) target(%arg11 : memref<64xi32, #tpu.memory_space<vmem>>) target_semaphore(%arg32 : memref<!tpu.dma_semaphore, #tpu.memory_space<semaphore_mem>>)
    %mul3A_118 = arith.constant 2 : i32
    %mul3A_119 = arith.muli %mul3A_118, %add3A : i32
    %add3A_120 = arith.constant 1 : i32
    %add3A_121 = arith.addi %mul3A_119, %add3A_120 : i32
    %dma_start3A_122 = arith.constant 384 : i32
    %dma_start3A_123 = tpu.memref_slice %arg3[%add3A_121, %dma_start3A_122] : memref<64x10240xi32, #tpu.memory_space<hbm>> -> memref<1x64xi32, #tpu.memory_space<hbm>>
    %dma_start3A_124 = tpu.memref_squeeze %dma_start3A_123 : memref<1x64xi32, #tpu.memory_space<hbm>> -> memref<64xi32, #tpu.memory_space<hbm>>
    %dma_start3A_125 = arith.constant 384 : i32
    %dma_start3A_126 = tpu.memref_slice %arg3[%add3A_121, %dma_start3A_125] : memref<64x10240xi32, #tpu.memory_space<hbm>> -> memref<1x64xi32, #tpu.memory_space<hbm>>
    %dma_start3A_127 = tpu.memref_squeeze %dma_start3A_126 : memref<1x64xi32, #tpu.memory_space<hbm>> -> memref<64xi32, #tpu.memory_space<hbm>>
    tpu.enqueue_dma source(%dma_start3A_127 : memref<64xi32, #tpu.memory_space<hbm>>) target(%arg19 : memref<64xi32, #tpu.memory_space<vmem>>) target_semaphore(%arg32 : memref<!tpu.dma_semaphore, #tpu.memory_space<semaphore_mem>>)
    %scan3A = arith.constant 0 : i32
    %scan3A_128 = arith.constant 0 : i32
    %scan3A_129 = arith.constant 512 : i32
    %scan3A_130 = arith.addi %scan3A_128, %scan3A_129 : i32
    %scan3A_131 = arith.constant 1 : i32
    %scan3A_132 = scf.for %scan3A_726 = %scan3A_128 to %scan3A_130 step %scan3A_131 iter_args(%scan3A_727 = %scan3A) -> (i32)  : i32 {
      %jit3A = arith.constant 8 : i32
      %div3A = arith.divsi %scan3A_726, %jit3A : i32
      %sign3A = arith.constant 0 : i32
      %sign3A_728 = arith.cmpi sgt, %scan3A_726, %sign3A : i32
      %sign3A_729 = arith.extui %sign3A_728 : i1 to i32
      %sign3A_730 = arith.constant 0 : i32
      %sign3A_731 = arith.cmpi slt, %scan3A_726, %sign3A_730 : i32
      %sign3A_732 = arith.extui %sign3A_731 : i1 to i32
      %sign3A_733 = arith.subi %sign3A_729, %sign3A_732 : i32
      %sign3A_734 = arith.constant 0 : i32
      %sign3A_735 = arith.cmpi sgt, %jit3A, %sign3A_734 : i32
      %sign3A_736 = arith.extui %sign3A_735 : i1 to i32
      %sign3A_737 = arith.constant 0 : i32
      %sign3A_738 = arith.cmpi slt, %jit3A, %sign3A_737 : i32
      %sign3A_739 = arith.extui %sign3A_738 : i1 to i32
      %sign3A_740 = arith.subi %sign3A_736, %sign3A_739 : i32
      %ne3A = arith.cmpi ne, %sign3A_733, %sign3A_740 : i32
      %rem3A = arith.remsi %scan3A_726, %jit3A : i32
      %ne3A_741 = arith.constant 0 : i32
      %ne3A_742 = arith.cmpi ne, %rem3A, %ne3A_741 : i32
      %and3A = arith.andi %ne3A, %ne3A_742 : i1
      %sub3A = arith.constant 1 : i32
      %sub3A_743 = arith.subi %div3A, %sub3A : i32
      %select_n3A = arith.select %and3A, %sub3A_743, %div3A : i32
      %jit3A_744 = arith.constant 8 : i32
      %eq3A_745 = arith.constant 0 : i32
      %eq3A_746 = arith.cmpi eq, %jit3A_744, %eq3A_745 : i32
      %jit3A_747 = arith.constant 1 : i32
      %select_n3A_748 = arith.select %eq3A_746, %jit3A_747, %jit3A_744 : i32
      %rem3A_749 = arith.remsi %scan3A_726, %select_n3A_748 : i32
      %ne3A_750 = arith.constant 0 : i32
      %ne3A_751 = arith.cmpi ne, %rem3A_749, %ne3A_750 : i32
      %lt3A = arith.constant 0 : i32
      %lt3A_752 = arith.cmpi slt, %rem3A_749, %lt3A : i32
      %lt3A_753 = arith.constant 0 : i32
      %lt3A_754 = arith.cmpi slt, %select_n3A_748, %lt3A_753 : i32
      %ne3A_755 = arith.xori %lt3A_752, %lt3A_754 : i1
      %and3A_756 = arith.andi %ne3A_755, %ne3A_751 : i1
      %add3A_757 = arith.addi %rem3A_749, %select_n3A_748 : i32
      %select_n3A_758 = arith.select %and3A_756, %add3A_757, %rem3A_749 : i32
      %mul3A_759 = arith.constant 16 : i32
      %mul3A_760 = arith.muli %select_n3A_758, %mul3A_759 : i32
      %broadcast_in_dim3A = arith.constant 0.000000e+00 : f32
      %broadcast_in_dim3A_761 = vector.broadcast %broadcast_in_dim3A : f32 to vector<16xf32>
      %swap3A = arith.index_cast %select_n3A : i32 to index
      %swap3A_762 = arith.index_cast %mul3A_760 : i32 to index
      %swap3A_763 = tpu.vector_load %arg21[%swap3A, %swap3A_762] {strides = array<i32>} : memref<64x128xf32, #tpu.memory_space<vmem>>, vector<16xf32>,
      tpu.vector_store %arg21[%swap3A, %swap3A_762], %broadcast_in_dim3A_761 {strides = array<i32>} : memref<64x128xf32, #tpu.memory_space<vmem>>, vector<16xf32>,
      %scan3A_764 = arith.constant 0 : i32
      scf.yield %scan3A_764 : i32
    }
    %scan3A_133 = arith.constant 512 : i32
    %dma_wait3A = arith.constant 0 : i32
    %dma_wait3A_134 = arith.constant 0 : i32
    %dma_wait3A_135 = tpu.memref_slice %arg3[%dma_wait3A, %dma_wait3A_134] : memref<64x10240xi32, #tpu.memory_space<hbm>> -> memref<1x64xi32, #tpu.memory_space<hbm>>
    %dma_wait3A_136 = tpu.memref_squeeze %dma_wait3A_135 : memref<1x64xi32, #tpu.memory_space<hbm>> -> memref<64xi32, #tpu.memory_space<hbm>>
    %dma_wait3A_137 = arith.constant 0 : i32
    %dma_wait3A_138 = tpu.memref_slice %arg3[%dma_wait3A, %dma_wait3A_137] : memref<64x10240xi32, #tpu.memory_space<hbm>> -> memref<1x64xi32, #tpu.memory_space<hbm>>
    %dma_wait3A_139 = tpu.memref_squeeze %dma_wait3A_138 : memref<1x64xi32, #tpu.memory_space<hbm>> -> memref<64xi32, #tpu.memory_space<hbm>>
    tpu.wait_dma2 semaphore(%arg27 : memref<!tpu.dma_semaphore, #tpu.memory_space<semaphore_mem>>) src(%dma_wait3A_139 : memref<64xi32, #tpu.memory_space<hbm>>) dst(%arg6 : memref<64xi32, #tpu.memory_space<vmem>>)
    %dma_wait3A_140 = arith.constant 1 : i32
    %dma_wait3A_141 = arith.constant 0 : i32
    %dma_wait3A_142 = tpu.memref_slice %arg3[%dma_wait3A_140, %dma_wait3A_141] : memref<64x10240xi32, #tpu.memory_space<hbm>> -> memref<1x64xi32, #tpu.memory_space<hbm>>
    %dma_wait3A_143 = tpu.memref_squeeze %dma_wait3A_142 : memref<1x64xi32, #tpu.memory_space<hbm>> -> memref<64xi32, #tpu.memory_space<hbm>>
    %dma_wait3A_144 = arith.constant 0 : i32
    %dma_wait3A_145 = tpu.memref_slice %arg3[%dma_wait3A_140, %dma_wait3A_144] : memref<64x10240xi32, #tpu.memory_space<hbm>> -> memref<1x64xi32, #tpu.memory_space<hbm>>
    %dma_wait3A_146 = tpu.memref_squeeze %dma_wait3A_145 : memref<1x64xi32, #tpu.memory_space<hbm>> -> memref<64xi32, #tpu.memory_space<hbm>>
    tpu.wait_dma2 semaphore(%arg27 : memref<!tpu.dma_semaphore, #tpu.memory_space<semaphore_mem>>) src(%dma_wait3A_146 : memref<64xi32, #tpu.memory_space<hbm>>) dst(%arg14 : memref<64xi32, #tpu.memory_space<vmem>>)
    %dma_start3A_147 = arith.constant 0 : i32
    %dma_start3A_148 = arith.constant 0 : i32
    %dma_start3A_149 = tpu.memref_slice %arg2[%dma_start3A_147, %dma_start3A_148] : memref<10000x128xf32, #tpu.memory_space<hbm>> -> memref<10000x128xf32, #tpu.memory_space<hbm>>
    tpu.enqueue_indirect_dma source(%dma_start3A_149 : memref<10000x128xf32, #tpu.memory_space<hbm>>) target(%arg22 : memref<64x128xf32, #tpu.memory_space<vmem>>) offsets(%arg6 : memref<64xi32, #tpu.memory_space<vmem>>) semaphore(%arg35 : memref<!tpu.dma_semaphore, #tpu.memory_space<semaphore_mem>>)
    %dma_wait3A_150 = arith.constant 0 : i32
    %dma_wait3A_151 = arith.constant 0 : i32
    %dma_wait3A_152 = tpu.memref_slice %arg3[%dma_wait3A_150, %dma_wait3A_151] : memref<64x10240xi32, #tpu.memory_space<hbm>> -> memref<1x64xi32, #tpu.memory_space<hbm>>
    %dma_wait3A_153 = tpu.memref_squeeze %dma_wait3A_152 : memref<1x64xi32, #tpu.memory_space<hbm>> -> memref<64xi32, #tpu.memory_space<hbm>>
    %dma_wait3A_154 = arith.constant 0 : i32
    %dma_wait3A_155 = tpu.memref_slice %arg3[%dma_wait3A_150, %dma_wait3A_154] : memref<64x10240xi32, #tpu.memory_space<hbm>> -> memref<1x64xi32, #tpu.memory_space<hbm>>
    %dma_wait3A_156 = tpu.memref_squeeze %dma_wait3A_155 : memref<1x64xi32, #tpu.memory_space<hbm>> -> memref<64xi32, #tpu.memory_space<hbm>>
    tpu.wait_dma2 semaphore(%arg28 : memref<!tpu.dma_semaphore, #tpu.memory_space<semaphore_mem>>) src(%dma_wait3A_156 : memref<64xi32, #tpu.memory_space<hbm>>) dst(%arg7 : memref<64xi32, #tpu.memory_space<vmem>>)
    %dma_wait3A_157 = arith.constant 1 : i32
    %dma_wait3A_158 = arith.constant 0 : i32
    %dma_wait3A_159 = tpu.memref_slice %arg3[%dma_wait3A_157, %dma_wait3A_158] : memref<64x10240xi32, #tpu.memory_space<hbm>> -> memref<1x64xi32, #tpu.memory_space<hbm>>
    %dma_wait3A_160 = tpu.memref_squeeze %dma_wait3A_159 : memref<1x64xi32, #tpu.memory_space<hbm>> -> memref<64xi32, #tpu.memory_space<hbm>>
    %dma_wait3A_161 = arith.constant 0 : i32
    %dma_wait3A_162 = tpu.memref_slice %arg3[%dma_wait3A_157, %dma_wait3A_161] : memref<64x10240xi32, #tpu.memory_space<hbm>> -> memref<1x64xi32, #tpu.memory_space<hbm>>
    %dma_wait3A_163 = tpu.memref_squeeze %dma_wait3A_162 : memref<1x64xi32, #tpu.memory_space<hbm>> -> memref<64xi32, #tpu.memory_space<hbm>>
    tpu.wait_dma2 semaphore(%arg28 : memref<!tpu.dma_semaphore, #tpu.memory_space<semaphore_mem>>) src(%dma_wait3A_163 : memref<64xi32, #tpu.memory_space<hbm>>) dst(%arg15 : memref<64xi32, #tpu.memory_space<vmem>>)
    %dma_start3A_164 = arith.constant 0 : i32
    %dma_start3A_165 = arith.constant 0 : i32
    %dma_start3A_166 = tpu.memref_slice %arg2[%dma_start3A_164, %dma_start3A_165] : memref<10000x128xf32, #tpu.memory_space<hbm>> -> memref<10000x128xf32, #tpu.memory_space<hbm>>
    tpu.enqueue_indirect_dma source(%dma_start3A_166 : memref<10000x128xf32, #tpu.memory_space<hbm>>) target(%arg23 : memref<64x128xf32, #tpu.memory_space<vmem>>) offsets(%arg7 : memref<64xi32, #tpu.memory_space<vmem>>) semaphore(%arg36 : memref<!tpu.dma_semaphore, #tpu.memory_space<semaphore_mem>>)
    %eq3A = arith.constant 0 : i32
    %eq3A_167 = arith.cmpi eq, %arg0, %eq3A : i32
    %convert_element_type3A = arith.extui %eq3A_167 : i1 to i32
    %cond3A = arith.constant 0 : i32
    %cond3A_168 = arith.cmpi ne, %convert_element_type3A, %cond3A : i32
    scf.if %cond3A_168 {
      %lt3A = arith.constant 15 : i32
      %lt3A_726 = arith.cmpi slt, %arg1, %lt3A : i32
      %convert_element_type3A_727 = arith.extui %lt3A_726 : i1 to i32
      %cond3A_728 = arith.constant 0 : i32
      %cond3A_729 = arith.cmpi ne, %convert_element_type3A_727, %cond3A_728 : i32
      scf.if %cond3A_729 {
        "tpu.region"() ({
          %run_scoped3A = tpu.sem_alloc : memref<!tpu.dma_semaphore, #tpu.memory_space<semaphore_mem>>
          %dma_start3A_735 = arith.constant 0 : i32
          %dma_start3A_736 = tpu.memref_slice %arg25[%mul3A_2, %dma_start3A_735] : memref<10240x128xf32, #tpu.memory_space<vmem_shared>> -> memref<640x128xf32, #tpu.memory_space<vmem_shared>>
          %dma_start3A_737 = arith.constant 0 : i32
          %dma_start3A_738 = tpu.memref_slice %arg2[%mul3A_2, %dma_start3A_737] : memref<10000x128xf32, #tpu.memory_space<hbm>> -> memref<640x128xf32, #tpu.memory_space<hbm>>
          tpu.enqueue_dma source(%dma_start3A_738 : memref<640x128xf32, #tpu.memory_space<hbm>>) target(%dma_start3A_736 : memref<640x128xf32, #tpu.memory_space<vmem_shared>>) target_semaphore(%run_scoped3A : memref<!tpu.dma_semaphore, #tpu.memory_space<semaphore_mem>>)
          %dma_wait3A_739 = arith.constant 0 : i32
          %dma_wait3A_740 = tpu.memref_slice %arg25[%mul3A_2, %dma_wait3A_739] : memref<10240x128xf32, #tpu.memory_space<vmem_shared>> -> memref<640x128xf32, #tpu.memory_space<vmem_shared>>
          %dma_wait3A_741 = arith.constant 0 : i32
          %dma_wait3A_742 = tpu.memref_slice %arg2[%mul3A_2, %dma_wait3A_741] : memref<10000x128xf32, #tpu.memory_space<hbm>> -> memref<640x128xf32, #tpu.memory_space<hbm>>
          tpu.wait_dma2 semaphore(%run_scoped3A : memref<!tpu.dma_semaphore, #tpu.memory_space<semaphore_mem>>) src(%dma_wait3A_742 : memref<640x128xf32, #tpu.memory_space<hbm>>) dst(%dma_wait3A_740 : memref<640x128xf32, #tpu.memory_space<vmem_shared>>)
          tpu.yield
        }) : () -> ()
      } else {
      }
      %eq3A_730 = arith.constant 15 : i32
      %eq3A_731 = arith.cmpi eq, %arg1, %eq3A_730 : i32
      %convert_element_type3A_732 = arith.extui %eq3A_731 : i1 to i32
      %cond3A_733 = arith.constant 0 : i32
      %cond3A_734 = arith.cmpi ne, %convert_element_type3A_732, %cond3A_733 : i32
      scf.if %cond3A_734 {
        "tpu.region"() ({
          %run_scoped3A = tpu.sem_alloc : memref<!tpu.dma_semaphore, #tpu.memory_space<semaphore_mem>>
          %dma_start3A_735 = arith.constant 0 : i32
          %dma_start3A_736 = tpu.memref_slice %arg25[%mul3A_2, %dma_start3A_735] : memref<10240x128xf32, #tpu.memory_space<vmem_shared>> -> memref<400x128xf32, #tpu.memory_space<vmem_shared>>
          %dma_start3A_737 = arith.constant 0 : i32
          %dma_start3A_738 = tpu.memref_slice %arg2[%mul3A_2, %dma_start3A_737] : memref<10000x128xf32, #tpu.memory_space<hbm>> -> memref<400x128xf32, #tpu.memory_space<hbm>>
          tpu.enqueue_dma source(%dma_start3A_738 : memref<400x128xf32, #tpu.memory_space<hbm>>) target(%dma_start3A_736 : memref<400x128xf32, #tpu.memory_space<vmem_shared>>) target_semaphore(%run_scoped3A : memref<!tpu.dma_semaphore, #tpu.memory_space<semaphore_mem>>)
          %dma_wait3A_739 = arith.constant 0 : i32
          %dma_wait3A_740 = tpu.memref_slice %arg25[%mul3A_2, %dma_wait3A_739] : memref<10240x128xf32, #tpu.memory_space<vmem_shared>> -> memref<400x128xf32, #tpu.memory_space<vmem_shared>>
          %dma_wait3A_741 = arith.constant 0 : i32
          %dma_wait3A_742 = tpu.memref_slice %arg2[%mul3A_2, %dma_wait3A_741] : memref<10000x128xf32, #tpu.memory_space<hbm>> -> memref<400x128xf32, #tpu.memory_space<hbm>>
          tpu.wait_dma2 semaphore(%run_scoped3A : memref<!tpu.dma_semaphore, #tpu.memory_space<semaphore_mem>>) src(%dma_wait3A_742 : memref<400x128xf32, #tpu.memory_space<hbm>>) dst(%dma_wait3A_740 : memref<400x128xf32, #tpu.memory_space<vmem_shared>>)
          tpu.yield
        }) : () -> ()
        "tpu.region"() ({
          %run_scoped3A = tpu.sem_alloc : memref<!tpu.dma_semaphore, #tpu.memory_space<semaphore_mem>>
          %dma_start3A_735 = arith.constant 0 : i32
          %dma_start3A_736 = arith.constant 0 : i32
          %dma_start3A_737 = tpu.memref_slice %arg21[%dma_start3A_735, %dma_start3A_736] : memref<64x128xf32, #tpu.memory_space<vmem>> -> memref<64x128xf32, #tpu.memory_space<vmem>>
          %dma_start3A_738 = arith.constant 10000 : i32
          %dma_start3A_739 = arith.constant 0 : i32
          %dma_start3A_740 = tpu.memref_slice %arg25[%dma_start3A_738, %dma_start3A_739] : memref<10240x128xf32, #tpu.memory_space<vmem_shared>> -> memref<64x128xf32, #tpu.memory_space<vmem_shared>>
          %dma_start3A_741 = arith.constant 10000 : i32
          %dma_start3A_742 = arith.constant 0 : i32
          %dma_start3A_743 = tpu.memref_slice %arg25[%dma_start3A_741, %dma_start3A_742] : memref<10240x128xf32, #tpu.memory_space<vmem_shared>> -> memref<64x128xf32, #tpu.memory_space<vmem_shared>>
          %dma_start3A_744 = arith.constant 0 : i32
          %dma_start3A_745 = arith.constant 0 : i32
          %dma_start3A_746 = tpu.memref_slice %arg21[%dma_start3A_744, %dma_start3A_745] : memref<64x128xf32, #tpu.memory_space<vmem>> -> memref<64x128xf32, #tpu.memory_space<vmem>>
          tpu.enqueue_dma source(%dma_start3A_746 : memref<64x128xf32, #tpu.memory_space<vmem>>) target(%dma_start3A_743 : memref<64x128xf32, #tpu.memory_space<vmem_shared>>) target_semaphore(%run_scoped3A : memref<!tpu.dma_semaphore, #tpu.memory_space<semaphore_mem>>)
          %dma_wait3A_747 = arith.constant 0 : i32
          %dma_wait3A_748 = arith.constant 0 : i32
          %dma_wait3A_749 = tpu.memref_slice %arg21[%dma_wait3A_747, %dma_wait3A_748] : memref<64x128xf32, #tpu.memory_space<vmem>> -> memref<64x128xf32, #tpu.memory_space<vmem>>
          %dma_wait3A_750 = arith.constant 10000 : i32
          %dma_wait3A_751 = arith.constant 0 : i32
          %dma_wait3A_752 = tpu.memref_slice %arg25[%dma_wait3A_750, %dma_wait3A_751] : memref<10240x128xf32, #tpu.memory_space<vmem_shared>> -> memref<64x128xf32, #tpu.memory_space<vmem_shared>>
          %dma_wait3A_753 = arith.constant 10000 : i32
          %dma_wait3A_754 = arith.constant 0 : i32
          %dma_wait3A_755 = tpu.memref_slice %arg25[%dma_wait3A_753, %dma_wait3A_754] : memref<10240x128xf32, #tpu.memory_space<vmem_shared>> -> memref<64x128xf32, #tpu.memory_space<vmem_shared>>
          %dma_wait3A_756 = arith.constant 0 : i32
          %dma_wait3A_757 = arith.constant 0 : i32
          %dma_wait3A_758 = tpu.memref_slice %arg21[%dma_wait3A_756, %dma_wait3A_757] : memref<64x128xf32, #tpu.memory_space<vmem>> -> memref<64x128xf32, #tpu.memory_space<vmem>>
          tpu.wait_dma2 semaphore(%run_scoped3A : memref<!tpu.dma_semaphore, #tpu.memory_space<semaphore_mem>>) src(%dma_wait3A_758 : memref<64x128xf32, #tpu.memory_space<vmem>>) dst(%dma_wait3A_755 : memref<64x128xf32, #tpu.memory_space<vmem_shared>>)
          tpu.yield
        }) : () -> ()
        "tpu.region"() ({
          %run_scoped3A = tpu.sem_alloc : memref<!tpu.dma_semaphore, #tpu.memory_space<semaphore_mem>>
          %dma_start3A_735 = arith.constant 0 : i32
          %dma_start3A_736 = arith.constant 0 : i32
          %dma_start3A_737 = tpu.memref_slice %arg21[%dma_start3A_735, %dma_start3A_736] : memref<64x128xf32, #tpu.memory_space<vmem>> -> memref<64x128xf32, #tpu.memory_space<vmem>>
          %dma_start3A_738 = arith.constant 10064 : i32
          %dma_start3A_739 = arith.constant 0 : i32
          %dma_start3A_740 = tpu.memref_slice %arg25[%dma_start3A_738, %dma_start3A_739] : memref<10240x128xf32, #tpu.memory_space<vmem_shared>> -> memref<64x128xf32, #tpu.memory_space<vmem_shared>>
          %dma_start3A_741 = arith.constant 10064 : i32
          %dma_start3A_742 = arith.constant 0 : i32
          %dma_start3A_743 = tpu.memref_slice %arg25[%dma_start3A_741, %dma_start3A_742] : memref<10240x128xf32, #tpu.memory_space<vmem_shared>> -> memref<64x128xf32, #tpu.memory_space<vmem_shared>>
          %dma_start3A_744 = arith.constant 0 : i32
          %dma_start3A_745 = arith.constant 0 : i32
          %dma_start3A_746 = tpu.memref_slice %arg21[%dma_start3A_744, %dma_start3A_745] : memref<64x128xf32, #tpu.memory_space<vmem>> -> memref<64x128xf32, #tpu.memory_space<vmem>>
          tpu.enqueue_dma source(%dma_start3A_746 : memref<64x128xf32, #tpu.memory_space<vmem>>) target(%dma_start3A_743 : memref<64x128xf32, #tpu.memory_space<vmem_shared>>) target_semaphore(%run_scoped3A : memref<!tpu.dma_semaphore, #tpu.memory_space<semaphore_mem>>)
          %dma_wait3A_747 = arith.constant 0 : i32
          %dma_wait3A_748 = arith.constant 0 : i32
          %dma_wait3A_749 = tpu.memref_slice %arg21[%dma_wait3A_747, %dma_wait3A_748] : memref<64x128xf32, #tpu.memory_space<vmem>> -> memref<64x128xf32, #tpu.memory_space<vmem>>
          %dma_wait3A_750 = arith.constant 10064 : i32
          %dma_wait3A_751 = arith.constant 0 : i32
          %dma_wait3A_752 = tpu.memref_slice %arg25[%dma_wait3A_750, %dma_wait3A_751] : memref<10240x128xf32, #tpu.memory_space<vmem_shared>> -> memref<64x128xf32, #tpu.memory_space<vmem_shared>>
          %dma_wait3A_753 = arith.constant 10064 : i32
          %dma_wait3A_754 = arith.constant 0 : i32
          %dma_wait3A_755 = tpu.memref_slice %arg25[%dma_wait3A_753, %dma_wait3A_754] : memref<10240x128xf32, #tpu.memory_space<vmem_shared>> -> memref<64x128xf32, #tpu.memory_space<vmem_shared>>
          %dma_wait3A_756 = arith.constant 0 : i32
          %dma_wait3A_757 = arith.constant 0 : i32
          %dma_wait3A_758 = tpu.memref_slice %arg21[%dma_wait3A_756, %dma_wait3A_757] : memref<64x128xf32, #tpu.memory_space<vmem>> -> memref<64x128xf32, #tpu.memory_space<vmem>>
          tpu.wait_dma2 semaphore(%run_scoped3A : memref<!tpu.dma_semaphore, #tpu.memory_space<semaphore_mem>>) src(%dma_wait3A_758 : memref<64x128xf32, #tpu.memory_space<vmem>>) dst(%dma_wait3A_755 : memref<64x128xf32, #tpu.memory_space<vmem_shared>>)
          tpu.yield
        }) : () -> ()
        "tpu.region"() ({
          %run_scoped3A = tpu.sem_alloc : memref<!tpu.dma_semaphore, #tpu.memory_space<semaphore_mem>>
          %dma_start3A_735 = arith.constant 0 : i32
          %dma_start3A_736 = arith.constant 0 : i32
          %dma_start3A_737 = tpu.memref_slice %arg21[%dma_start3A_735, %dma_start3A_736] : memref<64x128xf32, #tpu.memory_space<vmem>> -> memref<64x128xf32, #tpu.memory_space<vmem>>
          %dma_start3A_738 = arith.constant 10128 : i32
          %dma_start3A_739 = arith.constant 0 : i32
          %dma_start3A_740 = tpu.memref_slice %arg25[%dma_start3A_738, %dma_start3A_739] : memref<10240x128xf32, #tpu.memory_space<vmem_shared>> -> memref<64x128xf32, #tpu.memory_space<vmem_shared>>
          %dma_start3A_741 = arith.constant 10128 : i32
          %dma_start3A_742 = arith.constant 0 : i32
          %dma_start3A_743 = tpu.memref_slice %arg25[%dma_start3A_741, %dma_start3A_742] : memref<10240x128xf32, #tpu.memory_space<vmem_shared>> -> memref<64x128xf32, #tpu.memory_space<vmem_shared>>
          %dma_start3A_744 = arith.constant 0 : i32
          %dma_start3A_745 = arith.constant 0 : i32
          %dma_start3A_746 = tpu.memref_slice %arg21[%dma_start3A_744, %dma_start3A_745] : memref<64x128xf32, #tpu.memory_space<vmem>> -> memref<64x128xf32, #tpu.memory_space<vmem>>
          tpu.enqueue_dma source(%dma_start3A_746 : memref<64x128xf32, #tpu.memory_space<vmem>>) target(%dma_start3A_743 : memref<64x128xf32, #tpu.memory_space<vmem_shared>>) target_semaphore(%run_scoped3A : memref<!tpu.dma_semaphore, #tpu.memory_space<semaphore_mem>>)
          %dma_wait3A_747 = arith.constant 0 : i32
          %dma_wait3A_748 = arith.constant 0 : i32
          %dma_wait3A_749 = tpu.memref_slice %arg21[%dma_wait3A_747, %dma_wait3A_748] : memref<64x128xf32, #tpu.memory_space<vmem>> -> memref<64x128xf32, #tpu.memory_space<vmem>>
          %dma_wait3A_750 = arith.constant 10128 : i32
          %dma_wait3A_751 = arith.constant 0 : i32
          %dma_wait3A_752 = tpu.memref_slice %arg25[%dma_wait3A_750, %dma_wait3A_751] : memref<10240x128xf32, #tpu.memory_space<vmem_shared>> -> memref<64x128xf32, #tpu.memory_space<vmem_shared>>
          %dma_wait3A_753 = arith.constant 10128 : i32
          %dma_wait3A_754 = arith.constant 0 : i32
          %dma_wait3A_755 = tpu.memref_slice %arg25[%dma_wait3A_753, %dma_wait3A_754] : memref<10240x128xf32, #tpu.memory_space<vmem_shared>> -> memref<64x128xf32, #tpu.memory_space<vmem_shared>>
          %dma_wait3A_756 = arith.constant 0 : i32
          %dma_wait3A_757 = arith.constant 0 : i32
          %dma_wait3A_758 = tpu.memref_slice %arg21[%dma_wait3A_756, %dma_wait3A_757] : memref<64x128xf32, #tpu.memory_space<vmem>> -> memref<64x128xf32, #tpu.memory_space<vmem>>
          tpu.wait_dma2 semaphore(%run_scoped3A : memref<!tpu.dma_semaphore, #tpu.memory_space<semaphore_mem>>) src(%dma_wait3A_758 : memref<64x128xf32, #tpu.memory_space<vmem>>) dst(%dma_wait3A_755 : memref<64x128xf32, #tpu.memory_space<vmem_shared>>)
          tpu.yield
        }) : () -> ()
        "tpu.region"() ({
          %run_scoped3A = tpu.sem_alloc : memref<!tpu.dma_semaphore, #tpu.memory_space<semaphore_mem>>
          %dma_start3A_735 = arith.constant 0 : i32
          %dma_start3A_736 = arith.constant 0 : i32
          %dma_start3A_737 = tpu.memref_slice %arg21[%dma_start3A_735, %dma_start3A_736] : memref<64x128xf32, #tpu.memory_space<vmem>> -> memref<48x128xf32, #tpu.memory_space<vmem>>
          %dma_start3A_738 = arith.constant 10192 : i32
          %dma_start3A_739 = arith.constant 0 : i32
          %dma_start3A_740 = tpu.memref_slice %arg25[%dma_start3A_738, %dma_start3A_739] : memref<10240x128xf32, #tpu.memory_space<vmem_shared>> -> memref<48x128xf32, #tpu.memory_space<vmem_shared>>
          %dma_start3A_741 = arith.constant 10192 : i32
          %dma_start3A_742 = arith.constant 0 : i32
          %dma_start3A_743 = tpu.memref_slice %arg25[%dma_start3A_741, %dma_start3A_742] : memref<10240x128xf32, #tpu.memory_space<vmem_shared>> -> memref<48x128xf32, #tpu.memory_space<vmem_shared>>
          %dma_start3A_744 = arith.constant 0 : i32
          %dma_start3A_745 = arith.constant 0 : i32
          %dma_start3A_746 = tpu.memref_slice %arg21[%dma_start3A_744, %dma_start3A_745] : memref<64x128xf32, #tpu.memory_space<vmem>> -> memref<48x128xf32, #tpu.memory_space<vmem>>
          tpu.enqueue_dma source(%dma_start3A_746 : memref<48x128xf32, #tpu.memory_space<vmem>>) target(%dma_start3A_743 : memref<48x128xf32, #tpu.memory_space<vmem_shared>>) target_semaphore(%run_scoped3A : memref<!tpu.dma_semaphore, #tpu.memory_space<semaphore_mem>>)
          %dma_wait3A_747 = arith.constant 0 : i32
          %dma_wait3A_748 = arith.constant 0 : i32
          %dma_wait3A_749 = tpu.memref_slice %arg21[%dma_wait3A_747, %dma_wait3A_748] : memref<64x128xf32, #tpu.memory_space<vmem>> -> memref<48x128xf32, #tpu.memory_space<vmem>>
          %dma_wait3A_750 = arith.constant 10192 : i32
          %dma_wait3A_751 = arith.constant 0 : i32
          %dma_wait3A_752 = tpu.memref_slice %arg25[%dma_wait3A_750, %dma_wait3A_751] : memref<10240x128xf32, #tpu.memory_space<vmem_shared>> -> memref<48x128xf32, #tpu.memory_space<vmem_shared>>
          %dma_wait3A_753 = arith.constant 10192 : i32
          %dma_wait3A_754 = arith.constant 0 : i32
          %dma_wait3A_755 = tpu.memref_slice %arg25[%dma_wait3A_753, %dma_wait3A_754] : memref<10240x128xf32, #tpu.memory_space<vmem_shared>> -> memref<48x128xf32, #tpu.memory_space<vmem_shared>>
          %dma_wait3A_756 = arith.constant 0 : i32
          %dma_wait3A_757 = arith.constant 0 : i32
          %dma_wait3A_758 = tpu.memref_slice %arg21[%dma_wait3A_756, %dma_wait3A_757] : memref<64x128xf32, #tpu.memory_space<vmem>> -> memref<48x128xf32, #tpu.memory_space<vmem>>
          tpu.wait_dma2 semaphore(%run_scoped3A : memref<!tpu.dma_semaphore, #tpu.memory_space<semaphore_mem>>) src(%dma_wait3A_758 : memref<48x128xf32, #tpu.memory_space<vmem>>) dst(%dma_wait3A_755 : memref<48x128xf32, #tpu.memory_space<vmem_shared>>)
          tpu.yield
        }) : () -> ()
      } else {
      }
    } else {
    }
    %eq3A_169 = arith.constant 1 : i32
    %eq3A_170 = arith.cmpi eq, %arg0, %eq3A_169 : i32
    %convert_element_type3A_171 = arith.extui %eq3A_170 : i1 to i32
    %cond3A_172 = arith.constant 0 : i32
    %cond3A_173 = arith.cmpi ne, %convert_element_type3A_171, %cond3A_172 : i32
    scf.if %cond3A_173 {
      %add3A_726 = arith.constant 0 : i32
      %add3A_727 = arith.addi %mul3A_2, %add3A_726 : i32
      "tpu.region"() ({
        %run_scoped3A = tpu.sem_alloc : memref<!tpu.dma_semaphore, #tpu.memory_space<semaphore_mem>>
        %dma_start3A_746 = arith.constant 0 : i32
        %dma_start3A_747 = tpu.memref_slice %arg25[%add3A_727, %dma_start3A_746] : memref<10240x128xf32, #tpu.memory_space<vmem_shared>> -> memref<64x128xf32, #tpu.memory_space<vmem_shared>>
        %dma_start3A_748 = arith.constant 0 : i32
        %dma_start3A_749 = tpu.memref_slice %arg25[%add3A_727, %dma_start3A_748] : memref<10240x128xf32, #tpu.memory_space<vmem_shared>> -> memref<64x128xf32, #tpu.memory_space<vmem_shared>>
        tpu.enqueue_dma source(%arg21 : memref<64x128xf32, #tpu.memory_space<vmem>>) target(%dma_start3A_749 : memref<64x128xf32, #tpu.memory_space<vmem_shared>>) target_semaphore(%run_scoped3A : memref<!tpu.dma_semaphore, #tpu.memory_space<semaphore_mem>>)
        %dma_wait3A_750 = arith.constant 0 : i32
        %dma_wait3A_751 = tpu.memref_slice %arg25[%add3A_727, %dma_wait3A_750] : memref<10240x128xf32, #tpu.memory_space<vmem_shared>> -> memref<64x128xf32, #tpu.memory_space<vmem_shared>>
        %dma_wait3A_752 = arith.constant 0 : i32
        %dma_wait3A_753 = tpu.memref_slice %arg25[%add3A_727, %dma_wait3A_752] : memref<10240x128xf32, #tpu.memory_space<vmem_shared>> -> memref<64x128xf32, #tpu.memory_space<vmem_shared>>
        tpu.wait_dma2 semaphore(%run_scoped3A : memref<!tpu.dma_semaphore, #tpu.memory_space<semaphore_mem>>) src(%arg21 : memref<64x128xf32, #tpu.memory_space<vmem>>) dst(%dma_wait3A_753 : memref<64x128xf32, #tpu.memory_space<vmem_shared>>)
        tpu.yield
      }) : () -> ()
      %add3A_728 = arith.constant 64 : i32
      %add3A_729 = arith.addi %mul3A_2, %add3A_728 : i32
      "tpu.region"() ({
        %run_scoped3A = tpu.sem_alloc : memref<!tpu.dma_semaphore, #tpu.memory_space<semaphore_mem>>
        %dma_start3A_746 = arith.constant 0 : i32
        %dma_start3A_747 = tpu.memref_slice %arg25[%add3A_729, %dma_start3A_746] : memref<10240x128xf32, #tpu.memory_space<vmem_shared>> -> memref<64x128xf32, #tpu.memory_space<vmem_shared>>
        %dma_start3A_748 = arith.constant 0 : i32
        %dma_start3A_749 = tpu.memref_slice %arg25[%add3A_729, %dma_start3A_748] : memref<10240x128xf32, #tpu.memory_space<vmem_shared>> -> memref<64x128xf32, #tpu.memory_space<vmem_shared>>
        tpu.enqueue_dma source(%arg21 : memref<64x128xf32, #tpu.memory_space<vmem>>) target(%dma_start3A_749 : memref<64x128xf32, #tpu.memory_space<vmem_shared>>) target_semaphore(%run_scoped3A : memref<!tpu.dma_semaphore, #tpu.memory_space<semaphore_mem>>)
        %dma_wait3A_750 = arith.constant 0 : i32
        %dma_wait3A_751 = tpu.memref_slice %arg25[%add3A_729, %dma_wait3A_750] : memref<10240x128xf32, #tpu.memory_space<vmem_shared>> -> memref<64x128xf32, #tpu.memory_space<vmem_shared>>
        %dma_wait3A_752 = arith.constant 0 : i32
        %dma_wait3A_753 = tpu.memref_slice %arg25[%add3A_729, %dma_wait3A_752] : memref<10240x128xf32, #tpu.memory_space<vmem_shared>> -> memref<64x128xf32, #tpu.memory_space<vmem_shared>>
        tpu.wait_dma2 semaphore(%run_scoped3A : memref<!tpu.dma_semaphore, #tpu.memory_space<semaphore_mem>>) src(%arg21 : memref<64x128xf32, #tpu.memory_space<vmem>>) dst(%dma_wait3A_753 : memref<64x128xf32, #tpu.memory_space<vmem_shared>>)
        tpu.yield
      }) : () -> ()
      %add3A_730 = arith.constant 128 : i32
      %add3A_731 = arith.addi %mul3A_2, %add3A_730 : i32
      "tpu.region"() ({
        %run_scoped3A = tpu.sem_alloc : memref<!tpu.dma_semaphore, #tpu.memory_space<semaphore_mem>>
        %dma_start3A_746 = arith.constant 0 : i32
        %dma_start3A_747 = tpu.memref_slice %arg25[%add3A_731, %dma_start3A_746] : memref<10240x128xf32, #tpu.memory_space<vmem_shared>> -> memref<64x128xf32, #tpu.memory_space<vmem_shared>>
        %dma_start3A_748 = arith.constant 0 : i32
        %dma_start3A_749 = tpu.memref_slice %arg25[%add3A_731, %dma_start3A_748] : memref<10240x128xf32, #tpu.memory_space<vmem_shared>> -> memref<64x128xf32, #tpu.memory_space<vmem_shared>>
        tpu.enqueue_dma source(%arg21 : memref<64x128xf32, #tpu.memory_space<vmem>>) target(%dma_start3A_749 : memref<64x128xf32, #tpu.memory_space<vmem_shared>>) target_semaphore(%run_scoped3A : memref<!tpu.dma_semaphore, #tpu.memory_space<semaphore_mem>>)
        %dma_wait3A_750 = arith.constant 0 : i32
        %dma_wait3A_751 = tpu.memref_slice %arg25[%add3A_731, %dma_wait3A_750] : memref<10240x128xf32, #tpu.memory_space<vmem_shared>> -> memref<64x128xf32, #tpu.memory_space<vmem_shared>>
        %dma_wait3A_752 = arith.constant 0 : i32
        %dma_wait3A_753 = tpu.memref_slice %arg25[%add3A_731, %dma_wait3A_752] : memref<10240x128xf32, #tpu.memory_space<vmem_shared>> -> memref<64x128xf32, #tpu.memory_space<vmem_shared>>
        tpu.wait_dma2 semaphore(%run_scoped3A : memref<!tpu.dma_semaphore, #tpu.memory_space<semaphore_mem>>) src(%arg21 : memref<64x128xf32, #tpu.memory_space<vmem>>) dst(%dma_wait3A_753 : memref<64x128xf32, #tpu.memory_space<vmem_shared>>)
        tpu.yield
      }) : () -> ()
      %add3A_732 = arith.constant 192 : i32
      %add3A_733 = arith.addi %mul3A_2, %add3A_732 : i32
      "tpu.region"() ({
        %run_scoped3A = tpu.sem_alloc : memref<!tpu.dma_semaphore, #tpu.memory_space<semaphore_mem>>
        %dma_start3A_746 = arith.constant 0 : i32
        %dma_start3A_747 = tpu.memref_slice %arg25[%add3A_733, %dma_start3A_746] : memref<10240x128xf32, #tpu.memory_space<vmem_shared>> -> memref<64x128xf32, #tpu.memory_space<vmem_shared>>
        %dma_start3A_748 = arith.constant 0 : i32
        %dma_start3A_749 = tpu.memref_slice %arg25[%add3A_733, %dma_start3A_748] : memref<10240x128xf32, #tpu.memory_space<vmem_shared>> -> memref<64x128xf32, #tpu.memory_space<vmem_shared>>
        tpu.enqueue_dma source(%arg21 : memref<64x128xf32, #tpu.memory_space<vmem>>) target(%dma_start3A_749 : memref<64x128xf32, #tpu.memory_space<vmem_shared>>) target_semaphore(%run_scoped3A : memref<!tpu.dma_semaphore, #tpu.memory_space<semaphore_mem>>)
        %dma_wait3A_750 = arith.constant 0 : i32
        %dma_wait3A_751 = tpu.memref_slice %arg25[%add3A_733, %dma_wait3A_750] : memref<10240x128xf32, #tpu.memory_space<vmem_shared>> -> memref<64x128xf32, #tpu.memory_space<vmem_shared>>
        %dma_wait3A_752 = arith.constant 0 : i32
        %dma_wait3A_753 = tpu.memref_slice %arg25[%add3A_733, %dma_wait3A_752] : memref<10240x128xf32, #tpu.memory_space<vmem_shared>> -> memref<64x128xf32, #tpu.memory_space<vmem_shared>>
        tpu.wait_dma2 semaphore(%run_scoped3A : memref<!tpu.dma_semaphore, #tpu.memory_space<semaphore_mem>>) src(%arg21 : memref<64x128xf32, #tpu.memory_space<vmem>>) dst(%dma_wait3A_753 : memref<64x128xf32, #tpu.memory_space<vmem_shared>>)
        tpu.yield
      }) : () -> ()
      %add3A_734 = arith.constant 256 : i32
      %add3A_735 = arith.addi %mul3A_2, %add3A_734 : i32
      "tpu.region"() ({
        %run_scoped3A = tpu.sem_alloc : memref<!tpu.dma_semaphore, #tpu.memory_space<semaphore_mem>>
        %dma_start3A_746 = arith.constant 0 : i32
        %dma_start3A_747 = tpu.memref_slice %arg25[%add3A_735, %dma_start3A_746] : memref<10240x128xf32, #tpu.memory_space<vmem_shared>> -> memref<64x128xf32, #tpu.memory_space<vmem_shared>>
        %dma_start3A_748 = arith.constant 0 : i32
        %dma_start3A_749 = tpu.memref_slice %arg25[%add3A_735, %dma_start3A_748] : memref<10240x128xf32, #tpu.memory_space<vmem_shared>> -> memref<64x128xf32, #tpu.memory_space<vmem_shared>>
        tpu.enqueue_dma source(%arg21 : memref<64x128xf32, #tpu.memory_space<vmem>>) target(%dma_start3A_749 : memref<64x128xf32, #tpu.memory_space<vmem_shared>>) target_semaphore(%run_scoped3A : memref<!tpu.dma_semaphore, #tpu.memory_space<semaphore_mem>>)
        %dma_wait3A_750 = arith.constant 0 : i32
        %dma_wait3A_751 = tpu.memref_slice %arg25[%add3A_735, %dma_wait3A_750] : memref<10240x128xf32, #tpu.memory_space<vmem_shared>> -> memref<64x128xf32, #tpu.memory_space<vmem_shared>>
        %dma_wait3A_752 = arith.constant 0 : i32
        %dma_wait3A_753 = tpu.memref_slice %arg25[%add3A_735, %dma_wait3A_752] : memref<10240x128xf32, #tpu.memory_space<vmem_shared>> -> memref<64x128xf32, #tpu.memory_space<vmem_shared>>
        tpu.wait_dma2 semaphore(%run_scoped3A : memref<!tpu.dma_semaphore, #tpu.memory_space<semaphore_mem>>) src(%arg21 : memref<64x128xf32, #tpu.memory_space<vmem>>) dst(%dma_wait3A_753 : memref<64x128xf32, #tpu.memory_space<vmem_shared>>)
        tpu.yield
      }) : () -> ()
      %add3A_736 = arith.constant 320 : i32
      %add3A_737 = arith.addi %mul3A_2, %add3A_736 : i32
      "tpu.region"() ({
        %run_scoped3A = tpu.sem_alloc : memref<!tpu.dma_semaphore, #tpu.memory_space<semaphore_mem>>
        %dma_start3A_746 = arith.constant 0 : i32
        %dma_start3A_747 = tpu.memref_slice %arg25[%add3A_737, %dma_start3A_746] : memref<10240x128xf32, #tpu.memory_space<vmem_shared>> -> memref<64x128xf32, #tpu.memory_space<vmem_shared>>
        %dma_start3A_748 = arith.constant 0 : i32
        %dma_start3A_749 = tpu.memref_slice %arg25[%add3A_737, %dma_start3A_748] : memref<10240x128xf32, #tpu.memory_space<vmem_shared>> -> memref<64x128xf32, #tpu.memory_space<vmem_shared>>
        tpu.enqueue_dma source(%arg21 : memref<64x128xf32, #tpu.memory_space<vmem>>) target(%dma_start3A_749 : memref<64x128xf32, #tpu.memory_space<vmem_shared>>) target_semaphore(%run_scoped3A : memref<!tpu.dma_semaphore, #tpu.memory_space<semaphore_mem>>)
        %dma_wait3A_750 = arith.constant 0 : i32
        %dma_wait3A_751 = tpu.memref_slice %arg25[%add3A_737, %dma_wait3A_750] : memref<10240x128xf32, #tpu.memory_space<vmem_shared>> -> memref<64x128xf32, #tpu.memory_space<vmem_shared>>
        %dma_wait3A_752 = arith.constant 0 : i32
        %dma_wait3A_753 = tpu.memref_slice %arg25[%add3A_737, %dma_wait3A_752] : memref<10240x128xf32, #tpu.memory_space<vmem_shared>> -> memref<64x128xf32, #tpu.memory_space<vmem_shared>>
        tpu.wait_dma2 semaphore(%run_scoped3A : memref<!tpu.dma_semaphore, #tpu.memory_space<semaphore_mem>>) src(%arg21 : memref<64x128xf32, #tpu.memory_space<vmem>>) dst(%dma_wait3A_753 : memref<64x128xf32, #tpu.memory_space<vmem_shared>>)
        tpu.yield
      }) : () -> ()
      %add3A_738 = arith.constant 384 : i32
      %add3A_739 = arith.addi %mul3A_2, %add3A_738 : i32
      "tpu.region"() ({
        %run_scoped3A = tpu.sem_alloc : memref<!tpu.dma_semaphore, #tpu.memory_space<semaphore_mem>>
        %dma_start3A_746 = arith.constant 0 : i32
        %dma_start3A_747 = tpu.memref_slice %arg25[%add3A_739, %dma_start3A_746] : memref<10240x128xf32, #tpu.memory_space<vmem_shared>> -> memref<64x128xf32, #tpu.memory_space<vmem_shared>>
        %dma_start3A_748 = arith.constant 0 : i32
        %dma_start3A_749 = tpu.memref_slice %arg25[%add3A_739, %dma_start3A_748] : memref<10240x128xf32, #tpu.memory_space<vmem_shared>> -> memref<64x128xf32, #tpu.memory_space<vmem_shared>>
        tpu.enqueue_dma source(%arg21 : memref<64x128xf32, #tpu.memory_space<vmem>>) target(%dma_start3A_749 : memref<64x128xf32, #tpu.memory_space<vmem_shared>>) target_semaphore(%run_scoped3A : memref<!tpu.dma_semaphore, #tpu.memory_space<semaphore_mem>>)
        %dma_wait3A_750 = arith.constant 0 : i32
        %dma_wait3A_751 = tpu.memref_slice %arg25[%add3A_739, %dma_wait3A_750] : memref<10240x128xf32, #tpu.memory_space<vmem_shared>> -> memref<64x128xf32, #tpu.memory_space<vmem_shared>>
        %dma_wait3A_752 = arith.constant 0 : i32
        %dma_wait3A_753 = tpu.memref_slice %arg25[%add3A_739, %dma_wait3A_752] : memref<10240x128xf32, #tpu.memory_space<vmem_shared>> -> memref<64x128xf32, #tpu.memory_space<vmem_shared>>
        tpu.wait_dma2 semaphore(%run_scoped3A : memref<!tpu.dma_semaphore, #tpu.memory_space<semaphore_mem>>) src(%arg21 : memref<64x128xf32, #tpu.memory_space<vmem>>) dst(%dma_wait3A_753 : memref<64x128xf32, #tpu.memory_space<vmem_shared>>)
        tpu.yield
      }) : () -> ()
      %add3A_740 = arith.constant 448 : i32
      %add3A_741 = arith.addi %mul3A_2, %add3A_740 : i32
      "tpu.region"() ({
        %run_scoped3A = tpu.sem_alloc : memref<!tpu.dma_semaphore, #tpu.memory_space<semaphore_mem>>
        %dma_start3A_746 = arith.constant 0 : i32
        %dma_start3A_747 = tpu.memref_slice %arg25[%add3A_741, %dma_start3A_746] : memref<10240x128xf32, #tpu.memory_space<vmem_shared>> -> memref<64x128xf32, #tpu.memory_space<vmem_shared>>
        %dma_start3A_748 = arith.constant 0 : i32
        %dma_start3A_749 = tpu.memref_slice %arg25[%add3A_741, %dma_start3A_748] : memref<10240x128xf32, #tpu.memory_space<vmem_shared>> -> memref<64x128xf32, #tpu.memory_space<vmem_shared>>
        tpu.enqueue_dma source(%arg21 : memref<64x128xf32, #tpu.memory_space<vmem>>) target(%dma_start3A_749 : memref<64x128xf32, #tpu.memory_space<vmem_shared>>) target_semaphore(%run_scoped3A : memref<!tpu.dma_semaphore, #tpu.memory_space<semaphore_mem>>)
        %dma_wait3A_750 = arith.constant 0 : i32
        %dma_wait3A_751 = tpu.memref_slice %arg25[%add3A_741, %dma_wait3A_750] : memref<10240x128xf32, #tpu.memory_space<vmem_shared>> -> memref<64x128xf32, #tpu.memory_space<vmem_shared>>
        %dma_wait3A_752 = arith.constant 0 : i32
        %dma_wait3A_753 = tpu.memref_slice %arg25[%add3A_741, %dma_wait3A_752] : memref<10240x128xf32, #tpu.memory_space<vmem_shared>> -> memref<64x128xf32, #tpu.memory_space<vmem_shared>>
        tpu.wait_dma2 semaphore(%run_scoped3A : memref<!tpu.dma_semaphore, #tpu.memory_space<semaphore_mem>>) src(%arg21 : memref<64x128xf32, #tpu.memory_space<vmem>>) dst(%dma_wait3A_753 : memref<64x128xf32, #tpu.memory_space<vmem_shared>>)
        tpu.yield
      }) : () -> ()
      %add3A_742 = arith.constant 512 : i32
      %add3A_743 = arith.addi %mul3A_2, %add3A_742 : i32
      "tpu.region"() ({
        %run_scoped3A = tpu.sem_alloc : memref<!tpu.dma_semaphore, #tpu.memory_space<semaphore_mem>>
        %dma_start3A_746 = arith.constant 0 : i32
        %dma_start3A_747 = tpu.memref_slice %arg25[%add3A_743, %dma_start3A_746] : memref<10240x128xf32, #tpu.memory_space<vmem_shared>> -> memref<64x128xf32, #tpu.memory_space<vmem_shared>>
        %dma_start3A_748 = arith.constant 0 : i32
        %dma_start3A_749 = tpu.memref_slice %arg25[%add3A_743, %dma_start3A_748] : memref<10240x128xf32, #tpu.memory_space<vmem_shared>> -> memref<64x128xf32, #tpu.memory_space<vmem_shared>>
        tpu.enqueue_dma source(%arg21 : memref<64x128xf32, #tpu.memory_space<vmem>>) target(%dma_start3A_749 : memref<64x128xf32, #tpu.memory_space<vmem_shared>>) target_semaphore(%run_scoped3A : memref<!tpu.dma_semaphore, #tpu.memory_space<semaphore_mem>>)
        %dma_wait3A_750 = arith.constant 0 : i32
        %dma_wait3A_751 = tpu.memref_slice %arg25[%add3A_743, %dma_wait3A_750] : memref<10240x128xf32, #tpu.memory_space<vmem_shared>> -> memref<64x128xf32, #tpu.memory_space<vmem_shared>>
        %dma_wait3A_752 = arith.constant 0 : i32
        %dma_wait3A_753 = tpu.memref_slice %arg25[%add3A_743, %dma_wait3A_752] : memref<10240x128xf32, #tpu.memory_space<vmem_shared>> -> memref<64x128xf32, #tpu.memory_space<vmem_shared>>
        tpu.wait_dma2 semaphore(%run_scoped3A : memref<!tpu.dma_semaphore, #tpu.memory_space<semaphore_mem>>) src(%arg21 : memref<64x128xf32, #tpu.memory_space<vmem>>) dst(%dma_wait3A_753 : memref<64x128xf32, #tpu.memory_space<vmem_shared>>)
        tpu.yield
      }) : () -> ()
      %add3A_744 = arith.constant 576 : i32
      %add3A_745 = arith.addi %mul3A_2, %add3A_744 : i32
      "tpu.region"() ({
        %run_scoped3A = tpu.sem_alloc : memref<!tpu.dma_semaphore, #tpu.memory_space<semaphore_mem>>
        %dma_start3A_746 = arith.constant 0 : i32
        %dma_start3A_747 = tpu.memref_slice %arg25[%add3A_745, %dma_start3A_746] : memref<10240x128xf32, #tpu.memory_space<vmem_shared>> -> memref<64x128xf32, #tpu.memory_space<vmem_shared>>
        %dma_start3A_748 = arith.constant 0 : i32
        %dma_start3A_749 = tpu.memref_slice %arg25[%add3A_745, %dma_start3A_748] : memref<10240x128xf32, #tpu.memory_space<vmem_shared>> -> memref<64x128xf32, #tpu.memory_space<vmem_shared>>
        tpu.enqueue_dma source(%arg21 : memref<64x128xf32, #tpu.memory_space<vmem>>) target(%dma_start3A_749 : memref<64x128xf32, #tpu.memory_space<vmem_shared>>) target_semaphore(%run_scoped3A : memref<!tpu.dma_semaphore, #tpu.memory_space<semaphore_mem>>)
        %dma_wait3A_750 = arith.constant 0 : i32
        %dma_wait3A_751 = tpu.memref_slice %arg25[%add3A_745, %dma_wait3A_750] : memref<10240x128xf32, #tpu.memory_space<vmem_shared>> -> memref<64x128xf32, #tpu.memory_space<vmem_shared>>
        %dma_wait3A_752 = arith.constant 0 : i32
        %dma_wait3A_753 = tpu.memref_slice %arg25[%add3A_745, %dma_wait3A_752] : memref<10240x128xf32, #tpu.memory_space<vmem_shared>> -> memref<64x128xf32, #tpu.memory_space<vmem_shared>>
        tpu.wait_dma2 semaphore(%run_scoped3A : memref<!tpu.dma_semaphore, #tpu.memory_space<semaphore_mem>>) src(%arg21 : memref<64x128xf32, #tpu.memory_space<vmem>>) dst(%dma_wait3A_753 : memref<64x128xf32, #tpu.memory_space<vmem_shared>>)
        tpu.yield
      }) : () -> ()
    } else {
    }
    %dma_wait3A_174 = arith.constant 0 : i32
    %dma_wait3A_175 = arith.constant 0 : i32
    %dma_wait3A_176 = tpu.memref_slice %arg3[%dma_wait3A_174, %dma_wait3A_175] : memref<64x10240xi32, #tpu.memory_space<hbm>> -> memref<1x64xi32, #tpu.memory_space<hbm>>
    %dma_wait3A_177 = tpu.memref_squeeze %dma_wait3A_176 : memref<1x64xi32, #tpu.memory_space<hbm>> -> memref<64xi32, #tpu.memory_space<hbm>>
    %dma_wait3A_178 = arith.constant 0 : i32
    %dma_wait3A_179 = tpu.memref_slice %arg3[%dma_wait3A_174, %dma_wait3A_178] : memref<64x10240xi32, #tpu.memory_space<hbm>> -> memref<1x64xi32, #tpu.memory_space<hbm>>
    %dma_wait3A_180 = tpu.memref_squeeze %dma_wait3A_179 : memref<1x64xi32, #tpu.memory_space<hbm>> -> memref<64xi32, #tpu.memory_space<hbm>>
    tpu.wait_dma2 semaphore(%arg26 : memref<!tpu.dma_semaphore, #tpu.memory_space<semaphore_mem>>) src(%dma_wait3A_180 : memref<64xi32, #tpu.memory_space<hbm>>) dst(%arg5 : memref<64xi32, #tpu.memory_space<vmem>>)
    %dma_wait3A_181 = arith.constant 1 : i32
    %dma_wait3A_182 = arith.constant 0 : i32
    %dma_wait3A_183 = tpu.memref_slice %arg3[%dma_wait3A_181, %dma_wait3A_182] : memref<64x10240xi32, #tpu.memory_space<hbm>> -> memref<1x64xi32, #tpu.memory_space<hbm>>
    %dma_wait3A_184 = tpu.memref_squeeze %dma_wait3A_183 : memref<1x64xi32, #tpu.memory_space<hbm>> -> memref<64xi32, #tpu.memory_space<hbm>>
    %dma_wait3A_185 = arith.constant 0 : i32
    %dma_wait3A_186 = tpu.memref_slice %arg3[%dma_wait3A_181, %dma_wait3A_185] : memref<64x10240xi32, #tpu.memory_space<hbm>> -> memref<1x64xi32, #tpu.memory_space<hbm>>
    %dma_wait3A_187 = tpu.memref_squeeze %dma_wait3A_186 : memref<1x64xi32, #tpu.memory_space<hbm>> -> memref<64xi32, #tpu.memory_space<hbm>>
    tpu.wait_dma2 semaphore(%arg26 : memref<!tpu.dma_semaphore, #tpu.memory_space<semaphore_mem>>) src(%dma_wait3A_187 : memref<64xi32, #tpu.memory_space<hbm>>) dst(%arg13 : memref<64xi32, #tpu.memory_space<vmem>>)
    %dma_start3A_188 = arith.constant 0 : i32
    %dma_start3A_189 = arith.constant 0 : i32
    %dma_start3A_190 = tpu.memref_slice %arg2[%dma_start3A_188, %dma_start3A_189] : memref<10000x128xf32, #tpu.memory_space<hbm>> -> memref<10000x128xf32, #tpu.memory_space<hbm>>
    tpu.enqueue_indirect_dma source(%dma_start3A_190 : memref<10000x128xf32, #tpu.memory_space<hbm>>) target(%arg21 : memref<64x128xf32, #tpu.memory_space<vmem>>) offsets(%arg5 : memref<64xi32, #tpu.memory_space<vmem>>) semaphore(%arg34 : memref<!tpu.dma_semaphore, #tpu.memory_space<semaphore_mem>>)
    %barrier3A = arith.constant 0 : index
    tpu.barrier barrier_id(%barrier3A)
    %dma_wait3A_191 = arith.constant 0 : i32
    %dma_wait3A_192 = arith.constant 0 : i32
    %dma_wait3A_193 = tpu.memref_slice %arg2[%dma_wait3A_191, %dma_wait3A_192] : memref<10000x128xf32, #tpu.memory_space<hbm>> -> memref<10000x128xf32, #tpu.memory_space<hbm>>
    tpu.wait_indirect_dma semaphore(%arg34 : memref<!tpu.dma_semaphore, #tpu.memory_space<semaphore_mem>>) src(%dma_wait3A_193 : memref<10000x128xf32, #tpu.memory_space<hbm>>) dst(%arg21 : memref<64x128xf32, #tpu.memory_space<vmem>>)
    %dma_start3A_194 = arith.constant 0 : i32
    %dma_start3A_195 = arith.constant 0 : i32
    %dma_start3A_196 = tpu.memref_slice %arg25[%dma_start3A_194, %dma_start3A_195] : memref<10240x128xf32, #tpu.memory_space<vmem_shared>> -> memref<10240x128xf32, #tpu.memory_space<vmem_shared>>
    tpu.enqueue_indirect_dma source(%arg21 : memref<64x128xf32, #tpu.memory_space<vmem>>) target(%dma_start3A_196 : memref<10240x128xf32, #tpu.memory_space<vmem_shared>>) offsets(%arg13 : memref<64xi32, #tpu.memory_space<vmem>>) semaphore(%arg38 : memref<!tpu.dma_semaphore, #tpu.memory_space<semaphore_mem>>) {add = true}
    %mul3A_197 = arith.constant 2 : i32
    %mul3A_198 = arith.muli %mul3A_197, %add3A : i32
    %dma_start3A_199 = arith.constant 448 : i32
    %dma_start3A_200 = tpu.memref_slice %arg3[%mul3A_198, %dma_start3A_199] : memref<64x10240xi32, #tpu.memory_space<hbm>> -> memref<1x64xi32, #tpu.memory_space<hbm>>
    %dma_start3A_201 = tpu.memref_squeeze %dma_start3A_200 : memref<1x64xi32, #tpu.memory_space<hbm>> -> memref<64xi32, #tpu.memory_space<hbm>>
    %dma_start3A_202 = arith.constant 448 : i32
    %dma_start3A_203 = tpu.memref_slice %arg3[%mul3A_198, %dma_start3A_202] : memref<64x10240xi32, #tpu.memory_space<hbm>> -> memref<1x64xi32, #tpu.memory_space<hbm>>
    %dma_start3A_204 = tpu.memref_squeeze %dma_start3A_203 : memref<1x64xi32, #tpu.memory_space<hbm>> -> memref<64xi32, #tpu.memory_space<hbm>>
    tpu.enqueue_dma source(%dma_start3A_204 : memref<64xi32, #tpu.memory_space<hbm>>) target(%arg12 : memref<64xi32, #tpu.memory_space<vmem>>) target_semaphore(%arg33 : memref<!tpu.dma_semaphore, #tpu.memory_space<semaphore_mem>>)
    %mul3A_205 = arith.constant 2 : i32
    %mul3A_206 = arith.muli %mul3A_205, %add3A : i32
    %add3A_207 = arith.constant 1 : i32
    %add3A_208 = arith.addi %mul3A_206, %add3A_207 : i32
    %dma_start3A_209 = arith.constant 448 : i32
    %dma_start3A_210 = tpu.memref_slice %arg3[%add3A_208, %dma_start3A_209] : memref<64x10240xi32, #tpu.memory_space<hbm>> -> memref<1x64xi32, #tpu.memory_space<hbm>>
    %dma_start3A_211 = tpu.memref_squeeze %dma_start3A_210 : memref<1x64xi32, #tpu.memory_space<hbm>> -> memref<64xi32, #tpu.memory_space<hbm>>
    %dma_start3A_212 = arith.constant 448 : i32
    %dma_start3A_213 = tpu.memref_slice %arg3[%add3A_208, %dma_start3A_212] : memref<64x10240xi32, #tpu.memory_space<hbm>> -> memref<1x64xi32, #tpu.memory_space<hbm>>
    %dma_start3A_214 = tpu.memref_squeeze %dma_start3A_213 : memref<1x64xi32, #tpu.memory_space<hbm>> -> memref<64xi32, #tpu.memory_space<hbm>>
    tpu.enqueue_dma source(%dma_start3A_214 : memref<64xi32, #tpu.memory_space<hbm>>) target(%arg20 : memref<64xi32, #tpu.memory_space<vmem>>) target_semaphore(%arg33 : memref<!tpu.dma_semaphore, #tpu.memory_space<semaphore_mem>>)
    %dma_wait3A_215 = arith.constant 0 : i32
    %dma_wait3A_216 = arith.constant 0 : i32
    %dma_wait3A_217 = tpu.memref_slice %arg3[%dma_wait3A_215, %dma_wait3A_216] : memref<64x10240xi32, #tpu.memory_space<hbm>> -> memref<1x64xi32, #tpu.memory_space<hbm>>
    %dma_wait3A_218 = tpu.memref_squeeze %dma_wait3A_217 : memref<1x64xi32, #tpu.memory_space<hbm>> -> memref<64xi32, #tpu.memory_space<hbm>>
    %dma_wait3A_219 = arith.constant 0 : i32
    %dma_wait3A_220 = tpu.memref_slice %arg3[%dma_wait3A_215, %dma_wait3A_219] : memref<64x10240xi32, #tpu.memory_space<hbm>> -> memref<1x64xi32, #tpu.memory_space<hbm>>
    %dma_wait3A_221 = tpu.memref_squeeze %dma_wait3A_220 : memref<1x64xi32, #tpu.memory_space<hbm>> -> memref<64xi32, #tpu.memory_space<hbm>>
    tpu.wait_dma2 semaphore(%arg29 : memref<!tpu.dma_semaphore, #tpu.memory_space<semaphore_mem>>) src(%dma_wait3A_221 : memref<64xi32, #tpu.memory_space<hbm>>) dst(%arg8 : memref<64xi32, #tpu.memory_space<vmem>>)
    %dma_wait3A_222 = arith.constant 1 : i32
    %dma_wait3A_223 = arith.constant 0 : i32
    %dma_wait3A_224 = tpu.memref_slice %arg3[%dma_wait3A_222, %dma_wait3A_223] : memref<64x10240xi32, #tpu.memory_space<hbm>> -> memref<1x64xi32, #tpu.memory_space<hbm>>
    %dma_wait3A_225 = tpu.memref_squeeze %dma_wait3A_224 : memref<1x64xi32, #tpu.memory_space<hbm>> -> memref<64xi32, #tpu.memory_space<hbm>>
    %dma_wait3A_226 = arith.constant 0 : i32
    %dma_wait3A_227 = tpu.memref_slice %arg3[%dma_wait3A_222, %dma_wait3A_226] : memref<64x10240xi32, #tpu.memory_space<hbm>> -> memref<1x64xi32, #tpu.memory_space<hbm>>
    %dma_wait3A_228 = tpu.memref_squeeze %dma_wait3A_227 : memref<1x64xi32, #tpu.memory_space<hbm>> -> memref<64xi32, #tpu.memory_space<hbm>>
    tpu.wait_dma2 semaphore(%arg29 : memref<!tpu.dma_semaphore, #tpu.memory_space<semaphore_mem>>) src(%dma_wait3A_228 : memref<64xi32, #tpu.memory_space<hbm>>) dst(%arg16 : memref<64xi32, #tpu.memory_space<vmem>>)
    %dma_start3A_229 = arith.constant 0 : i32
    %dma_start3A_230 = arith.constant 0 : i32
    %dma_start3A_231 = tpu.memref_slice %arg2[%dma_start3A_229, %dma_start3A_230] : memref<10000x128xf32, #tpu.memory_space<hbm>> -> memref<10000x128xf32, #tpu.memory_space<hbm>>
    tpu.enqueue_indirect_dma source(%dma_start3A_231 : memref<10000x128xf32, #tpu.memory_space<hbm>>) target(%arg24 : memref<64x128xf32, #tpu.memory_space<vmem>>) offsets(%arg8 : memref<64xi32, #tpu.memory_space<vmem>>) semaphore(%arg37 : memref<!tpu.dma_semaphore, #tpu.memory_space<semaphore_mem>>)
    %dma_wait3A_232 = arith.constant 0 : i32
    %dma_wait3A_233 = arith.constant 0 : i32
    %dma_wait3A_234 = tpu.memref_slice %arg2[%dma_wait3A_232, %dma_wait3A_233] : memref<10000x128xf32, #tpu.memory_space<hbm>> -> memref<10000x128xf32, #tpu.memory_space<hbm>>
    tpu.wait_indirect_dma semaphore(%arg35 : memref<!tpu.dma_semaphore, #tpu.memory_space<semaphore_mem>>) src(%dma_wait3A_234 : memref<10000x128xf32, #tpu.memory_space<hbm>>) dst(%arg22 : memref<64x128xf32, #tpu.memory_space<vmem>>)
    %dma_start3A_235 = arith.constant 0 : i32
    %dma_start3A_236 = arith.constant 0 : i32
    %dma_start3A_237 = tpu.memref_slice %arg25[%dma_start3A_235, %dma_start3A_236] : memref<10240x128xf32, #tpu.memory_space<vmem_shared>> -> memref<10240x128xf32, #tpu.memory_space<vmem_shared>>
    tpu.enqueue_indirect_dma source(%arg22 : memref<64x128xf32, #tpu.memory_space<vmem>>) target(%dma_start3A_237 : memref<10240x128xf32, #tpu.memory_space<vmem_shared>>) offsets(%arg14 : memref<64xi32, #tpu.memory_space<vmem>>) semaphore(%arg39 : memref<!tpu.dma_semaphore, #tpu.memory_space<semaphore_mem>>) {add = true}
    %dma_wait3A_238 = arith.constant 0 : i32
    %dma_wait3A_239 = arith.constant 0 : i32
    %dma_wait3A_240 = tpu.memref_slice %arg25[%dma_wait3A_238, %dma_wait3A_239] : memref<10240x128xf32, #tpu.memory_space<vmem_shared>> -> memref<10240x128xf32, #tpu.memory_space<vmem_shared>>
    tpu.wait_indirect_dma semaphore(%arg38 : memref<!tpu.dma_semaphore, #tpu.memory_space<semaphore_mem>>) src(%arg21 : memref<64x128xf32, #tpu.memory_space<vmem>>) dst(%dma_wait3A_240 : memref<10240x128xf32, #tpu.memory_space<vmem_shared>>)
    %mul3A_241 = arith.constant 2 : i32
    %mul3A_242 = arith.muli %mul3A_241, %add3A : i32
    %dma_start3A_243 = arith.constant 512 : i32
    %dma_start3A_244 = tpu.memref_slice %arg3[%mul3A_242, %dma_start3A_243] : memref<64x10240xi32, #tpu.memory_space<hbm>> -> memref<1x64xi32, #tpu.memory_space<hbm>>
    %dma_start3A_245 = tpu.memref_squeeze %dma_start3A_244 : memref<1x64xi32, #tpu.memory_space<hbm>> -> memref<64xi32, #tpu.memory_space<hbm>>
    %dma_start3A_246 = arith.constant 512 : i32
    %dma_start3A_247 = tpu.memref_slice %arg3[%mul3A_242, %dma_start3A_246] : memref<64x10240xi32, #tpu.memory_space<hbm>> -> memref<1x64xi32, #tpu.memory_space<hbm>>
    %dma_start3A_248 = tpu.memref_squeeze %dma_start3A_247 : memref<1x64xi32, #tpu.memory_space<hbm>> -> memref<64xi32, #tpu.memory_space<hbm>>
    tpu.enqueue_dma source(%dma_start3A_248 : memref<64xi32, #tpu.memory_space<hbm>>) target(%arg5 : memref<64xi32, #tpu.memory_space<vmem>>) target_semaphore(%arg26 : memref<!tpu.dma_semaphore, #tpu.memory_space<semaphore_mem>>)
    %mul3A_249 = arith.constant 2 : i32
    %mul3A_250 = arith.muli %mul3A_249, %add3A : i32
    %add3A_251 = arith.constant 1 : i32
    %add3A_252 = arith.addi %mul3A_250, %add3A_251 : i32
    %dma_start3A_253 = arith.constant 512 : i32
    %dma_start3A_254 = tpu.memref_slice %arg3[%add3A_252, %dma_start3A_253] : memref<64x10240xi32, #tpu.memory_space<hbm>> -> memref<1x64xi32, #tpu.memory_space<hbm>>
    %dma_start3A_255 = tpu.memref_squeeze %dma_start3A_254 : memref<1x64xi32, #tpu.memory_space<hbm>> -> memref<64xi32, #tpu.memory_space<hbm>>
    %dma_start3A_256 = arith.constant 512 : i32
    %dma_start3A_257 = tpu.memref_slice %arg3[%add3A_252, %dma_start3A_256] : memref<64x10240xi32, #tpu.memory_space<hbm>> -> memref<1x64xi32, #tpu.memory_space<hbm>>
    %dma_start3A_258 = tpu.memref_squeeze %dma_start3A_257 : memref<1x64xi32, #tpu.memory_space<hbm>> -> memref<64xi32, #tpu.memory_space<hbm>>
    tpu.enqueue_dma source(%dma_start3A_258 : memref<64xi32, #tpu.memory_space<hbm>>) target(%arg13 : memref<64xi32, #tpu.memory_space<vmem>>) target_semaphore(%arg26 : memref<!tpu.dma_semaphore, #tpu.memory_space<semaphore_mem>>)
    %dma_wait3A_259 = arith.constant 0 : i32
    %dma_wait3A_260 = arith.constant 0 : i32
    %dma_wait3A_261 = tpu.memref_slice %arg3[%dma_wait3A_259, %dma_wait3A_260] : memref<64x10240xi32, #tpu.memory_space<hbm>> -> memref<1x64xi32, #tpu.memory_space<hbm>>
    %dma_wait3A_262 = tpu.memref_squeeze %dma_wait3A_261 : memref<1x64xi32, #tpu.memory_space<hbm>> -> memref<64xi32, #tpu.memory_space<hbm>>
    %dma_wait3A_263 = arith.constant 0 : i32
    %dma_wait3A_264 = tpu.memref_slice %arg3[%dma_wait3A_259, %dma_wait3A_263] : memref<64x10240xi32, #tpu.memory_space<hbm>> -> memref<1x64xi32, #tpu.memory_space<hbm>>
    %dma_wait3A_265 = tpu.memref_squeeze %dma_wait3A_264 : memref<1x64xi32, #tpu.memory_space<hbm>> -> memref<64xi32, #tpu.memory_space<hbm>>
    tpu.wait_dma2 semaphore(%arg30 : memref<!tpu.dma_semaphore, #tpu.memory_space<semaphore_mem>>) src(%dma_wait3A_265 : memref<64xi32, #tpu.memory_space<hbm>>) dst(%arg9 : memref<64xi32, #tpu.memory_space<vmem>>)
    %dma_wait3A_266 = arith.constant 1 : i32
    %dma_wait3A_267 = arith.constant 0 : i32
    %dma_wait3A_268 = tpu.memref_slice %arg3[%dma_wait3A_266, %dma_wait3A_267] : memref<64x10240xi32, #tpu.memory_space<hbm>> -> memref<1x64xi32, #tpu.memory_space<hbm>>
    %dma_wait3A_269 = tpu.memref_squeeze %dma_wait3A_268 : memref<1x64xi32, #tpu.memory_space<hbm>> -> memref<64xi32, #tpu.memory_space<hbm>>
    %dma_wait3A_270 = arith.constant 0 : i32
    %dma_wait3A_271 = tpu.memref_slice %arg3[%dma_wait3A_266, %dma_wait3A_270] : memref<64x10240xi32, #tpu.memory_space<hbm>> -> memref<1x64xi32, #tpu.memory_space<hbm>>
    %dma_wait3A_272 = tpu.memref_squeeze %dma_wait3A_271 : memref<1x64xi32, #tpu.memory_space<hbm>> -> memref<64xi32, #tpu.memory_space<hbm>>
    tpu.wait_dma2 semaphore(%arg30 : memref<!tpu.dma_semaphore, #tpu.memory_space<semaphore_mem>>) src(%dma_wait3A_272 : memref<64xi32, #tpu.memory_space<hbm>>) dst(%arg17 : memref<64xi32, #tpu.memory_space<vmem>>)
    %dma_start3A_273 = arith.constant 0 : i32
    %dma_start3A_274 = arith.constant 0 : i32
    %dma_start3A_275 = tpu.memref_slice %arg2[%dma_start3A_273, %dma_start3A_274] : memref<10000x128xf32, #tpu.memory_space<hbm>> -> memref<10000x128xf32, #tpu.memory_space<hbm>>
    tpu.enqueue_indirect_dma source(%dma_start3A_275 : memref<10000x128xf32, #tpu.memory_space<hbm>>) target(%arg21 : memref<64x128xf32, #tpu.memory_space<vmem>>) offsets(%arg9 : memref<64xi32, #tpu.memory_space<vmem>>) semaphore(%arg34 : memref<!tpu.dma_semaphore, #tpu.memory_space<semaphore_mem>>)
    %dma_wait3A_276 = arith.constant 0 : i32
    %dma_wait3A_277 = arith.constant 0 : i32
    %dma_wait3A_278 = tpu.memref_slice %arg2[%dma_wait3A_276, %dma_wait3A_277] : memref<10000x128xf32, #tpu.memory_space<hbm>> -> memref<10000x128xf32, #tpu.memory_space<hbm>>
    tpu.wait_indirect_dma semaphore(%arg36 : memref<!tpu.dma_semaphore, #tpu.memory_space<semaphore_mem>>) src(%dma_wait3A_278 : memref<10000x128xf32, #tpu.memory_space<hbm>>) dst(%arg23 : memref<64x128xf32, #tpu.memory_space<vmem>>)
    %dma_start3A_279 = arith.constant 0 : i32
    %dma_start3A_280 = arith.constant 0 : i32
    %dma_start3A_281 = tpu.memref_slice %arg25[%dma_start3A_279, %dma_start3A_280] : memref<10240x128xf32, #tpu.memory_space<vmem_shared>> -> memref<10240x128xf32, #tpu.memory_space<vmem_shared>>
    tpu.enqueue_indirect_dma source(%arg23 : memref<64x128xf32, #tpu.memory_space<vmem>>) target(%dma_start3A_281 : memref<10240x128xf32, #tpu.memory_space<vmem_shared>>) offsets(%arg15 : memref<64xi32, #tpu.memory_space<vmem>>) semaphore(%arg40 : memref<!tpu.dma_semaphore, #tpu.memory_space<semaphore_mem>>) {add = true}
    %dma_wait3A_282 = arith.constant 0 : i32
    %dma_wait3A_283 = arith.constant 0 : i32
    %dma_wait3A_284 = tpu.memref_slice %arg25[%dma_wait3A_282, %dma_wait3A_283] : memref<10240x128xf32, #tpu.memory_space<vmem_shared>> -> memref<10240x128xf32, #tpu.memory_space<vmem_shared>>
    tpu.wait_indirect_dma semaphore(%arg39 : memref<!tpu.dma_semaphore, #tpu.memory_space<semaphore_mem>>) src(%arg22 : memref<64x128xf32, #tpu.memory_space<vmem>>) dst(%dma_wait3A_284 : memref<10240x128xf32, #tpu.memory_space<vmem_shared>>)
    %mul3A_285 = arith.constant 2 : i32
    %mul3A_286 = arith.muli %mul3A_285, %add3A : i32
    %dma_start3A_287 = arith.constant 576 : i32
    %dma_start3A_288 = tpu.memref_slice %arg3[%mul3A_286, %dma_start3A_287] : memref<64x10240xi32, #tpu.memory_space<hbm>> -> memref<1x64xi32, #tpu.memory_space<hbm>>
    %dma_start3A_289 = tpu.memref_squeeze %dma_start3A_288 : memref<1x64xi32, #tpu.memory_space<hbm>> -> memref<64xi32, #tpu.memory_space<hbm>>
    %dma_start3A_290 = arith.constant 576 : i32
    %dma_start3A_291 = tpu.memref_slice %arg3[%mul3A_286, %dma_start3A_290] : memref<64x10240xi32, #tpu.memory_space<hbm>> -> memref<1x64xi32, #tpu.memory_space<hbm>>
    %dma_start3A_292 = tpu.memref_squeeze %dma_start3A_291 : memref<1x64xi32, #tpu.memory_space<hbm>> -> memref<64xi32, #tpu.memory_space<hbm>>
    tpu.enqueue_dma source(%dma_start3A_292 : memref<64xi32, #tpu.memory_space<hbm>>) target(%arg6 : memref<64xi32, #tpu.memory_space<vmem>>) target_semaphore(%arg27 : memref<!tpu.dma_semaphore, #tpu.memory_space<semaphore_mem>>)
    %mul3A_293 = arith.constant 2 : i32
    %mul3A_294 = arith.muli %mul3A_293, %add3A : i32
    %add3A_295 = arith.constant 1 : i32
    %add3A_296 = arith.addi %mul3A_294, %add3A_295 : i32
    %dma_start3A_297 = arith.constant 576 : i32
    %dma_start3A_298 = tpu.memref_slice %arg3[%add3A_296, %dma_start3A_297] : memref<64x10240xi32, #tpu.memory_space<hbm>> -> memref<1x64xi32, #tpu.memory_space<hbm>>
    %dma_start3A_299 = tpu.memref_squeeze %dma_start3A_298 : memref<1x64xi32, #tpu.memory_space<hbm>> -> memref<64xi32, #tpu.memory_space<hbm>>
    %dma_start3A_300 = arith.constant 576 : i32
    %dma_start3A_301 = tpu.memref_slice %arg3[%add3A_296, %dma_start3A_300] : memref<64x10240xi32, #tpu.memory_space<hbm>> -> memref<1x64xi32, #tpu.memory_space<hbm>>
    %dma_start3A_302 = tpu.memref_squeeze %dma_start3A_301 : memref<1x64xi32, #tpu.memory_space<hbm>> -> memref<64xi32, #tpu.memory_space<hbm>>
    tpu.enqueue_dma source(%dma_start3A_302 : memref<64xi32, #tpu.memory_space<hbm>>) target(%arg14 : memref<64xi32, #tpu.memory_space<vmem>>) target_semaphore(%arg27 : memref<!tpu.dma_semaphore, #tpu.memory_space<semaphore_mem>>)
    %dma_wait3A_303 = arith.constant 0 : i32
    %dma_wait3A_304 = arith.constant 0 : i32
    %dma_wait3A_305 = tpu.memref_slice %arg3[%dma_wait3A_303, %dma_wait3A_304] : memref<64x10240xi32, #tpu.memory_space<hbm>> -> memref<1x64xi32, #tpu.memory_space<hbm>>
    %dma_wait3A_306 = tpu.memref_squeeze %dma_wait3A_305 : memref<1x64xi32, #tpu.memory_space<hbm>> -> memref<64xi32, #tpu.memory_space<hbm>>
    %dma_wait3A_307 = arith.constant 0 : i32
    %dma_wait3A_308 = tpu.memref_slice %arg3[%dma_wait3A_303, %dma_wait3A_307] : memref<64x10240xi32, #tpu.memory_space<hbm>> -> memref<1x64xi32, #tpu.memory_space<hbm>>
    %dma_wait3A_309 = tpu.memref_squeeze %dma_wait3A_308 : memref<1x64xi32, #tpu.memory_space<hbm>> -> memref<64xi32, #tpu.memory_space<hbm>>
    tpu.wait_dma2 semaphore(%arg31 : memref<!tpu.dma_semaphore, #tpu.memory_space<semaphore_mem>>) src(%dma_wait3A_309 : memref<64xi32, #tpu.memory_space<hbm>>) dst(%arg10 : memref<64xi32, #tpu.memory_space<vmem>>)
    %dma_wait3A_310 = arith.constant 1 : i32
    %dma_wait3A_311 = arith.constant 0 : i32
    %dma_wait3A_312 = tpu.memref_slice %arg3[%dma_wait3A_310, %dma_wait3A_311] : memref<64x10240xi32, #tpu.memory_space<hbm>> -> memref<1x64xi32, #tpu.memory_space<hbm>>
    %dma_wait3A_313 = tpu.memref_squeeze %dma_wait3A_312 : memref<1x64xi32, #tpu.memory_space<hbm>> -> memref<64xi32, #tpu.memory_space<hbm>>
    %dma_wait3A_314 = arith.constant 0 : i32
    %dma_wait3A_315 = tpu.memref_slice %arg3[%dma_wait3A_310, %dma_wait3A_314] : memref<64x10240xi32, #tpu.memory_space<hbm>> -> memref<1x64xi32, #tpu.memory_space<hbm>>
    %dma_wait3A_316 = tpu.memref_squeeze %dma_wait3A_315 : memref<1x64xi32, #tpu.memory_space<hbm>> -> memref<64xi32, #tpu.memory_space<hbm>>
    tpu.wait_dma2 semaphore(%arg31 : memref<!tpu.dma_semaphore, #tpu.memory_space<semaphore_mem>>) src(%dma_wait3A_316 : memref<64xi32, #tpu.memory_space<hbm>>) dst(%arg18 : memref<64xi32, #tpu.memory_space<vmem>>)
    %dma_start3A_317 = arith.constant 0 : i32
    %dma_start3A_318 = arith.constant 0 : i32
    %dma_start3A_319 = tpu.memref_slice %arg2[%dma_start3A_317, %dma_start3A_318] : memref<10000x128xf32, #tpu.memory_space<hbm>> -> memref<10000x128xf32, #tpu.memory_space<hbm>>
    tpu.enqueue_indirect_dma source(%dma_start3A_319 : memref<10000x128xf32, #tpu.memory_space<hbm>>) target(%arg22 : memref<64x128xf32, #tpu.memory_space<vmem>>) offsets(%arg10 : memref<64xi32, #tpu.memory_space<vmem>>) semaphore(%arg35 : memref<!tpu.dma_semaphore, #tpu.memory_space<semaphore_mem>>)
    %dma_wait3A_320 = arith.constant 0 : i32
    %dma_wait3A_321 = arith.constant 0 : i32
    %dma_wait3A_322 = tpu.memref_slice %arg2[%dma_wait3A_320, %dma_wait3A_321] : memref<10000x128xf32, #tpu.memory_space<hbm>> -> memref<10000x128xf32, #tpu.memory_space<hbm>>
    tpu.wait_indirect_dma semaphore(%arg37 : memref<!tpu.dma_semaphore, #tpu.memory_space<semaphore_mem>>) src(%dma_wait3A_322 : memref<10000x128xf32, #tpu.memory_space<hbm>>) dst(%arg24 : memref<64x128xf32, #tpu.memory_space<vmem>>)
    %dma_start3A_323 = arith.constant 0 : i32
    %dma_start3A_324 = arith.constant 0 : i32
    %dma_start3A_325 = tpu.memref_slice %arg25[%dma_start3A_323, %dma_start3A_324] : memref<10240x128xf32, #tpu.memory_space<vmem_shared>> -> memref<10240x128xf32, #tpu.memory_space<vmem_shared>>
    tpu.enqueue_indirect_dma source(%arg24 : memref<64x128xf32, #tpu.memory_space<vmem>>) target(%dma_start3A_325 : memref<10240x128xf32, #tpu.memory_space<vmem_shared>>) offsets(%arg16 : memref<64xi32, #tpu.memory_space<vmem>>) semaphore(%arg41 : memref<!tpu.dma_semaphore, #tpu.memory_space<semaphore_mem>>) {add = true}
    %dma_wait3A_326 = arith.constant 0 : i32
    %dma_wait3A_327 = arith.constant 0 : i32
    %dma_wait3A_328 = tpu.memref_slice %arg25[%dma_wait3A_326, %dma_wait3A_327] : memref<10240x128xf32, #tpu.memory_space<vmem_shared>> -> memref<10240x128xf32, #tpu.memory_space<vmem_shared>>
    tpu.wait_indirect_dma semaphore(%arg40 : memref<!tpu.dma_semaphore, #tpu.memory_space<semaphore_mem>>) src(%arg23 : memref<64x128xf32, #tpu.memory_space<vmem>>) dst(%dma_wait3A_328 : memref<10240x128xf32, #tpu.memory_space<vmem_shared>>)
    %mul3A_329 = arith.constant 2 : i32
    %mul3A_330 = arith.muli %mul3A_329, %add3A : i32
    %dma_start3A_331 = arith.constant 640 : i32
    %dma_start3A_332 = tpu.memref_slice %arg3[%mul3A_330, %dma_start3A_331] : memref<64x10240xi32, #tpu.memory_space<hbm>> -> memref<1x64xi32, #tpu.memory_space<hbm>>
    %dma_start3A_333 = tpu.memref_squeeze %dma_start3A_332 : memref<1x64xi32, #tpu.memory_space<hbm>> -> memref<64xi32, #tpu.memory_space<hbm>>
    %dma_start3A_334 = arith.constant 640 : i32
    %dma_start3A_335 = tpu.memref_slice %arg3[%mul3A_330, %dma_start3A_334] : memref<64x10240xi32, #tpu.memory_space<hbm>> -> memref<1x64xi32, #tpu.memory_space<hbm>>
    %dma_start3A_336 = tpu.memref_squeeze %dma_start3A_335 : memref<1x64xi32, #tpu.memory_space<hbm>> -> memref<64xi32, #tpu.memory_space<hbm>>
    tpu.enqueue_dma source(%dma_start3A_336 : memref<64xi32, #tpu.memory_space<hbm>>) target(%arg7 : memref<64xi32, #tpu.memory_space<vmem>>) target_semaphore(%arg28 : memref<!tpu.dma_semaphore, #tpu.memory_space<semaphore_mem>>)
    %mul3A_337 = arith.constant 2 : i32
    %mul3A_338 = arith.muli %mul3A_337, %add3A : i32
    %add3A_339 = arith.constant 1 : i32
    %add3A_340 = arith.addi %mul3A_338, %add3A_339 : i32
    %dma_start3A_341 = arith.constant 640 : i32
    %dma_start3A_342 = tpu.memref_slice %arg3[%add3A_340, %dma_start3A_341] : memref<64x10240xi32, #tpu.memory_space<hbm>> -> memref<1x64xi32, #tpu.memory_space<hbm>>
    %dma_start3A_343 = tpu.memref_squeeze %dma_start3A_342 : memref<1x64xi32, #tpu.memory_space<hbm>> -> memref<64xi32, #tpu.memory_space<hbm>>
    %dma_start3A_344 = arith.constant 640 : i32
    %dma_start3A_345 = tpu.memref_slice %arg3[%add3A_340, %dma_start3A_344] : memref<64x10240xi32, #tpu.memory_space<hbm>> -> memref<1x64xi32, #tpu.memory_space<hbm>>
    %dma_start3A_346 = tpu.memref_squeeze %dma_start3A_345 : memref<1x64xi32, #tpu.memory_space<hbm>> -> memref<64xi32, #tpu.memory_space<hbm>>
    tpu.enqueue_dma source(%dma_start3A_346 : memref<64xi32, #tpu.memory_space<hbm>>) target(%arg15 : memref<64xi32, #tpu.memory_space<vmem>>) target_semaphore(%arg28 : memref<!tpu.dma_semaphore, #tpu.memory_space<semaphore_mem>>)
    %dma_wait3A_347 = arith.constant 0 : i32
    %dma_wait3A_348 = arith.constant 0 : i32
    %dma_wait3A_349 = tpu.memref_slice %arg3[%dma_wait3A_347, %dma_wait3A_348] : memref<64x10240xi32, #tpu.memory_space<hbm>> -> memref<1x64xi32, #tpu.memory_space<hbm>>
    %dma_wait3A_350 = tpu.memref_squeeze %dma_wait3A_349 : memref<1x64xi32, #tpu.memory_space<hbm>> -> memref<64xi32, #tpu.memory_space<hbm>>
    %dma_wait3A_351 = arith.constant 0 : i32
    %dma_wait3A_352 = tpu.memref_slice %arg3[%dma_wait3A_347, %dma_wait3A_351] : memref<64x10240xi32, #tpu.memory_space<hbm>> -> memref<1x64xi32, #tpu.memory_space<hbm>>
    %dma_wait3A_353 = tpu.memref_squeeze %dma_wait3A_352 : memref<1x64xi32, #tpu.memory_space<hbm>> -> memref<64xi32, #tpu.memory_space<hbm>>
    tpu.wait_dma2 semaphore(%arg32 : memref<!tpu.dma_semaphore, #tpu.memory_space<semaphore_mem>>) src(%dma_wait3A_353 : memref<64xi32, #tpu.memory_space<hbm>>) dst(%arg11 : memref<64xi32, #tpu.memory_space<vmem>>)
    %dma_wait3A_354 = arith.constant 1 : i32
    %dma_wait3A_355 = arith.constant 0 : i32
    %dma_wait3A_356 = tpu.memref_slice %arg3[%dma_wait3A_354, %dma_wait3A_355] : memref<64x10240xi32, #tpu.memory_space<hbm>> -> memref<1x64xi32, #tpu.memory_space<hbm>>
    %dma_wait3A_357 = tpu.memref_squeeze %dma_wait3A_356 : memref<1x64xi32, #tpu.memory_space<hbm>> -> memref<64xi32, #tpu.memory_space<hbm>>
    %dma_wait3A_358 = arith.constant 0 : i32
    %dma_wait3A_359 = tpu.memref_slice %arg3[%dma_wait3A_354, %dma_wait3A_358] : memref<64x10240xi32, #tpu.memory_space<hbm>> -> memref<1x64xi32, #tpu.memory_space<hbm>>
    %dma_wait3A_360 = tpu.memref_squeeze %dma_wait3A_359 : memref<1x64xi32, #tpu.memory_space<hbm>> -> memref<64xi32, #tpu.memory_space<hbm>>
    tpu.wait_dma2 semaphore(%arg32 : memref<!tpu.dma_semaphore, #tpu.memory_space<semaphore_mem>>) src(%dma_wait3A_360 : memref<64xi32, #tpu.memory_space<hbm>>) dst(%arg19 : memref<64xi32, #tpu.memory_space<vmem>>)
    %dma_start3A_361 = arith.constant 0 : i32
    %dma_start3A_362 = arith.constant 0 : i32
    %dma_start3A_363 = tpu.memref_slice %arg2[%dma_start3A_361, %dma_start3A_362] : memref<10000x128xf32, #tpu.memory_space<hbm>> -> memref<10000x128xf32, #tpu.memory_space<hbm>>
    tpu.enqueue_indirect_dma source(%dma_start3A_363 : memref<10000x128xf32, #tpu.memory_space<hbm>>) target(%arg23 : memref<64x128xf32, #tpu.memory_space<vmem>>) offsets(%arg11 : memref<64xi32, #tpu.memory_space<vmem>>) semaphore(%arg36 : memref<!tpu.dma_semaphore, #tpu.memory_space<semaphore_mem>>)
    %dma_wait3A_364 = arith.constant 0 : i32
    %dma_wait3A_365 = arith.constant 0 : i32
    %dma_wait3A_366 = tpu.memref_slice %arg2[%dma_wait3A_364, %dma_wait3A_365] : memref<10000x128xf32, #tpu.memory_space<hbm>> -> memref<10000x128xf32, #tpu.memory_space<hbm>>
    tpu.wait_indirect_dma semaphore(%arg34 : memref<!tpu.dma_semaphore, #tpu.memory_space<semaphore_mem>>) src(%dma_wait3A_366 : memref<10000x128xf32, #tpu.memory_space<hbm>>) dst(%arg21 : memref<64x128xf32, #tpu.memory_space<vmem>>)
    %dma_start3A_367 = arith.constant 0 : i32
    %dma_start3A_368 = arith.constant 0 : i32
    %dma_start3A_369 = tpu.memref_slice %arg25[%dma_start3A_367, %dma_start3A_368] : memref<10240x128xf32, #tpu.memory_space<vmem_shared>> -> memref<10240x128xf32, #tpu.memory_space<vmem_shared>>
    tpu.enqueue_indirect_dma source(%arg21 : memref<64x128xf32, #tpu.memory_space<vmem>>) target(%dma_start3A_369 : memref<10240x128xf32, #tpu.memory_space<vmem_shared>>) offsets(%arg17 : memref<64xi32, #tpu.memory_space<vmem>>) semaphore(%arg38 : memref<!tpu.dma_semaphore, #tpu.memory_space<semaphore_mem>>) {add = true}
    %dma_wait3A_370 = arith.constant 0 : i32
    %dma_wait3A_371 = arith.constant 0 : i32
    %dma_wait3A_372 = tpu.memref_slice %arg25[%dma_wait3A_370, %dma_wait3A_371] : memref<10240x128xf32, #tpu.memory_space<vmem_shared>> -> memref<10240x128xf32, #tpu.memory_space<vmem_shared>>
    tpu.wait_indirect_dma semaphore(%arg41 : memref<!tpu.dma_semaphore, #tpu.memory_space<semaphore_mem>>) src(%arg24 : memref<64x128xf32, #tpu.memory_space<vmem>>) dst(%dma_wait3A_372 : memref<10240x128xf32, #tpu.memory_space<vmem_shared>>)
    %mul3A_373 = arith.constant 2 : i32
    %mul3A_374 = arith.muli %mul3A_373, %add3A : i32
    %dma_start3A_375 = arith.constant 704 : i32
    %dma_start3A_376 = tpu.memref_slice %arg3[%mul3A_374, %dma_start3A_375] : memref<64x10240xi32, #tpu.memory_space<hbm>> -> memref<1x64xi32, #tpu.memory_space<hbm>>
    %dma_start3A_377 = tpu.memref_squeeze %dma_start3A_376 : memref<1x64xi32, #tpu.memory_space<hbm>> -> memref<64xi32, #tpu.memory_space<hbm>>
    %dma_start3A_378 = arith.constant 704 : i32
    %dma_start3A_379 = tpu.memref_slice %arg3[%mul3A_374, %dma_start3A_378] : memref<64x10240xi32, #tpu.memory_space<hbm>> -> memref<1x64xi32, #tpu.memory_space<hbm>>
    %dma_start3A_380 = tpu.memref_squeeze %dma_start3A_379 : memref<1x64xi32, #tpu.memory_space<hbm>> -> memref<64xi32, #tpu.memory_space<hbm>>
    tpu.enqueue_dma source(%dma_start3A_380 : memref<64xi32, #tpu.memory_space<hbm>>) target(%arg8 : memref<64xi32, #tpu.memory_space<vmem>>) target_semaphore(%arg29 : memref<!tpu.dma_semaphore, #tpu.memory_space<semaphore_mem>>)
    %mul3A_381 = arith.constant 2 : i32
    %mul3A_382 = arith.muli %mul3A_381, %add3A : i32
    %add3A_383 = arith.constant 1 : i32
    %add3A_384 = arith.addi %mul3A_382, %add3A_383 : i32
    %dma_start3A_385 = arith.constant 704 : i32
    %dma_start3A_386 = tpu.memref_slice %arg3[%add3A_384, %dma_start3A_385] : memref<64x10240xi32, #tpu.memory_space<hbm>> -> memref<1x64xi32, #tpu.memory_space<hbm>>
    %dma_start3A_387 = tpu.memref_squeeze %dma_start3A_386 : memref<1x64xi32, #tpu.memory_space<hbm>> -> memref<64xi32, #tpu.memory_space<hbm>>
    %dma_start3A_388 = arith.constant 704 : i32
    %dma_start3A_389 = tpu.memref_slice %arg3[%add3A_384, %dma_start3A_388] : memref<64x10240xi32, #tpu.memory_space<hbm>> -> memref<1x64xi32, #tpu.memory_space<hbm>>
    %dma_start3A_390 = tpu.memref_squeeze %dma_start3A_389 : memref<1x64xi32, #tpu.memory_space<hbm>> -> memref<64xi32, #tpu.memory_space<hbm>>
    tpu.enqueue_dma source(%dma_start3A_390 : memref<64xi32, #tpu.memory_space<hbm>>) target(%arg16 : memref<64xi32, #tpu.memory_space<vmem>>) target_semaphore(%arg29 : memref<!tpu.dma_semaphore, #tpu.memory_space<semaphore_mem>>)
    %dma_wait3A_391 = arith.constant 0 : i32
    %dma_wait3A_392 = arith.constant 0 : i32
    %dma_wait3A_393 = tpu.memref_slice %arg3[%dma_wait3A_391, %dma_wait3A_392] : memref<64x10240xi32, #tpu.memory_space<hbm>> -> memref<1x64xi32, #tpu.memory_space<hbm>>
    %dma_wait3A_394 = tpu.memref_squeeze %dma_wait3A_393 : memref<1x64xi32, #tpu.memory_space<hbm>> -> memref<64xi32, #tpu.memory_space<hbm>>
    %dma_wait3A_395 = arith.constant 0 : i32
    %dma_wait3A_396 = tpu.memref_slice %arg3[%dma_wait3A_391, %dma_wait3A_395] : memref<64x10240xi32, #tpu.memory_space<hbm>> -> memref<1x64xi32, #tpu.memory_space<hbm>>
    %dma_wait3A_397 = tpu.memref_squeeze %dma_wait3A_396 : memref<1x64xi32, #tpu.memory_space<hbm>> -> memref<64xi32, #tpu.memory_space<hbm>>
    tpu.wait_dma2 semaphore(%arg33 : memref<!tpu.dma_semaphore, #tpu.memory_space<semaphore_mem>>) src(%dma_wait3A_397 : memref<64xi32, #tpu.memory_space<hbm>>) dst(%arg12 : memref<64xi32, #tpu.memory_space<vmem>>)
    %dma_wait3A_398 = arith.constant 1 : i32
    %dma_wait3A_399 = arith.constant 0 : i32
    %dma_wait3A_400 = tpu.memref_slice %arg3[%dma_wait3A_398, %dma_wait3A_399] : memref<64x10240xi32, #tpu.memory_space<hbm>> -> memref<1x64xi32, #tpu.memory_space<hbm>>
    %dma_wait3A_401 = tpu.memref_squeeze %dma_wait3A_400 : memref<1x64xi32, #tpu.memory_space<hbm>> -> memref<64xi32, #tpu.memory_space<hbm>>
    %dma_wait3A_402 = arith.constant 0 : i32
    %dma_wait3A_403 = tpu.memref_slice %arg3[%dma_wait3A_398, %dma_wait3A_402] : memref<64x10240xi32, #tpu.memory_space<hbm>> -> memref<1x64xi32, #tpu.memory_space<hbm>>
    %dma_wait3A_404 = tpu.memref_squeeze %dma_wait3A_403 : memref<1x64xi32, #tpu.memory_space<hbm>> -> memref<64xi32, #tpu.memory_space<hbm>>
    tpu.wait_dma2 semaphore(%arg33 : memref<!tpu.dma_semaphore, #tpu.memory_space<semaphore_mem>>) src(%dma_wait3A_404 : memref<64xi32, #tpu.memory_space<hbm>>) dst(%arg20 : memref<64xi32, #tpu.memory_space<vmem>>)
    %dma_start3A_405 = arith.constant 0 : i32
    %dma_start3A_406 = arith.constant 0 : i32
    %dma_start3A_407 = tpu.memref_slice %arg2[%dma_start3A_405, %dma_start3A_406] : memref<10000x128xf32, #tpu.memory_space<hbm>> -> memref<10000x128xf32, #tpu.memory_space<hbm>>
    tpu.enqueue_indirect_dma source(%dma_start3A_407 : memref<10000x128xf32, #tpu.memory_space<hbm>>) target(%arg24 : memref<64x128xf32, #tpu.memory_space<vmem>>) offsets(%arg12 : memref<64xi32, #tpu.memory_space<vmem>>) semaphore(%arg37 : memref<!tpu.dma_semaphore, #tpu.memory_space<semaphore_mem>>)
    %dma_wait3A_408 = arith.constant 0 : i32
    %dma_wait3A_409 = arith.constant 0 : i32
    %dma_wait3A_410 = tpu.memref_slice %arg2[%dma_wait3A_408, %dma_wait3A_409] : memref<10000x128xf32, #tpu.memory_space<hbm>> -> memref<10000x128xf32, #tpu.memory_space<hbm>>
    tpu.wait_indirect_dma semaphore(%arg35 : memref<!tpu.dma_semaphore, #tpu.memory_space<semaphore_mem>>) src(%dma_wait3A_410 : memref<10000x128xf32, #tpu.memory_space<hbm>>) dst(%arg22 : memref<64x128xf32, #tpu.memory_space<vmem>>)
    %dma_start3A_411 = arith.constant 0 : i32
    %dma_start3A_412 = arith.constant 0 : i32
    %dma_start3A_413 = tpu.memref_slice %arg25[%dma_start3A_411, %dma_start3A_412] : memref<10240x128xf32, #tpu.memory_space<vmem_shared>> -> memref<10240x128xf32, #tpu.memory_space<vmem_shared>>
    tpu.enqueue_indirect_dma source(%arg22 : memref<64x128xf32, #tpu.memory_space<vmem>>) target(%dma_start3A_413 : memref<10240x128xf32, #tpu.memory_space<vmem_shared>>) offsets(%arg18 : memref<64xi32, #tpu.memory_space<vmem>>) semaphore(%arg39 : memref<!tpu.dma_semaphore, #tpu.memory_space<semaphore_mem>>) {add = true}
    %dma_wait3A_414 = arith.constant 0 : i32
    %dma_wait3A_415 = arith.constant 0 : i32
    %dma_wait3A_416 = tpu.memref_slice %arg25[%dma_wait3A_414, %dma_wait3A_415] : memref<10240x128xf32, #tpu.memory_space<vmem_shared>> -> memref<10240x128xf32, #tpu.memory_space<vmem_shared>>
    tpu.wait_indirect_dma semaphore(%arg38 : memref<!tpu.dma_semaphore, #tpu.memory_space<semaphore_mem>>) src(%arg21 : memref<64x128xf32, #tpu.memory_space<vmem>>) dst(%dma_wait3A_416 : memref<10240x128xf32, #tpu.memory_space<vmem_shared>>)
    %mul3A_417 = arith.constant 2 : i32
    %mul3A_418 = arith.muli %mul3A_417, %add3A : i32
    %dma_start3A_419 = arith.constant 768 : i32
    %dma_start3A_420 = tpu.memref_slice %arg3[%mul3A_418, %dma_start3A_419] : memref<64x10240xi32, #tpu.memory_space<hbm>> -> memref<1x64xi32, #tpu.memory_space<hbm>>
    %dma_start3A_421 = tpu.memref_squeeze %dma_start3A_420 : memref<1x64xi32, #tpu.memory_space<hbm>> -> memref<64xi32, #tpu.memory_space<hbm>>
    %dma_start3A_422 = arith.constant 768 : i32
    %dma_start3A_423 = tpu.memref_slice %arg3[%mul3A_418, %dma_start3A_422] : memref<64x10240xi32, #tpu.memory_space<hbm>> -> memref<1x64xi32, #tpu.memory_space<hbm>>
    %dma_start3A_424 = tpu.memref_squeeze %dma_start3A_423 : memref<1x64xi32, #tpu.memory_space<hbm>> -> memref<64xi32, #tpu.memory_space<hbm>>
    tpu.enqueue_dma source(%dma_start3A_424 : memref<64xi32, #tpu.memory_space<hbm>>) target(%arg9 : memref<64xi32, #tpu.memory_space<vmem>>) target_semaphore(%arg30 : memref<!tpu.dma_semaphore, #tpu.memory_space<semaphore_mem>>)
    %mul3A_425 = arith.constant 2 : i32
    %mul3A_426 = arith.muli %mul3A_425, %add3A : i32
    %add3A_427 = arith.constant 1 : i32
    %add3A_428 = arith.addi %mul3A_426, %add3A_427 : i32
    %dma_start3A_429 = arith.constant 768 : i32
    %dma_start3A_430 = tpu.memref_slice %arg3[%add3A_428, %dma_start3A_429] : memref<64x10240xi32, #tpu.memory_space<hbm>> -> memref<1x64xi32, #tpu.memory_space<hbm>>
    %dma_start3A_431 = tpu.memref_squeeze %dma_start3A_430 : memref<1x64xi32, #tpu.memory_space<hbm>> -> memref<64xi32, #tpu.memory_space<hbm>>
    %dma_start3A_432 = arith.constant 768 : i32
    %dma_start3A_433 = tpu.memref_slice %arg3[%add3A_428, %dma_start3A_432] : memref<64x10240xi32, #tpu.memory_space<hbm>> -> memref<1x64xi32, #tpu.memory_space<hbm>>
    %dma_start3A_434 = tpu.memref_squeeze %dma_start3A_433 : memref<1x64xi32, #tpu.memory_space<hbm>> -> memref<64xi32, #tpu.memory_space<hbm>>
    tpu.enqueue_dma source(%dma_start3A_434 : memref<64xi32, #tpu.memory_space<hbm>>) target(%arg17 : memref<64xi32, #tpu.memory_space<vmem>>) target_semaphore(%arg30 : memref<!tpu.dma_semaphore, #tpu.memory_space<semaphore_mem>>)
    %dma_wait3A_435 = arith.constant 0 : i32
    %dma_wait3A_436 = arith.constant 0 : i32
    %dma_wait3A_437 = tpu.memref_slice %arg3[%dma_wait3A_435, %dma_wait3A_436] : memref<64x10240xi32, #tpu.memory_space<hbm>> -> memref<1x64xi32, #tpu.memory_space<hbm>>
    %dma_wait3A_438 = tpu.memref_squeeze %dma_wait3A_437 : memref<1x64xi32, #tpu.memory_space<hbm>> -> memref<64xi32, #tpu.memory_space<hbm>>
    %dma_wait3A_439 = arith.constant 0 : i32
    %dma_wait3A_440 = tpu.memref_slice %arg3[%dma_wait3A_435, %dma_wait3A_439] : memref<64x10240xi32, #tpu.memory_space<hbm>> -> memref<1x64xi32, #tpu.memory_space<hbm>>
    %dma_wait3A_441 = tpu.memref_squeeze %dma_wait3A_440 : memref<1x64xi32, #tpu.memory_space<hbm>> -> memref<64xi32, #tpu.memory_space<hbm>>
    tpu.wait_dma2 semaphore(%arg26 : memref<!tpu.dma_semaphore, #tpu.memory_space<semaphore_mem>>) src(%dma_wait3A_441 : memref<64xi32, #tpu.memory_space<hbm>>) dst(%arg5 : memref<64xi32, #tpu.memory_space<vmem>>)
    %dma_wait3A_442 = arith.constant 1 : i32
    %dma_wait3A_443 = arith.constant 0 : i32
    %dma_wait3A_444 = tpu.memref_slice %arg3[%dma_wait3A_442, %dma_wait3A_443] : memref<64x10240xi32, #tpu.memory_space<hbm>> -> memref<1x64xi32, #tpu.memory_space<hbm>>
    %dma_wait3A_445 = tpu.memref_squeeze %dma_wait3A_444 : memref<1x64xi32, #tpu.memory_space<hbm>> -> memref<64xi32, #tpu.memory_space<hbm>>
    %dma_wait3A_446 = arith.constant 0 : i32
    %dma_wait3A_447 = tpu.memref_slice %arg3[%dma_wait3A_442, %dma_wait3A_446] : memref<64x10240xi32, #tpu.memory_space<hbm>> -> memref<1x64xi32, #tpu.memory_space<hbm>>
    %dma_wait3A_448 = tpu.memref_squeeze %dma_wait3A_447 : memref<1x64xi32, #tpu.memory_space<hbm>> -> memref<64xi32, #tpu.memory_space<hbm>>
    tpu.wait_dma2 semaphore(%arg26 : memref<!tpu.dma_semaphore, #tpu.memory_space<semaphore_mem>>) src(%dma_wait3A_448 : memref<64xi32, #tpu.memory_space<hbm>>) dst(%arg13 : memref<64xi32, #tpu.memory_space<vmem>>)
    %dma_start3A_449 = arith.constant 0 : i32
    %dma_start3A_450 = arith.constant 0 : i32
    %dma_start3A_451 = tpu.memref_slice %arg2[%dma_start3A_449, %dma_start3A_450] : memref<10000x128xf32, #tpu.memory_space<hbm>> -> memref<10000x128xf32, #tpu.memory_space<hbm>>
    tpu.enqueue_indirect_dma source(%dma_start3A_451 : memref<10000x128xf32, #tpu.memory_space<hbm>>) target(%arg21 : memref<64x128xf32, #tpu.memory_space<vmem>>) offsets(%arg5 : memref<64xi32, #tpu.memory_space<vmem>>) semaphore(%arg34 : memref<!tpu.dma_semaphore, #tpu.memory_space<semaphore_mem>>)
    %dma_wait3A_452 = arith.constant 0 : i32
    %dma_wait3A_453 = arith.constant 0 : i32
    %dma_wait3A_454 = tpu.memref_slice %arg2[%dma_wait3A_452, %dma_wait3A_453] : memref<10000x128xf32, #tpu.memory_space<hbm>> -> memref<10000x128xf32, #tpu.memory_space<hbm>>
    tpu.wait_indirect_dma semaphore(%arg36 : memref<!tpu.dma_semaphore, #tpu.memory_space<semaphore_mem>>) src(%dma_wait3A_454 : memref<10000x128xf32, #tpu.memory_space<hbm>>) dst(%arg23 : memref<64x128xf32, #tpu.memory_space<vmem>>)
    %dma_start3A_455 = arith.constant 0 : i32
    %dma_start3A_456 = arith.constant 0 : i32
    %dma_start3A_457 = tpu.memref_slice %arg25[%dma_start3A_455, %dma_start3A_456] : memref<10240x128xf32, #tpu.memory_space<vmem_shared>> -> memref<10240x128xf32, #tpu.memory_space<vmem_shared>>
    tpu.enqueue_indirect_dma source(%arg23 : memref<64x128xf32, #tpu.memory_space<vmem>>) target(%dma_start3A_457 : memref<10240x128xf32, #tpu.memory_space<vmem_shared>>) offsets(%arg19 : memref<64xi32, #tpu.memory_space<vmem>>) semaphore(%arg40 : memref<!tpu.dma_semaphore, #tpu.memory_space<semaphore_mem>>) {add = true}
    %dma_wait3A_458 = arith.constant 0 : i32
    %dma_wait3A_459 = arith.constant 0 : i32
    %dma_wait3A_460 = tpu.memref_slice %arg25[%dma_wait3A_458, %dma_wait3A_459] : memref<10240x128xf32, #tpu.memory_space<vmem_shared>> -> memref<10240x128xf32, #tpu.memory_space<vmem_shared>>
    tpu.wait_indirect_dma semaphore(%arg39 : memref<!tpu.dma_semaphore, #tpu.memory_space<semaphore_mem>>) src(%arg22 : memref<64x128xf32, #tpu.memory_space<vmem>>) dst(%dma_wait3A_460 : memref<10240x128xf32, #tpu.memory_space<vmem_shared>>)
    %mul3A_461 = arith.constant 2 : i32
    %mul3A_462 = arith.muli %mul3A_461, %add3A : i32
    %dma_start3A_463 = arith.constant 832 : i32
    %dma_start3A_464 = tpu.memref_slice %arg3[%mul3A_462, %dma_start3A_463] : memref<64x10240xi32, #tpu.memory_space<hbm>> -> memref<1x64xi32, #tpu.memory_space<hbm>>
    %dma_start3A_465 = tpu.memref_squeeze %dma_start3A_464 : memref<1x64xi32, #tpu.memory_space<hbm>> -> memref<64xi32, #tpu.memory_space<hbm>>
    %dma_start3A_466 = arith.constant 832 : i32
    %dma_start3A_467 = tpu.memref_slice %arg3[%mul3A_462, %dma_start3A_466] : memref<64x10240xi32, #tpu.memory_space<hbm>> -> memref<1x64xi32, #tpu.memory_space<hbm>>
    %dma_start3A_468 = tpu.memref_squeeze %dma_start3A_467 : memref<1x64xi32, #tpu.memory_space<hbm>> -> memref<64xi32, #tpu.memory_space<hbm>>
    tpu.enqueue_dma source(%dma_start3A_468 : memref<64xi32, #tpu.memory_space<hbm>>) target(%arg10 : memref<64xi32, #tpu.memory_space<vmem>>) target_semaphore(%arg31 : memref<!tpu.dma_semaphore, #tpu.memory_space<semaphore_mem>>)
    %mul3A_469 = arith.constant 2 : i32
    %mul3A_470 = arith.muli %mul3A_469, %add3A : i32
    %add3A_471 = arith.constant 1 : i32
    %add3A_472 = arith.addi %mul3A_470, %add3A_471 : i32
    %dma_start3A_473 = arith.constant 832 : i32
    %dma_start3A_474 = tpu.memref_slice %arg3[%add3A_472, %dma_start3A_473] : memref<64x10240xi32, #tpu.memory_space<hbm>> -> memref<1x64xi32, #tpu.memory_space<hbm>>
    %dma_start3A_475 = tpu.memref_squeeze %dma_start3A_474 : memref<1x64xi32, #tpu.memory_space<hbm>> -> memref<64xi32, #tpu.memory_space<hbm>>
    %dma_start3A_476 = arith.constant 832 : i32
    %dma_start3A_477 = tpu.memref_slice %arg3[%add3A_472, %dma_start3A_476] : memref<64x10240xi32, #tpu.memory_space<hbm>> -> memref<1x64xi32, #tpu.memory_space<hbm>>
    %dma_start3A_478 = tpu.memref_squeeze %dma_start3A_477 : memref<1x64xi32, #tpu.memory_space<hbm>> -> memref<64xi32, #tpu.memory_space<hbm>>
    tpu.enqueue_dma source(%dma_start3A_478 : memref<64xi32, #tpu.memory_space<hbm>>) target(%arg18 : memref<64xi32, #tpu.memory_space<vmem>>) target_semaphore(%arg31 : memref<!tpu.dma_semaphore, #tpu.memory_space<semaphore_mem>>)
    %dma_wait3A_479 = arith.constant 0 : i32
    %dma_wait3A_480 = arith.constant 0 : i32
    %dma_wait3A_481 = tpu.memref_slice %arg3[%dma_wait3A_479, %dma_wait3A_480] : memref<64x10240xi32, #tpu.memory_space<hbm>> -> memref<1x64xi32, #tpu.memory_space<hbm>>
    %dma_wait3A_482 = tpu.memref_squeeze %dma_wait3A_481 : memref<1x64xi32, #tpu.memory_space<hbm>> -> memref<64xi32, #tpu.memory_space<hbm>>
    %dma_wait3A_483 = arith.constant 0 : i32
    %dma_wait3A_484 = tpu.memref_slice %arg3[%dma_wait3A_479, %dma_wait3A_483] : memref<64x10240xi32, #tpu.memory_space<hbm>> -> memref<1x64xi32, #tpu.memory_space<hbm>>
    %dma_wait3A_485 = tpu.memref_squeeze %dma_wait3A_484 : memref<1x64xi32, #tpu.memory_space<hbm>> -> memref<64xi32, #tpu.memory_space<hbm>>
    tpu.wait_dma2 semaphore(%arg27 : memref<!tpu.dma_semaphore, #tpu.memory_space<semaphore_mem>>) src(%dma_wait3A_485 : memref<64xi32, #tpu.memory_space<hbm>>) dst(%arg6 : memref<64xi32, #tpu.memory_space<vmem>>)
    %dma_wait3A_486 = arith.constant 1 : i32
    %dma_wait3A_487 = arith.constant 0 : i32
    %dma_wait3A_488 = tpu.memref_slice %arg3[%dma_wait3A_486, %dma_wait3A_487] : memref<64x10240xi32, #tpu.memory_space<hbm>> -> memref<1x64xi32, #tpu.memory_space<hbm>>
    %dma_wait3A_489 = tpu.memref_squeeze %dma_wait3A_488 : memref<1x64xi32, #tpu.memory_space<hbm>> -> memref<64xi32, #tpu.memory_space<hbm>>
    %dma_wait3A_490 = arith.constant 0 : i32
    %dma_wait3A_491 = tpu.memref_slice %arg3[%dma_wait3A_486, %dma_wait3A_490] : memref<64x10240xi32, #tpu.memory_space<hbm>> -> memref<1x64xi32, #tpu.memory_space<hbm>>
    %dma_wait3A_492 = tpu.memref_squeeze %dma_wait3A_491 : memref<1x64xi32, #tpu.memory_space<hbm>> -> memref<64xi32, #tpu.memory_space<hbm>>
    tpu.wait_dma2 semaphore(%arg27 : memref<!tpu.dma_semaphore, #tpu.memory_space<semaphore_mem>>) src(%dma_wait3A_492 : memref<64xi32, #tpu.memory_space<hbm>>) dst(%arg14 : memref<64xi32, #tpu.memory_space<vmem>>)
    %dma_start3A_493 = arith.constant 0 : i32
    %dma_start3A_494 = arith.constant 0 : i32
    %dma_start3A_495 = tpu.memref_slice %arg2[%dma_start3A_493, %dma_start3A_494] : memref<10000x128xf32, #tpu.memory_space<hbm>> -> memref<10000x128xf32, #tpu.memory_space<hbm>>
    tpu.enqueue_indirect_dma source(%dma_start3A_495 : memref<10000x128xf32, #tpu.memory_space<hbm>>) target(%arg22 : memref<64x128xf32, #tpu.memory_space<vmem>>) offsets(%arg6 : memref<64xi32, #tpu.memory_space<vmem>>) semaphore(%arg35 : memref<!tpu.dma_semaphore, #tpu.memory_space<semaphore_mem>>)
    %dma_wait3A_496 = arith.constant 0 : i32
    %dma_wait3A_497 = arith.constant 0 : i32
    %dma_wait3A_498 = tpu.memref_slice %arg2[%dma_wait3A_496, %dma_wait3A_497] : memref<10000x128xf32, #tpu.memory_space<hbm>> -> memref<10000x128xf32, #tpu.memory_space<hbm>>
    tpu.wait_indirect_dma semaphore(%arg37 : memref<!tpu.dma_semaphore, #tpu.memory_space<semaphore_mem>>) src(%dma_wait3A_498 : memref<10000x128xf32, #tpu.memory_space<hbm>>) dst(%arg24 : memref<64x128xf32, #tpu.memory_space<vmem>>)
    %dma_start3A_499 = arith.constant 0 : i32
    %dma_start3A_500 = arith.constant 0 : i32
    %dma_start3A_501 = tpu.memref_slice %arg25[%dma_start3A_499, %dma_start3A_500] : memref<10240x128xf32, #tpu.memory_space<vmem_shared>> -> memref<10240x128xf32, #tpu.memory_space<vmem_shared>>
    tpu.enqueue_indirect_dma source(%arg24 : memref<64x128xf32, #tpu.memory_space<vmem>>) target(%dma_start3A_501 : memref<10240x128xf32, #tpu.memory_space<vmem_shared>>) offsets(%arg20 : memref<64xi32, #tpu.memory_space<vmem>>) semaphore(%arg41 : memref<!tpu.dma_semaphore, #tpu.memory_space<semaphore_mem>>) {add = true}
    %dma_wait3A_502 = arith.constant 0 : i32
    %dma_wait3A_503 = arith.constant 0 : i32
    %dma_wait3A_504 = tpu.memref_slice %arg25[%dma_wait3A_502, %dma_wait3A_503] : memref<10240x128xf32, #tpu.memory_space<vmem_shared>> -> memref<10240x128xf32, #tpu.memory_space<vmem_shared>>
    tpu.wait_indirect_dma semaphore(%arg40 : memref<!tpu.dma_semaphore, #tpu.memory_space<semaphore_mem>>) src(%arg23 : memref<64x128xf32, #tpu.memory_space<vmem>>) dst(%dma_wait3A_504 : memref<10240x128xf32, #tpu.memory_space<vmem_shared>>)
    %mul3A_505 = arith.constant 2 : i32
    %mul3A_506 = arith.muli %mul3A_505, %add3A : i32
    %dma_start3A_507 = arith.constant 896 : i32
    %dma_start3A_508 = tpu.memref_slice %arg3[%mul3A_506, %dma_start3A_507] : memref<64x10240xi32, #tpu.memory_space<hbm>> -> memref<1x64xi32, #tpu.memory_space<hbm>>
    %dma_start3A_509 = tpu.memref_squeeze %dma_start3A_508 : memref<1x64xi32, #tpu.memory_space<hbm>> -> memref<64xi32, #tpu.memory_space<hbm>>
    %dma_start3A_510 = arith.constant 896 : i32
    %dma_start3A_511 = tpu.memref_slice %arg3[%mul3A_506, %dma_start3A_510] : memref<64x10240xi32, #tpu.memory_space<hbm>> -> memref<1x64xi32, #tpu.memory_space<hbm>>
    %dma_start3A_512 = tpu.memref_squeeze %dma_start3A_511 : memref<1x64xi32, #tpu.memory_space<hbm>> -> memref<64xi32, #tpu.memory_space<hbm>>
    tpu.enqueue_dma source(%dma_start3A_512 : memref<64xi32, #tpu.memory_space<hbm>>) target(%arg11 : memref<64xi32, #tpu.memory_space<vmem>>) target_semaphore(%arg32 : memref<!tpu.dma_semaphore, #tpu.memory_space<semaphore_mem>>)
    %mul3A_513 = arith.constant 2 : i32
    %mul3A_514 = arith.muli %mul3A_513, %add3A : i32
    %add3A_515 = arith.constant 1 : i32
    %add3A_516 = arith.addi %mul3A_514, %add3A_515 : i32
    %dma_start3A_517 = arith.constant 896 : i32
    %dma_start3A_518 = tpu.memref_slice %arg3[%add3A_516, %dma_start3A_517] : memref<64x10240xi32, #tpu.memory_space<hbm>> -> memref<1x64xi32, #tpu.memory_space<hbm>>
    %dma_start3A_519 = tpu.memref_squeeze %dma_start3A_518 : memref<1x64xi32, #tpu.memory_space<hbm>> -> memref<64xi32, #tpu.memory_space<hbm>>
    %dma_start3A_520 = arith.constant 896 : i32
    %dma_start3A_521 = tpu.memref_slice %arg3[%add3A_516, %dma_start3A_520] : memref<64x10240xi32, #tpu.memory_space<hbm>> -> memref<1x64xi32, #tpu.memory_space<hbm>>
    %dma_start3A_522 = tpu.memref_squeeze %dma_start3A_521 : memref<1x64xi32, #tpu.memory_space<hbm>> -> memref<64xi32, #tpu.memory_space<hbm>>
    tpu.enqueue_dma source(%dma_start3A_522 : memref<64xi32, #tpu.memory_space<hbm>>) target(%arg19 : memref<64xi32, #tpu.memory_space<vmem>>) target_semaphore(%arg32 : memref<!tpu.dma_semaphore, #tpu.memory_space<semaphore_mem>>)
    %dma_wait3A_523 = arith.constant 0 : i32
    %dma_wait3A_524 = arith.constant 0 : i32
    %dma_wait3A_525 = tpu.memref_slice %arg3[%dma_wait3A_523, %dma_wait3A_524] : memref<64x10240xi32, #tpu.memory_space<hbm>> -> memref<1x64xi32, #tpu.memory_space<hbm>>
    %dma_wait3A_526 = tpu.memref_squeeze %dma_wait3A_525 : memref<1x64xi32, #tpu.memory_space<hbm>> -> memref<64xi32, #tpu.memory_space<hbm>>
    %dma_wait3A_527 = arith.constant 0 : i32
    %dma_wait3A_528 = tpu.memref_slice %arg3[%dma_wait3A_523, %dma_wait3A_527] : memref<64x10240xi32, #tpu.memory_space<hbm>> -> memref<1x64xi32, #tpu.memory_space<hbm>>
    %dma_wait3A_529 = tpu.memref_squeeze %dma_wait3A_528 : memref<1x64xi32, #tpu.memory_space<hbm>> -> memref<64xi32, #tpu.memory_space<hbm>>
    tpu.wait_dma2 semaphore(%arg28 : memref<!tpu.dma_semaphore, #tpu.memory_space<semaphore_mem>>) src(%dma_wait3A_529 : memref<64xi32, #tpu.memory_space<hbm>>) dst(%arg7 : memref<64xi32, #tpu.memory_space<vmem>>)
    %dma_wait3A_530 = arith.constant 1 : i32
    %dma_wait3A_531 = arith.constant 0 : i32
    %dma_wait3A_532 = tpu.memref_slice %arg3[%dma_wait3A_530, %dma_wait3A_531] : memref<64x10240xi32, #tpu.memory_space<hbm>> -> memref<1x64xi32, #tpu.memory_space<hbm>>
    %dma_wait3A_533 = tpu.memref_squeeze %dma_wait3A_532 : memref<1x64xi32, #tpu.memory_space<hbm>> -> memref<64xi32, #tpu.memory_space<hbm>>
    %dma_wait3A_534 = arith.constant 0 : i32
    %dma_wait3A_535 = tpu.memref_slice %arg3[%dma_wait3A_530, %dma_wait3A_534] : memref<64x10240xi32, #tpu.memory_space<hbm>> -> memref<1x64xi32, #tpu.memory_space<hbm>>
    %dma_wait3A_536 = tpu.memref_squeeze %dma_wait3A_535 : memref<1x64xi32, #tpu.memory_space<hbm>> -> memref<64xi32, #tpu.memory_space<hbm>>
    tpu.wait_dma2 semaphore(%arg28 : memref<!tpu.dma_semaphore, #tpu.memory_space<semaphore_mem>>) src(%dma_wait3A_536 : memref<64xi32, #tpu.memory_space<hbm>>) dst(%arg15 : memref<64xi32, #tpu.memory_space<vmem>>)
    %dma_start3A_537 = arith.constant 0 : i32
    %dma_start3A_538 = arith.constant 0 : i32
    %dma_start3A_539 = tpu.memref_slice %arg2[%dma_start3A_537, %dma_start3A_538] : memref<10000x128xf32, #tpu.memory_space<hbm>> -> memref<10000x128xf32, #tpu.memory_space<hbm>>
    tpu.enqueue_indirect_dma source(%dma_start3A_539 : memref<10000x128xf32, #tpu.memory_space<hbm>>) target(%arg23 : memref<64x128xf32, #tpu.memory_space<vmem>>) offsets(%arg7 : memref<64xi32, #tpu.memory_space<vmem>>) semaphore(%arg36 : memref<!tpu.dma_semaphore, #tpu.memory_space<semaphore_mem>>)
    %scan3A_540 = arith.constant 0 : i32
    %scan3A_541 = arith.constant 1 : i32
    %scan3A_542 = arith.constant 18 : i32
    %scan3A_543 = arith.addi %scan3A_541, %scan3A_542 : i32
    %scan3A_544 = arith.constant 1 : i32
    %scan3A_545 = scf.for %scan3A_726 = %scan3A_541 to %scan3A_543 step %scan3A_544 iter_args(%scan3A_727 = %scan3A_540) -> (i32)  : i32 {
      %mul3A_728 = arith.constant 8 : i32
      %mul3A_729 = arith.muli %mul3A_728, %scan3A_726 : i32
      %dma_wait3A_730 = arith.constant 0 : i32
      %dma_wait3A_731 = arith.constant 0 : i32
      %dma_wait3A_732 = tpu.memref_slice %arg2[%dma_wait3A_730, %dma_wait3A_731] : memref<10000x128xf32, #tpu.memory_space<hbm>> -> memref<10000x128xf32, #tpu.memory_space<hbm>>
      tpu.wait_indirect_dma semaphore(%arg34 : memref<!tpu.dma_semaphore, #tpu.memory_space<semaphore_mem>>) src(%dma_wait3A_732 : memref<10000x128xf32, #tpu.memory_space<hbm>>) dst(%arg21 : memref<64x128xf32, #tpu.memory_space<vmem>>)
      %dma_start3A_733 = arith.constant 0 : i32
      %dma_start3A_734 = arith.constant 0 : i32
      %dma_start3A_735 = tpu.memref_slice %arg25[%dma_start3A_733, %dma_start3A_734] : memref<10240x128xf32, #tpu.memory_space<vmem_shared>> -> memref<10240x128xf32, #tpu.memory_space<vmem_shared>>
      tpu.enqueue_indirect_dma source(%arg21 : memref<64x128xf32, #tpu.memory_space<vmem>>) target(%dma_start3A_735 : memref<10240x128xf32, #tpu.memory_space<vmem_shared>>) offsets(%arg13 : memref<64xi32, #tpu.memory_space<vmem>>) semaphore(%arg38 : memref<!tpu.dma_semaphore, #tpu.memory_space<semaphore_mem>>) {add = true}
      %dma_wait3A_736 = arith.constant 0 : i32
      %dma_wait3A_737 = arith.constant 0 : i32
      %dma_wait3A_738 = tpu.memref_slice %arg25[%dma_wait3A_736, %dma_wait3A_737] : memref<10240x128xf32, #tpu.memory_space<vmem_shared>> -> memref<10240x128xf32, #tpu.memory_space<vmem_shared>>
      tpu.wait_indirect_dma semaphore(%arg41 : memref<!tpu.dma_semaphore, #tpu.memory_space<semaphore_mem>>) src(%arg24 : memref<64x128xf32, #tpu.memory_space<vmem>>) dst(%dma_wait3A_738 : memref<10240x128xf32, #tpu.memory_space<vmem_shared>>)
      %add3A_739 = arith.constant 0 : i32
      %add3A_740 = arith.addi %mul3A_729, %add3A_739 : i32
      %add3A_741 = arith.constant 7 : i32
      %add3A_742 = arith.addi %add3A_740, %add3A_741 : i32
      %mul3A_743 = arith.constant 2 : i32
      %mul3A_744 = arith.muli %mul3A_743, %add3A : i32
      %mul3A_745 = arith.constant 64 : i32
      %mul3A_746 = arith.muli %add3A_742, %mul3A_745 : i32
      %dma_start3A_747 = tpu.memref_slice %arg3[%mul3A_744, %mul3A_746] : memref<64x10240xi32, #tpu.memory_space<hbm>> -> memref<1x64xi32, #tpu.memory_space<hbm>>
      %dma_start3A_748 = tpu.memref_squeeze %dma_start3A_747 : memref<1x64xi32, #tpu.memory_space<hbm>> -> memref<64xi32, #tpu.memory_space<hbm>>
      %dma_start3A_749 = tpu.memref_slice %arg3[%mul3A_744, %mul3A_746] : memref<64x10240xi32, #tpu.memory_space<hbm>> -> memref<1x64xi32, #tpu.memory_space<hbm>>
      %dma_start3A_750 = tpu.memref_squeeze %dma_start3A_749 : memref<1x64xi32, #tpu.memory_space<hbm>> -> memref<64xi32, #tpu.memory_space<hbm>>
      tpu.enqueue_dma source(%dma_start3A_750 : memref<64xi32, #tpu.memory_space<hbm>>) target(%arg12 : memref<64xi32, #tpu.memory_space<vmem>>) target_semaphore(%arg33 : memref<!tpu.dma_semaphore, #tpu.memory_space<semaphore_mem>>)
      %mul3A_751 = arith.constant 2 : i32
      %mul3A_752 = arith.muli %mul3A_751, %add3A : i32
      %add3A_753 = arith.constant 1 : i32
      %add3A_754 = arith.addi %mul3A_752, %add3A_753 : i32
      %mul3A_755 = arith.constant 64 : i32
      %mul3A_756 = arith.muli %add3A_742, %mul3A_755 : i32
      %dma_start3A_757 = tpu.memref_slice %arg3[%add3A_754, %mul3A_756] : memref<64x10240xi32, #tpu.memory_space<hbm>> -> memref<1x64xi32, #tpu.memory_space<hbm>>
      %dma_start3A_758 = tpu.memref_squeeze %dma_start3A_757 : memref<1x64xi32, #tpu.memory_space<hbm>> -> memref<64xi32, #tpu.memory_space<hbm>>
      %dma_start3A_759 = tpu.memref_slice %arg3[%add3A_754, %mul3A_756] : memref<64x10240xi32, #tpu.memory_space<hbm>> -> memref<1x64xi32, #tpu.memory_space<hbm>>
      %dma_start3A_760 = tpu.memref_squeeze %dma_start3A_759 : memref<1x64xi32, #tpu.memory_space<hbm>> -> memref<64xi32, #tpu.memory_space<hbm>>
      tpu.enqueue_dma source(%dma_start3A_760 : memref<64xi32, #tpu.memory_space<hbm>>) target(%arg20 : memref<64xi32, #tpu.memory_space<vmem>>) target_semaphore(%arg33 : memref<!tpu.dma_semaphore, #tpu.memory_space<semaphore_mem>>)
      %dma_wait3A_761 = arith.constant 0 : i32
      %dma_wait3A_762 = arith.constant 0 : i32
      %dma_wait3A_763 = tpu.memref_slice %arg3[%dma_wait3A_761, %dma_wait3A_762] : memref<64x10240xi32, #tpu.memory_space<hbm>> -> memref<1x64xi32, #tpu.memory_space<hbm>>
      %dma_wait3A_764 = tpu.memref_squeeze %dma_wait3A_763 : memref<1x64xi32, #tpu.memory_space<hbm>> -> memref<64xi32, #tpu.memory_space<hbm>>
      %dma_wait3A_765 = arith.constant 0 : i32
      %dma_wait3A_766 = tpu.memref_slice %arg3[%dma_wait3A_761, %dma_wait3A_765] : memref<64x10240xi32, #tpu.memory_space<hbm>> -> memref<1x64xi32, #tpu.memory_space<hbm>>
      %dma_wait3A_767 = tpu.memref_squeeze %dma_wait3A_766 : memref<1x64xi32, #tpu.memory_space<hbm>> -> memref<64xi32, #tpu.memory_space<hbm>>
      tpu.wait_dma2 semaphore(%arg29 : memref<!tpu.dma_semaphore, #tpu.memory_space<semaphore_mem>>) src(%dma_wait3A_767 : memref<64xi32, #tpu.memory_space<hbm>>) dst(%arg8 : memref<64xi32, #tpu.memory_space<vmem>>)
      %dma_wait3A_768 = arith.constant 1 : i32
      %dma_wait3A_769 = arith.constant 0 : i32
      %dma_wait3A_770 = tpu.memref_slice %arg3[%dma_wait3A_768, %dma_wait3A_769] : memref<64x10240xi32, #tpu.memory_space<hbm>> -> memref<1x64xi32, #tpu.memory_space<hbm>>
      %dma_wait3A_771 = tpu.memref_squeeze %dma_wait3A_770 : memref<1x64xi32, #tpu.memory_space<hbm>> -> memref<64xi32, #tpu.memory_space<hbm>>
      %dma_wait3A_772 = arith.constant 0 : i32
      %dma_wait3A_773 = tpu.memref_slice %arg3[%dma_wait3A_768, %dma_wait3A_772] : memref<64x10240xi32, #tpu.memory_space<hbm>> -> memref<1x64xi32, #tpu.memory_space<hbm>>
      %dma_wait3A_774 = tpu.memref_squeeze %dma_wait3A_773 : memref<1x64xi32, #tpu.memory_space<hbm>> -> memref<64xi32, #tpu.memory_space<hbm>>
      tpu.wait_dma2 semaphore(%arg29 : memref<!tpu.dma_semaphore, #tpu.memory_space<semaphore_mem>>) src(%dma_wait3A_774 : memref<64xi32, #tpu.memory_space<hbm>>) dst(%arg16 : memref<64xi32, #tpu.memory_space<vmem>>)
      %dma_start3A_775 = arith.constant 0 : i32
      %dma_start3A_776 = arith.constant 0 : i32
      %dma_start3A_777 = tpu.memref_slice %arg2[%dma_start3A_775, %dma_start3A_776] : memref<10000x128xf32, #tpu.memory_space<hbm>> -> memref<10000x128xf32, #tpu.memory_space<hbm>>
      tpu.enqueue_indirect_dma source(%dma_start3A_777 : memref<10000x128xf32, #tpu.memory_space<hbm>>) target(%arg24 : memref<64x128xf32, #tpu.memory_space<vmem>>) offsets(%arg8 : memref<64xi32, #tpu.memory_space<vmem>>) semaphore(%arg37 : memref<!tpu.dma_semaphore, #tpu.memory_space<semaphore_mem>>)
      %dma_wait3A_778 = arith.constant 0 : i32
      %dma_wait3A_779 = arith.constant 0 : i32
      %dma_wait3A_780 = tpu.memref_slice %arg2[%dma_wait3A_778, %dma_wait3A_779] : memref<10000x128xf32, #tpu.memory_space<hbm>> -> memref<10000x128xf32, #tpu.memory_space<hbm>>
      tpu.wait_indirect_dma semaphore(%arg35 : memref<!tpu.dma_semaphore, #tpu.memory_space<semaphore_mem>>) src(%dma_wait3A_780 : memref<10000x128xf32, #tpu.memory_space<hbm>>) dst(%arg22 : memref<64x128xf32, #tpu.memory_space<vmem>>)
      %dma_start3A_781 = arith.constant 0 : i32
      %dma_start3A_782 = arith.constant 0 : i32
      %dma_start3A_783 = tpu.memref_slice %arg25[%dma_start3A_781, %dma_start3A_782] : memref<10240x128xf32, #tpu.memory_space<vmem_shared>> -> memref<10240x128xf32, #tpu.memory_space<vmem_shared>>
      tpu.enqueue_indirect_dma source(%arg22 : memref<64x128xf32, #tpu.memory_space<vmem>>) target(%dma_start3A_783 : memref<10240x128xf32, #tpu.memory_space<vmem_shared>>) offsets(%arg14 : memref<64xi32, #tpu.memory_space<vmem>>) semaphore(%arg39 : memref<!tpu.dma_semaphore, #tpu.memory_space<semaphore_mem>>) {add = true}
      %dma_wait3A_784 = arith.constant 0 : i32
      %dma_wait3A_785 = arith.constant 0 : i32
      %dma_wait3A_786 = tpu.memref_slice %arg25[%dma_wait3A_784, %dma_wait3A_785] : memref<10240x128xf32, #tpu.memory_space<vmem_shared>> -> memref<10240x128xf32, #tpu.memory_space<vmem_shared>>
      tpu.wait_indirect_dma semaphore(%arg38 : memref<!tpu.dma_semaphore, #tpu.memory_space<semaphore_mem>>) src(%arg21 : memref<64x128xf32, #tpu.memory_space<vmem>>) dst(%dma_wait3A_786 : memref<10240x128xf32, #tpu.memory_space<vmem_shared>>)
      %add3A_787 = arith.constant 1 : i32
      %add3A_788 = arith.addi %mul3A_729, %add3A_787 : i32
      %add3A_789 = arith.constant 7 : i32
      %add3A_790 = arith.addi %add3A_788, %add3A_789 : i32
      %mul3A_791 = arith.constant 2 : i32
      %mul3A_792 = arith.muli %mul3A_791, %add3A : i32
      %mul3A_793 = arith.constant 64 : i32
      %mul3A_794 = arith.muli %add3A_790, %mul3A_793 : i32
      %dma_start3A_795 = tpu.memref_slice %arg3[%mul3A_792, %mul3A_794] : memref<64x10240xi32, #tpu.memory_space<hbm>> -> memref<1x64xi32, #tpu.memory_space<hbm>>
      %dma_start3A_796 = tpu.memref_squeeze %dma_start3A_795 : memref<1x64xi32, #tpu.memory_space<hbm>> -> memref<64xi32, #tpu.memory_space<hbm>>
      %dma_start3A_797 = tpu.memref_slice %arg3[%mul3A_792, %mul3A_794] : memref<64x10240xi32, #tpu.memory_space<hbm>> -> memref<1x64xi32, #tpu.memory_space<hbm>>
      %dma_start3A_798 = tpu.memref_squeeze %dma_start3A_797 : memref<1x64xi32, #tpu.memory_space<hbm>> -> memref<64xi32, #tpu.memory_space<hbm>>
      tpu.enqueue_dma source(%dma_start3A_798 : memref<64xi32, #tpu.memory_space<hbm>>) target(%arg5 : memref<64xi32, #tpu.memory_space<vmem>>) target_semaphore(%arg26 : memref<!tpu.dma_semaphore, #tpu.memory_space<semaphore_mem>>)
      %mul3A_799 = arith.constant 2 : i32
      %mul3A_800 = arith.muli %mul3A_799, %add3A : i32
      %add3A_801 = arith.constant 1 : i32
      %add3A_802 = arith.addi %mul3A_800, %add3A_801 : i32
      %mul3A_803 = arith.constant 64 : i32
      %mul3A_804 = arith.muli %add3A_790, %mul3A_803 : i32
      %dma_start3A_805 = tpu.memref_slice %arg3[%add3A_802, %mul3A_804] : memref<64x10240xi32, #tpu.memory_space<hbm>> -> memref<1x64xi32, #tpu.memory_space<hbm>>
      %dma_start3A_806 = tpu.memref_squeeze %dma_start3A_805 : memref<1x64xi32, #tpu.memory_space<hbm>> -> memref<64xi32, #tpu.memory_space<hbm>>
      %dma_start3A_807 = tpu.memref_slice %arg3[%add3A_802, %mul3A_804] : memref<64x10240xi32, #tpu.memory_space<hbm>> -> memref<1x64xi32, #tpu.memory_space<hbm>>
      %dma_start3A_808 = tpu.memref_squeeze %dma_start3A_807 : memref<1x64xi32, #tpu.memory_space<hbm>> -> memref<64xi32, #tpu.memory_space<hbm>>
      tpu.enqueue_dma source(%dma_start3A_808 : memref<64xi32, #tpu.memory_space<hbm>>) target(%arg13 : memref<64xi32, #tpu.memory_space<vmem>>) target_semaphore(%arg26 : memref<!tpu.dma_semaphore, #tpu.memory_space<semaphore_mem>>)
      %dma_wait3A_809 = arith.constant 0 : i32
      %dma_wait3A_810 = arith.constant 0 : i32
      %dma_wait3A_811 = tpu.memref_slice %arg3[%dma_wait3A_809, %dma_wait3A_810] : memref<64x10240xi32, #tpu.memory_space<hbm>> -> memref<1x64xi32, #tpu.memory_space<hbm>>
      %dma_wait3A_812 = tpu.memref_squeeze %dma_wait3A_811 : memref<1x64xi32, #tpu.memory_space<hbm>> -> memref<64xi32, #tpu.memory_space<hbm>>
      %dma_wait3A_813 = arith.constant 0 : i32
      %dma_wait3A_814 = tpu.memref_slice %arg3[%dma_wait3A_809, %dma_wait3A_813] : memref<64x10240xi32, #tpu.memory_space<hbm>> -> memref<1x64xi32, #tpu.memory_space<hbm>>
      %dma_wait3A_815 = tpu.memref_squeeze %dma_wait3A_814 : memref<1x64xi32, #tpu.memory_space<hbm>> -> memref<64xi32, #tpu.memory_space<hbm>>
      tpu.wait_dma2 semaphore(%arg30 : memref<!tpu.dma_semaphore, #tpu.memory_space<semaphore_mem>>) src(%dma_wait3A_815 : memref<64xi32, #tpu.memory_space<hbm>>) dst(%arg9 : memref<64xi32, #tpu.memory_space<vmem>>)
      %dma_wait3A_816 = arith.constant 1 : i32
      %dma_wait3A_817 = arith.constant 0 : i32
      %dma_wait3A_818 = tpu.memref_slice %arg3[%dma_wait3A_816, %dma_wait3A_817] : memref<64x10240xi32, #tpu.memory_space<hbm>> -> memref<1x64xi32, #tpu.memory_space<hbm>>
      %dma_wait3A_819 = tpu.memref_squeeze %dma_wait3A_818 : memref<1x64xi32, #tpu.memory_space<hbm>> -> memref<64xi32, #tpu.memory_space<hbm>>
      %dma_wait3A_820 = arith.constant 0 : i32
      %dma_wait3A_821 = tpu.memref_slice %arg3[%dma_wait3A_816, %dma_wait3A_820] : memref<64x10240xi32, #tpu.memory_space<hbm>> -> memref<1x64xi32, #tpu.memory_space<hbm>>
      %dma_wait3A_822 = tpu.memref_squeeze %dma_wait3A_821 : memref<1x64xi32, #tpu.memory_space<hbm>> -> memref<64xi32, #tpu.memory_space<hbm>>
      tpu.wait_dma2 semaphore(%arg30 : memref<!tpu.dma_semaphore, #tpu.memory_space<semaphore_mem>>) src(%dma_wait3A_822 : memref<64xi32, #tpu.memory_space<hbm>>) dst(%arg17 : memref<64xi32, #tpu.memory_space<vmem>>)
      %dma_start3A_823 = arith.constant 0 : i32
      %dma_start3A_824 = arith.constant 0 : i32
      %dma_start3A_825 = tpu.memref_slice %arg2[%dma_start3A_823, %dma_start3A_824] : memref<10000x128xf32, #tpu.memory_space<hbm>> -> memref<10000x128xf32, #tpu.memory_space<hbm>>
      tpu.enqueue_indirect_dma source(%dma_start3A_825 : memref<10000x128xf32, #tpu.memory_space<hbm>>) target(%arg21 : memref<64x128xf32, #tpu.memory_space<vmem>>) offsets(%arg9 : memref<64xi32, #tpu.memory_space<vmem>>) semaphore(%arg34 : memref<!tpu.dma_semaphore, #tpu.memory_space<semaphore_mem>>)
      %dma_wait3A_826 = arith.constant 0 : i32
      %dma_wait3A_827 = arith.constant 0 : i32
      %dma_wait3A_828 = tpu.memref_slice %arg2[%dma_wait3A_826, %dma_wait3A_827] : memref<10000x128xf32, #tpu.memory_space<hbm>> -> memref<10000x128xf32, #tpu.memory_space<hbm>>
      tpu.wait_indirect_dma semaphore(%arg36 : memref<!tpu.dma_semaphore, #tpu.memory_space<semaphore_mem>>) src(%dma_wait3A_828 : memref<10000x128xf32, #tpu.memory_space<hbm>>) dst(%arg23 : memref<64x128xf32, #tpu.memory_space<vmem>>)
      %dma_start3A_829 = arith.constant 0 : i32
      %dma_start3A_830 = arith.constant 0 : i32
      %dma_start3A_831 = tpu.memref_slice %arg25[%dma_start3A_829, %dma_start3A_830] : memref<10240x128xf32, #tpu.memory_space<vmem_shared>> -> memref<10240x128xf32, #tpu.memory_space<vmem_shared>>
      tpu.enqueue_indirect_dma source(%arg23 : memref<64x128xf32, #tpu.memory_space<vmem>>) target(%dma_start3A_831 : memref<10240x128xf32, #tpu.memory_space<vmem_shared>>) offsets(%arg15 : memref<64xi32, #tpu.memory_space<vmem>>) semaphore(%arg40 : memref<!tpu.dma_semaphore, #tpu.memory_space<semaphore_mem>>) {add = true}
      %dma_wait3A_832 = arith.constant 0 : i32
      %dma_wait3A_833 = arith.constant 0 : i32
      %dma_wait3A_834 = tpu.memref_slice %arg25[%dma_wait3A_832, %dma_wait3A_833] : memref<10240x128xf32, #tpu.memory_space<vmem_shared>> -> memref<10240x128xf32, #tpu.memory_space<vmem_shared>>
      tpu.wait_indirect_dma semaphore(%arg39 : memref<!tpu.dma_semaphore, #tpu.memory_space<semaphore_mem>>) src(%arg22 : memref<64x128xf32, #tpu.memory_space<vmem>>) dst(%dma_wait3A_834 : memref<10240x128xf32, #tpu.memory_space<vmem_shared>>)
      %add3A_835 = arith.constant 2 : i32
      %add3A_836 = arith.addi %mul3A_729, %add3A_835 : i32
      %add3A_837 = arith.constant 7 : i32
      %add3A_838 = arith.addi %add3A_836, %add3A_837 : i32
      %mul3A_839 = arith.constant 2 : i32
      %mul3A_840 = arith.muli %mul3A_839, %add3A : i32
      %mul3A_841 = arith.constant 64 : i32
      %mul3A_842 = arith.muli %add3A_838, %mul3A_841 : i32
      %dma_start3A_843 = tpu.memref_slice %arg3[%mul3A_840, %mul3A_842] : memref<64x10240xi32, #tpu.memory_space<hbm>> -> memref<1x64xi32, #tpu.memory_space<hbm>>
      %dma_start3A_844 = tpu.memref_squeeze %dma_start3A_843 : memref<1x64xi32, #tpu.memory_space<hbm>> -> memref<64xi32, #tpu.memory_space<hbm>>
      %dma_start3A_845 = tpu.memref_slice %arg3[%mul3A_840, %mul3A_842] : memref<64x10240xi32, #tpu.memory_space<hbm>> -> memref<1x64xi32, #tpu.memory_space<hbm>>
      %dma_start3A_846 = tpu.memref_squeeze %dma_start3A_845 : memref<1x64xi32, #tpu.memory_space<hbm>> -> memref<64xi32, #tpu.memory_space<hbm>>
      tpu.enqueue_dma source(%dma_start3A_846 : memref<64xi32, #tpu.memory_space<hbm>>) target(%arg6 : memref<64xi32, #tpu.memory_space<vmem>>) target_semaphore(%arg27 : memref<!tpu.dma_semaphore, #tpu.memory_space<semaphore_mem>>)
      %mul3A_847 = arith.constant 2 : i32
      %mul3A_848 = arith.muli %mul3A_847, %add3A : i32
      %add3A_849 = arith.constant 1 : i32
      %add3A_850 = arith.addi %mul3A_848, %add3A_849 : i32
      %mul3A_851 = arith.constant 64 : i32
      %mul3A_852 = arith.muli %add3A_838, %mul3A_851 : i32
      %dma_start3A_853 = tpu.memref_slice %arg3[%add3A_850, %mul3A_852] : memref<64x10240xi32, #tpu.memory_space<hbm>> -> memref<1x64xi32, #tpu.memory_space<hbm>>
      %dma_start3A_854 = tpu.memref_squeeze %dma_start3A_853 : memref<1x64xi32, #tpu.memory_space<hbm>> -> memref<64xi32, #tpu.memory_space<hbm>>
      %dma_start3A_855 = tpu.memref_slice %arg3[%add3A_850, %mul3A_852] : memref<64x10240xi32, #tpu.memory_space<hbm>> -> memref<1x64xi32, #tpu.memory_space<hbm>>
      %dma_start3A_856 = tpu.memref_squeeze %dma_start3A_855 : memref<1x64xi32, #tpu.memory_space<hbm>> -> memref<64xi32, #tpu.memory_space<hbm>>
      tpu.enqueue_dma source(%dma_start3A_856 : memref<64xi32, #tpu.memory_space<hbm>>) target(%arg14 : memref<64xi32, #tpu.memory_space<vmem>>) target_semaphore(%arg27 : memref<!tpu.dma_semaphore, #tpu.memory_space<semaphore_mem>>)
      %dma_wait3A_857 = arith.constant 0 : i32
      %dma_wait3A_858 = arith.constant 0 : i32
      %dma_wait3A_859 = tpu.memref_slice %arg3[%dma_wait3A_857, %dma_wait3A_858] : memref<64x10240xi32, #tpu.memory_space<hbm>> -> memref<1x64xi32, #tpu.memory_space<hbm>>
      %dma_wait3A_860 = tpu.memref_squeeze %dma_wait3A_859 : memref<1x64xi32, #tpu.memory_space<hbm>> -> memref<64xi32, #tpu.memory_space<hbm>>
      %dma_wait3A_861 = arith.constant 0 : i32
      %dma_wait3A_862 = tpu.memref_slice %arg3[%dma_wait3A_857, %dma_wait3A_861] : memref<64x10240xi32, #tpu.memory_space<hbm>> -> memref<1x64xi32, #tpu.memory_space<hbm>>
      %dma_wait3A_863 = tpu.memref_squeeze %dma_wait3A_862 : memref<1x64xi32, #tpu.memory_space<hbm>> -> memref<64xi32, #tpu.memory_space<hbm>>
      tpu.wait_dma2 semaphore(%arg31 : memref<!tpu.dma_semaphore, #tpu.memory_space<semaphore_mem>>) src(%dma_wait3A_863 : memref<64xi32, #tpu.memory_space<hbm>>) dst(%arg10 : memref<64xi32, #tpu.memory_space<vmem>>)
      %dma_wait3A_864 = arith.constant 1 : i32
      %dma_wait3A_865 = arith.constant 0 : i32
      %dma_wait3A_866 = tpu.memref_slice %arg3[%dma_wait3A_864, %dma_wait3A_865] : memref<64x10240xi32, #tpu.memory_space<hbm>> -> memref<1x64xi32, #tpu.memory_space<hbm>>
      %dma_wait3A_867 = tpu.memref_squeeze %dma_wait3A_866 : memref<1x64xi32, #tpu.memory_space<hbm>> -> memref<64xi32, #tpu.memory_space<hbm>>
      %dma_wait3A_868 = arith.constant 0 : i32
      %dma_wait3A_869 = tpu.memref_slice %arg3[%dma_wait3A_864, %dma_wait3A_868] : memref<64x10240xi32, #tpu.memory_space<hbm>> -> memref<1x64xi32, #tpu.memory_space<hbm>>
      %dma_wait3A_870 = tpu.memref_squeeze %dma_wait3A_869 : memref<1x64xi32, #tpu.memory_space<hbm>> -> memref<64xi32, #tpu.memory_space<hbm>>
      tpu.wait_dma2 semaphore(%arg31 : memref<!tpu.dma_semaphore, #tpu.memory_space<semaphore_mem>>) src(%dma_wait3A_870 : memref<64xi32, #tpu.memory_space<hbm>>) dst(%arg18 : memref<64xi32, #tpu.memory_space<vmem>>)
      %dma_start3A_871 = arith.constant 0 : i32
      %dma_start3A_872 = arith.constant 0 : i32
      %dma_start3A_873 = tpu.memref_slice %arg2[%dma_start3A_871, %dma_start3A_872] : memref<10000x128xf32, #tpu.memory_space<hbm>> -> memref<10000x128xf32, #tpu.memory_space<hbm>>
      tpu.enqueue_indirect_dma source(%dma_start3A_873 : memref<10000x128xf32, #tpu.memory_space<hbm>>) target(%arg22 : memref<64x128xf32, #tpu.memory_space<vmem>>) offsets(%arg10 : memref<64xi32, #tpu.memory_space<vmem>>) semaphore(%arg35 : memref<!tpu.dma_semaphore, #tpu.memory_space<semaphore_mem>>)
      %dma_wait3A_874 = arith.constant 0 : i32
      %dma_wait3A_875 = arith.constant 0 : i32
      %dma_wait3A_876 = tpu.memref_slice %arg2[%dma_wait3A_874, %dma_wait3A_875] : memref<10000x128xf32, #tpu.memory_space<hbm>> -> memref<10000x128xf32, #tpu.memory_space<hbm>>
      tpu.wait_indirect_dma semaphore(%arg37 : memref<!tpu.dma_semaphore, #tpu.memory_space<semaphore_mem>>) src(%dma_wait3A_876 : memref<10000x128xf32, #tpu.memory_space<hbm>>) dst(%arg24 : memref<64x128xf32, #tpu.memory_space<vmem>>)
      %dma_start3A_877 = arith.constant 0 : i32
      %dma_start3A_878 = arith.constant 0 : i32
      %dma_start3A_879 = tpu.memref_slice %arg25[%dma_start3A_877, %dma_start3A_878] : memref<10240x128xf32, #tpu.memory_space<vmem_shared>> -> memref<10240x128xf32, #tpu.memory_space<vmem_shared>>
      tpu.enqueue_indirect_dma source(%arg24 : memref<64x128xf32, #tpu.memory_space<vmem>>) target(%dma_start3A_879 : memref<10240x128xf32, #tpu.memory_space<vmem_shared>>) offsets(%arg16 : memref<64xi32, #tpu.memory_space<vmem>>) semaphore(%arg41 : memref<!tpu.dma_semaphore, #tpu.memory_space<semaphore_mem>>) {add = true}
      %dma_wait3A_880 = arith.constant 0 : i32
      %dma_wait3A_881 = arith.constant 0 : i32
      %dma_wait3A_882 = tpu.memref_slice %arg25[%dma_wait3A_880, %dma_wait3A_881] : memref<10240x128xf32, #tpu.memory_space<vmem_shared>> -> memref<10240x128xf32, #tpu.memory_space<vmem_shared>>
      tpu.wait_indirect_dma semaphore(%arg40 : memref<!tpu.dma_semaphore, #tpu.memory_space<semaphore_mem>>) src(%arg23 : memref<64x128xf32, #tpu.memory_space<vmem>>) dst(%dma_wait3A_882 : memref<10240x128xf32, #tpu.memory_space<vmem_shared>>)
      %add3A_883 = arith.constant 3 : i32
      %add3A_884 = arith.addi %mul3A_729, %add3A_883 : i32
      %add3A_885 = arith.constant 7 : i32
      %add3A_886 = arith.addi %add3A_884, %add3A_885 : i32
      %mul3A_887 = arith.constant 2 : i32
      %mul3A_888 = arith.muli %mul3A_887, %add3A : i32
      %mul3A_889 = arith.constant 64 : i32
      %mul3A_890 = arith.muli %add3A_886, %mul3A_889 : i32
      %dma_start3A_891 = tpu.memref_slice %arg3[%mul3A_888, %mul3A_890] : memref<64x10240xi32, #tpu.memory_space<hbm>> -> memref<1x64xi32, #tpu.memory_space<hbm>>
      %dma_start3A_892 = tpu.memref_squeeze %dma_start3A_891 : memref<1x64xi32, #tpu.memory_space<hbm>> -> memref<64xi32, #tpu.memory_space<hbm>>
      %dma_start3A_893 = tpu.memref_slice %arg3[%mul3A_888, %mul3A_890] : memref<64x10240xi32, #tpu.memory_space<hbm>> -> memref<1x64xi32, #tpu.memory_space<hbm>>
      %dma_start3A_894 = tpu.memref_squeeze %dma_start3A_893 : memref<1x64xi32, #tpu.memory_space<hbm>> -> memref<64xi32, #tpu.memory_space<hbm>>
      tpu.enqueue_dma source(%dma_start3A_894 : memref<64xi32, #tpu.memory_space<hbm>>) target(%arg7 : memref<64xi32, #tpu.memory_space<vmem>>) target_semaphore(%arg28 : memref<!tpu.dma_semaphore, #tpu.memory_space<semaphore_mem>>)
      %mul3A_895 = arith.constant 2 : i32
      %mul3A_896 = arith.muli %mul3A_895, %add3A : i32
      %add3A_897 = arith.constant 1 : i32
      %add3A_898 = arith.addi %mul3A_896, %add3A_897 : i32
      %mul3A_899 = arith.constant 64 : i32
      %mul3A_900 = arith.muli %add3A_886, %mul3A_899 : i32
      %dma_start3A_901 = tpu.memref_slice %arg3[%add3A_898, %mul3A_900] : memref<64x10240xi32, #tpu.memory_space<hbm>> -> memref<1x64xi32, #tpu.memory_space<hbm>>
      %dma_start3A_902 = tpu.memref_squeeze %dma_start3A_901 : memref<1x64xi32, #tpu.memory_space<hbm>> -> memref<64xi32, #tpu.memory_space<hbm>>
      %dma_start3A_903 = tpu.memref_slice %arg3[%add3A_898, %mul3A_900] : memref<64x10240xi32, #tpu.memory_space<hbm>> -> memref<1x64xi32, #tpu.memory_space<hbm>>
      %dma_start3A_904 = tpu.memref_squeeze %dma_start3A_903 : memref<1x64xi32, #tpu.memory_space<hbm>> -> memref<64xi32, #tpu.memory_space<hbm>>
      tpu.enqueue_dma source(%dma_start3A_904 : memref<64xi32, #tpu.memory_space<hbm>>) target(%arg15 : memref<64xi32, #tpu.memory_space<vmem>>) target_semaphore(%arg28 : memref<!tpu.dma_semaphore, #tpu.memory_space<semaphore_mem>>)
      %dma_wait3A_905 = arith.constant 0 : i32
      %dma_wait3A_906 = arith.constant 0 : i32
      %dma_wait3A_907 = tpu.memref_slice %arg3[%dma_wait3A_905, %dma_wait3A_906] : memref<64x10240xi32, #tpu.memory_space<hbm>> -> memref<1x64xi32, #tpu.memory_space<hbm>>
      %dma_wait3A_908 = tpu.memref_squeeze %dma_wait3A_907 : memref<1x64xi32, #tpu.memory_space<hbm>> -> memref<64xi32, #tpu.memory_space<hbm>>
      %dma_wait3A_909 = arith.constant 0 : i32
      %dma_wait3A_910 = tpu.memref_slice %arg3[%dma_wait3A_905, %dma_wait3A_909] : memref<64x10240xi32, #tpu.memory_space<hbm>> -> memref<1x64xi32, #tpu.memory_space<hbm>>
      %dma_wait3A_911 = tpu.memref_squeeze %dma_wait3A_910 : memref<1x64xi32, #tpu.memory_space<hbm>> -> memref<64xi32, #tpu.memory_space<hbm>>
      tpu.wait_dma2 semaphore(%arg32 : memref<!tpu.dma_semaphore, #tpu.memory_space<semaphore_mem>>) src(%dma_wait3A_911 : memref<64xi32, #tpu.memory_space<hbm>>) dst(%arg11 : memref<64xi32, #tpu.memory_space<vmem>>)
      %dma_wait3A_912 = arith.constant 1 : i32
      %dma_wait3A_913 = arith.constant 0 : i32
      %dma_wait3A_914 = tpu.memref_slice %arg3[%dma_wait3A_912, %dma_wait3A_913] : memref<64x10240xi32, #tpu.memory_space<hbm>> -> memref<1x64xi32, #tpu.memory_space<hbm>>
      %dma_wait3A_915 = tpu.memref_squeeze %dma_wait3A_914 : memref<1x64xi32, #tpu.memory_space<hbm>> -> memref<64xi32, #tpu.memory_space<hbm>>
      %dma_wait3A_916 = arith.constant 0 : i32
      %dma_wait3A_917 = tpu.memref_slice %arg3[%dma_wait3A_912, %dma_wait3A_916] : memref<64x10240xi32, #tpu.memory_space<hbm>> -> memref<1x64xi32, #tpu.memory_space<hbm>>
      %dma_wait3A_918 = tpu.memref_squeeze %dma_wait3A_917 : memref<1x64xi32, #tpu.memory_space<hbm>> -> memref<64xi32, #tpu.memory_space<hbm>>
      tpu.wait_dma2 semaphore(%arg32 : memref<!tpu.dma_semaphore, #tpu.memory_space<semaphore_mem>>) src(%dma_wait3A_918 : memref<64xi32, #tpu.memory_space<hbm>>) dst(%arg19 : memref<64xi32, #tpu.memory_space<vmem>>)
      %dma_start3A_919 = arith.constant 0 : i32
      %dma_start3A_920 = arith.constant 0 : i32
      %dma_start3A_921 = tpu.memref_slice %arg2[%dma_start3A_919, %dma_start3A_920] : memref<10000x128xf32, #tpu.memory_space<hbm>> -> memref<10000x128xf32, #tpu.memory_space<hbm>>
      tpu.enqueue_indirect_dma source(%dma_start3A_921 : memref<10000x128xf32, #tpu.memory_space<hbm>>) target(%arg23 : memref<64x128xf32, #tpu.memory_space<vmem>>) offsets(%arg11 : memref<64xi32, #tpu.memory_space<vmem>>) semaphore(%arg36 : memref<!tpu.dma_semaphore, #tpu.memory_space<semaphore_mem>>)
      %dma_wait3A_922 = arith.constant 0 : i32
      %dma_wait3A_923 = arith.constant 0 : i32
      %dma_wait3A_924 = tpu.memref_slice %arg2[%dma_wait3A_922, %dma_wait3A_923] : memref<10000x128xf32, #tpu.memory_space<hbm>> -> memref<10000x128xf32, #tpu.memory_space<hbm>>
      tpu.wait_indirect_dma semaphore(%arg34 : memref<!tpu.dma_semaphore, #tpu.memory_space<semaphore_mem>>) src(%dma_wait3A_924 : memref<10000x128xf32, #tpu.memory_space<hbm>>) dst(%arg21 : memref<64x128xf32, #tpu.memory_space<vmem>>)
      %dma_start3A_925 = arith.constant 0 : i32
      %dma_start3A_926 = arith.constant 0 : i32
      %dma_start3A_927 = tpu.memref_slice %arg25[%dma_start3A_925, %dma_start3A_926] : memref<10240x128xf32, #tpu.memory_space<vmem_shared>> -> memref<10240x128xf32, #tpu.memory_space<vmem_shared>>
      tpu.enqueue_indirect_dma source(%arg21 : memref<64x128xf32, #tpu.memory_space<vmem>>) target(%dma_start3A_927 : memref<10240x128xf32, #tpu.memory_space<vmem_shared>>) offsets(%arg17 : memref<64xi32, #tpu.memory_space<vmem>>) semaphore(%arg38 : memref<!tpu.dma_semaphore, #tpu.memory_space<semaphore_mem>>) {add = true}
      %dma_wait3A_928 = arith.constant 0 : i32
      %dma_wait3A_929 = arith.constant 0 : i32
      %dma_wait3A_930 = tpu.memref_slice %arg25[%dma_wait3A_928, %dma_wait3A_929] : memref<10240x128xf32, #tpu.memory_space<vmem_shared>> -> memref<10240x128xf32, #tpu.memory_space<vmem_shared>>
      tpu.wait_indirect_dma semaphore(%arg41 : memref<!tpu.dma_semaphore, #tpu.memory_space<semaphore_mem>>) src(%arg24 : memref<64x128xf32, #tpu.memory_space<vmem>>) dst(%dma_wait3A_930 : memref<10240x128xf32, #tpu.memory_space<vmem_shared>>)
      %add3A_931 = arith.constant 4 : i32
      %add3A_932 = arith.addi %mul3A_729, %add3A_931 : i32
      %add3A_933 = arith.constant 7 : i32
      %add3A_934 = arith.addi %add3A_932, %add3A_933 : i32
      %mul3A_935 = arith.constant 2 : i32
      %mul3A_936 = arith.muli %mul3A_935, %add3A : i32
      %mul3A_937 = arith.constant 64 : i32
      %mul3A_938 = arith.muli %add3A_934, %mul3A_937 : i32
      %dma_start3A_939 = tpu.memref_slice %arg3[%mul3A_936, %mul3A_938] : memref<64x10240xi32, #tpu.memory_space<hbm>> -> memref<1x64xi32, #tpu.memory_space<hbm>>
      %dma_start3A_940 = tpu.memref_squeeze %dma_start3A_939 : memref<1x64xi32, #tpu.memory_space<hbm>> -> memref<64xi32, #tpu.memory_space<hbm>>
      %dma_start3A_941 = tpu.memref_slice %arg3[%mul3A_936, %mul3A_938] : memref<64x10240xi32, #tpu.memory_space<hbm>> -> memref<1x64xi32, #tpu.memory_space<hbm>>
      %dma_start3A_942 = tpu.memref_squeeze %dma_start3A_941 : memref<1x64xi32, #tpu.memory_space<hbm>> -> memref<64xi32, #tpu.memory_space<hbm>>
      tpu.enqueue_dma source(%dma_start3A_942 : memref<64xi32, #tpu.memory_space<hbm>>) target(%arg8 : memref<64xi32, #tpu.memory_space<vmem>>) target_semaphore(%arg29 : memref<!tpu.dma_semaphore, #tpu.memory_space<semaphore_mem>>)
      %mul3A_943 = arith.constant 2 : i32
      %mul3A_944 = arith.muli %mul3A_943, %add3A : i32
      %add3A_945 = arith.constant 1 : i32
      %add3A_946 = arith.addi %mul3A_944, %add3A_945 : i32
      %mul3A_947 = arith.constant 64 : i32
      %mul3A_948 = arith.muli %add3A_934, %mul3A_947 : i32
      %dma_start3A_949 = tpu.memref_slice %arg3[%add3A_946, %mul3A_948] : memref<64x10240xi32, #tpu.memory_space<hbm>> -> memref<1x64xi32, #tpu.memory_space<hbm>>
      %dma_start3A_950 = tpu.memref_squeeze %dma_start3A_949 : memref<1x64xi32, #tpu.memory_space<hbm>> -> memref<64xi32, #tpu.memory_space<hbm>>
      %dma_start3A_951 = tpu.memref_slice %arg3[%add3A_946, %mul3A_948] : memref<64x10240xi32, #tpu.memory_space<hbm>> -> memref<1x64xi32, #tpu.memory_space<hbm>>
      %dma_start3A_952 = tpu.memref_squeeze %dma_start3A_951 : memref<1x64xi32, #tpu.memory_space<hbm>> -> memref<64xi32, #tpu.memory_space<hbm>>
      tpu.enqueue_dma source(%dma_start3A_952 : memref<64xi32, #tpu.memory_space<hbm>>) target(%arg16 : memref<64xi32, #tpu.memory_space<vmem>>) target_semaphore(%arg29 : memref<!tpu.dma_semaphore, #tpu.memory_space<semaphore_mem>>)
      %dma_wait3A_953 = arith.constant 0 : i32
      %dma_wait3A_954 = arith.constant 0 : i32
      %dma_wait3A_955 = tpu.memref_slice %arg3[%dma_wait3A_953, %dma_wait3A_954] : memref<64x10240xi32, #tpu.memory_space<hbm>> -> memref<1x64xi32, #tpu.memory_space<hbm>>
      %dma_wait3A_956 = tpu.memref_squeeze %dma_wait3A_955 : memref<1x64xi32, #tpu.memory_space<hbm>> -> memref<64xi32, #tpu.memory_space<hbm>>
      %dma_wait3A_957 = arith.constant 0 : i32
      %dma_wait3A_958 = tpu.memref_slice %arg3[%dma_wait3A_953, %dma_wait3A_957] : memref<64x10240xi32, #tpu.memory_space<hbm>> -> memref<1x64xi32, #tpu.memory_space<hbm>>
      %dma_wait3A_959 = tpu.memref_squeeze %dma_wait3A_958 : memref<1x64xi32, #tpu.memory_space<hbm>> -> memref<64xi32, #tpu.memory_space<hbm>>
      tpu.wait_dma2 semaphore(%arg33 : memref<!tpu.dma_semaphore, #tpu.memory_space<semaphore_mem>>) src(%dma_wait3A_959 : memref<64xi32, #tpu.memory_space<hbm>>) dst(%arg12 : memref<64xi32, #tpu.memory_space<vmem>>)
      %dma_wait3A_960 = arith.constant 1 : i32
      %dma_wait3A_961 = arith.constant 0 : i32
      %dma_wait3A_962 = tpu.memref_slice %arg3[%dma_wait3A_960, %dma_wait3A_961] : memref<64x10240xi32, #tpu.memory_space<hbm>> -> memref<1x64xi32, #tpu.memory_space<hbm>>
      %dma_wait3A_963 = tpu.memref_squeeze %dma_wait3A_962 : memref<1x64xi32, #tpu.memory_space<hbm>> -> memref<64xi32, #tpu.memory_space<hbm>>
      %dma_wait3A_964 = arith.constant 0 : i32
      %dma_wait3A_965 = tpu.memref_slice %arg3[%dma_wait3A_960, %dma_wait3A_964] : memref<64x10240xi32, #tpu.memory_space<hbm>> -> memref<1x64xi32, #tpu.memory_space<hbm>>
      %dma_wait3A_966 = tpu.memref_squeeze %dma_wait3A_965 : memref<1x64xi32, #tpu.memory_space<hbm>> -> memref<64xi32, #tpu.memory_space<hbm>>
      tpu.wait_dma2 semaphore(%arg33 : memref<!tpu.dma_semaphore, #tpu.memory_space<semaphore_mem>>) src(%dma_wait3A_966 : memref<64xi32, #tpu.memory_space<hbm>>) dst(%arg20 : memref<64xi32, #tpu.memory_space<vmem>>)
      %dma_start3A_967 = arith.constant 0 : i32
      %dma_start3A_968 = arith.constant 0 : i32
      %dma_start3A_969 = tpu.memref_slice %arg2[%dma_start3A_967, %dma_start3A_968] : memref<10000x128xf32, #tpu.memory_space<hbm>> -> memref<10000x128xf32, #tpu.memory_space<hbm>>
      tpu.enqueue_indirect_dma source(%dma_start3A_969 : memref<10000x128xf32, #tpu.memory_space<hbm>>) target(%arg24 : memref<64x128xf32, #tpu.memory_space<vmem>>) offsets(%arg12 : memref<64xi32, #tpu.memory_space<vmem>>) semaphore(%arg37 : memref<!tpu.dma_semaphore, #tpu.memory_space<semaphore_mem>>)
      %dma_wait3A_970 = arith.constant 0 : i32
      %dma_wait3A_971 = arith.constant 0 : i32
      %dma_wait3A_972 = tpu.memref_slice %arg2[%dma_wait3A_970, %dma_wait3A_971] : memref<10000x128xf32, #tpu.memory_space<hbm>> -> memref<10000x128xf32, #tpu.memory_space<hbm>>
      tpu.wait_indirect_dma semaphore(%arg35 : memref<!tpu.dma_semaphore, #tpu.memory_space<semaphore_mem>>) src(%dma_wait3A_972 : memref<10000x128xf32, #tpu.memory_space<hbm>>) dst(%arg22 : memref<64x128xf32, #tpu.memory_space<vmem>>)
      %dma_start3A_973 = arith.constant 0 : i32
      %dma_start3A_974 = arith.constant 0 : i32
      %dma_start3A_975 = tpu.memref_slice %arg25[%dma_start3A_973, %dma_start3A_974] : memref<10240x128xf32, #tpu.memory_space<vmem_shared>> -> memref<10240x128xf32, #tpu.memory_space<vmem_shared>>
      tpu.enqueue_indirect_dma source(%arg22 : memref<64x128xf32, #tpu.memory_space<vmem>>) target(%dma_start3A_975 : memref<10240x128xf32, #tpu.memory_space<vmem_shared>>) offsets(%arg18 : memref<64xi32, #tpu.memory_space<vmem>>) semaphore(%arg39 : memref<!tpu.dma_semaphore, #tpu.memory_space<semaphore_mem>>) {add = true}
      %dma_wait3A_976 = arith.constant 0 : i32
      %dma_wait3A_977 = arith.constant 0 : i32
      %dma_wait3A_978 = tpu.memref_slice %arg25[%dma_wait3A_976, %dma_wait3A_977] : memref<10240x128xf32, #tpu.memory_space<vmem_shared>> -> memref<10240x128xf32, #tpu.memory_space<vmem_shared>>
      tpu.wait_indirect_dma semaphore(%arg38 : memref<!tpu.dma_semaphore, #tpu.memory_space<semaphore_mem>>) src(%arg21 : memref<64x128xf32, #tpu.memory_space<vmem>>) dst(%dma_wait3A_978 : memref<10240x128xf32, #tpu.memory_space<vmem_shared>>)
      %add3A_979 = arith.constant 5 : i32
      %add3A_980 = arith.addi %mul3A_729, %add3A_979 : i32
      %add3A_981 = arith.constant 7 : i32
      %add3A_982 = arith.addi %add3A_980, %add3A_981 : i32
      %mul3A_983 = arith.constant 2 : i32
      %mul3A_984 = arith.muli %mul3A_983, %add3A : i32
      %mul3A_985 = arith.constant 64 : i32
      %mul3A_986 = arith.muli %add3A_982, %mul3A_985 : i32
      %dma_start3A_987 = tpu.memref_slice %arg3[%mul3A_984, %mul3A_986] : memref<64x10240xi32, #tpu.memory_space<hbm>> -> memref<1x64xi32, #tpu.memory_space<hbm>>
      %dma_start3A_988 = tpu.memref_squeeze %dma_start3A_987 : memref<1x64xi32, #tpu.memory_space<hbm>> -> memref<64xi32, #tpu.memory_space<hbm>>
      %dma_start3A_989 = tpu.memref_slice %arg3[%mul3A_984, %mul3A_986] : memref<64x10240xi32, #tpu.memory_space<hbm>> -> memref<1x64xi32, #tpu.memory_space<hbm>>
      %dma_start3A_990 = tpu.memref_squeeze %dma_start3A_989 : memref<1x64xi32, #tpu.memory_space<hbm>> -> memref<64xi32, #tpu.memory_space<hbm>>
      tpu.enqueue_dma source(%dma_start3A_990 : memref<64xi32, #tpu.memory_space<hbm>>) target(%arg9 : memref<64xi32, #tpu.memory_space<vmem>>) target_semaphore(%arg30 : memref<!tpu.dma_semaphore, #tpu.memory_space<semaphore_mem>>)
      %mul3A_991 = arith.constant 2 : i32
      %mul3A_992 = arith.muli %mul3A_991, %add3A : i32
      %add3A_993 = arith.constant 1 : i32
      %add3A_994 = arith.addi %mul3A_992, %add3A_993 : i32
      %mul3A_995 = arith.constant 64 : i32
      %mul3A_996 = arith.muli %add3A_982, %mul3A_995 : i32
      %dma_start3A_997 = tpu.memref_slice %arg3[%add3A_994, %mul3A_996] : memref<64x10240xi32, #tpu.memory_space<hbm>> -> memref<1x64xi32, #tpu.memory_space<hbm>>
      %dma_start3A_998 = tpu.memref_squeeze %dma_start3A_997 : memref<1x64xi32, #tpu.memory_space<hbm>> -> memref<64xi32, #tpu.memory_space<hbm>>
      %dma_start3A_999 = tpu.memref_slice %arg3[%add3A_994, %mul3A_996] : memref<64x10240xi32, #tpu.memory_space<hbm>> -> memref<1x64xi32, #tpu.memory_space<hbm>>
      %dma_start3A_1000 = tpu.memref_squeeze %dma_start3A_999 : memref<1x64xi32, #tpu.memory_space<hbm>> -> memref<64xi32, #tpu.memory_space<hbm>>
      tpu.enqueue_dma source(%dma_start3A_1000 : memref<64xi32, #tpu.memory_space<hbm>>) target(%arg17 : memref<64xi32, #tpu.memory_space<vmem>>) target_semaphore(%arg30 : memref<!tpu.dma_semaphore, #tpu.memory_space<semaphore_mem>>)
      %dma_wait3A_1001 = arith.constant 0 : i32
      %dma_wait3A_1002 = arith.constant 0 : i32
      %dma_wait3A_1003 = tpu.memref_slice %arg3[%dma_wait3A_1001, %dma_wait3A_1002] : memref<64x10240xi32, #tpu.memory_space<hbm>> -> memref<1x64xi32, #tpu.memory_space<hbm>>
      %dma_wait3A_1004 = tpu.memref_squeeze %dma_wait3A_1003 : memref<1x64xi32, #tpu.memory_space<hbm>> -> memref<64xi32, #tpu.memory_space<hbm>>
      %dma_wait3A_1005 = arith.constant 0 : i32
      %dma_wait3A_1006 = tpu.memref_slice %arg3[%dma_wait3A_1001, %dma_wait3A_1005] : memref<64x10240xi32, #tpu.memory_space<hbm>> -> memref<1x64xi32, #tpu.memory_space<hbm>>
      %dma_wait3A_1007 = tpu.memref_squeeze %dma_wait3A_1006 : memref<1x64xi32, #tpu.memory_space<hbm>> -> memref<64xi32, #tpu.memory_space<hbm>>
      tpu.wait_dma2 semaphore(%arg26 : memref<!tpu.dma_semaphore, #tpu.memory_space<semaphore_mem>>) src(%dma_wait3A_1007 : memref<64xi32, #tpu.memory_space<hbm>>) dst(%arg5 : memref<64xi32, #tpu.memory_space<vmem>>)
      %dma_wait3A_1008 = arith.constant 1 : i32
      %dma_wait3A_1009 = arith.constant 0 : i32
      %dma_wait3A_1010 = tpu.memref_slice %arg3[%dma_wait3A_1008, %dma_wait3A_1009] : memref<64x10240xi32, #tpu.memory_space<hbm>> -> memref<1x64xi32, #tpu.memory_space<hbm>>
      %dma_wait3A_1011 = tpu.memref_squeeze %dma_wait3A_1010 : memref<1x64xi32, #tpu.memory_space<hbm>> -> memref<64xi32, #tpu.memory_space<hbm>>
      %dma_wait3A_1012 = arith.constant 0 : i32
      %dma_wait3A_1013 = tpu.memref_slice %arg3[%dma_wait3A_1008, %dma_wait3A_1012] : memref<64x10240xi32, #tpu.memory_space<hbm>> -> memref<1x64xi32, #tpu.memory_space<hbm>>
      %dma_wait3A_1014 = tpu.memref_squeeze %dma_wait3A_1013 : memref<1x64xi32, #tpu.memory_space<hbm>> -> memref<64xi32, #tpu.memory_space<hbm>>
      tpu.wait_dma2 semaphore(%arg26 : memref<!tpu.dma_semaphore, #tpu.memory_space<semaphore_mem>>) src(%dma_wait3A_1014 : memref<64xi32, #tpu.memory_space<hbm>>) dst(%arg13 : memref<64xi32, #tpu.memory_space<vmem>>)
      %dma_start3A_1015 = arith.constant 0 : i32
      %dma_start3A_1016 = arith.constant 0 : i32
      %dma_start3A_1017 = tpu.memref_slice %arg2[%dma_start3A_1015, %dma_start3A_1016] : memref<10000x128xf32, #tpu.memory_space<hbm>> -> memref<10000x128xf32, #tpu.memory_space<hbm>>
      tpu.enqueue_indirect_dma source(%dma_start3A_1017 : memref<10000x128xf32, #tpu.memory_space<hbm>>) target(%arg21 : memref<64x128xf32, #tpu.memory_space<vmem>>) offsets(%arg5 : memref<64xi32, #tpu.memory_space<vmem>>) semaphore(%arg34 : memref<!tpu.dma_semaphore, #tpu.memory_space<semaphore_mem>>)
      %dma_wait3A_1018 = arith.constant 0 : i32
      %dma_wait3A_1019 = arith.constant 0 : i32
      %dma_wait3A_1020 = tpu.memref_slice %arg2[%dma_wait3A_1018, %dma_wait3A_1019] : memref<10000x128xf32, #tpu.memory_space<hbm>> -> memref<10000x128xf32, #tpu.memory_space<hbm>>
      tpu.wait_indirect_dma semaphore(%arg36 : memref<!tpu.dma_semaphore, #tpu.memory_space<semaphore_mem>>) src(%dma_wait3A_1020 : memref<10000x128xf32, #tpu.memory_space<hbm>>) dst(%arg23 : memref<64x128xf32, #tpu.memory_space<vmem>>)
      %dma_start3A_1021 = arith.constant 0 : i32
      %dma_start3A_1022 = arith.constant 0 : i32
      %dma_start3A_1023 = tpu.memref_slice %arg25[%dma_start3A_1021, %dma_start3A_1022] : memref<10240x128xf32, #tpu.memory_space<vmem_shared>> -> memref<10240x128xf32, #tpu.memory_space<vmem_shared>>
      tpu.enqueue_indirect_dma source(%arg23 : memref<64x128xf32, #tpu.memory_space<vmem>>) target(%dma_start3A_1023 : memref<10240x128xf32, #tpu.memory_space<vmem_shared>>) offsets(%arg19 : memref<64xi32, #tpu.memory_space<vmem>>) semaphore(%arg40 : memref<!tpu.dma_semaphore, #tpu.memory_space<semaphore_mem>>) {add = true}
      %dma_wait3A_1024 = arith.constant 0 : i32
      %dma_wait3A_1025 = arith.constant 0 : i32
      %dma_wait3A_1026 = tpu.memref_slice %arg25[%dma_wait3A_1024, %dma_wait3A_1025] : memref<10240x128xf32, #tpu.memory_space<vmem_shared>> -> memref<10240x128xf32, #tpu.memory_space<vmem_shared>>
      tpu.wait_indirect_dma semaphore(%arg39 : memref<!tpu.dma_semaphore, #tpu.memory_space<semaphore_mem>>) src(%arg22 : memref<64x128xf32, #tpu.memory_space<vmem>>) dst(%dma_wait3A_1026 : memref<10240x128xf32, #tpu.memory_space<vmem_shared>>)
      %add3A_1027 = arith.constant 6 : i32
      %add3A_1028 = arith.addi %mul3A_729, %add3A_1027 : i32
      %add3A_1029 = arith.constant 7 : i32
      %add3A_1030 = arith.addi %add3A_1028, %add3A_1029 : i32
      %mul3A_1031 = arith.constant 2 : i32
      %mul3A_1032 = arith.muli %mul3A_1031, %add3A : i32
      %mul3A_1033 = arith.constant 64 : i32
      %mul3A_1034 = arith.muli %add3A_1030, %mul3A_1033 : i32
      %dma_start3A_1035 = tpu.memref_slice %arg3[%mul3A_1032, %mul3A_1034] : memref<64x10240xi32, #tpu.memory_space<hbm>> -> memref<1x64xi32, #tpu.memory_space<hbm>>
      %dma_start3A_1036 = tpu.memref_squeeze %dma_start3A_1035 : memref<1x64xi32, #tpu.memory_space<hbm>> -> memref<64xi32, #tpu.memory_space<hbm>>
      %dma_start3A_1037 = tpu.memref_slice %arg3[%mul3A_1032, %mul3A_1034] : memref<64x10240xi32, #tpu.memory_space<hbm>> -> memref<1x64xi32, #tpu.memory_space<hbm>>
      %dma_start3A_1038 = tpu.memref_squeeze %dma_start3A_1037 : memref<1x64xi32, #tpu.memory_space<hbm>> -> memref<64xi32, #tpu.memory_space<hbm>>
      tpu.enqueue_dma source(%dma_start3A_1038 : memref<64xi32, #tpu.memory_space<hbm>>) target(%arg10 : memref<64xi32, #tpu.memory_space<vmem>>) target_semaphore(%arg31 : memref<!tpu.dma_semaphore, #tpu.memory_space<semaphore_mem>>)
      %mul3A_1039 = arith.constant 2 : i32
      %mul3A_1040 = arith.muli %mul3A_1039, %add3A : i32
      %add3A_1041 = arith.constant 1 : i32
      %add3A_1042 = arith.addi %mul3A_1040, %add3A_1041 : i32
      %mul3A_1043 = arith.constant 64 : i32
      %mul3A_1044 = arith.muli %add3A_1030, %mul3A_1043 : i32
      %dma_start3A_1045 = tpu.memref_slice %arg3[%add3A_1042, %mul3A_1044] : memref<64x10240xi32, #tpu.memory_space<hbm>> -> memref<1x64xi32, #tpu.memory_space<hbm>>
      %dma_start3A_1046 = tpu.memref_squeeze %dma_start3A_1045 : memref<1x64xi32, #tpu.memory_space<hbm>> -> memref<64xi32, #tpu.memory_space<hbm>>
      %dma_start3A_1047 = tpu.memref_slice %arg3[%add3A_1042, %mul3A_1044] : memref<64x10240xi32, #tpu.memory_space<hbm>> -> memref<1x64xi32, #tpu.memory_space<hbm>>
      %dma_start3A_1048 = tpu.memref_squeeze %dma_start3A_1047 : memref<1x64xi32, #tpu.memory_space<hbm>> -> memref<64xi32, #tpu.memory_space<hbm>>
      tpu.enqueue_dma source(%dma_start3A_1048 : memref<64xi32, #tpu.memory_space<hbm>>) target(%arg18 : memref<64xi32, #tpu.memory_space<vmem>>) target_semaphore(%arg31 : memref<!tpu.dma_semaphore, #tpu.memory_space<semaphore_mem>>)
      %dma_wait3A_1049 = arith.constant 0 : i32
      %dma_wait3A_1050 = arith.constant 0 : i32
      %dma_wait3A_1051 = tpu.memref_slice %arg3[%dma_wait3A_1049, %dma_wait3A_1050] : memref<64x10240xi32, #tpu.memory_space<hbm>> -> memref<1x64xi32, #tpu.memory_space<hbm>>
      %dma_wait3A_1052 = tpu.memref_squeeze %dma_wait3A_1051 : memref<1x64xi32, #tpu.memory_space<hbm>> -> memref<64xi32, #tpu.memory_space<hbm>>
      %dma_wait3A_1053 = arith.constant 0 : i32
      %dma_wait3A_1054 = tpu.memref_slice %arg3[%dma_wait3A_1049, %dma_wait3A_1053] : memref<64x10240xi32, #tpu.memory_space<hbm>> -> memref<1x64xi32, #tpu.memory_space<hbm>>
      %dma_wait3A_1055 = tpu.memref_squeeze %dma_wait3A_1054 : memref<1x64xi32, #tpu.memory_space<hbm>> -> memref<64xi32, #tpu.memory_space<hbm>>
      tpu.wait_dma2 semaphore(%arg27 : memref<!tpu.dma_semaphore, #tpu.memory_space<semaphore_mem>>) src(%dma_wait3A_1055 : memref<64xi32, #tpu.memory_space<hbm>>) dst(%arg6 : memref<64xi32, #tpu.memory_space<vmem>>)
      %dma_wait3A_1056 = arith.constant 1 : i32
      %dma_wait3A_1057 = arith.constant 0 : i32
      %dma_wait3A_1058 = tpu.memref_slice %arg3[%dma_wait3A_1056, %dma_wait3A_1057] : memref<64x10240xi32, #tpu.memory_space<hbm>> -> memref<1x64xi32, #tpu.memory_space<hbm>>
      %dma_wait3A_1059 = tpu.memref_squeeze %dma_wait3A_1058 : memref<1x64xi32, #tpu.memory_space<hbm>> -> memref<64xi32, #tpu.memory_space<hbm>>
      %dma_wait3A_1060 = arith.constant 0 : i32
      %dma_wait3A_1061 = tpu.memref_slice %arg3[%dma_wait3A_1056, %dma_wait3A_1060] : memref<64x10240xi32, #tpu.memory_space<hbm>> -> memref<1x64xi32, #tpu.memory_space<hbm>>
      %dma_wait3A_1062 = tpu.memref_squeeze %dma_wait3A_1061 : memref<1x64xi32, #tpu.memory_space<hbm>> -> memref<64xi32, #tpu.memory_space<hbm>>
      tpu.wait_dma2 semaphore(%arg27 : memref<!tpu.dma_semaphore, #tpu.memory_space<semaphore_mem>>) src(%dma_wait3A_1062 : memref<64xi32, #tpu.memory_space<hbm>>) dst(%arg14 : memref<64xi32, #tpu.memory_space<vmem>>)
      %dma_start3A_1063 = arith.constant 0 : i32
      %dma_start3A_1064 = arith.constant 0 : i32
      %dma_start3A_1065 = tpu.memref_slice %arg2[%dma_start3A_1063, %dma_start3A_1064] : memref<10000x128xf32, #tpu.memory_space<hbm>> -> memref<10000x128xf32, #tpu.memory_space<hbm>>
      tpu.enqueue_indirect_dma source(%dma_start3A_1065 : memref<10000x128xf32, #tpu.memory_space<hbm>>) target(%arg22 : memref<64x128xf32, #tpu.memory_space<vmem>>) offsets(%arg6 : memref<64xi32, #tpu.memory_space<vmem>>) semaphore(%arg35 : memref<!tpu.dma_semaphore, #tpu.memory_space<semaphore_mem>>)
      %dma_wait3A_1066 = arith.constant 0 : i32
      %dma_wait3A_1067 = arith.constant 0 : i32
      %dma_wait3A_1068 = tpu.memref_slice %arg2[%dma_wait3A_1066, %dma_wait3A_1067] : memref<10000x128xf32, #tpu.memory_space<hbm>> -> memref<10000x128xf32, #tpu.memory_space<hbm>>
      tpu.wait_indirect_dma semaphore(%arg37 : memref<!tpu.dma_semaphore, #tpu.memory_space<semaphore_mem>>) src(%dma_wait3A_1068 : memref<10000x128xf32, #tpu.memory_space<hbm>>) dst(%arg24 : memref<64x128xf32, #tpu.memory_space<vmem>>)
      %dma_start3A_1069 = arith.constant 0 : i32
      %dma_start3A_1070 = arith.constant 0 : i32
      %dma_start3A_1071 = tpu.memref_slice %arg25[%dma_start3A_1069, %dma_start3A_1070] : memref<10240x128xf32, #tpu.memory_space<vmem_shared>> -> memref<10240x128xf32, #tpu.memory_space<vmem_shared>>
      tpu.enqueue_indirect_dma source(%arg24 : memref<64x128xf32, #tpu.memory_space<vmem>>) target(%dma_start3A_1071 : memref<10240x128xf32, #tpu.memory_space<vmem_shared>>) offsets(%arg20 : memref<64xi32, #tpu.memory_space<vmem>>) semaphore(%arg41 : memref<!tpu.dma_semaphore, #tpu.memory_space<semaphore_mem>>) {add = true}
      %dma_wait3A_1072 = arith.constant 0 : i32
      %dma_wait3A_1073 = arith.constant 0 : i32
      %dma_wait3A_1074 = tpu.memref_slice %arg25[%dma_wait3A_1072, %dma_wait3A_1073] : memref<10240x128xf32, #tpu.memory_space<vmem_shared>> -> memref<10240x128xf32, #tpu.memory_space<vmem_shared>>
      tpu.wait_indirect_dma semaphore(%arg40 : memref<!tpu.dma_semaphore, #tpu.memory_space<semaphore_mem>>) src(%arg23 : memref<64x128xf32, #tpu.memory_space<vmem>>) dst(%dma_wait3A_1074 : memref<10240x128xf32, #tpu.memory_space<vmem_shared>>)
      %add3A_1075 = arith.constant 7 : i32
      %add3A_1076 = arith.addi %mul3A_729, %add3A_1075 : i32
      %add3A_1077 = arith.constant 7 : i32
      %add3A_1078 = arith.addi %add3A_1076, %add3A_1077 : i32
      %mul3A_1079 = arith.constant 2 : i32
      %mul3A_1080 = arith.muli %mul3A_1079, %add3A : i32
      %mul3A_1081 = arith.constant 64 : i32
      %mul3A_1082 = arith.muli %add3A_1078, %mul3A_1081 : i32
      %dma_start3A_1083 = tpu.memref_slice %arg3[%mul3A_1080, %mul3A_1082] : memref<64x10240xi32, #tpu.memory_space<hbm>> -> memref<1x64xi32, #tpu.memory_space<hbm>>
      %dma_start3A_1084 = tpu.memref_squeeze %dma_start3A_1083 : memref<1x64xi32, #tpu.memory_space<hbm>> -> memref<64xi32, #tpu.memory_space<hbm>>
      %dma_start3A_1085 = tpu.memref_slice %arg3[%mul3A_1080, %mul3A_1082] : memref<64x10240xi32, #tpu.memory_space<hbm>> -> memref<1x64xi32, #tpu.memory_space<hbm>>
      %dma_start3A_1086 = tpu.memref_squeeze %dma_start3A_1085 : memref<1x64xi32, #tpu.memory_space<hbm>> -> memref<64xi32, #tpu.memory_space<hbm>>
      tpu.enqueue_dma source(%dma_start3A_1086 : memref<64xi32, #tpu.memory_space<hbm>>) target(%arg11 : memref<64xi32, #tpu.memory_space<vmem>>) target_semaphore(%arg32 : memref<!tpu.dma_semaphore, #tpu.memory_space<semaphore_mem>>)
      %mul3A_1087 = arith.constant 2 : i32
      %mul3A_1088 = arith.muli %mul3A_1087, %add3A : i32
      %add3A_1089 = arith.constant 1 : i32
      %add3A_1090 = arith.addi %mul3A_1088, %add3A_1089 : i32
      %mul3A_1091 = arith.constant 64 : i32
      %mul3A_1092 = arith.muli %add3A_1078, %mul3A_1091 : i32
      %dma_start3A_1093 = tpu.memref_slice %arg3[%add3A_1090, %mul3A_1092] : memref<64x10240xi32, #tpu.memory_space<hbm>> -> memref<1x64xi32, #tpu.memory_space<hbm>>
      %dma_start3A_1094 = tpu.memref_squeeze %dma_start3A_1093 : memref<1x64xi32, #tpu.memory_space<hbm>> -> memref<64xi32, #tpu.memory_space<hbm>>
      %dma_start3A_1095 = tpu.memref_slice %arg3[%add3A_1090, %mul3A_1092] : memref<64x10240xi32, #tpu.memory_space<hbm>> -> memref<1x64xi32, #tpu.memory_space<hbm>>
      %dma_start3A_1096 = tpu.memref_squeeze %dma_start3A_1095 : memref<1x64xi32, #tpu.memory_space<hbm>> -> memref<64xi32, #tpu.memory_space<hbm>>
      tpu.enqueue_dma source(%dma_start3A_1096 : memref<64xi32, #tpu.memory_space<hbm>>) target(%arg19 : memref<64xi32, #tpu.memory_space<vmem>>) target_semaphore(%arg32 : memref<!tpu.dma_semaphore, #tpu.memory_space<semaphore_mem>>)
      %dma_wait3A_1097 = arith.constant 0 : i32
      %dma_wait3A_1098 = arith.constant 0 : i32
      %dma_wait3A_1099 = tpu.memref_slice %arg3[%dma_wait3A_1097, %dma_wait3A_1098] : memref<64x10240xi32, #tpu.memory_space<hbm>> -> memref<1x64xi32, #tpu.memory_space<hbm>>
      %dma_wait3A_1100 = tpu.memref_squeeze %dma_wait3A_1099 : memref<1x64xi32, #tpu.memory_space<hbm>> -> memref<64xi32, #tpu.memory_space<hbm>>
      %dma_wait3A_1101 = arith.constant 0 : i32
      %dma_wait3A_1102 = tpu.memref_slice %arg3[%dma_wait3A_1097, %dma_wait3A_1101] : memref<64x10240xi32, #tpu.memory_space<hbm>> -> memref<1x64xi32, #tpu.memory_space<hbm>>
      %dma_wait3A_1103 = tpu.memref_squeeze %dma_wait3A_1102 : memref<1x64xi32, #tpu.memory_space<hbm>> -> memref<64xi32, #tpu.memory_space<hbm>>
      tpu.wait_dma2 semaphore(%arg28 : memref<!tpu.dma_semaphore, #tpu.memory_space<semaphore_mem>>) src(%dma_wait3A_1103 : memref<64xi32, #tpu.memory_space<hbm>>) dst(%arg7 : memref<64xi32, #tpu.memory_space<vmem>>)
      %dma_wait3A_1104 = arith.constant 1 : i32
      %dma_wait3A_1105 = arith.constant 0 : i32
      %dma_wait3A_1106 = tpu.memref_slice %arg3[%dma_wait3A_1104, %dma_wait3A_1105] : memref<64x10240xi32, #tpu.memory_space<hbm>> -> memref<1x64xi32, #tpu.memory_space<hbm>>
      %dma_wait3A_1107 = tpu.memref_squeeze %dma_wait3A_1106 : memref<1x64xi32, #tpu.memory_space<hbm>> -> memref<64xi32, #tpu.memory_space<hbm>>
      %dma_wait3A_1108 = arith.constant 0 : i32
      %dma_wait3A_1109 = tpu.memref_slice %arg3[%dma_wait3A_1104, %dma_wait3A_1108] : memref<64x10240xi32, #tpu.memory_space<hbm>> -> memref<1x64xi32, #tpu.memory_space<hbm>>
      %dma_wait3A_1110 = tpu.memref_squeeze %dma_wait3A_1109 : memref<1x64xi32, #tpu.memory_space<hbm>> -> memref<64xi32, #tpu.memory_space<hbm>>
      tpu.wait_dma2 semaphore(%arg28 : memref<!tpu.dma_semaphore, #tpu.memory_space<semaphore_mem>>) src(%dma_wait3A_1110 : memref<64xi32, #tpu.memory_space<hbm>>) dst(%arg15 : memref<64xi32, #tpu.memory_space<vmem>>)
      %dma_start3A_1111 = arith.constant 0 : i32
      %dma_start3A_1112 = arith.constant 0 : i32
      %dma_start3A_1113 = tpu.memref_slice %arg2[%dma_start3A_1111, %dma_start3A_1112] : memref<10000x128xf32, #tpu.memory_space<hbm>> -> memref<10000x128xf32, #tpu.memory_space<hbm>>
      tpu.enqueue_indirect_dma source(%dma_start3A_1113 : memref<10000x128xf32, #tpu.memory_space<hbm>>) target(%arg23 : memref<64x128xf32, #tpu.memory_space<vmem>>) offsets(%arg7 : memref<64xi32, #tpu.memory_space<vmem>>) semaphore(%arg36 : memref<!tpu.dma_semaphore, #tpu.memory_space<semaphore_mem>>)
      %scan3A_1114 = arith.constant 0 : i32
      scf.yield %scan3A_1114 : i32
    }
    %scan3A_546 = arith.constant 18 : i32
    %dma_wait3A_547 = arith.constant 0 : i32
    %dma_wait3A_548 = arith.constant 0 : i32
    %dma_wait3A_549 = tpu.memref_slice %arg2[%dma_wait3A_547, %dma_wait3A_548] : memref<10000x128xf32, #tpu.memory_space<hbm>> -> memref<10000x128xf32, #tpu.memory_space<hbm>>
    tpu.wait_indirect_dma semaphore(%arg34 : memref<!tpu.dma_semaphore, #tpu.memory_space<semaphore_mem>>) src(%dma_wait3A_549 : memref<10000x128xf32, #tpu.memory_space<hbm>>) dst(%arg21 : memref<64x128xf32, #tpu.memory_space<vmem>>)
    %dma_start3A_550 = arith.constant 0 : i32
    %dma_start3A_551 = arith.constant 0 : i32
    %dma_start3A_552 = tpu.memref_slice %arg25[%dma_start3A_550, %dma_start3A_551] : memref<10240x128xf32, #tpu.memory_space<vmem_shared>> -> memref<10240x128xf32, #tpu.memory_space<vmem_shared>>
    tpu.enqueue_indirect_dma source(%arg21 : memref<64x128xf32, #tpu.memory_space<vmem>>) target(%dma_start3A_552 : memref<10240x128xf32, #tpu.memory_space<vmem_shared>>) offsets(%arg13 : memref<64xi32, #tpu.memory_space<vmem>>) semaphore(%arg38 : memref<!tpu.dma_semaphore, #tpu.memory_space<semaphore_mem>>) {add = true}
    %dma_wait3A_553 = arith.constant 0 : i32
    %dma_wait3A_554 = arith.constant 0 : i32
    %dma_wait3A_555 = tpu.memref_slice %arg25[%dma_wait3A_553, %dma_wait3A_554] : memref<10240x128xf32, #tpu.memory_space<vmem_shared>> -> memref<10240x128xf32, #tpu.memory_space<vmem_shared>>
    tpu.wait_indirect_dma semaphore(%arg41 : memref<!tpu.dma_semaphore, #tpu.memory_space<semaphore_mem>>) src(%arg24 : memref<64x128xf32, #tpu.memory_space<vmem>>) dst(%dma_wait3A_555 : memref<10240x128xf32, #tpu.memory_space<vmem_shared>>)
    %mul3A_556 = arith.constant 2 : i32
    %mul3A_557 = arith.muli %mul3A_556, %add3A : i32
    %dma_start3A_558 = arith.constant 10176 : i32
    %dma_start3A_559 = tpu.memref_slice %arg3[%mul3A_557, %dma_start3A_558] : memref<64x10240xi32, #tpu.memory_space<hbm>> -> memref<1x64xi32, #tpu.memory_space<hbm>>
    %dma_start3A_560 = tpu.memref_squeeze %dma_start3A_559 : memref<1x64xi32, #tpu.memory_space<hbm>> -> memref<64xi32, #tpu.memory_space<hbm>>
    %dma_start3A_561 = arith.constant 10176 : i32
    %dma_start3A_562 = tpu.memref_slice %arg3[%mul3A_557, %dma_start3A_561] : memref<64x10240xi32, #tpu.memory_space<hbm>> -> memref<1x64xi32, #tpu.memory_space<hbm>>
    %dma_start3A_563 = tpu.memref_squeeze %dma_start3A_562 : memref<1x64xi32, #tpu.memory_space<hbm>> -> memref<64xi32, #tpu.memory_space<hbm>>
    tpu.enqueue_dma source(%dma_start3A_563 : memref<64xi32, #tpu.memory_space<hbm>>) target(%arg12 : memref<64xi32, #tpu.memory_space<vmem>>) target_semaphore(%arg33 : memref<!tpu.dma_semaphore, #tpu.memory_space<semaphore_mem>>)
    %mul3A_564 = arith.constant 2 : i32
    %mul3A_565 = arith.muli %mul3A_564, %add3A : i32
    %add3A_566 = arith.constant 1 : i32
    %add3A_567 = arith.addi %mul3A_565, %add3A_566 : i32
    %dma_start3A_568 = arith.constant 10176 : i32
    %dma_start3A_569 = tpu.memref_slice %arg3[%add3A_567, %dma_start3A_568] : memref<64x10240xi32, #tpu.memory_space<hbm>> -> memref<1x64xi32, #tpu.memory_space<hbm>>
    %dma_start3A_570 = tpu.memref_squeeze %dma_start3A_569 : memref<1x64xi32, #tpu.memory_space<hbm>> -> memref<64xi32, #tpu.memory_space<hbm>>
    %dma_start3A_571 = arith.constant 10176 : i32
    %dma_start3A_572 = tpu.memref_slice %arg3[%add3A_567, %dma_start3A_571] : memref<64x10240xi32, #tpu.memory_space<hbm>> -> memref<1x64xi32, #tpu.memory_space<hbm>>
    %dma_start3A_573 = tpu.memref_squeeze %dma_start3A_572 : memref<1x64xi32, #tpu.memory_space<hbm>> -> memref<64xi32, #tpu.memory_space<hbm>>
    tpu.enqueue_dma source(%dma_start3A_573 : memref<64xi32, #tpu.memory_space<hbm>>) target(%arg20 : memref<64xi32, #tpu.memory_space<vmem>>) target_semaphore(%arg33 : memref<!tpu.dma_semaphore, #tpu.memory_space<semaphore_mem>>)
    %dma_wait3A_574 = arith.constant 0 : i32
    %dma_wait3A_575 = arith.constant 0 : i32
    %dma_wait3A_576 = tpu.memref_slice %arg3[%dma_wait3A_574, %dma_wait3A_575] : memref<64x10240xi32, #tpu.memory_space<hbm>> -> memref<1x64xi32, #tpu.memory_space<hbm>>
    %dma_wait3A_577 = tpu.memref_squeeze %dma_wait3A_576 : memref<1x64xi32, #tpu.memory_space<hbm>> -> memref<64xi32, #tpu.memory_space<hbm>>
    %dma_wait3A_578 = arith.constant 0 : i32
    %dma_wait3A_579 = tpu.memref_slice %arg3[%dma_wait3A_574, %dma_wait3A_578] : memref<64x10240xi32, #tpu.memory_space<hbm>> -> memref<1x64xi32, #tpu.memory_space<hbm>>
    %dma_wait3A_580 = tpu.memref_squeeze %dma_wait3A_579 : memref<1x64xi32, #tpu.memory_space<hbm>> -> memref<64xi32, #tpu.memory_space<hbm>>
    tpu.wait_dma2 semaphore(%arg29 : memref<!tpu.dma_semaphore, #tpu.memory_space<semaphore_mem>>) src(%dma_wait3A_580 : memref<64xi32, #tpu.memory_space<hbm>>) dst(%arg8 : memref<64xi32, #tpu.memory_space<vmem>>)
    %dma_wait3A_581 = arith.constant 1 : i32
    %dma_wait3A_582 = arith.constant 0 : i32
    %dma_wait3A_583 = tpu.memref_slice %arg3[%dma_wait3A_581, %dma_wait3A_582] : memref<64x10240xi32, #tpu.memory_space<hbm>> -> memref<1x64xi32, #tpu.memory_space<hbm>>
    %dma_wait3A_584 = tpu.memref_squeeze %dma_wait3A_583 : memref<1x64xi32, #tpu.memory_space<hbm>> -> memref<64xi32, #tpu.memory_space<hbm>>
    %dma_wait3A_585 = arith.constant 0 : i32
    %dma_wait3A_586 = tpu.memref_slice %arg3[%dma_wait3A_581, %dma_wait3A_585] : memref<64x10240xi32, #tpu.memory_space<hbm>> -> memref<1x64xi32, #tpu.memory_space<hbm>>
    %dma_wait3A_587 = tpu.memref_squeeze %dma_wait3A_586 : memref<1x64xi32, #tpu.memory_space<hbm>> -> memref<64xi32, #tpu.memory_space<hbm>>
    tpu.wait_dma2 semaphore(%arg29 : memref<!tpu.dma_semaphore, #tpu.memory_space<semaphore_mem>>) src(%dma_wait3A_587 : memref<64xi32, #tpu.memory_space<hbm>>) dst(%arg16 : memref<64xi32, #tpu.memory_space<vmem>>)
    %dma_start3A_588 = arith.constant 0 : i32
    %dma_start3A_589 = arith.constant 0 : i32
    %dma_start3A_590 = tpu.memref_slice %arg2[%dma_start3A_588, %dma_start3A_589] : memref<10000x128xf32, #tpu.memory_space<hbm>> -> memref<10000x128xf32, #tpu.memory_space<hbm>>
    tpu.enqueue_indirect_dma source(%dma_start3A_590 : memref<10000x128xf32, #tpu.memory_space<hbm>>) target(%arg24 : memref<64x128xf32, #tpu.memory_space<vmem>>) offsets(%arg8 : memref<64xi32, #tpu.memory_space<vmem>>) semaphore(%arg37 : memref<!tpu.dma_semaphore, #tpu.memory_space<semaphore_mem>>)
    %dma_wait3A_591 = arith.constant 0 : i32
    %dma_wait3A_592 = arith.constant 0 : i32
    %dma_wait3A_593 = tpu.memref_slice %arg2[%dma_wait3A_591, %dma_wait3A_592] : memref<10000x128xf32, #tpu.memory_space<hbm>> -> memref<10000x128xf32, #tpu.memory_space<hbm>>
    tpu.wait_indirect_dma semaphore(%arg35 : memref<!tpu.dma_semaphore, #tpu.memory_space<semaphore_mem>>) src(%dma_wait3A_593 : memref<10000x128xf32, #tpu.memory_space<hbm>>) dst(%arg22 : memref<64x128xf32, #tpu.memory_space<vmem>>)
    %dma_start3A_594 = arith.constant 0 : i32
    %dma_start3A_595 = arith.constant 0 : i32
    %dma_start3A_596 = tpu.memref_slice %arg25[%dma_start3A_594, %dma_start3A_595] : memref<10240x128xf32, #tpu.memory_space<vmem_shared>> -> memref<10240x128xf32, #tpu.memory_space<vmem_shared>>
    tpu.enqueue_indirect_dma source(%arg22 : memref<64x128xf32, #tpu.memory_space<vmem>>) target(%dma_start3A_596 : memref<10240x128xf32, #tpu.memory_space<vmem_shared>>) offsets(%arg14 : memref<64xi32, #tpu.memory_space<vmem>>) semaphore(%arg39 : memref<!tpu.dma_semaphore, #tpu.memory_space<semaphore_mem>>) {add = true}
    %dma_wait3A_597 = arith.constant 0 : i32
    %dma_wait3A_598 = arith.constant 0 : i32
    %dma_wait3A_599 = tpu.memref_slice %arg25[%dma_wait3A_597, %dma_wait3A_598] : memref<10240x128xf32, #tpu.memory_space<vmem_shared>> -> memref<10240x128xf32, #tpu.memory_space<vmem_shared>>
    tpu.wait_indirect_dma semaphore(%arg38 : memref<!tpu.dma_semaphore, #tpu.memory_space<semaphore_mem>>) src(%arg21 : memref<64x128xf32, #tpu.memory_space<vmem>>) dst(%dma_wait3A_599 : memref<10240x128xf32, #tpu.memory_space<vmem_shared>>)
    %dma_wait3A_600 = arith.constant 0 : i32
    %dma_wait3A_601 = arith.constant 0 : i32
    %dma_wait3A_602 = tpu.memref_slice %arg3[%dma_wait3A_600, %dma_wait3A_601] : memref<64x10240xi32, #tpu.memory_space<hbm>> -> memref<1x64xi32, #tpu.memory_space<hbm>>
    %dma_wait3A_603 = tpu.memref_squeeze %dma_wait3A_602 : memref<1x64xi32, #tpu.memory_space<hbm>> -> memref<64xi32, #tpu.memory_space<hbm>>
    %dma_wait3A_604 = arith.constant 0 : i32
    %dma_wait3A_605 = tpu.memref_slice %arg3[%dma_wait3A_600, %dma_wait3A_604] : memref<64x10240xi32, #tpu.memory_space<hbm>> -> memref<1x64xi32, #tpu.memory_space<hbm>>
    %dma_wait3A_606 = tpu.memref_squeeze %dma_wait3A_605 : memref<1x64xi32, #tpu.memory_space<hbm>> -> memref<64xi32, #tpu.memory_space<hbm>>
    tpu.wait_dma2 semaphore(%arg30 : memref<!tpu.dma_semaphore, #tpu.memory_space<semaphore_mem>>) src(%dma_wait3A_606 : memref<64xi32, #tpu.memory_space<hbm>>) dst(%arg9 : memref<64xi32, #tpu.memory_space<vmem>>)
    %dma_wait3A_607 = arith.constant 1 : i32
    %dma_wait3A_608 = arith.constant 0 : i32
    %dma_wait3A_609 = tpu.memref_slice %arg3[%dma_wait3A_607, %dma_wait3A_608] : memref<64x10240xi32, #tpu.memory_space<hbm>> -> memref<1x64xi32, #tpu.memory_space<hbm>>
    %dma_wait3A_610 = tpu.memref_squeeze %dma_wait3A_609 : memref<1x64xi32, #tpu.memory_space<hbm>> -> memref<64xi32, #tpu.memory_space<hbm>>
    %dma_wait3A_611 = arith.constant 0 : i32
    %dma_wait3A_612 = tpu.memref_slice %arg3[%dma_wait3A_607, %dma_wait3A_611] : memref<64x10240xi32, #tpu.memory_space<hbm>> -> memref<1x64xi32, #tpu.memory_space<hbm>>
    %dma_wait3A_613 = tpu.memref_squeeze %dma_wait3A_612 : memref<1x64xi32, #tpu.memory_space<hbm>> -> memref<64xi32, #tpu.memory_space<hbm>>
    tpu.wait_dma2 semaphore(%arg30 : memref<!tpu.dma_semaphore, #tpu.memory_space<semaphore_mem>>) src(%dma_wait3A_613 : memref<64xi32, #tpu.memory_space<hbm>>) dst(%arg17 : memref<64xi32, #tpu.memory_space<vmem>>)
    %dma_start3A_614 = arith.constant 0 : i32
    %dma_start3A_615 = arith.constant 0 : i32
    %dma_start3A_616 = tpu.memref_slice %arg2[%dma_start3A_614, %dma_start3A_615] : memref<10000x128xf32, #tpu.memory_space<hbm>> -> memref<10000x128xf32, #tpu.memory_space<hbm>>
    tpu.enqueue_indirect_dma source(%dma_start3A_616 : memref<10000x128xf32, #tpu.memory_space<hbm>>) target(%arg21 : memref<64x128xf32, #tpu.memory_space<vmem>>) offsets(%arg9 : memref<64xi32, #tpu.memory_space<vmem>>) semaphore(%arg34 : memref<!tpu.dma_semaphore, #tpu.memory_space<semaphore_mem>>)
    %dma_wait3A_617 = arith.constant 0 : i32
    %dma_wait3A_618 = arith.constant 0 : i32
    %dma_wait3A_619 = tpu.memref_slice %arg2[%dma_wait3A_617, %dma_wait3A_618] : memref<10000x128xf32, #tpu.memory_space<hbm>> -> memref<10000x128xf32, #tpu.memory_space<hbm>>
    tpu.wait_indirect_dma semaphore(%arg36 : memref<!tpu.dma_semaphore, #tpu.memory_space<semaphore_mem>>) src(%dma_wait3A_619 : memref<10000x128xf32, #tpu.memory_space<hbm>>) dst(%arg23 : memref<64x128xf32, #tpu.memory_space<vmem>>)
    %dma_start3A_620 = arith.constant 0 : i32
    %dma_start3A_621 = arith.constant 0 : i32
    %dma_start3A_622 = tpu.memref_slice %arg25[%dma_start3A_620, %dma_start3A_621] : memref<10240x128xf32, #tpu.memory_space<vmem_shared>> -> memref<10240x128xf32, #tpu.memory_space<vmem_shared>>
    tpu.enqueue_indirect_dma source(%arg23 : memref<64x128xf32, #tpu.memory_space<vmem>>) target(%dma_start3A_622 : memref<10240x128xf32, #tpu.memory_space<vmem_shared>>) offsets(%arg15 : memref<64xi32, #tpu.memory_space<vmem>>) semaphore(%arg40 : memref<!tpu.dma_semaphore, #tpu.memory_space<semaphore_mem>>) {add = true}
    %dma_wait3A_623 = arith.constant 0 : i32
    %dma_wait3A_624 = arith.constant 0 : i32
    %dma_wait3A_625 = tpu.memref_slice %arg25[%dma_wait3A_623, %dma_wait3A_624] : memref<10240x128xf32, #tpu.memory_space<vmem_shared>> -> memref<10240x128xf32, #tpu.memory_space<vmem_shared>>
    tpu.wait_indirect_dma semaphore(%arg39 : memref<!tpu.dma_semaphore, #tpu.memory_space<semaphore_mem>>) src(%arg22 : memref<64x128xf32, #tpu.memory_space<vmem>>) dst(%dma_wait3A_625 : memref<10240x128xf32, #tpu.memory_space<vmem_shared>>)
    %dma_wait3A_626 = arith.constant 0 : i32
    %dma_wait3A_627 = arith.constant 0 : i32
    %dma_wait3A_628 = tpu.memref_slice %arg3[%dma_wait3A_626, %dma_wait3A_627] : memref<64x10240xi32, #tpu.memory_space<hbm>> -> memref<1x64xi32, #tpu.memory_space<hbm>>
    %dma_wait3A_629 = tpu.memref_squeeze %dma_wait3A_628 : memref<1x64xi32, #tpu.memory_space<hbm>> -> memref<64xi32, #tpu.memory_space<hbm>>
    %dma_wait3A_630 = arith.constant 0 : i32
    %dma_wait3A_631 = tpu.memref_slice %arg3[%dma_wait3A_626, %dma_wait3A_630] : memref<64x10240xi32, #tpu.memory_space<hbm>> -> memref<1x64xi32, #tpu.memory_space<hbm>>
    %dma_wait3A_632 = tpu.memref_squeeze %dma_wait3A_631 : memref<1x64xi32, #tpu.memory_space<hbm>> -> memref<64xi32, #tpu.memory_space<hbm>>
    tpu.wait_dma2 semaphore(%arg31 : memref<!tpu.dma_semaphore, #tpu.memory_space<semaphore_mem>>) src(%dma_wait3A_632 : memref<64xi32, #tpu.memory_space<hbm>>) dst(%arg10 : memref<64xi32, #tpu.memory_space<vmem>>)
    %dma_wait3A_633 = arith.constant 1 : i32
    %dma_wait3A_634 = arith.constant 0 : i32
    %dma_wait3A_635 = tpu.memref_slice %arg3[%dma_wait3A_633, %dma_wait3A_634] : memref<64x10240xi32, #tpu.memory_space<hbm>> -> memref<1x64xi32, #tpu.memory_space<hbm>>
    %dma_wait3A_636 = tpu.memref_squeeze %dma_wait3A_635 : memref<1x64xi32, #tpu.memory_space<hbm>> -> memref<64xi32, #tpu.memory_space<hbm>>
    %dma_wait3A_637 = arith.constant 0 : i32
    %dma_wait3A_638 = tpu.memref_slice %arg3[%dma_wait3A_633, %dma_wait3A_637] : memref<64x10240xi32, #tpu.memory_space<hbm>> -> memref<1x64xi32, #tpu.memory_space<hbm>>
    %dma_wait3A_639 = tpu.memref_squeeze %dma_wait3A_638 : memref<1x64xi32, #tpu.memory_space<hbm>> -> memref<64xi32, #tpu.memory_space<hbm>>
    tpu.wait_dma2 semaphore(%arg31 : memref<!tpu.dma_semaphore, #tpu.memory_space<semaphore_mem>>) src(%dma_wait3A_639 : memref<64xi32, #tpu.memory_space<hbm>>) dst(%arg18 : memref<64xi32, #tpu.memory_space<vmem>>)
    %dma_start3A_640 = arith.constant 0 : i32
    %dma_start3A_641 = arith.constant 0 : i32
    %dma_start3A_642 = tpu.memref_slice %arg2[%dma_start3A_640, %dma_start3A_641] : memref<10000x128xf32, #tpu.memory_space<hbm>> -> memref<10000x128xf32, #tpu.memory_space<hbm>>
    tpu.enqueue_indirect_dma source(%dma_start3A_642 : memref<10000x128xf32, #tpu.memory_space<hbm>>) target(%arg22 : memref<64x128xf32, #tpu.memory_space<vmem>>) offsets(%arg10 : memref<64xi32, #tpu.memory_space<vmem>>) semaphore(%arg35 : memref<!tpu.dma_semaphore, #tpu.memory_space<semaphore_mem>>)
    %dma_wait3A_643 = arith.constant 0 : i32
    %dma_wait3A_644 = arith.constant 0 : i32
    %dma_wait3A_645 = tpu.memref_slice %arg2[%dma_wait3A_643, %dma_wait3A_644] : memref<10000x128xf32, #tpu.memory_space<hbm>> -> memref<10000x128xf32, #tpu.memory_space<hbm>>
    tpu.wait_indirect_dma semaphore(%arg37 : memref<!tpu.dma_semaphore, #tpu.memory_space<semaphore_mem>>) src(%dma_wait3A_645 : memref<10000x128xf32, #tpu.memory_space<hbm>>) dst(%arg24 : memref<64x128xf32, #tpu.memory_space<vmem>>)
    %dma_start3A_646 = arith.constant 0 : i32
    %dma_start3A_647 = arith.constant 0 : i32
    %dma_start3A_648 = tpu.memref_slice %arg25[%dma_start3A_646, %dma_start3A_647] : memref<10240x128xf32, #tpu.memory_space<vmem_shared>> -> memref<10240x128xf32, #tpu.memory_space<vmem_shared>>
    tpu.enqueue_indirect_dma source(%arg24 : memref<64x128xf32, #tpu.memory_space<vmem>>) target(%dma_start3A_648 : memref<10240x128xf32, #tpu.memory_space<vmem_shared>>) offsets(%arg16 : memref<64xi32, #tpu.memory_space<vmem>>) semaphore(%arg41 : memref<!tpu.dma_semaphore, #tpu.memory_space<semaphore_mem>>) {add = true}
    %dma_wait3A_649 = arith.constant 0 : i32
    %dma_wait3A_650 = arith.constant 0 : i32
    %dma_wait3A_651 = tpu.memref_slice %arg25[%dma_wait3A_649, %dma_wait3A_650] : memref<10240x128xf32, #tpu.memory_space<vmem_shared>> -> memref<10240x128xf32, #tpu.memory_space<vmem_shared>>
    tpu.wait_indirect_dma semaphore(%arg40 : memref<!tpu.dma_semaphore, #tpu.memory_space<semaphore_mem>>) src(%arg23 : memref<64x128xf32, #tpu.memory_space<vmem>>) dst(%dma_wait3A_651 : memref<10240x128xf32, #tpu.memory_space<vmem_shared>>)
    %dma_wait3A_652 = arith.constant 0 : i32
    %dma_wait3A_653 = arith.constant 0 : i32
    %dma_wait3A_654 = tpu.memref_slice %arg3[%dma_wait3A_652, %dma_wait3A_653] : memref<64x10240xi32, #tpu.memory_space<hbm>> -> memref<1x64xi32, #tpu.memory_space<hbm>>
    %dma_wait3A_655 = tpu.memref_squeeze %dma_wait3A_654 : memref<1x64xi32, #tpu.memory_space<hbm>> -> memref<64xi32, #tpu.memory_space<hbm>>
    %dma_wait3A_656 = arith.constant 0 : i32
    %dma_wait3A_657 = tpu.memref_slice %arg3[%dma_wait3A_652, %dma_wait3A_656] : memref<64x10240xi32, #tpu.memory_space<hbm>> -> memref<1x64xi32, #tpu.memory_space<hbm>>
    %dma_wait3A_658 = tpu.memref_squeeze %dma_wait3A_657 : memref<1x64xi32, #tpu.memory_space<hbm>> -> memref<64xi32, #tpu.memory_space<hbm>>
    tpu.wait_dma2 semaphore(%arg32 : memref<!tpu.dma_semaphore, #tpu.memory_space<semaphore_mem>>) src(%dma_wait3A_658 : memref<64xi32, #tpu.memory_space<hbm>>) dst(%arg11 : memref<64xi32, #tpu.memory_space<vmem>>)
    %dma_wait3A_659 = arith.constant 1 : i32
    %dma_wait3A_660 = arith.constant 0 : i32
    %dma_wait3A_661 = tpu.memref_slice %arg3[%dma_wait3A_659, %dma_wait3A_660] : memref<64x10240xi32, #tpu.memory_space<hbm>> -> memref<1x64xi32, #tpu.memory_space<hbm>>
    %dma_wait3A_662 = tpu.memref_squeeze %dma_wait3A_661 : memref<1x64xi32, #tpu.memory_space<hbm>> -> memref<64xi32, #tpu.memory_space<hbm>>
    %dma_wait3A_663 = arith.constant 0 : i32
    %dma_wait3A_664 = tpu.memref_slice %arg3[%dma_wait3A_659, %dma_wait3A_663] : memref<64x10240xi32, #tpu.memory_space<hbm>> -> memref<1x64xi32, #tpu.memory_space<hbm>>
    %dma_wait3A_665 = tpu.memref_squeeze %dma_wait3A_664 : memref<1x64xi32, #tpu.memory_space<hbm>> -> memref<64xi32, #tpu.memory_space<hbm>>
    tpu.wait_dma2 semaphore(%arg32 : memref<!tpu.dma_semaphore, #tpu.memory_space<semaphore_mem>>) src(%dma_wait3A_665 : memref<64xi32, #tpu.memory_space<hbm>>) dst(%arg19 : memref<64xi32, #tpu.memory_space<vmem>>)
    %dma_start3A_666 = arith.constant 0 : i32
    %dma_start3A_667 = arith.constant 0 : i32
    %dma_start3A_668 = tpu.memref_slice %arg2[%dma_start3A_666, %dma_start3A_667] : memref<10000x128xf32, #tpu.memory_space<hbm>> -> memref<10000x128xf32, #tpu.memory_space<hbm>>
    tpu.enqueue_indirect_dma source(%dma_start3A_668 : memref<10000x128xf32, #tpu.memory_space<hbm>>) target(%arg23 : memref<64x128xf32, #tpu.memory_space<vmem>>) offsets(%arg11 : memref<64xi32, #tpu.memory_space<vmem>>) semaphore(%arg36 : memref<!tpu.dma_semaphore, #tpu.memory_space<semaphore_mem>>)
    %dma_wait3A_669 = arith.constant 0 : i32
    %dma_wait3A_670 = arith.constant 0 : i32
    %dma_wait3A_671 = tpu.memref_slice %arg2[%dma_wait3A_669, %dma_wait3A_670] : memref<10000x128xf32, #tpu.memory_space<hbm>> -> memref<10000x128xf32, #tpu.memory_space<hbm>>
    tpu.wait_indirect_dma semaphore(%arg34 : memref<!tpu.dma_semaphore, #tpu.memory_space<semaphore_mem>>) src(%dma_wait3A_671 : memref<10000x128xf32, #tpu.memory_space<hbm>>) dst(%arg21 : memref<64x128xf32, #tpu.memory_space<vmem>>)
    %dma_start3A_672 = arith.constant 0 : i32
    %dma_start3A_673 = arith.constant 0 : i32
    %dma_start3A_674 = tpu.memref_slice %arg25[%dma_start3A_672, %dma_start3A_673] : memref<10240x128xf32, #tpu.memory_space<vmem_shared>> -> memref<10240x128xf32, #tpu.memory_space<vmem_shared>>
    tpu.enqueue_indirect_dma source(%arg21 : memref<64x128xf32, #tpu.memory_space<vmem>>) target(%dma_start3A_674 : memref<10240x128xf32, #tpu.memory_space<vmem_shared>>) offsets(%arg17 : memref<64xi32, #tpu.memory_space<vmem>>) semaphore(%arg38 : memref<!tpu.dma_semaphore, #tpu.memory_space<semaphore_mem>>) {add = true}
    %dma_wait3A_675 = arith.constant 0 : i32
    %dma_wait3A_676 = arith.constant 0 : i32
    %dma_wait3A_677 = tpu.memref_slice %arg25[%dma_wait3A_675, %dma_wait3A_676] : memref<10240x128xf32, #tpu.memory_space<vmem_shared>> -> memref<10240x128xf32, #tpu.memory_space<vmem_shared>>
    tpu.wait_indirect_dma semaphore(%arg41 : memref<!tpu.dma_semaphore, #tpu.memory_space<semaphore_mem>>) src(%arg24 : memref<64x128xf32, #tpu.memory_space<vmem>>) dst(%dma_wait3A_677 : memref<10240x128xf32, #tpu.memory_space<vmem_shared>>)
    %dma_wait3A_678 = arith.constant 0 : i32
    %dma_wait3A_679 = arith.constant 0 : i32
    %dma_wait3A_680 = tpu.memref_slice %arg3[%dma_wait3A_678, %dma_wait3A_679] : memref<64x10240xi32, #tpu.memory_space<hbm>> -> memref<1x64xi32, #tpu.memory_space<hbm>>
    %dma_wait3A_681 = tpu.memref_squeeze %dma_wait3A_680 : memref<1x64xi32, #tpu.memory_space<hbm>> -> memref<64xi32, #tpu.memory_space<hbm>>
    %dma_wait3A_682 = arith.constant 0 : i32
    %dma_wait3A_683 = tpu.memref_slice %arg3[%dma_wait3A_678, %dma_wait3A_682] : memref<64x10240xi32, #tpu.memory_space<hbm>> -> memref<1x64xi32, #tpu.memory_space<hbm>>
    %dma_wait3A_684 = tpu.memref_squeeze %dma_wait3A_683 : memref<1x64xi32, #tpu.memory_space<hbm>> -> memref<64xi32, #tpu.memory_space<hbm>>
    tpu.wait_dma2 semaphore(%arg33 : memref<!tpu.dma_semaphore, #tpu.memory_space<semaphore_mem>>) src(%dma_wait3A_684 : memref<64xi32, #tpu.memory_space<hbm>>) dst(%arg12 : memref<64xi32, #tpu.memory_space<vmem>>)
    %dma_wait3A_685 = arith.constant 1 : i32
    %dma_wait3A_686 = arith.constant 0 : i32
    %dma_wait3A_687 = tpu.memref_slice %arg3[%dma_wait3A_685, %dma_wait3A_686] : memref<64x10240xi32, #tpu.memory_space<hbm>> -> memref<1x64xi32, #tpu.memory_space<hbm>>
    %dma_wait3A_688 = tpu.memref_squeeze %dma_wait3A_687 : memref<1x64xi32, #tpu.memory_space<hbm>> -> memref<64xi32, #tpu.memory_space<hbm>>
    %dma_wait3A_689 = arith.constant 0 : i32
    %dma_wait3A_690 = tpu.memref_slice %arg3[%dma_wait3A_685, %dma_wait3A_689] : memref<64x10240xi32, #tpu.memory_space<hbm>> -> memref<1x64xi32, #tpu.memory_space<hbm>>
    %dma_wait3A_691 = tpu.memref_squeeze %dma_wait3A_690 : memref<1x64xi32, #tpu.memory_space<hbm>> -> memref<64xi32, #tpu.memory_space<hbm>>
    tpu.wait_dma2 semaphore(%arg33 : memref<!tpu.dma_semaphore, #tpu.memory_space<semaphore_mem>>) src(%dma_wait3A_691 : memref<64xi32, #tpu.memory_space<hbm>>) dst(%arg20 : memref<64xi32, #tpu.memory_space<vmem>>)
    %dma_start3A_692 = arith.constant 0 : i32
    %dma_start3A_693 = arith.constant 0 : i32
    %dma_start3A_694 = tpu.memref_slice %arg2[%dma_start3A_692, %dma_start3A_693] : memref<10000x128xf32, #tpu.memory_space<hbm>> -> memref<10000x128xf32, #tpu.memory_space<hbm>>
    tpu.enqueue_indirect_dma source(%dma_start3A_694 : memref<10000x128xf32, #tpu.memory_space<hbm>>) target(%arg24 : memref<64x128xf32, #tpu.memory_space<vmem>>) offsets(%arg12 : memref<64xi32, #tpu.memory_space<vmem>>) semaphore(%arg37 : memref<!tpu.dma_semaphore, #tpu.memory_space<semaphore_mem>>)
    %dma_wait3A_695 = arith.constant 0 : i32
    %dma_wait3A_696 = arith.constant 0 : i32
    %dma_wait3A_697 = tpu.memref_slice %arg2[%dma_wait3A_695, %dma_wait3A_696] : memref<10000x128xf32, #tpu.memory_space<hbm>> -> memref<10000x128xf32, #tpu.memory_space<hbm>>
    tpu.wait_indirect_dma semaphore(%arg35 : memref<!tpu.dma_semaphore, #tpu.memory_space<semaphore_mem>>) src(%dma_wait3A_697 : memref<10000x128xf32, #tpu.memory_space<hbm>>) dst(%arg22 : memref<64x128xf32, #tpu.memory_space<vmem>>)
    %dma_start3A_698 = arith.constant 0 : i32
    %dma_start3A_699 = arith.constant 0 : i32
    %dma_start3A_700 = tpu.memref_slice %arg25[%dma_start3A_698, %dma_start3A_699] : memref<10240x128xf32, #tpu.memory_space<vmem_shared>> -> memref<10240x128xf32, #tpu.memory_space<vmem_shared>>
    tpu.enqueue_indirect_dma source(%arg22 : memref<64x128xf32, #tpu.memory_space<vmem>>) target(%dma_start3A_700 : memref<10240x128xf32, #tpu.memory_space<vmem_shared>>) offsets(%arg18 : memref<64xi32, #tpu.memory_space<vmem>>) semaphore(%arg39 : memref<!tpu.dma_semaphore, #tpu.memory_space<semaphore_mem>>) {add = true}
    %dma_wait3A_701 = arith.constant 0 : i32
    %dma_wait3A_702 = arith.constant 0 : i32
    %dma_wait3A_703 = tpu.memref_slice %arg25[%dma_wait3A_701, %dma_wait3A_702] : memref<10240x128xf32, #tpu.memory_space<vmem_shared>> -> memref<10240x128xf32, #tpu.memory_space<vmem_shared>>
    tpu.wait_indirect_dma semaphore(%arg38 : memref<!tpu.dma_semaphore, #tpu.memory_space<semaphore_mem>>) src(%arg21 : memref<64x128xf32, #tpu.memory_space<vmem>>) dst(%dma_wait3A_703 : memref<10240x128xf32, #tpu.memory_space<vmem_shared>>)
    %dma_wait3A_704 = arith.constant 0 : i32
    %dma_wait3A_705 = arith.constant 0 : i32
    %dma_wait3A_706 = tpu.memref_slice %arg2[%dma_wait3A_704, %dma_wait3A_705] : memref<10000x128xf32, #tpu.memory_space<hbm>> -> memref<10000x128xf32, #tpu.memory_space<hbm>>
    tpu.wait_indirect_dma semaphore(%arg36 : memref<!tpu.dma_semaphore, #tpu.memory_space<semaphore_mem>>) src(%dma_wait3A_706 : memref<10000x128xf32, #tpu.memory_space<hbm>>) dst(%arg23 : memref<64x128xf32, #tpu.memory_space<vmem>>)
    %dma_start3A_707 = arith.constant 0 : i32
    %dma_start3A_708 = arith.constant 0 : i32
    %dma_start3A_709 = tpu.memref_slice %arg25[%dma_start3A_707, %dma_start3A_708] : memref<10240x128xf32, #tpu.memory_space<vmem_shared>> -> memref<10240x128xf32, #tpu.memory_space<vmem_shared>>
    tpu.enqueue_indirect_dma source(%arg23 : memref<64x128xf32, #tpu.memory_space<vmem>>) target(%dma_start3A_709 : memref<10240x128xf32, #tpu.memory_space<vmem_shared>>) offsets(%arg19 : memref<64xi32, #tpu.memory_space<vmem>>) semaphore(%arg40 : memref<!tpu.dma_semaphore, #tpu.memory_space<semaphore_mem>>) {add = true}
    %dma_wait3A_710 = arith.constant 0 : i32
    %dma_wait3A_711 = arith.constant 0 : i32
    %dma_wait3A_712 = tpu.memref_slice %arg25[%dma_wait3A_710, %dma_wait3A_711] : memref<10240x128xf32, #tpu.memory_space<vmem_shared>> -> memref<10240x128xf32, #tpu.memory_space<vmem_shared>>
    tpu.wait_indirect_dma semaphore(%arg39 : memref<!tpu.dma_semaphore, #tpu.memory_space<semaphore_mem>>) src(%arg22 : memref<64x128xf32, #tpu.memory_space<vmem>>) dst(%dma_wait3A_712 : memref<10240x128xf32, #tpu.memory_space<vmem_shared>>)
    %dma_wait3A_713 = arith.constant 0 : i32
    %dma_wait3A_714 = arith.constant 0 : i32
    %dma_wait3A_715 = tpu.memref_slice %arg2[%dma_wait3A_713, %dma_wait3A_714] : memref<10000x128xf32, #tpu.memory_space<hbm>> -> memref<10000x128xf32, #tpu.memory_space<hbm>>
    tpu.wait_indirect_dma semaphore(%arg37 : memref<!tpu.dma_semaphore, #tpu.memory_space<semaphore_mem>>) src(%dma_wait3A_715 : memref<10000x128xf32, #tpu.memory_space<hbm>>) dst(%arg24 : memref<64x128xf32, #tpu.memory_space<vmem>>)
    %dma_start3A_716 = arith.constant 0 : i32
    %dma_start3A_717 = arith.constant 0 : i32
    %dma_start3A_718 = tpu.memref_slice %arg25[%dma_start3A_716, %dma_start3A_717] : memref<10240x128xf32, #tpu.memory_space<vmem_shared>> -> memref<10240x128xf32, #tpu.memory_space<vmem_shared>>
    tpu.enqueue_indirect_dma source(%arg24 : memref<64x128xf32, #tpu.memory_space<vmem>>) target(%dma_start3A_718 : memref<10240x128xf32, #tpu.memory_space<vmem_shared>>) offsets(%arg20 : memref<64xi32, #tpu.memory_space<vmem>>) semaphore(%arg41 : memref<!tpu.dma_semaphore, #tpu.memory_space<semaphore_mem>>) {add = true}
    %dma_wait3A_719 = arith.constant 0 : i32
    %dma_wait3A_720 = arith.constant 0 : i32
    %dma_wait3A_721 = tpu.memref_slice %arg25[%dma_wait3A_719, %dma_wait3A_720] : memref<10240x128xf32, #tpu.memory_space<vmem_shared>> -> memref<10240x128xf32, #tpu.memory_space<vmem_shared>>
    tpu.wait_indirect_dma semaphore(%arg40 : memref<!tpu.dma_semaphore, #tpu.memory_space<semaphore_mem>>) src(%arg23 : memref<64x128xf32, #tpu.memory_space<vmem>>) dst(%dma_wait3A_721 : memref<10240x128xf32, #tpu.memory_space<vmem_shared>>)
    %dma_wait3A_722 = arith.constant 0 : i32
    %dma_wait3A_723 = arith.constant 0 : i32
    %dma_wait3A_724 = tpu.memref_slice %arg25[%dma_wait3A_722, %dma_wait3A_723] : memref<10240x128xf32, #tpu.memory_space<vmem_shared>> -> memref<10240x128xf32, #tpu.memory_space<vmem_shared>>
    tpu.wait_indirect_dma semaphore(%arg41 : memref<!tpu.dma_semaphore, #tpu.memory_space<semaphore_mem>>) src(%arg24 : memref<64x128xf32, #tpu.memory_space<vmem>>) dst(%dma_wait3A_724 : memref<10240x128xf32, #tpu.memory_space<vmem_shared>>)
    %barrier3A_725 = arith.constant 0 : index
    tpu.barrier barrier_id(%barrier3A_725)
    "tpu.region"() ({
      %run_scoped3A = tpu.sem_alloc : memref<!tpu.dma_semaphore, #tpu.memory_space<semaphore_mem>>
      %dma_start3A_726 = arith.constant 0 : i32
      %dma_start3A_727 = tpu.memref_slice %arg4[%arg0, %mul3A_2, %dma_start3A_726] : memref<2x10240x128xf32, #tpu.memory_space<hbm>> -> memref<1x640x128xf32, #tpu.memory_space<hbm>>
      %dma_start3A_728 = tpu.memref_squeeze %dma_start3A_727 : memref<1x640x128xf32, #tpu.memory_space<hbm>> -> memref<640x128xf32, #tpu.memory_space<hbm>>
      %dma_start3A_729 = arith.constant 0 : i32
      %dma_start3A_730 = tpu.memref_slice %arg25[%mul3A_2, %dma_start3A_729] : memref<10240x128xf32, #tpu.memory_space<vmem_shared>> -> memref<640x128xf32, #tpu.memory_space<vmem_shared>>
      tpu.enqueue_dma source(%dma_start3A_730 : memref<640x128xf32, #tpu.memory_space<vmem_shared>>) target(%dma_start3A_728 : memref<640x128xf32, #tpu.memory_space<hbm>>) target_semaphore(%run_scoped3A : memref<!tpu.dma_semaphore, #tpu.memory_space<semaphore_mem>>)
      %dma_wait3A_731 = arith.constant 0 : i32
      %dma_wait3A_732 = tpu.memref_slice %arg4[%arg0, %mul3A_2, %dma_wait3A_731] : memref<2x10240x128xf32, #tpu.memory_space<hbm>> -> memref<1x640x128xf32, #tpu.memory_space<hbm>>
      %dma_wait3A_733 = tpu.memref_squeeze %dma_wait3A_732 : memref<1x640x128xf32, #tpu.memory_space<hbm>> -> memref<640x128xf32, #tpu.memory_space<hbm>>
      %dma_wait3A_734 = arith.constant 0 : i32
      %dma_wait3A_735 = tpu.memref_slice %arg25[%mul3A_2, %dma_wait3A_734] : memref<10240x128xf32, #tpu.memory_space<vmem_shared>> -> memref<640x128xf32, #tpu.memory_space<vmem_shared>>
      tpu.wait_dma2 semaphore(%run_scoped3A : memref<!tpu.dma_semaphore, #tpu.memory_space<semaphore_mem>>) src(%dma_wait3A_735 : memref<640x128xf32, #tpu.memory_space<vmem_shared>>) dst(%dma_wait3A_733 : memref<640x128xf32, #tpu.memory_space<hbm>>)
      tpu.yield
    }) : () -> ()
    return
  }
}

module attributes {stable_mosaic.version = 14 : i64} {
  func.func @_mm2_body(%arg0: i32, %arg1: memref<2x5120x128xf32, #tpu.memory_space<vmem>>, %arg2: memref<5120x32xf32, #tpu.memory_space<vmem>>, %arg3: memref<1x128xf32, #tpu.memory_space<vmem>>, %arg4: memref<1x128xf32, #tpu.memory_space<vmem>>, %arg5: memref<5120xf32, #tpu.memory_space<vmem>>) attributes {dimension_semantics = [#tpu.dimension_semantics<arbitrary>], iteration_bounds = array<i64: 2>, scalar_prefetch = 0 : i64, scratch_operands = 0 : i64, tpu.core_type = #tpu.core_type<tc>, window_params = [{transform_indices = @transform_0, window_bounds = array<i64: 2, 5120, 128>}, {transform_indices = @transform_1, window_bounds = array<i64: 5120, 32>}, {pipeline_mode = #tpu.pipeline_mode<synchronous>, transform_indices = @transform_2, window_bounds = array<i64: 1, 128>}, {pipeline_mode = #tpu.pipeline_mode<synchronous>, transform_indices = @transform_3, window_bounds = array<i64: 1, 128>}, {transform_indices = @transform_4, window_bounds = array<i64: 5120>}]} {
    %get3A = arith.constant 0 : index
    %get3A_0 = arith.constant 0 : index
    %get3A_1 = vector.load %arg2[%get3A, %get3A_0] : memref<5120x32xf32, #tpu.memory_space<vmem>>, vector<5120x32xf32>
    %reduce_sum3A = arith.constant dense<0.000000e+00> : vector<5120xf32>
    %reduce_sum3A_2 = vector.multi_reduction <add>, %get3A_1, %reduce_sum3A [1] : vector<5120x32xf32> to vector<5120xf32>
    %broadcast_in_dim3A = vector.shape_cast %reduce_sum3A_2 : vector<5120xf32> to vector<5120x1xf32>
    %add3A = arith.constant 1.000000e+00 : f32
    %add3A_3 = vector.broadcast %add3A : f32 to vector<5120x1xf32>
    %add3A_4 = arith.addf %broadcast_in_dim3A, %add3A_3 : vector<5120x1xf32>
    %rsqrt3A = math.rsqrt %add3A_4 : vector<5120x1xf32>
    %get3A_5 = arith.constant 0 : index
    %get3A_6 = arith.constant 0 : index
    %get3A_7 = arith.constant 0 : index
    %get3A_8 = vector.load %arg1[%get3A_5, %get3A_6, %get3A_7] : memref<2x5120x128xf32, #tpu.memory_space<vmem>>, vector<1x5120x128xf32>
    %get3A_9 = vector.shape_cast %get3A_8 : vector<1x5120x128xf32> to vector<5120x128xf32>
    %get3A_10 = arith.constant 1 : index
    %get3A_11 = arith.constant 0 : index
    %get3A_12 = arith.constant 0 : index
    %get3A_13 = vector.load %arg1[%get3A_10, %get3A_11, %get3A_12] : memref<2x5120x128xf32, #tpu.memory_space<vmem>>, vector<1x5120x128xf32>
    %get3A_14 = vector.shape_cast %get3A_13 : vector<1x5120x128xf32> to vector<5120x128xf32>
    %add3A_15 = arith.addf %get3A_9, %get3A_14 : vector<5120x128xf32>
    %mul3A = vector.broadcast %rsqrt3A : vector<5120x1xf32> to vector<5120x128xf32>
    %mul3A_16 = arith.mulf %add3A_15, %mul3A : vector<5120x128xf32>
    %get3A_17 = arith.constant 0 : index
    %get3A_18 = arith.constant 0 : index
    %get3A_19 = vector.load %arg4[%get3A_17, %get3A_18] : memref<1x128xf32, #tpu.memory_space<vmem>>, vector<1x128xf32>
    %add3A_20 = vector.broadcast %get3A_19 : vector<1x128xf32> to vector<5120x128xf32>
    %add3A_21 = arith.addf %mul3A_16, %add3A_20 : vector<5120x128xf32>
    %max3A = arith.constant 0.000000e+00 : f32
    %max3A_22 = vector.broadcast %max3A : f32 to vector<5120x128xf32>
    %max3A_23 = arith.maximumf %add3A_21, %max3A_22 : vector<5120x128xf32>
    %get3A_24 = arith.constant 0 : index
    %get3A_25 = arith.constant 0 : index
    %get3A_26 = vector.load %arg3[%get3A_24, %get3A_25] : memref<1x128xf32, #tpu.memory_space<vmem>>, vector<1x128xf32>
    %mul3A_27 = vector.broadcast %get3A_26 : vector<1x128xf32> to vector<5120x128xf32>
    %mul3A_28 = arith.mulf %max3A_23, %mul3A_27 : vector<5120x128xf32>
    %reduce_sum3A_29 = arith.constant dense<0.000000e+00> : vector<5120xf32>
    %reduce_sum3A_30 = vector.multi_reduction <add>, %mul3A_28, %reduce_sum3A_29 [1] : vector<5120x128xf32> to vector<5120xf32>
    %broadcast_in_dim3A_31 = vector.shape_cast %reduce_sum3A_30 : vector<5120xf32> to vector<5120x1xf32>
    %mul3A_32 = arith.mulf %broadcast_in_dim3A_31, %rsqrt3A : vector<5120x1xf32>
    %squeeze3A = vector.shape_cast %mul3A_32 : vector<5120x1xf32> to vector<5120xf32>
    %swap3A = arith.constant 0 : index
    %swap3A_33 = vector.load %arg5[%swap3A] : memref<5120xf32, #tpu.memory_space<vmem>>, vector<5120xf32>
    tpu.vector_store %arg5[%swap3A], %squeeze3A {strides = array<i32>} : memref<5120xf32, #tpu.memory_space<vmem>>, vector<5120xf32>,
    return
  }
  func.func @transform_0(%arg0: i32) -> (i32, i32, i32) {
    %c0_i32 = arith.constant 0 : i32
    %c0_i32_0 = arith.constant 0 : i32
    %c0_i32_1 = arith.constant 0 : i32
    return %c0_i32, %arg0, %c0_i32_0 : i32, i32, i32
  }
  func.func @transform_1(%arg0: i32) -> (i32, i32) {
    %c0_i32 = arith.constant 0 : i32
    %c0_i32_0 = arith.constant 0 : i32
    return %arg0, %c0_i32 : i32, i32
  }
  func.func @transform_2(%arg0: i32) -> (i32, i32) {
    %c0_i32 = arith.constant 0 : i32
    %c0_i32_0 = arith.constant 0 : i32
    %c0_i32_1 = arith.constant 0 : i32
    return %c0_i32, %c0_i32_0 : i32, i32
  }
  func.func @transform_3(%arg0: i32) -> (i32, i32) {
    %c0_i32 = arith.constant 0 : i32
    %c0_i32_0 = arith.constant 0 : i32
    %c0_i32_1 = arith.constant 0 : i32
    return %c0_i32, %c0_i32_0 : i32, i32
  }
  func.func @transform_4(%arg0: i32) -> i32 {
    %c0_i32 = arith.constant 0 : i32
    return %arg0 : i32
  }
}

module attributes {stable_mosaic.version = 14 : i64} {
  func.func @_mm1_body(%arg0: i32, %arg1: memref<5000x128xf32, #tpu.memory_space<vmem>>, %arg2: memref<128x128xf32, #tpu.memory_space<vmem>>, %arg3: memref<5000x32xf32, #tpu.memory_space<vmem>>, %arg4: memref<5000x128xf32, #tpu.memory_space<vmem>>) attributes {dimension_semantics = [#tpu.dimension_semantics<arbitrary>], iteration_bounds = array<i64: 2>, scalar_prefetch = 0 : i64, scratch_operands = 0 : i64, tpu.core_type = #tpu.core_type<tc>, window_params = [{transform_indices = @transform_0, window_bounds = array<i64: 5000, 128>}, {pipeline_mode = #tpu.pipeline_mode<synchronous>, transform_indices = @transform_1, window_bounds = array<i64: 128, 128>}, {transform_indices = @transform_2, window_bounds = array<i64: 5000, 32>}, {transform_indices = @transform_3, window_bounds = array<i64: 5000, 128>}]} {
    %get3A = arith.constant 0 : index
    %get3A_0 = arith.constant 0 : index
    %get3A_1 = vector.load %arg1[%get3A, %get3A_0] : memref<5000x128xf32, #tpu.memory_space<vmem>>, vector<5000x128xf32>
    %get3A_2 = arith.constant 0 : index
    %get3A_3 = arith.constant 0 : index
    %get3A_4 = vector.load %arg2[%get3A_2, %get3A_3] : memref<128x128xf32, #tpu.memory_space<vmem>>, vector<128x128xf32>
    %dot_general3A = arith.constant dense<0.000000e+00> : vector<5000x128xf32>
    %dot_general3A_5 = tpu.matmul %get3A_1, %get3A_4, %dot_general3A {dimension_numbers = #tpu.dot_dimension_numbers<[1], [0], [0], [1], [0, 0, 1, 1], [], []>, transpose_lhs_hint = false} : vector<5000x128xf32>, vector<128x128xf32>, vector<5000x128xf32> -> vector<5000x128xf32>
    %get3A_6 = arith.constant 0 : index
    %get3A_7 = arith.constant 0 : index
    %get3A_8 = vector.load %arg3[%get3A_6, %get3A_7] : memref<5000x32xf32, #tpu.memory_space<vmem>>, vector<5000x32xf32>
    %reduce_sum3A = arith.constant dense<0.000000e+00> : vector<5000xf32>
    %reduce_sum3A_9 = vector.multi_reduction <add>, %get3A_8, %reduce_sum3A [1] : vector<5000x32xf32> to vector<5000xf32>
    %broadcast_in_dim3A = vector.shape_cast %reduce_sum3A_9 : vector<5000xf32> to vector<5000x1xf32>
    %add3A = arith.constant 1.000000e+00 : f32
    %add3A_10 = vector.broadcast %add3A : f32 to vector<5000x1xf32>
    %add3A_11 = arith.addf %broadcast_in_dim3A, %add3A_10 : vector<5000x1xf32>
    %rsqrt3A = math.rsqrt %add3A_11 : vector<5000x1xf32>
    %mul3A = vector.broadcast %rsqrt3A : vector<5000x1xf32> to vector<5000x128xf32>
    %mul3A_12 = arith.mulf %dot_general3A_5, %mul3A : vector<5000x128xf32>
    %swap3A = arith.constant 0 : index
    %swap3A_13 = arith.constant 0 : index
    %swap3A_14 = vector.load %arg4[%swap3A, %swap3A_13] : memref<5000x128xf32, #tpu.memory_space<vmem>>, vector<5000x128xf32>
    tpu.vector_store %arg4[%swap3A, %swap3A_13], %mul3A_12 {strides = array<i32>} : memref<5000x128xf32, #tpu.memory_space<vmem>>, vector<5000x128xf32>,
    return
  }
  func.func @transform_0(%arg0: i32) -> (i32, i32) {
    %c0_i32 = arith.constant 0 : i32
    %c0_i32_0 = arith.constant 0 : i32
    return %arg0, %c0_i32 : i32, i32
  }
  func.func @transform_1(%arg0: i32) -> (i32, i32) {
    %c0_i32 = arith.constant 0 : i32
    %c0_i32_0 = arith.constant 0 : i32
    %c0_i32_1 = arith.constant 0 : i32
    return %c0_i32, %c0_i32_0 : i32, i32
  }
  func.func @transform_2(%arg0: i32) -> (i32, i32) {
    %c0_i32 = arith.constant 0 : i32
    %c0_i32_0 = arith.constant 0 : i32
    return %arg0, %c0_i32 : i32, i32
  }
  func.func @transform_3(%arg0: i32) -> (i32, i32) {
    %c0_i32 = arith.constant 0 : i32
    %c0_i32_0 = arith.constant 0 : i32
    return %arg0, %c0_i32 : i32, i32
  }
}

module attributes {stable_mosaic.version = 14 : i64} {
  func.func @_fin_body(%arg0: i32, %arg1: memref<32x2048xf32, #tpu.memory_space<vmem>>, %arg2: memref<32x2048xf32, #tpu.memory_space<vmem>>, %arg3: memref<1x1xf32, #tpu.memory_space<vmem>>, %arg4: memref<2x2048xf32, #tpu.memory_space<vmem>>) attributes {dimension_semantics = [#tpu.dimension_semantics<arbitrary>], iteration_bounds = array<i64: 5>, scalar_prefetch = 0 : i64, scratch_operands = 0 : i64, tpu.core_type = #tpu.core_type<tc>, window_params = [{transform_indices = @transform_0, window_bounds = array<i64: 32, 2048>}, {transform_indices = @transform_1, window_bounds = array<i64: 32, 2048>}, {pipeline_mode = #tpu.pipeline_mode<synchronous>, transform_indices = @transform_2, window_bounds = array<i64: 1, 1>}, {transform_indices = @transform_3, window_bounds = array<i64: 2, 2048>}]} {
    %get3A = arith.constant 0 : index
    %get3A_0 = arith.constant 0 : index
    %get3A_1 = vector.load %arg2[%get3A, %get3A_0] : memref<32x2048xf32, #tpu.memory_space<vmem>>, vector<32x2048xf32>
    %reduce_sum3A = arith.constant dense<0.000000e+00> : vector<2048xf32>
    %reduce_sum3A_2 = vector.multi_reduction <add>, %get3A_1, %reduce_sum3A [0] : vector<32x2048xf32> to vector<2048xf32>
    %add3A = arith.constant 1.000000e+00 : f32
    %add3A_3 = vector.broadcast %add3A : f32 to vector<2048xf32>
    %add3A_4 = arith.addf %reduce_sum3A_2, %add3A_3 : vector<2048xf32>
    %rsqrt3A = math.rsqrt %add3A_4 : vector<2048xf32>
    %get3A_5 = arith.constant 0 : index
    %get3A_6 = arith.constant 0 : index
    %get3A_7 = vector.load %arg1[%get3A_5, %get3A_6] : memref<32x2048xf32, #tpu.memory_space<vmem>>, vector<32x2048xf32>
    %reduce_sum3A_8 = arith.constant dense<0.000000e+00> : vector<2048xf32>
    %reduce_sum3A_9 = vector.multi_reduction <add>, %get3A_7, %reduce_sum3A_8 [0] : vector<32x2048xf32> to vector<2048xf32>
    %mul3A = arith.mulf %rsqrt3A, %reduce_sum3A_9 : vector<2048xf32>
    %get3A_10 = arith.constant 0 : index
    %get3A_11 = arith.constant 0 : index
    %get3A_12 = vector.load %arg3[%get3A_10, %get3A_11] : memref<1x1xf32, #tpu.memory_space<vmem>>, vector<1x1xf32>
    %get3A_13 = vector.shape_cast %get3A_12 : vector<1x1xf32> to vector<1xf32>
    %add3A_14 = vector.broadcast %get3A_13 : vector<1xf32> to vector<2048xf32>
    %add3A_15 = arith.addf %mul3A, %add3A_14 : vector<2048xf32>
    %neg3A = arith.constant 0.000000e+00 : f32
    %neg3A_16 = vector.broadcast %neg3A : f32 to vector<2048xf32>
    %neg3A_17 = arith.subf %neg3A_16, %add3A_15 : vector<2048xf32>
    %exp3A = math.exp %neg3A_17 : vector<2048xf32>
    %add3A_18 = arith.constant 1.000000e+00 : f32
    %add3A_19 = vector.broadcast %add3A_18 : f32 to vector<2048xf32>
    %add3A_20 = arith.addf %add3A_19, %exp3A : vector<2048xf32>
    %div3A = arith.constant 1.000000e+00 : f32
    %div3A_21 = vector.broadcast %div3A : f32 to vector<2048xf32>
    %div3A_22 = arith.divf %div3A_21, %add3A_20 : vector<2048xf32>
    %swap3A = arith.constant 0 : index
    %swap3A_23 = arith.constant 0 : index
    %swap3A_24 = vector.load %arg4[%swap3A, %swap3A_23] : memref<2x2048xf32, #tpu.memory_space<vmem>>, vector<1x2048xf32>
    %swap3A_25 = vector.shape_cast %swap3A_24 : vector<1x2048xf32> to vector<2048xf32>
    %swap3A_26 = vector.shape_cast %div3A_22 : vector<2048xf32> to vector<1x2048xf32>
    tpu.vector_store %arg4[%swap3A, %swap3A_23], %swap3A_26 {strides = array<i32>} : memref<2x2048xf32, #tpu.memory_space<vmem>>, vector<1x2048xf32>,
    %exp3A_27 = math.exp %add3A_15 : vector<2048xf32>
    %add3A_28 = arith.constant 1.000000e+00 : f32
    %add3A_29 = vector.broadcast %add3A_28 : f32 to vector<2048xf32>
    %add3A_30 = arith.addf %add3A_29, %exp3A_27 : vector<2048xf32>
    %div3A_31 = arith.constant 1.000000e+00 : f32
    %div3A_32 = vector.broadcast %div3A_31 : f32 to vector<2048xf32>
    %div3A_33 = arith.divf %div3A_32, %add3A_30 : vector<2048xf32>
    %swap3A_34 = arith.constant 1 : index
    %swap3A_35 = arith.constant 0 : index
    %swap3A_36 = vector.load %arg4[%swap3A_34, %swap3A_35] : memref<2x2048xf32, #tpu.memory_space<vmem>>, vector<1x2048xf32>
    %swap3A_37 = vector.shape_cast %swap3A_36 : vector<1x2048xf32> to vector<2048xf32>
    %swap3A_38 = vector.shape_cast %div3A_33 : vector<2048xf32> to vector<1x2048xf32>
    tpu.vector_store %arg4[%swap3A_34, %swap3A_35], %swap3A_38 {strides = array<i32>} : memref<2x2048xf32, #tpu.memory_space<vmem>>, vector<1x2048xf32>,
    return
  }
  func.func @transform_0(%arg0: i32) -> (i32, i32) {
    %c0_i32 = arith.constant 0 : i32
    %c0_i32_0 = arith.constant 0 : i32
    return %c0_i32, %arg0 : i32, i32
  }
  func.func @transform_1(%arg0: i32) -> (i32, i32) {
    %c0_i32 = arith.constant 0 : i32
    %c0_i32_0 = arith.constant 0 : i32
    return %c0_i32, %arg0 : i32, i32
  }
  func.func @transform_2(%arg0: i32) -> (i32, i32) {
    %c0_i32 = arith.constant 0 : i32
    %c0_i32_0 = arith.constant 0 : i32
    %c0_i32_1 = arith.constant 0 : i32
    return %c0_i32, %c0_i32_0 : i32, i32
  }
  func.func @transform_3(%arg0: i32) -> (i32, i32) {
    %c0_i32 = arith.constant 0 : i32
    %c0_i32_0 = arith.constant 0 : i32
    return %c0_i32, %arg0 : i32, i32
  }
}

</mosaic_0001>

<sc_bundles>
// kernel: kernel.11.cloned.1.call-start
scs
__scs_entry_jumppad:
0x0: {  	(pc) =	sbr.rel $0x88, $3  }
0x1: {  	(tag) =	ssettag $0x0;
	lr =	simm.s32 $0x1  }
0x2: {  	[smem:$0x3F9B] =	sst lr;
	_ =	strace $0xD0000000  }
0x3: {  	_ = 	snop  }
0x4: {  	_ = 	snop  }
0x5: {  	_ = 	snop  }
0x6: {  	_ = 	snop  }
0x7: {  	_ = 	snop  }
__scs_overlays_trampoline_lowered:
0x8: {  	[smem:$0x3FAA] =	sst s0  }
0x9: {  	[smem:$0x3FAB] =	sst s1  }
0xa: {  	[smem:$0x3FAC] =	sst s2  }
0xb: {  	[smem:$0x3FAD] =	sst s3  }
0xc: {  	[smem:$0x3FAE] =	sst s4  }
0xd: {  	[smem:$0x3FAF] =	sst s5  }
0xe: {  	[smem:$0x3FB0] =	sst s6  }
0xf: {  	[smem:$0x3FB1] =	sst s7  }
0x10: {  	[smem:$0x3FB2] =	sst s8  }
0x11: {  	[smem:$0x3FB3] =	sst s9;
	s0 =	simm.s32 @!p0 $0x0  }
0x12: {  	s1 =	sld [smem:$0x3F99];
	s0 =	simm.s32 @p0 $0x1  }
0x13: {  	[smem:$0x3FB4] =	sst s0;
	s0 =	simm.s32 @!p1 $0x0  }
0x14: {  	s2 =	sld [smem:$0x3F98];
	s0 =	simm.s32 @p1 $0x1  }
0x15: {  	[smem:$0x3FB5] =	sst s0;
	s0 =	simm.s32 @!p2 $0x0  }
0x16: {  	s3 =	sld [smem:$0x3FDB];
	s0 =	simm.s32 @p2 $0x1  }
0x17: {  	s4 =	simm.s32 $0x1BF5;
	[smem:$0x3FB7] =	sst s0  }
0x18: {  	s0 =	sld [smem:$0x3F9A];
	_ =	swait.ge [sflag:s4], $0x0  }
0x19: {  	s7 =	sld [smem:$0x3F9B]  }
0x1a: {  	s8 =	sadd.s32 $0xFFFFE003, lr  }
0x1b: {  	s9 =	sadd.s32 $0xFFFFFEF7, lr;
	s5 =	simm.s32 $0xFFFFFFFF;
	p2 =	slt.u32 s8, $0xFFFFF086  }
0x1c: {  	p1 =	slt.u32 s9, $0xF7A;
	s5 =	simm.s32 @!p2 $0x0  }
0x1d: {  	s5 =	simm.s32 @p1 $0x1;
	p0 =	seq.s32 s7, s2  }
0x1e: {  	s7 =	smul.u32 @!p0 $0xF7A, s2;
	p2 =	seq.s32 @!p0 s5, $0x0  }
0x1f: {  	s9 =	smul.u32 $0xF7A, s1;
	s8 =	simm.s32 @!p0 $0x1BF5;
	p2 =	por !p2, p0  }
0x20: {  	[sflag:s8] =	ssyncset.s32 @!p0 $0xFFFFF086;
	s6 =	sadd.s32 @!p0 s3, s7;
	s7 =	simm.s32 @!p0 $0x108  }
0x21: {  	s3 =	sadd.s32 s3, s9;
	s6 =	sadd.s32 @!p0 $0x88, s6;
	s7 =	simm.s32 @p2 $0x1082  }
0x22: {  	[simem:s7], [sflag:s8] =	dma.local @!p0 [hbm:s6], $0xF7A  }
0x23: {  	s9 =	sor.u32 $0xD0000000, s2;
	s6 =	simm.s32 $0x108;
	_ =	swait.ge @!p0 [sflag:s8], $0x0  }
0x24: {  	s3 =	sadd.s32 $0x88, s3;
	s6 =	simm.s32 @!p1 $0x1082;
	[sflag:s4] =	ssyncset.s32 $0xFFFFF086  }
0x25: {  	[simem:s6], [sflag:s4] =	dma.local [hbm:s3], $0xF7A  }
0x26: {  	[smem:$0x3F9B] =	sst s1;
	(tag) =	ssettag s2;
	_ =	strace s9  }
0x27: {  	s1 =	sld [smem:$0x3FAB]  }
0x28: {  	s2 =	sld [smem:$0x3FAC]  }
0x29: {  	s4 =	sld [smem:$0x3FAE]  }
0x2a: {  	p0 =	seq.s32 s5, $0x0;
	s5 =	sld [smem:$0x3FAF]  }
0x2b: {  	s6 =	sld [smem:$0x3FB0]  }
0x2c: {  	s7 =	sld [smem:$0x3FB1]  }
0x2d: {  	s3 =	simm.s32 $0x108;
	s8 =	sld [smem:$0x3FB2]  }
0x2e: {  	s3 =	simm.s32 @!p0 $0x1082;
	s9 =	sld [smem:$0x3FB3]  }
0x2f: {  	lr =	sadd.s32 s0, s3;
	s0 =	sld [smem:$0x3FAA]  }
0x30: {  	s3 =	sld [smem:$0x3FAD]  }
0x31: {  	[smem:$0x3FB6] =	sst s10  }
0x32: {  	s10 =	sld [smem:$0x3FB4];
	_ =	sdelay $0x3  }
0x33: {  	p0 =	seq.s32 s10, $0x1;
	s10 =	sld [smem:$0x3FB6];
	_ =	sdelay $0x3  }
0x34: {  	[smem:$0x3FB6] =	sst s10  }
0x35: {  	s10 =	sld [smem:$0x3FB5];
	_ =	sdelay $0x3  }
0x36: {  	p1 =	seq.s32 s10, $0x1;
	s10 =	sld [smem:$0x3FB6];
	_ =	sdelay $0x3  }
0x37: {  	[smem:$0x3FB6] =	sst s10  }
0x38: {  	s10 =	sld [smem:$0x3FB7]  }
0x39: {  	_ = 	snop;
	(pc) =	sbr.ind lr, $3  }
0x3a: {  	_ = 	snop  }
0x3b: {  	_ = 	snop  }
0x3c: {  	p2 =	seq.s32 s10, $0x1;
	s10 =	sld [smem:$0x3FB6]  }
0x3d: {  	_ =	shalt  }
0x3e: {  	_ =	shalt  }
0x3f: {  	_ =	shalt  }
0x40: {  	_ =	shalt  }
0x41: {  	_ =	shalt  }
0x42: {  	_ =	shalt  }
0x43: {  	_ =	shalt  }
0x44: {  	_ =	shalt  }
0x45: {  	_ =	shalt  }
0x46: {  	_ =	shalt  }
0x47: {  	_ =	shalt  }
0x48: {  	_ =	shalt  }
0x49: {  	_ =	shalt  }
0x4a: {  	_ =	shalt  }
0x4b: {  	_ =	shalt  }
0x4c: {  	_ =	shalt  }
0x4d: {  	_ =	shalt  }
0x4e: {  	_ =	shalt  }
0x4f: {  	_ =	shalt  }
0x50: {  	_ =	shalt  }
0x51: {  	_ =	shalt  }
0x52: {  	_ =	shalt  }
0x53: {  	_ =	shalt  }
0x54: {  	_ =	shalt  }
0x55: {  	_ =	shalt  }
0x56: {  	_ =	shalt  }
0x57: {  	_ =	shalt  }
0x58: {  	_ =	shalt  }
0x59: {  	_ =	shalt  }
0x5a: {  	_ =	shalt  }
0x5b: {  	_ =	shalt  }
0x5c: {  	_ =	shalt  }
0x5d: {  	_ =	shalt  }
0x5e: {  	_ =	shalt  }
0x5f: {  	_ =	shalt  }
0x60: {  	_ =	shalt  }
0x61: {  	_ =	shalt  }
0x62: {  	_ =	shalt  }
0x63: {  	_ =	shalt  }
0x64: {  	_ =	shalt  }
0x65: {  	_ =	shalt  }
0x66: {  	_ =	shalt  }
0x67: {  	_ =	shalt  }
0x68: {  	_ =	shalt  }
0x69: {  	_ =	shalt  }
0x6a: {  	_ =	shalt  }
0x6b: {  	_ =	shalt  }
0x6c: {  	_ =	shalt  }
0x6d: {  	_ =	shalt  }
0x6e: {  	_ =	shalt  }
0x6f: {  	_ =	shalt  }
0x70: {  	_ =	shalt  }
0x71: {  	_ =	shalt  }
0x72: {  	_ =	shalt  }
0x73: {  	_ =	shalt  }
0x74: {  	_ =	shalt  }
0x75: {  	_ =	shalt  }
0x76: {  	_ =	shalt  }
0x77: {  	_ =	shalt  }
0x78: {  	_ =	shalt  }
0x79: {  	_ =	shalt  }
0x7a: {  	_ =	shalt  }
0x7b: {  	_ =	shalt  }
0x7c: {  	_ =	shalt  }
0x7d: {  	_ =	shalt  }
0x7e: {  	_ =	shalt  }
0x7f: {  	_ =	shalt  }
0x80: {  	_ =	shalt  }
0x81: {  	_ =	shalt  }
0x82: {  	_ =	shalt  }
0x83: {  	_ =	shalt  }
0x84: {  	_ =	shalt  }
0x85: {  	_ =	shalt  }
0x86: {  	_ =	shalt  }
0x87: {  	_ =	shalt  }
.Lfunc_end0:
.L_simem_size_0:
called_computation.1_lowered:
.L_overlay_start_0:
0x88: {  	s2 =	sld [smem:$0x3FD9]  }
0x89: {  	s3 =	sld [smem:$0x3FFE];
	_ =	sdelay $0x1  }
0x8a: {  	s1 =	srdreg.scid  }
0x8b: {  	s0 =	sand.u32 $0x1, s1  }
0x8c: {  	s16 =	sshll.u32 s0, $0xA;
	s2 =	sadd.s32 s3, s2  }
0x8d: {  	s2 =	sadd.s32 s2, s16  }
0x8e: {  	[smem:$0x3FC2] =	sst s2  }
0x8f: {  	_ = 	snop  }
0x90: {  	(tm) =	ssettm $0x1  }
0x91: {  	s17 =	sld [smem:$0x3FFB];
	_ =	sdelay $0x3  }
0x92: {  	_ =	strace s17  }
0x93: {  	s2 =	sld [smem:$0x3FFC];
	_ =	sdelay $0x3  }
0x94: {  	_ =	strace s2  }
0x95: {  	s2 =	sld [smem:$0x3FFD];
	_ =	sdelay $0x3  }
0x96: {  	_ =	strace s2  }
0x97: {  	_ =	strace $0x8FFFFFFF  }
0x98: {  	s18 =	sld [smem:$0x3FDB];
	_ =	sdelay $0x1  }
0x99: {  	s19 =	simm.s32 $_scs_section_size  }
0x9a: {  	s4 =	simm.s32 $_size__tile_overlayer_lowered;
	s5 =	simm.s32 $_tile_overlayer_lowered  }
0x9b: {  	s22 =	simm.s32 $0x1BFF;
	s21 =	sshll.u32 s5, $0x1;
	s2 =	sadd.s32 s19, s18  }
0x9c: {  	s6 =	simm.s32 $0x0;
	s20 =	sshll.u32 s4, $0x1;
	s4 =	sadd.s32 s21, s2  }
0x9d: {  	[timem:s6], [sflag:s22] =	dma.local [hbm:s4], s20  }
0x9e: {  	_ =	swait.ge [sflag:s22], s20  }
0x9f: {  	s3 =	ssub.s32 $0x0, s20;
	[sflag:s22] =	ssyncset.done $0x0  }
0xa0: {  	[sflag:s22] =	ssyncadd.s32 s3;
	_ =	sdelay $0x1  }
0xa1: {  	s23 =	simm.s32 $0x1B8B  }
0xa2: {  	_ =	swait.ge [sflag:s23], $0x1  }
0xa3: {  	[sflag:s23] =	ssyncset.done $0x0  }
0xa4: {  	s25 =	simm.s32 $0x1B8E;
	s24 =	sld [smem:$0x3FFE];
	[sflag:s23] =	ssyncadd.s32 $0xFFFFFFFF  }
0xa5: {  	s26 =	simm.s32 $execute0_lowered;
	[smem:$0x3FD2] =	sst s25  }
0xa6: {  	s4 =	sshll.u32 s26, $0x1;
	_ =	strace $0x80000049;
	[dreg:$0x1] =	wrdreg $0xFFFFFFFF  }
0xa7: {  	s28 =	simm.s32 $_size_execute0_lowered;
	s2 =	sadd.s32 s2, s4;
	[dreg:$0x0] =	wrdreg $0x0  }
0xa8: {  	s4 =	sshll.u32 s28, $0x1;
	[dreg:$0x2] =	wrdreg s2  }
0xa9: {  	[dreg:$0x3] =	wrdreg s4  }
0xaa: {  	[dreg:$0x4] =	wrdreg $0xC0  }
0xab: {  	_ =	task [dreg:s6], $0x5FFFF  }
0xac: {  	[dreg:$0x1] =	wrdreg $0xFFFFFFFF  }
0xad: {  	[dreg:$0x0] =	wrdreg $0x60  }
0xae: {  	[dreg:$0x2] =	wrdreg s24  }
0xaf: {  	[dreg:$0x3] =	wrdreg $0x88000  }
0xb0: {  	[dreg:$0x4] =	wrdreg $0x9  }
0xb1: {  	_ =	task.clear_ibuf [dreg:s6], $0x5FFFF;
	_ =	strace $0x90000049  }
0xb2: {  	s29 =	simm.s32 $0x9;
	_ =	strace $0x8000004B  }
0xb3: {  	_ =	swait.ge [sflag:s29], $0x1  }
0xb4: {  	[sflag:s29] =	ssyncadd.s32 $0xFFFFFFFF  }
0xb5: {  	_ =	strace $0x9000004B  }
0xb6: {  	_ =	sfence  }
0xb7: {  	s30 =	sld [smem:$0x0];
	_ =	sdelay $0x2  }
0xb8: {  	s31 =	sshll.u32 s1, $0xD;
	s1 =	sshrl.u32 s1, $0x2  }
0xb9: {  	s3 =	sand.u32 $0x4000, s31;
	s1 =	sadd.s32 s1, s30  }
0xba: {  	s0 =	sor.u32 s3, s0;
	s1 =	sshll.u32 s1, $0x11  }
0xbb: {  	s0 =	sor.u32 s1, s0  }
0xbc: {  	s0 =	sadd.s32 $0x8F2B, s0  }
0xbd: {  	[sflag:s0] =	ssyncadd.remote.s32 $0x1  }
0xbe: {  	_ =	sfence.sel $0xFFFF  }
0xbf: {  	[dreg:$0x0] =	wrdreg $0xFFFFFFFF;
	(pc) =	sbr.abs _section_cstart, $3  }
0xc0: {  	[dreg:$0x1] =	wrdreg $0xFFFFFFFF  }
0xc1: {  	_ =	task.clear_ibuf [dreg:s6], $0x2FFFF;
	_ =	strace $0x9FFFFFFF  }
0xc2: {  	(tm) =	ssettm $0x7FFFFFFF  }
0xc3: {  	_ =	shalt  }
tec
execute0_lowered:
.L_overlay_start_1:
0x0: {  	(tag) =	ssettag $0x1  }
0x1: {  	s0 =	rddreg [dreg:$0x0]  }
0x2: {  	s2 =	rddreg [dreg:$0x1];
	s1 =	srdreg.scid;
	s3 =	simm.s32 $0x0  }
0x3: {  	s16 =	stileid.u32;
	s9 =	sand.u32 $0x1, s1;
	[smem:$0x7FF] =	sst s3  }
0x4: {  	s4 =	sshll.u32 s16, $0x1;
	s20 =	smul.u32 $0x14000, s16;
	s6 =	sshll.u32 s16, $0x8  }
0x5: {  	s10 =	sadd.s32 $0x16600, s0;
	s14 =	sadd.s32 $0x16680, s0;
	s25 =	sadd.s32 $0x16688, s0  }
0x6: {  	s31 =	sadd.s32 $0x16700, s0;
	s1 =	sshll.u32 s9, $0x5;
	_ =	strace $0x8000004A  }
0x7: {  	s5 =	smul.u32 $0x140000, s9;
	s12 =	sand.u32 $0x300, s6;
	s1 =	sor.u32 s4, s1  }
0x8: {  	s21 =	ssub.s32 $0x2, s9;
	s6 =	sadd.s32 $0x16608, s0;
	s1 =	sshrl.u32 s1, $0x3  }
0x9: {  	p0 =	seq.s32 s9, $0x1;
	s22 =	sshrl.u32 s21, $0x1;
	s11 =	smul.u32 $0x14000, s1  }
0xa: {  	s13 =	sor.u32 $0x80, s12;
	s4 =	sadd.s32 s20, s5;
	s1 =	ssub.s32 s21, s22  }
0xb: {  	s1 =	smax.u32 s1, $0x1;
	s5 =	sor.u32 s12, s11;
	s7 =	sor.u32 s13, s11  }
0xc: {  	s11 =	sadd.s32 $0x13C00, s11;
	[smem:$0x7EE] =	sst s1;
	s8 =	sshrl.u32 s5, $0x3  }
0xd: {  	s7 =	sshrl.u32 s7, $0x3;
	s18 =	sor.u32 $0x2C80, s5;
	s23 =	sadd.s32 s10, s8  }
0xe: {  	s20 =	sor.u32 $0x2C00, s5;
	s24 =	sadd.s32 s10, s7;
	[dreg:$0xd] =	wrdreg s23  }
0xf: {  	s12 =	sor.u32 s12, s11;
	s15 =	sadd.s32 s8, s14;
	[dreg:$0xe] =	wrdreg s24  }
0x10: {  	s14 =	sadd.s32 s7, s14;
	s26 =	sadd.s32 s8, s25;
	[dreg:$0xf] =	wrdreg s15  }
0x11: {  	s17 =	sadd.s32 s8, s31;
	s19 =	sshrl.u32 s18, $0x3;
	[dreg:$0x10] =	wrdreg s14  }
0x12: {  	s22 =	sshrl.u32 s20, $0x3;
	[dreg:$0x11] =	wrdreg s26;
	s15 =	sadd.s32 s7, s25  }
0x13: {  	[dreg:$0x13] =	wrdreg s17;
	s14 =	sadd.s32 s7, s31;
	s21 =	sadd.s32 s19, s10  }
0x14: {  	s23 =	sadd.s32 s22, s10;
	s24 =	sor.u32 $0x2880, s5;
	[dreg:$0x12] =	wrdreg s15  }
0x15: {  	s26 =	sor.u32 $0x2800, s5;
	s31 =	sor.u32 $0x2480, s5;
	[dreg:$0x14] =	wrdreg s14  }
0x16: {  	s19 =	sor.u32 $0x2400, s5;
	s22 =	sadd.s32 $0x16708, s0;
	[dreg:$0x3] =	wrdreg s21  }
0x17: {  	[dreg:$0x4] =	wrdreg s23;
	s25 =	sshrl.u32 s24, $0x3;
	s14 =	sshrl.u32 s26, $0x3  }
0x18: {  	s17 =	sshrl.u32 s31, $0x3;
	s20 =	sshrl.u32 s19, $0x3;
	s31 =	sadd.s32 s7, s22  }
0x19: {  	s21 =	sor.u32 $0x2080, s5;
	s9 =	sadd.s32 s25, s10;
	[dreg:$0x16] =	wrdreg s31  }
0x1a: {  	s24 =	sor.u32 $0x2000, s5;
	s14 =	sadd.s32 s14, s10;
	[dreg:$0x5] =	wrdreg s9  }
0x1b: {  	s15 =	sor.u32 $0x1C80, s5;
	s18 =	sadd.s32 s17, s10;
	[dreg:$0x6] =	wrdreg s14  }
0x1c: {  	s19 =	sadd.s32 $0x16788, s0;
	s25 =	sadd.s32 s8, s22;
	[dreg:$0x7] =	wrdreg s18  }
0x1d: {  	s5 =	sor.u32 $0x1C00, s5;
	s22 =	sadd.s32 s8, s19;
	[dreg:$0x15] =	wrdreg s25  }
0x1e: {  	s5 =	sshrl.u32 s5, $0x3;
	s9 =	sadd.s32 s20, s10;
	[dreg:$0x19] =	wrdreg s22  }
0x1f: {  	s14 =	sshrl.u32 s21, $0x3;
	s5 =	sadd.s32 s5, s6;
	[dreg:$0x8] =	wrdreg s9  }
0x20: {  	s26 =	sshrl.u32 s24, $0x3;
	s23 =	sadd.s32 s14, s10;
	[dreg:$0xc] =	wrdreg s5  }
0x21: {  	s18 =	sadd.s32 $0x16780, s0;
	s9 =	sadd.s32 s26, s10;
	[dreg:$0x9] =	wrdreg s23  }
0x22: {  	s11 =	sor.u32 s13, s11;
	s20 =	sadd.s32 s8, s18;
	[dreg:$0xa] =	wrdreg s9  }
0x23: {  	s24 =	sadd.s32 $0x16800, s0;
	s21 =	sadd.s32 s7, s18;
	[dreg:$0x17] =	wrdreg s20  }
0x24: {  	s25 =	sadd.s32 $0x16808, s0;
	s26 =	sadd.s32 s8, s24;
	[dreg:$0x18] =	wrdreg s21  }
0x25: {  	s17 =	sshrl.u32 s15, $0x3;
	s31 =	sadd.s32 s8, s25;
	[dreg:$0x1b] =	wrdreg s26  }
0x26: {  	s15 =	sadd.s32 $0x16888, s0;
	s13 =	sadd.s32 s7, s25;
	[dreg:$0x1d] =	wrdreg s31  }
0x27: {  	s18 =	sadd.s32 s8, s15;
	[dreg:$0x1e] =	wrdreg s13  }
0x28: {  	s28 =	simm.s32 $0x680;
	s25 =	sadd.s32 s8, s6;
	[smem:$0x7DF] =	sst s18  }
0x29: {  	s29 =	simm.s32 $0xE;
	s9 =	sadd.s32 s17, s6;
	[smem:$0x7E5] =	sst s25  }
0x2a: {  	s14 =	sadd.s32 $0x16880, s0;
	s23 =	sadd.s32 s7, s19;
	[dreg:$0xb] =	wrdreg s9  }
0x2b: {  	p2 =	seq.s32 @!p0 s16, $0xF;
	s17 =	sadd.s32 s8, s14;
	[dreg:$0x1a] =	wrdreg s23  }
0x2c: {  	s10 =	sshrl.u32 s11, $0x3;
	s19 =	sadd.s32 s7, s15;
	[dreg:$0x1f] =	wrdreg s17  }
0x2d: {  	s11 =	smul.u32 $0x50000, s16;
	s15 =	sadd.s32 $0x138800, s2;
	[smem:$0x7E0] =	sst s19  }
0x2e: {  	s13 =	smul.u32 $0x2800, s16;
	s16 =	sadd.s32 $0x13A800, s2;
	[smem:$0x7F0] =	sst s15  }
0x2f: {  	s30 =	simm.s32 $0xC;
	s18 =	sadd.s32 $0x13E800, s2;
	[smem:$0x7F1] =	sst s16  }
0x30: {  	s20 =	sadd.s32 $0x16900, s0;
	s9 =	sadd.s32 s7, s24;
	[smem:$0x7F3] =	sst s18  }
0x31: {  	s21 =	sadd.s32 $0x16908, s0;
	s22 =	sadd.s32 s8, s20;
	[dreg:$0x1c] =	wrdreg s9  }
0x32: {  	p1 =	por !p2, p0;
	s23 =	sadd.s32 s8, s21;
	[smem:$0x7E1] =	sst s22  }
0x33: {  	s26 =	sadd.s32 $0x16980, s0;
	s24 =	sadd.s32 s7, s21;
	[smem:$0x7E3] =	sst s23  }
0x34: {  	p2 =	por p2, p0;
	s8 =	sadd.s32 s8, s26;
	[smem:$0x7E4] =	sst s24  }
0x35: {  	s4 =	sshrl.u32 s4, $0x3;
	s31 =	sadd.s32 s7, s26;
	[smem:$0x7E6] =	sst s8  }
0x36: {  	s4 =	sadd.s32 s4, s0;
	s17 =	sadd.s32 $0x13C800, s2;
	[smem:$0x7E7] =	sst s31  }
0x37: {  	s1 =	simm.s32 $0x3;
	s9 =	sadd.s32 s7, s14;
	[smem:$0x7F2] =	sst s17  }
0x38: {  	s16 =	simm.s32 $0x280;
	s14 =	sadd.s32 $0x5B800, s4;
	[smem:$0x7DE] =	sst s9  }
0x39: {  	s15 =	simm.s32 $0x40;
	s9 =	sadd.s32 s7, s20;
	[smem:$0x7ED] =	sst s14  }
0x3a: {  	s7 =	sadd.s32 s7, s6;
	[smem:$0x7E2] =	sst s9;
	s9 =	sshrl.u32 s12, $0x3  }
0x3b: {  	s18 =	simm.s32 $0x1;
	[smem:$0x7E8] =	sst s7;
	s7 =	sadd.s32 s9, s6  }
0x3c: {  	s12 =	sshrl.u32 s11, $0x2;
	s6 =	sadd.s32 s10, s6;
	[smem:$0x7E9] =	sst s7  }
0x3d: {  	s9 =	sadd.s32 $0x34600, s0;
	s0 =	sadd.s32 $0x59E00, s0;
	[smem:$0x7EA] =	sst s6  }
0x3e: {  	s4 =	simm.s32 $0x400;
	s5 =	sadd.s32 s12, s2;
	[smem:$0x7EC] =	sst s0  }
0x3f: {  	s17 =	simm.s32 $0x580;
	s6 =	sadd.s32 s9, s13;
	[smem:$0x7FC] =	sst s5  }
0x40: {  	s8 =	simm.s32 $0xD;
	s19 =	sadd.s32 $0x2000, s5;
	[smem:$0x7EB] =	sst s6  }
0x41: {  	s14 =	simm.s32 $0x2;
	s20 =	sadd.s32 $0x4000, s5;
	[smem:$0x7F4] =	sst s19  }
0x42: {  	s11 =	simm.s32 $0x480;
	s21 =	sadd.s32 $0x6000, s5;
	[smem:$0x7F5] =	sst s20  }
0x43: {  	s12 =	simm.s32 $0x500;
	s22 =	sadd.s32 $0x8000, s5;
	[smem:$0x7F6] =	sst s21  }
0x44: {  	s10 =	simm.s32 $0x180;
	s23 =	sadd.s32 $0xA000, s5;
	[smem:$0x7F7] =	sst s22  }
0x45: {  	s0 =	sadd.s32 $0x12C000, s2;
	s24 =	sadd.s32 $0xC000, s5;
	[smem:$0x7F8] =	sst s23  }
0x46: {  	s25 =	sadd.s32 $0xE000, s5;
	s26 =	sadd.s32 $0x10000, s5;
	[smem:$0x7F9] =	sst s24  }
0x47: {  	s31 =	sadd.s32 $0x12000, s5;
	s2 =	simm.s32 $0x700;
	[smem:$0x7FA] =	sst s25  }
0x48: {  	s5 =	simm.s32 $0x10;
	s13 =	simm.s32 $0x0;
	[smem:$0x7FB] =	sst s26  }
0x49: {  	s0 =	sshrl.u32 @!p1 s0, $0x3;
	[smem:$0x7FD] =	sst s31;
	s22 =	simm.s32 $0x80  }
0x4a: {  	s6 =	simm.s32 $0x100;
	s21 =	simm.s32 $0x200;
	s19 =	simm.s32 $0x600  }
0x4b: {  	s24 =	simm.s32 $0x300;
	s20 =	simm.s32 $0x9;
	s23 =	simm.s32 $0xA  }
0x4c: {  	v0 =	vimm.f32 $0.0e+00;
	s26 =	simm.s32 $0xB;
	[smem:$0x7EF] =	sst s0;
	s0 =	simm.s32 $0xF  }
.LBB2_1:
0x4d: {  	s7 =	rddreg [dreg:$0xd]  }
0x4e: {  	[tilespmem:s3], [sflag:$0x1] =	stream.linear.gather [hbm4b:s7+s3], $0x40, $0x38;
	[tilespmem:$0x1C800] =	vst v63  }
0x4f: {  	s31 =	rddreg [dreg:$0xe]  }
0x50: {  	[tilespmem:s4], [sflag:$0x1] =	stream.linear.gather [hbm4b:s31+s3], $0x40, $0x38;
	[tilespmem:$0x1C800] =	vst v63  }
0x51: {  	s4 =	sld [smem:$0x7E5]  }
0x52: {  	[smem:$0x7DD] =	sst s13  }
0x53: {  	s13 =	sld [smem:$0x7E8]  }
0x54: {  	[tilespmem:s22], [sflag:$0x2] =	stream.linear.gather [hbm4b:s4+s3], $0x40, $0x38;
	[tilespmem:$0x1C800] =	vst v63  }
0x55: {  	_ = 	snop  }
0x56: {  	[tilespmem:s11], [sflag:$0x2] =	stream.linear.gather [hbm4b:s13+s3], $0x40, $0x38;
	[tilespmem:$0x1C800] =	vst v63  }
0x57: {  	s25 =	rddreg [dreg:$0xf]  }
0x58: {  	[tilespmem:s6], [sflag:$0x3] =	stream.linear.gather [hbm4b:s25+s3], $0x40, $0x38;
	[tilespmem:$0x1C800] =	vst v63  }
0x59: {  	s31 =	rddreg [dreg:$0x10]  }
0x5a: {  	[tilespmem:s12], [sflag:$0x3] =	stream.linear.gather [hbm4b:s31+s3], $0x40, $0x38;
	[tilespmem:$0x1C800] =	vst v63  }
0x5b: {  	s4 =	rddreg [dreg:$0x11]  }
0x5c: {  	[tilespmem:s10], [sflag:$0x4] =	stream.linear.gather [hbm4b:s4+s3], $0x40, $0x38;
	[tilespmem:$0x1C800] =	vst v63  }
0x5d: {  	s11 =	rddreg [dreg:$0x12]  }
0x5e: {  	[tilespmem:s17], [sflag:$0x4] =	stream.linear.gather [hbm4b:s11+s3], $0x40, $0x38;
	[tilespmem:$0x1C800] =	vst v63  }
0x5f: {  	s12 =	rddreg [dreg:$0x13]  }
0x60: {  	[tilespmem:s21], [sflag:$0x5] =	stream.linear.gather [hbm4b:s12+s3], $0x40, $0x38;
	[tilespmem:$0x1C800] =	vst v63  }
0x61: {  	s13 =	rddreg [dreg:$0x14]  }
0x62: {  	[tilespmem:s19], [sflag:$0x5] =	stream.linear.gather [hbm4b:s13+s3], $0x40, $0x38;
	[tilespmem:$0x1C800] =	vst v63  }
0x63: {  	s17 =	rddreg [dreg:$0x15]  }
0x64: {  	[tilespmem:s16], [sflag:$0x6] =	stream.linear.gather [hbm4b:s17+s3], $0x40, $0x38;
	[tilespmem:$0x1C800] =	vst v63  }
0x65: {  	s25 =	sand.u32 $0x7E00, s3;
	s19 =	rddreg [dreg:$0x16]  }
0x66: {  	[tilespmem:s28], [sflag:$0x6] =	stream.linear.gather [hbm4b:s19+s3], $0x40, $0x38;
	[tilespmem:$0x1C800] =	vst v63  }
0x67: {  	s7 =	simm.s32 $0x40;
	s31 =	sshrl.u32 s25, $0x2;
	s21 =	rddreg [dreg:$0x17]  }
0x68: {  	[tilespmem:s24], [sflag:$0x7] =	stream.linear.gather [hbm4b:s21+s3], $0x40, $0x38;
	[tilespmem:$0x1C800] =	vst v63  }
0x69: {  	s10 =	simm.s32 $0x0;
	s28 =	sand.u32 $0x70, s3;
	s24 =	rddreg [dreg:$0x18]  }
0x6a: {  	[tilespmem:s2], [sflag:$0x7] =	stream.linear.gather [hbm4b:s24+s3], $0x40, $0x38;
	[tilespmem:$0x1C800] =	vst v63  }
0x6b: {  	s19 =	simm.s32 $0x300;
	s11 =	sor.u32 s28, s31;
	s2 =	simm.s32 $0x200  }
.LBB2_2:
0x6c: {  	p3 =	sne.s32 s7, $0x7FC0  }
0x6d: {  	[tilespmem:s11+$0x800] =	vst v0;
	s10 =	sadd.s32 $0x10, s10;
	s11 =	smov.u32 s7;
	s7 =	sadd.s32 $0x40, s7  }
.Ltmp0:
0x6e: {  	(pc) =	sbr.rel @p3 .LBB2_2-.Ltmp0, $4  }
0x6f: {  	_ = 	snop  }
0x70: {  	s11 =	sand.u32 $0x7E00, s11  }
0x71: {  	s12 =	sand.u32 $0x70, s10;
	s11 =	sshrl.u32 s11, $0x2  }
0x72: {  	s11 =	sor.u32 s12, s11  }
0x73: {  	[tilespmem:s11+$0x800] =	vst v0  }
0x74: {  	_ =	swait.ge [sflag:s14], $0x40  }
0x75: {  	[sflag:s14] =	ssyncset.done $0x0  }
0x76: {  	[sflag:s14] =	ssyncadd.s32 $0xFFFFFFC0  }
0x77: {  	_ =	swait.ge [sflag:s14], $0x40  }
0x78: {  	[sflag:s14] =	ssyncset.done $0x0  }
0x79: {  	s4 =	simm.s32 $0x2800;
	[sflag:s14] =	ssyncadd.s32 $0xFFFFFFC0  }
0x7a: {  	[tilespmem:s4], [sflag:$0xA] =	stream.indirect.gather [hbm4b:s9+s15], $0x80, s22, s15, $0xb8;
	[tilespmem:$0x1C800] =	vst v63  }
0x7b: {  	_ =	swait.ge [sflag:s1], $0x40  }
0x7c: {  	[sflag:s1] =	ssyncset.done $0x0  }
0x7d: {  	[sflag:s1] =	ssyncadd.s32 $0xFFFFFFC0  }
0x7e: {  	_ =	swait.ge [sflag:s1], $0x40  }
0x7f: {  	[sflag:s1] =	ssyncset.done $0x0  }
0x80: {  	s28 =	simm.s32 $0x4800;
	s11 =	sld [smem:$0x7FC];
	[sflag:s1] =	ssyncadd.s32 $0xFFFFFFC0  }
0x81: {  	[tilespmem:s28], [sflag:$0xB] =	stream.indirect.gather [hbm4b:s9+s15], $0x80, s6, s15, $0xb8;
	[tilespmem:$0x1C800] =	vst v63  }
0x82: {  	s7 =	simm.s32 @p0 $0x800;
	s10 =	simm.s32 @p0 $0x11  }
0x83: {  	[spmem:s11] =	stream.linear.scatter @p0 [tilespmem:s7], [sflag:$0x11], $0x2000, $0x38;
	[tilespmem:$0x1C800] =	vst v63  }
0x84: {  	_ =	swait.ge @p0 [sflag:s10], $0x2000  }
0x85: {  	s12 =	sld [smem:$0x7F4]  }
0x86: {  	[sflag:s10] =	ssyncset.done @p0 $0x0  }
0x87: {  	[sflag:s10] =	ssyncadd.s32 @p0 $0xFFFFE000  }
0x88: {  	[spmem:s12] =	stream.linear.scatter @p0 [tilespmem:s7], [sflag:$0x11], $0x2000, $0x38;
	[tilespmem:$0x1C800] =	vst v63  }
0x89: {  	_ =	swait.ge @p0 [sflag:s10], $0x2000  }
0x8a: {  	s12 =	sld [smem:$0x7F5]  }
0x8b: {  	[sflag:s10] =	ssyncset.done @p0 $0x0  }
0x8c: {  	[sflag:s10] =	ssyncadd.s32 @p0 $0xFFFFE000  }
0x8d: {  	[spmem:s12] =	stream.linear.scatter @p0 [tilespmem:s7], [sflag:$0x11], $0x2000, $0x38;
	[tilespmem:$0x1C800] =	vst v63  }
0x8e: {  	_ =	swait.ge @p0 [sflag:s10], $0x2000  }
0x8f: {  	s12 =	sld [smem:$0x7F6]  }
0x90: {  	[sflag:s10] =	ssyncset.done @p0 $0x0  }
0x91: {  	[sflag:s10] =	ssyncadd.s32 @p0 $0xFFFFE000  }
0x92: {  	[spmem:s12] =	stream.linear.scatter @p0 [tilespmem:s7], [sflag:$0x11], $0x2000, $0x38;
	[tilespmem:$0x1C800] =	vst v63  }
0x93: {  	_ =	swait.ge @p0 [sflag:s10], $0x2000  }
0x94: {  	s12 =	sld [smem:$0x7F7]  }
0x95: {  	[sflag:s10] =	ssyncset.done @p0 $0x0  }
0x96: {  	[sflag:s10] =	ssyncadd.s32 @p0 $0xFFFFE000  }
0x97: {  	[spmem:s12] =	stream.linear.scatter @p0 [tilespmem:s7], [sflag:$0x11], $0x2000, $0x38;
	[tilespmem:$0x1C800] =	vst v63  }
0x98: {  	_ =	swait.ge @p0 [sflag:s10], $0x2000  }
0x99: {  	s12 =	sld [smem:$0x7F8]  }
0x9a: {  	[sflag:s10] =	ssyncset.done @p0 $0x0  }
0x9b: {  	[sflag:s10] =	ssyncadd.s32 @p0 $0xFFFFE000  }
0x9c: {  	[spmem:s12] =	stream.linear.scatter @p0 [tilespmem:s7], [sflag:$0x11], $0x2000, $0x38;
	[tilespmem:$0x1C800] =	vst v63  }
0x9d: {  	_ =	swait.ge @p0 [sflag:s10], $0x2000  }
0x9e: {  	s12 =	sld [smem:$0x7F9]  }
0x9f: {  	[sflag:s10] =	ssyncset.done @p0 $0x0  }
0xa0: {  	[sflag:s10] =	ssyncadd.s32 @p0 $0xFFFFE000  }
0xa1: {  	[spmem:s12] =	stream.linear.scatter @p0 [tilespmem:s7], [sflag:$0x11], $0x2000, $0x38;
	[tilespmem:$0x1C800] =	vst v63  }
0xa2: {  	_ =	swait.ge @p0 [sflag:s10], $0x2000  }
0xa3: {  	s12 =	sld [smem:$0x7FA]  }
0xa4: {  	[sflag:s10] =	ssyncset.done @p0 $0x0  }
0xa5: {  	[sflag:s10] =	ssyncadd.s32 @p0 $0xFFFFE000  }
0xa6: {  	[spmem:s12] =	stream.linear.scatter @p0 [tilespmem:s7], [sflag:$0x11], $0x2000, $0x38;
	[tilespmem:$0x1C800] =	vst v63  }
0xa7: {  	_ =	swait.ge @p0 [sflag:s10], $0x2000  }
0xa8: {  	s12 =	sld [smem:$0x7FB]  }
0xa9: {  	[sflag:s10] =	ssyncset.done @p0 $0x0  }
0xaa: {  	[sflag:s10] =	ssyncadd.s32 @p0 $0xFFFFE000  }
0xab: {  	[spmem:s12] =	stream.linear.scatter @p0 [tilespmem:s7], [sflag:$0x11], $0x2000, $0x38;
	[tilespmem:$0x1C800] =	vst v63  }
0xac: {  	_ =	swait.ge @p0 [sflag:s10], $0x2000  }
0xad: {  	s12 =	sld [smem:$0x7FD]  }
0xae: {  	[sflag:s10] =	ssyncset.done @p0 $0x0  }
0xaf: {  	[sflag:s10] =	ssyncadd.s32 @p0 $0xFFFFE000  }
0xb0: {  	[spmem:s12] =	stream.linear.scatter @p0 [tilespmem:s7], [sflag:$0x11], $0x2000, $0x38;
	[tilespmem:$0x1C800] =	vst v63  }
0xb1: {  	_ =	swait.ge @p0 [sflag:s10], $0x2000  }
0xb2: {  	[sflag:s10] =	ssyncset.done @p0 $0x0;
	s12 =	sld [smem:$0x7EF]  }
0xb3: {  	[sflag:s10] =	ssyncadd.s32 @p0 $0xFFFFE000;
	s10 =	sld [smem:$0x7EC];
	_ =	sdelay $0x1  }
0xb4: {  	s7 =	simm.s32 @!p1 $0x1FD1  }
0xb5: {  	[spmem:s12], [sflag:s7] =	dma.local @!p1 [hbm:s10], $0x1900  }
0xb6: {  	s7 =	simm.s32 @!p1 $0x11  }
0xb7: {  	_ =	swait.ge @!p1 [sflag:s7], $0x1900  }
0xb8: {  	s12 =	sld [smem:$0x7F0]  }
0xb9: {  	[sflag:s7] =	ssyncset.done @!p1 $0x0  }
0xba: {  	s10 =	simm.s32 @!p1 $0x800;
	[sflag:s7] =	ssyncadd.s32 @!p1 $0xFFFFE700  }
0xbb: {  	[spmem:s12] =	stream.linear.scatter @!p1 [tilespmem:s10], [sflag:$0x11], $0x2000, $0x38;
	[tilespmem:$0x1C800] =	vst v63  }
0xbc: {  	_ =	swait.ge @!p1 [sflag:s7], $0x2000  }
0xbd: {  	s12 =	sld [smem:$0x7F1]  }
0xbe: {  	[sflag:s7] =	ssyncset.done @!p1 $0x0  }
0xbf: {  	[sflag:s7] =	ssyncadd.s32 @!p1 $0xFFFFE000  }
0xc0: {  	[spmem:s12] =	stream.linear.scatter @!p1 [tilespmem:s10], [sflag:$0x11], $0x2000, $0x38;
	[tilespmem:$0x1C800] =	vst v63  }
0xc1: {  	_ =	swait.ge @!p1 [sflag:s7], $0x2000  }
0xc2: {  	s12 =	sld [smem:$0x7F2]  }
0xc3: {  	[sflag:s7] =	ssyncset.done @!p1 $0x0  }
0xc4: {  	[sflag:s7] =	ssyncadd.s32 @!p1 $0xFFFFE000  }
0xc5: {  	[spmem:s12] =	stream.linear.scatter @!p1 [tilespmem:s10], [sflag:$0x11], $0x2000, $0x38;
	[tilespmem:$0x1C800] =	vst v63  }
0xc6: {  	_ =	swait.ge @!p1 [sflag:s7], $0x2000  }
0xc7: {  	s12 =	sld [smem:$0x7F3]  }
0xc8: {  	[sflag:s7] =	ssyncset.done @!p1 $0x0  }
0xc9: {  	[sflag:s7] =	ssyncadd.s32 @!p1 $0xFFFFE000  }
0xca: {  	[spmem:s12] =	stream.linear.scatter @!p1 [tilespmem:s10], [sflag:$0x11], $0x1800, $0x38;
	[tilespmem:$0x1C800] =	vst v63  }
0xcb: {  	_ =	swait.ge @!p1 [sflag:s7], $0x1800  }
0xcc: {  	s10 =	stileid.u32;
	[sflag:s7] =	ssyncset.done @!p1 $0x0  }
0xcd: {  	s10 =	sshll.u32 @!p2 s10, $0x6;
	[sflag:s7] =	ssyncadd.s32 @!p1 $0xFFFFE800  }
0xce: {  	s7 =	sor.u32 @!p2 $0x1C11, s10;
	s10 =	sshrl.u32 @!p2 s11, $0x3;
	s11 =	sld [smem:$0x7EB]  }
0xcf: {  	_ =	sdelay $0x1  }
0xd0: {  	[spmem:s10], [sflag:s7] =	dma.local @!p2 [hbm:s11], $0x2800  }
0xd1: {  	s7 =	simm.s32 @!p2 $0x11  }
0xd2: {  	_ =	swait.ge @!p2 [sflag:s7], $0x2800  }
0xd3: {  	[sflag:s7] =	ssyncset.done @!p2 $0x0  }
0xd4: {  	[sflag:s7] =	ssyncadd.s32 @!p2 $0xFFFFD800  }
0xd5: {  	_ =	swait.ge [sflag:s18], $0x40  }
0xd6: {  	[sflag:s18] =	ssyncset.done $0x0  }
0xd7: {  	[sflag:s18] =	ssyncadd.s32 $0xFFFFFFC0  }
0xd8: {  	_ =	swait.ge [sflag:s18], $0x40  }
0xd9: {  	[sflag:s18] =	ssyncset.done $0x0  }
0xda: {  	s12 =	simm.s32 $0x800;
	s7 =	simm.s32 $0x0;
	[sflag:s18] =	ssyncadd.s32 $0xFFFFFFC0  }
0xdb: {  	[tilespmem:s12], [sflag:$0x9] =	stream.indirect.gather [hbm4b:s9+s15], $0x80, s7, s15, $0xb8;
	[tilespmem:$0x1C800] =	vst v63  }
0xdc: {  	[bflag:$0x0] =	sbarrier.arrive $0xFFFF  }
0xdd: {  	_ =	swait.ge [sflag:s20], $0x2000  }
0xde: {  	[sflag:s20] =	ssyncset.done $0x0  }
0xdf: {  	[sflag:s20] =	ssyncadd.s32 $0xFFFFE000  }
0xe0: {  	s31 =	simm.s32 $0x400;
	s6 =	rddreg [dreg:$0x1]  }
0xe1: {  	[spmem:s6] =	stream.indirect.scatter.add.f32 [tilespmem:s12], [sflag:$0xD], $0x80, s31, s15, $0xb8;
	[tilespmem:$0x1C800] =	vst v63  }
0xe2: {  	s16 =	simm.s32 $0x380;
	s4 =	rddreg [dreg:$0x19]  }
0xe3: {  	[tilespmem:s16], [sflag:$0x8] =	stream.linear.gather [hbm4b:s4+s7], $0x40, $0x38;
	[tilespmem:$0x1C800] =	vst v63  }
0xe4: {  	s21 =	simm.s32 $0x780;
	s17 =	rddreg [dreg:$0x1a];
	s4 =	simm.s32 $0x4  }
0xe5: {  	[tilespmem:s21], [sflag:$0x8] =	stream.linear.gather [hbm4b:s17+s7], $0x40, $0x38;
	[tilespmem:$0x1C800] =	vst v63  }
0xe6: {  	_ =	swait.ge [sflag:s4], $0x40  }
0xe7: {  	[sflag:s4] =	ssyncset.done $0x0  }
0xe8: {  	[sflag:s4] =	ssyncadd.s32 $0xFFFFFFC0  }
0xe9: {  	_ =	swait.ge [sflag:s4], $0x40  }
0xea: {  	[sflag:s4] =	ssyncset.done $0x0  }
0xeb: {  	s22 =	simm.s32 $0x180;
	s16 =	simm.s32 $0x6800;
	[sflag:s4] =	ssyncadd.s32 $0xFFFFFFC0  }
0xec: {  	[tilespmem:s16], [sflag:$0xC] =	stream.indirect.gather [hbm4b:s9+s15], $0x80, s22, s15, $0xb8;
	[tilespmem:$0x1C800] =	vst v63  }
0xed: {  	_ =	swait.ge [sflag:s23], $0x2000  }
0xee: {  	[sflag:s23] =	ssyncset.done $0x0  }
0xef: {  	s25 =	simm.s32 $0x480;
	s17 =	simm.s32 $0x2800;
	[sflag:s23] =	ssyncadd.s32 $0xFFFFE000  }
0xf0: {  	[spmem:s6] =	stream.indirect.scatter.add.f32 [tilespmem:s17], [sflag:$0xE], $0x80, s25, s15, $0xb8;
	[tilespmem:$0x1C800] =	vst v63  }
0xf1: {  	_ =	swait.ge [sflag:s8], $0x2000  }
0xf2: {  	[sflag:s8] =	ssyncset.done $0x0  }
0xf3: {  	s28 =	rddreg [dreg:$0x1b];
	[sflag:s8] =	ssyncadd.s32 $0xFFFFE000  }
0xf4: {  	[tilespmem:s7], [sflag:$0x1] =	stream.linear.gather [hbm4b:s28+s7], $0x40, $0x38;
	[tilespmem:$0x1C800] =	vst v63  }
0xf5: {  	s11 =	simm.s32 $0x400;
	s31 =	rddreg [dreg:$0x1c]  }
0xf6: {  	[tilespmem:s11], [sflag:$0x1] =	stream.linear.gather [hbm4b:s31+s7], $0x40, $0x38;
	[tilespmem:$0x1C800] =	vst v63  }
0xf7: {  	s31 =	simm.s32 $0x5  }
0xf8: {  	_ =	swait.ge [sflag:s31], $0x40  }
0xf9: {  	[sflag:s31] =	ssyncset.done $0x0  }
0xfa: {  	[sflag:s31] =	ssyncadd.s32 $0xFFFFFFC0  }
0xfb: {  	_ =	swait.ge [sflag:s31], $0x40  }
0xfc: {  	[sflag:s31] =	ssyncset.done $0x0  }
0xfd: {  	[sflag:s31] =	ssyncadd.s32 $0xFFFFFFC0  }
0xfe: {  	[tilespmem:s12], [sflag:$0x9] =	stream.indirect.gather [hbm4b:s9+s15], $0x80, s2, s15, $0xb8;
	[tilespmem:$0x1C800] =	vst v63  }
0xff: {  	_ =	swait.ge [sflag:s26], $0x2000  }
0x100: {  	[sflag:s26] =	ssyncset.done $0x0  }
0x101: {  	s10 =	simm.s32 $0x500;
	s11 =	simm.s32 $0x4800;
	[sflag:s26] =	ssyncadd.s32 $0xFFFFE000  }
0x102: {  	[spmem:s6] =	stream.indirect.scatter.add.f32 [tilespmem:s11], [sflag:$0xF], $0x80, s10, s15, $0xb8;
	[tilespmem:$0x1C800] =	vst v63  }
0x103: {  	_ =	swait.ge [sflag:s29], $0x2000  }
0x104: {  	[sflag:s29] =	ssyncset.done $0x0  }
0x105: {  	s24 =	simm.s32 $0x80;
	s25 =	rddreg [dreg:$0x1d];
	[sflag:s29] =	ssyncadd.s32 $0xFFFFE000  }
0x106: {  	[tilespmem:s24], [sflag:$0x2] =	stream.linear.gather [hbm4b:s25+s7], $0x40, $0x38;
	[tilespmem:$0x1C800] =	vst v63  }
0x107: {  	s21 =	simm.s32 $0x480;
	s2 =	rddreg [dreg:$0x1e];
	s25 =	simm.s32 $0x6  }
0x108: {  	[tilespmem:s21], [sflag:$0x2] =	stream.linear.gather [hbm4b:s2+s7], $0x40, $0x38;
	[tilespmem:$0x1C800] =	vst v63  }
0x109: {  	_ =	swait.ge [sflag:s25], $0x40  }
0x10a: {  	[sflag:s25] =	ssyncset.done $0x0  }
0x10b: {  	[sflag:s25] =	ssyncadd.s32 $0xFFFFFFC0  }
0x10c: {  	_ =	swait.ge [sflag:s25], $0x40  }
0x10d: {  	[sflag:s25] =	ssyncset.done $0x0  }
0x10e: {  	s10 =	simm.s32 $0x280;
	[sflag:s25] =	ssyncadd.s32 $0xFFFFFFC0  }
0x10f: {  	[tilespmem:s17], [sflag:$0xA] =	stream.indirect.gather [hbm4b:s9+s15], $0x80, s10, s15, $0xb8;
	[tilespmem:$0x1C800] =	vst v63  }
0x110: {  	_ =	swait.ge [sflag:s30], $0x2000  }
0x111: {  	[sflag:s30] =	ssyncset.done $0x0  }
0x112: {  	s21 =	simm.s32 $0x580;
	[sflag:s30] =	ssyncadd.s32 $0xFFFFE000  }
0x113: {  	[spmem:s6] =	stream.indirect.scatter.add.f32 [tilespmem:s16], [sflag:$0x10], $0x80, s21, s15, $0xb8;
	[tilespmem:$0x1C800] =	vst v63  }
0x114: {  	_ =	swait.ge [sflag:s0], $0x2000  }
0x115: {  	[sflag:s0] =	ssyncset.done $0x0  }
0x116: {  	s13 =	simm.s32 $0x100;
	s2 =	rddreg [dreg:$0x1f];
	[sflag:s0] =	ssyncadd.s32 $0xFFFFE000  }
0x117: {  	[tilespmem:s13], [sflag:$0x3] =	stream.linear.gather [hbm4b:s2+s7], $0x40, $0x38;
	[tilespmem:$0x1C800] =	vst v63  }
0x118: {  	s2 =	sld [smem:$0x7DE];
	_ =	sdelay $0x1  }
0x119: {  	s28 =	simm.s32 $0x500  }
0x11a: {  	[tilespmem:s28], [sflag:$0x3] =	stream.linear.gather [hbm4b:s2+s7], $0x40, $0x38;
	[tilespmem:$0x1C800] =	vst v63  }
0x11b: {  	s2 =	simm.s32 $0x7  }
0x11c: {  	_ =	swait.ge [sflag:s2], $0x40  }
0x11d: {  	[sflag:s2] =	ssyncset.done $0x0  }
0x11e: {  	[sflag:s2] =	ssyncadd.s32 $0xFFFFFFC0  }
0x11f: {  	_ =	swait.ge [sflag:s2], $0x40  }
0x120: {  	[sflag:s2] =	ssyncset.done $0x0  }
0x121: {  	[sflag:s2] =	ssyncadd.s32 $0xFFFFFFC0  }
0x122: {  	[tilespmem:s11], [sflag:$0xB] =	stream.indirect.gather [hbm4b:s9+s15], $0x80, s19, s15, $0xb8;
	[tilespmem:$0x1C800] =	vst v63  }
0x123: {  	_ =	swait.ge [sflag:s20], $0x2000  }
0x124: {  	[sflag:s20] =	ssyncset.done $0x0  }
0x125: {  	s13 =	simm.s32 $0x600;
	[sflag:s20] =	ssyncadd.s32 $0xFFFFE000  }
0x126: {  	[spmem:s6] =	stream.indirect.scatter.add.f32 [tilespmem:s12], [sflag:$0xD], $0x80, s13, s15, $0xb8;
	[tilespmem:$0x1C800] =	vst v63  }
0x127: {  	_ =	swait.ge [sflag:s5], $0x2000  }
0x128: {  	s11 =	sld [smem:$0x7DF]  }
0x129: {  	[sflag:s5] =	ssyncset.done $0x0  }
0x12a: {  	s22 =	simm.s32 $0x180;
	[sflag:s5] =	ssyncadd.s32 $0xFFFFE000  }
0x12b: {  	[tilespmem:s22], [sflag:$0x4] =	stream.linear.gather [hbm4b:s11+s7], $0x40, $0x38;
	[tilespmem:$0x1C800] =	vst v63  }
0x12c: {  	s11 =	sld [smem:$0x7E0];
	_ =	sdelay $0x1  }
0x12d: {  	s21 =	simm.s32 $0x580;
	s22 =	simm.s32 $0x8  }
0x12e: {  	[tilespmem:s21], [sflag:$0x4] =	stream.linear.gather [hbm4b:s11+s7], $0x40, $0x38;
	[tilespmem:$0x1C800] =	vst v63  }
0x12f: {  	_ =	swait.ge [sflag:s22], $0x40  }
0x130: {  	[sflag:s22] =	ssyncset.done $0x0  }
0x131: {  	[sflag:s22] =	ssyncadd.s32 $0xFFFFFFC0  }
0x132: {  	_ =	swait.ge [sflag:s22], $0x40  }
0x133: {  	[sflag:s22] =	ssyncset.done $0x0  }
0x134: {  	s21 =	simm.s32 $0x380;
	[sflag:s22] =	ssyncadd.s32 $0xFFFFFFC0  }
0x135: {  	[tilespmem:s16], [sflag:$0xC] =	stream.indirect.gather [hbm4b:s9+s15], $0x80, s21, s15, $0xb8;
	[tilespmem:$0x1C800] =	vst v63  }
0x136: {  	_ =	swait.ge [sflag:s23], $0x2000  }
0x137: {  	[sflag:s23] =	ssyncset.done $0x0  }
0x138: {  	s24 =	simm.s32 $0x2800;
	s11 =	simm.s32 $0x680;
	[sflag:s23] =	ssyncadd.s32 $0xFFFFE000  }
0x139: {  	[spmem:s6] =	stream.indirect.scatter.add.f32 [tilespmem:s24], [sflag:$0xE], $0x80, s11, s15, $0xb8;
	[tilespmem:$0x1C800] =	vst v63  }
0x13a: {  	_ =	swait.ge [sflag:s8], $0x2000  }
0x13b: {  	s10 =	sld [smem:$0x7E1]  }
0x13c: {  	[sflag:s8] =	ssyncset.done $0x0  }
0x13d: {  	s17 =	simm.s32 $0x200;
	[sflag:s8] =	ssyncadd.s32 $0xFFFFE000  }
0x13e: {  	[tilespmem:s17], [sflag:$0x5] =	stream.linear.gather [hbm4b:s10+s7], $0x40, $0x38;
	[tilespmem:$0x1C800] =	vst v63  }
0x13f: {  	s17 =	sld [smem:$0x7E2];
	_ =	sdelay $0x1  }
0x140: {  	s13 =	simm.s32 $0x600  }
0x141: {  	[tilespmem:s13], [sflag:$0x5] =	stream.linear.gather [hbm4b:s17+s7], $0x40, $0x38;
	[tilespmem:$0x1C800] =	vst v63  }
0x142: {  	_ =	swait.ge [sflag:s18], $0x40  }
0x143: {  	[sflag:s18] =	ssyncset.done $0x0  }
0x144: {  	[sflag:s18] =	ssyncadd.s32 $0xFFFFFFC0  }
0x145: {  	_ =	swait.ge [sflag:s18], $0x40  }
0x146: {  	[sflag:s18] =	ssyncset.done $0x0  }
0x147: {  	[sflag:s18] =	ssyncadd.s32 $0xFFFFFFC0  }
0x148: {  	[tilespmem:s12], [sflag:$0x9] =	stream.indirect.gather [hbm4b:s9+s15], $0x80, s7, s15, $0xb8;
	[tilespmem:$0x1C800] =	vst v63  }
0x149: {  	_ =	swait.ge [sflag:s26], $0x2000  }
0x14a: {  	[sflag:s26] =	ssyncset.done $0x0  }
0x14b: {  	s28 =	simm.s32 $0x4800;
	s17 =	simm.s32 $0x700;
	[sflag:s26] =	ssyncadd.s32 $0xFFFFE000  }
0x14c: {  	[spmem:s6] =	stream.indirect.scatter.add.f32 [tilespmem:s28], [sflag:$0xF], $0x80, s17, s15, $0xb8;
	[tilespmem:$0x1C800] =	vst v63  }
0x14d: {  	_ =	swait.ge [sflag:s29], $0x2000  }
0x14e: {  	s13 =	sld [smem:$0x7E3]  }
0x14f: {  	[sflag:s29] =	ssyncset.done $0x0  }
0x150: {  	s19 =	simm.s32 $0x280;
	[sflag:s29] =	ssyncadd.s32 $0xFFFFE000  }
0x151: {  	[tilespmem:s19], [sflag:$0x6] =	stream.linear.gather [hbm4b:s13+s7], $0x40, $0x38;
	[tilespmem:$0x1C800] =	vst v63  }
0x152: {  	s19 =	sld [smem:$0x7E4];
	_ =	sdelay $0x1  }
0x153: {  	s11 =	simm.s32 $0x680  }
0x154: {  	[tilespmem:s11], [sflag:$0x6] =	stream.linear.gather [hbm4b:s19+s7], $0x40, $0x38;
	[tilespmem:$0x1C800] =	vst v63  }
0x155: {  	_ =	swait.ge [sflag:s14], $0x40  }
0x156: {  	[sflag:s14] =	ssyncset.done $0x0  }
0x157: {  	[sflag:s14] =	ssyncadd.s32 $0xFFFFFFC0  }
0x158: {  	_ =	swait.ge [sflag:s14], $0x40  }
0x159: {  	[sflag:s14] =	ssyncset.done $0x0  }
0x15a: {  	s13 =	simm.s32 $0x80;
	[sflag:s14] =	ssyncadd.s32 $0xFFFFFFC0  }
0x15b: {  	[tilespmem:s24], [sflag:$0xA] =	stream.indirect.gather [hbm4b:s9+s15], $0x80, s13, s15, $0xb8;
	[tilespmem:$0x1C800] =	vst v63  }
0x15c: {  	_ =	swait.ge [sflag:s30], $0x2000  }
0x15d: {  	[sflag:s30] =	ssyncset.done $0x0  }
0x15e: {  	s11 =	simm.s32 $0x780;
	[sflag:s30] =	ssyncadd.s32 $0xFFFFE000  }
0x15f: {  	[spmem:s6] =	stream.indirect.scatter.add.f32 [tilespmem:s16], [sflag:$0x10], $0x80, s11, s15, $0xb8;
	[tilespmem:$0x1C800] =	vst v63  }
0x160: {  	_ =	swait.ge [sflag:s0], $0x2000  }
0x161: {  	s19 =	sld [smem:$0x7E6]  }
0x162: {  	[sflag:s0] =	ssyncset.done $0x0  }
0x163: {  	s21 =	simm.s32 $0x300;
	[sflag:s0] =	ssyncadd.s32 $0xFFFFE000  }
0x164: {  	[tilespmem:s21], [sflag:$0x7] =	stream.linear.gather [hbm4b:s19+s7], $0x40, $0x38;
	[tilespmem:$0x1C800] =	vst v63  }
0x165: {  	s21 =	sld [smem:$0x7E7];
	_ =	sdelay $0x2  }
0x166: {  	[tilespmem:s17], [sflag:$0x7] =	stream.linear.gather [hbm4b:s21+s7], $0x40, $0x38;
	[tilespmem:$0x1C800] =	vst v63  }
0x167: {  	_ =	swait.ge [sflag:s1], $0x40  }
0x168: {  	[sflag:s1] =	ssyncset.done $0x0  }
0x169: {  	[sflag:s1] =	ssyncadd.s32 $0xFFFFFFC0  }
0x16a: {  	_ =	swait.ge [sflag:s1], $0x40  }
0x16b: {  	[sflag:s1] =	ssyncset.done $0x0  }
0x16c: {  	s10 =	simm.s32 $0x100;
	[sflag:s1] =	ssyncadd.s32 $0xFFFFFFC0  }
0x16d: {  	[tilespmem:s28], [sflag:$0xB] =	stream.indirect.gather [hbm4b:s9+s15], $0x80, s10, s15, $0xb8;
	[tilespmem:$0x1C800] =	vst v63  }
0x16e: {  	_ =	swait.ge [sflag:s20], $0x2000  }
0x16f: {  	[sflag:s20] =	ssyncset.done $0x0  }
0x170: {  	s21 =	simm.s32 $0x400;
	[sflag:s20] =	ssyncadd.s32 $0xFFFFE000  }
0x171: {  	[spmem:s6] =	stream.indirect.scatter.add.f32 [tilespmem:s12], [sflag:$0xD], $0x80, s21, s15, $0xb8;
	[tilespmem:$0x1C800] =	vst v63  }
0x172: {  	_ =	swait.ge [sflag:s5], $0x2000  }
0x173: {  	s13 =	rddreg [dreg:$0xc]  }
0x174: {  	[sflag:s5] =	ssyncset.done $0x0;
	s10 =	rddreg [dreg:$0xb]  }
0x175: {  	[sflag:s5] =	ssyncadd.s32 $0xFFFFE000;
	s7 =	sadd.s32 $0x0, s13;
	s13 =	simm.s32 $0x380  }
0x176: {  	[tilespmem:s13], [sflag:$0x8] =	stream.linear.gather [hbm4b:s7+s3], $0x40, $0x38;
	[tilespmem:$0x1C800] =	vst v63  }
0x177: {  	s13 =	sadd.s32 $0x0, s10  }
0x178: {  	[tilespmem:s11], [sflag:$0x8] =	stream.linear.gather [hbm4b:s13+s3], $0x40, $0x38;
	[tilespmem:$0x1C800] =	vst v63  }
0x179: {  	_ =	swait.ge [sflag:s4], $0x40  }
0x17a: {  	[sflag:s4] =	ssyncset.done $0x0  }
0x17b: {  	[sflag:s4] =	ssyncadd.s32 $0xFFFFFFC0  }
0x17c: {  	_ =	swait.ge [sflag:s4], $0x40  }
0x17d: {  	[sflag:s4] =	ssyncset.done $0x0  }
0x17e: {  	s13 =	simm.s32 $0x180;
	[sflag:s4] =	ssyncadd.s32 $0xFFFFFFC0  }
0x17f: {  	[tilespmem:s16], [sflag:$0xC] =	stream.indirect.gather [hbm4b:s9+s15], $0x80, s13, s15, $0xb8;
	[tilespmem:$0x1C800] =	vst v63  }
0x180: {  	_ =	swait.ge [sflag:s23], $0x2000  }
0x181: {  	[sflag:s23] =	ssyncset.done $0x0  }
0x182: {  	s4 =	simm.s32 $0x480;
	[sflag:s23] =	ssyncadd.s32 $0xFFFFE000  }
0x183: {  	[spmem:s6] =	stream.indirect.scatter.add.f32 [tilespmem:s24], [sflag:$0xE], $0x80, s4, s15, $0xb8;
	[tilespmem:$0x1C800] =	vst v63  }
0x184: {  	_ =	swait.ge [sflag:s8], $0x2000  }
0x185: {  	s10 =	rddreg [dreg:$0xa];
	[sflag:s8] =	ssyncset.done $0x0  }
0x186: {  	s11 =	rddreg [dreg:$0x9];
	[sflag:s8] =	ssyncadd.s32 $0xFFFFE000;
	s7 =	sadd.s32 $0x0, s10  }
0x187: {  	[tilespmem:s3], [sflag:$0x1] =	stream.linear.gather [hbm4b:s7+s3], $0x40, $0x38;
	[tilespmem:$0x1C800] =	vst v63  }
0x188: {  	s10 =	sadd.s32 $0x0, s11  }
0x189: {  	[tilespmem:s21], [sflag:$0x1] =	stream.linear.gather [hbm4b:s10+s3], $0x40, $0x38;
	[tilespmem:$0x1C800] =	vst v63  }
0x18a: {  	_ =	swait.ge [sflag:s31], $0x40  }
0x18b: {  	[sflag:s31] =	ssyncset.done $0x0  }
0x18c: {  	[sflag:s31] =	ssyncadd.s32 $0xFFFFFFC0  }
0x18d: {  	_ =	swait.ge [sflag:s31], $0x40  }
0x18e: {  	[sflag:s31] =	ssyncset.done $0x0  }
0x18f: {  	s21 =	simm.s32 $0x200;
	[sflag:s31] =	ssyncadd.s32 $0xFFFFFFC0  }
0x190: {  	[tilespmem:s12], [sflag:$0x9] =	stream.indirect.gather [hbm4b:s9+s15], $0x80, s21, s15, $0xb8;
	[tilespmem:$0x1C800] =	vst v63  }
0x191: {  	_ =	swait.ge [sflag:s26], $0x2000  }
0x192: {  	[sflag:s26] =	ssyncset.done $0x0  }
0x193: {  	s11 =	simm.s32 $0x500;
	[sflag:s26] =	ssyncadd.s32 $0xFFFFE000  }
0x194: {  	[spmem:s6] =	stream.indirect.scatter.add.f32 [tilespmem:s28], [sflag:$0xF], $0x80, s11, s15, $0xb8;
	[tilespmem:$0x1C800] =	vst v63  }
0x195: {  	_ =	swait.ge [sflag:s29], $0x2000  }
0x196: {  	[sflag:s29] =	ssyncset.done $0x0  }
0x197: {  	s7 =	sadd.s32 $0x8, s7;
	s31 =	simm.s32 $0x80;
	[sflag:s29] =	ssyncadd.s32 $0xFFFFE000  }
0x198: {  	[tilespmem:s31], [sflag:$0x2] =	stream.linear.gather [hbm4b:s7+s3], $0x40, $0x38;
	[tilespmem:$0x1C800] =	vst v63  }
0x199: {  	s10 =	sadd.s32 $0x8, s10  }
0x19a: {  	[tilespmem:s4], [sflag:$0x2] =	stream.linear.gather [hbm4b:s10+s3], $0x40, $0x38;
	[tilespmem:$0x1C800] =	vst v63  }
0x19b: {  	_ =	swait.ge [sflag:s25], $0x40  }
0x19c: {  	[sflag:s25] =	ssyncset.done $0x0  }
0x19d: {  	[sflag:s25] =	ssyncadd.s32 $0xFFFFFFC0  }
0x19e: {  	_ =	swait.ge [sflag:s25], $0x40  }
0x19f: {  	[sflag:s25] =	ssyncset.done $0x0  }
0x1a0: {  	[sflag:s25] =	ssyncadd.s32 $0xFFFFFFC0;
	s25 =	simm.s32 $0x280  }
0x1a1: {  	[tilespmem:s24], [sflag:$0xA] =	stream.indirect.gather [hbm4b:s9+s15], $0x80, s25, s15, $0xb8;
	[tilespmem:$0x1C800] =	vst v63  }
0x1a2: {  	_ =	swait.ge [sflag:s30], $0x2000  }
0x1a3: {  	[sflag:s30] =	ssyncset.done $0x0  }
0x1a4: {  	s24 =	simm.s32 $0x580;
	[sflag:s30] =	ssyncadd.s32 $0xFFFFE000  }
0x1a5: {  	[spmem:s6] =	stream.indirect.scatter.add.f32 [tilespmem:s16], [sflag:$0x10], $0x80, s24, s15, $0xb8;
	[tilespmem:$0x1C800] =	vst v63  }
0x1a6: {  	_ =	swait.ge [sflag:s0], $0x2000  }
0x1a7: {  	s19 =	simm.s32 $0x100;
	s10 =	rddreg [dreg:$0x8];
	[sflag:s0] =	ssyncset.done $0x0  }
0x1a8: {  	s4 =	rddreg [dreg:$0x7];
	[sflag:s0] =	ssyncadd.s32 $0xFFFFE000;
	s7 =	sadd.s32 $0x0, s10  }
0x1a9: {  	[tilespmem:s19], [sflag:$0x3] =	stream.linear.gather [hbm4b:s7+s3], $0x40, $0x38;
	[tilespmem:$0x1C800] =	vst v63  }
0x1aa: {  	s10 =	sadd.s32 $0x0, s4  }
0x1ab: {  	[tilespmem:s11], [sflag:$0x3] =	stream.linear.gather [hbm4b:s10+s3], $0x40, $0x38;
	[tilespmem:$0x1C800] =	vst v63  }
0x1ac: {  	_ =	swait.ge [sflag:s2], $0x40  }
0x1ad: {  	[sflag:s2] =	ssyncset.done $0x0  }
0x1ae: {  	[sflag:s2] =	ssyncadd.s32 $0xFFFFFFC0  }
0x1af: {  	_ =	swait.ge [sflag:s2], $0x40  }
0x1b0: {  	[sflag:s2] =	ssyncset.done $0x0  }
0x1b1: {  	s19 =	simm.s32 $0x300;
	[sflag:s2] =	ssyncadd.s32 $0xFFFFFFC0  }
0x1b2: {  	[tilespmem:s28], [sflag:$0xB] =	stream.indirect.gather [hbm4b:s9+s15], $0x80, s19, s15, $0xb8;
	[tilespmem:$0x1C800] =	vst v63  }
0x1b3: {  	_ =	swait.ge [sflag:s20], $0x2000  }
0x1b4: {  	[sflag:s20] =	ssyncset.done $0x0  }
0x1b5: {  	s4 =	simm.s32 $0x600;
	[sflag:s20] =	ssyncadd.s32 $0xFFFFE000  }
0x1b6: {  	[spmem:s6] =	stream.indirect.scatter.add.f32 [tilespmem:s12], [sflag:$0xD], $0x80, s4, s15, $0xb8;
	[tilespmem:$0x1C800] =	vst v63  }
0x1b7: {  	_ =	swait.ge [sflag:s5], $0x2000  }
0x1b8: {  	[sflag:s5] =	ssyncset.done $0x0  }
0x1b9: {  	s7 =	sadd.s32 $0x8, s7;
	[sflag:s5] =	ssyncadd.s32 $0xFFFFE000  }
0x1ba: {  	[tilespmem:s13], [sflag:$0x4] =	stream.linear.gather [hbm4b:s7+s3], $0x40, $0x38;
	[tilespmem:$0x1C800] =	vst v63  }
0x1bb: {  	s10 =	sadd.s32 $0x8, s10  }
0x1bc: {  	[tilespmem:s24], [sflag:$0x4] =	stream.linear.gather [hbm4b:s10+s3], $0x40, $0x38;
	[tilespmem:$0x1C800] =	vst v63  }
0x1bd: {  	_ =	swait.ge [sflag:s22], $0x40  }
0x1be: {  	[sflag:s22] =	ssyncset.done $0x0  }
0x1bf: {  	[sflag:s22] =	ssyncadd.s32 $0xFFFFFFC0  }
0x1c0: {  	_ =	swait.ge [sflag:s22], $0x40  }
0x1c1: {  	[sflag:s22] =	ssyncset.done $0x0  }
0x1c2: {  	s13 =	simm.s32 $0x380;
	[sflag:s22] =	ssyncadd.s32 $0xFFFFFFC0  }
0x1c3: {  	[tilespmem:s16], [sflag:$0xC] =	stream.indirect.gather [hbm4b:s9+s15], $0x80, s13, s15, $0xb8;
	[tilespmem:$0x1C800] =	vst v63  }
0x1c4: {  	_ =	swait.ge [sflag:s23], $0x2000  }
0x1c5: {  	[sflag:s23] =	ssyncset.done $0x0  }
0x1c6: {  	s20 =	simm.s32 $0x2800;
	s22 =	simm.s32 $0x680;
	[sflag:s23] =	ssyncadd.s32 $0xFFFFE000  }
0x1c7: {  	[spmem:s6] =	stream.indirect.scatter.add.f32 [tilespmem:s20], [sflag:$0xE], $0x80, s22, s15, $0xb8;
	[tilespmem:$0x1C800] =	vst v63  }
0x1c8: {  	_ =	swait.ge [sflag:s8], $0x2000  }
0x1c9: {  	s23 =	rddreg [dreg:$0x6];
	[sflag:s8] =	ssyncset.done $0x0  }
0x1ca: {  	s24 =	rddreg [dreg:$0x5];
	[sflag:s8] =	ssyncadd.s32 $0xFFFFE000;
	s7 =	sadd.s32 $0x0, s23  }
0x1cb: {  	[tilespmem:s21], [sflag:$0x5] =	stream.linear.gather [hbm4b:s7+s3], $0x40, $0x38;
	[tilespmem:$0x1C800] =	vst v63  }
0x1cc: {  	s10 =	sadd.s32 $0x0, s24  }
0x1cd: {  	[tilespmem:s4], [sflag:$0x5] =	stream.linear.gather [hbm4b:s10+s3], $0x40, $0x38;
	[tilespmem:$0x1C800] =	vst v63  }
0x1ce: {  	_ =	swait.ge [sflag:s18], $0x40  }
0x1cf: {  	[sflag:s18] =	ssyncset.done $0x0  }
0x1d0: {  	[sflag:s18] =	ssyncadd.s32 $0xFFFFFFC0  }
0x1d1: {  	_ =	swait.ge [sflag:s18], $0x40  }
0x1d2: {  	[sflag:s18] =	ssyncset.done $0x0  }
0x1d3: {  	[sflag:s18] =	ssyncadd.s32 $0xFFFFFFC0  }
0x1d4: {  	[tilespmem:s12], [sflag:$0x9] =	stream.indirect.gather [hbm4b:s9+s15], $0x80, s3, s15, $0xb8;
	[tilespmem:$0x1C800] =	vst v63  }
0x1d5: {  	_ =	swait.ge [sflag:s26], $0x2000  }
0x1d6: {  	[sflag:s26] =	ssyncset.done $0x0  }
0x1d7: {  	[sflag:s26] =	ssyncadd.s32 $0xFFFFE000  }
0x1d8: {  	[spmem:s6] =	stream.indirect.scatter.add.f32 [tilespmem:s28], [sflag:$0xF], $0x80, s17, s15, $0xb8;
	[tilespmem:$0x1C800] =	vst v63  }
0x1d9: {  	_ =	swait.ge [sflag:s29], $0x2000  }
0x1da: {  	[sflag:s29] =	ssyncset.done $0x0  }
0x1db: {  	s7 =	sadd.s32 $0x8, s7;
	[sflag:s29] =	ssyncadd.s32 $0xFFFFE000  }
0x1dc: {  	[tilespmem:s25], [sflag:$0x6] =	stream.linear.gather [hbm4b:s7+s3], $0x40, $0x38;
	[tilespmem:$0x1C800] =	vst v63  }
0x1dd: {  	s26 =	sadd.s32 $0x8, s10  }
0x1de: {  	[tilespmem:s22], [sflag:$0x6] =	stream.linear.gather [hbm4b:s26+s3], $0x40, $0x38;
	[tilespmem:$0x1C800] =	vst v63  }
0x1df: {  	_ =	swait.ge [sflag:s14], $0x40  }
0x1e0: {  	[sflag:s14] =	ssyncset.done $0x0  }
0x1e1: {  	[sflag:s14] =	ssyncadd.s32 $0xFFFFFFC0  }
0x1e2: {  	_ =	swait.ge [sflag:s14], $0x40  }
0x1e3: {  	[sflag:s14] =	ssyncset.done $0x0  }
0x1e4: {  	[sflag:s14] =	ssyncadd.s32 $0xFFFFFFC0  }
0x1e5: {  	[tilespmem:s20], [sflag:$0xA] =	stream.indirect.gather [hbm4b:s9+s15], $0x80, s31, s15, $0xb8;
	[tilespmem:$0x1C800] =	vst v63  }
0x1e6: {  	_ =	swait.ge [sflag:s30], $0x2000  }
0x1e7: {  	[sflag:s30] =	ssyncset.done $0x0  }
0x1e8: {  	s28 =	simm.s32 $0x780;
	[sflag:s30] =	ssyncadd.s32 $0xFFFFE000  }
0x1e9: {  	[spmem:s6] =	stream.indirect.scatter.add.f32 [tilespmem:s16], [sflag:$0x10], $0x80, s28, s15, $0xb8;
	[tilespmem:$0x1C800] =	vst v63  }
0x1ea: {  	_ =	swait.ge [sflag:s0], $0x2000  }
0x1eb: {  	s29 =	rddreg [dreg:$0x4];
	[sflag:s0] =	ssyncset.done $0x0  }
0x1ec: {  	s30 =	rddreg [dreg:$0x3];
	[sflag:s0] =	ssyncadd.s32 $0xFFFFE000;
	s7 =	sadd.s32 $0x0, s29  }
0x1ed: {  	[tilespmem:s19], [sflag:$0x7] =	stream.linear.gather [hbm4b:s7+s3], $0x40, $0x38;
	[tilespmem:$0x1C800] =	vst v63  }
0x1ee: {  	s31 =	sadd.s32 $0x0, s30  }
0x1ef: {  	[tilespmem:s17], [sflag:$0x7] =	stream.linear.gather [hbm4b:s31+s3], $0x40, $0x38;
	[tilespmem:$0x1C800] =	vst v63  }
0x1f0: {  	_ =	swait.ge [sflag:s1], $0x40  }
0x1f1: {  	[sflag:s1] =	ssyncset.done $0x0  }
0x1f2: {  	[sflag:s1] =	ssyncadd.s32 $0xFFFFFFC0  }
0x1f3: {  	_ =	swait.ge [sflag:s1], $0x40  }
0x1f4: {  	s13 =	simm.s32 $0x4800;
	s18 =	smov.u32 s6;
	[sflag:s1] =	ssyncset.done $0x0  }
0x1f5: {  	s20 =	simm.s32 $0x1;
	s7 =	simm.s32 $0x200;
	[sflag:s1] =	ssyncadd.s32 $0xFFFFFFC0  }
.LBB2_4:
0x1f6: {  	s17 =	simm.s32 $0x100;
	s5 =	simm.s32 $0x9  }
0x1f7: {  	[tilespmem:s13], [sflag:$0xB] =	stream.indirect.gather [hbm4b:s9+s15], $0x80, s17, s15, $0xb8;
	[tilespmem:$0x1C800] =	vst v63  }
0x1f8: {  	_ =	swait.ge [sflag:s5], $0x2000  }
0x1f9: {  	[sflag:s5] =	ssyncset.done $0x0  }
0x1fa: {  	s2 =	simm.s32 $0x400;
	s4 =	simm.s32 $0x10;
	[sflag:s5] =	ssyncadd.s32 $0xFFFFE000  }
0x1fb: {  	[spmem:s18] =	stream.indirect.scatter.add.f32 [tilespmem:s12], [sflag:$0xD], $0x80, s2, s15, $0xb8;
	[tilespmem:$0x1C800] =	vst v63  }
0x1fc: {  	s10 =	smov.u32 s7;
	_ =	swait.ge [sflag:s4], $0x2000  }
0x1fd: {  	s28 =	simm.s32 $0x380;
	s11 =	rddreg [dreg:$0xc];
	[sflag:s4] =	ssyncset.done $0x0  }
0x1fe: {  	s30 =	rddreg [dreg:$0xb];
	[sflag:s4] =	ssyncadd.s32 $0xFFFFE000;
	s11 =	sadd.s32 s10, s11  }
0x1ff: {  	[tilespmem:s28], [sflag:$0x8] =	stream.linear.gather [hbm4b:s11+s3], $0x40, $0x38;
	[tilespmem:$0x1C800] =	vst v63  }
0x200: {  	s1 =	simm.s32 $0x4;
	s18 =	simm.s32 $0x780;
	s31 =	sadd.s32 s10, s30  }
0x201: {  	[tilespmem:s18], [sflag:$0x8] =	stream.linear.gather [hbm4b:s31+s3], $0x40, $0x38;
	[tilespmem:$0x1C800] =	vst v63  }
0x202: {  	_ =	swait.ge [sflag:s1], $0x40  }
0x203: {  	[sflag:s1] =	ssyncset.done $0x0  }
0x204: {  	[sflag:s1] =	ssyncadd.s32 $0xFFFFFFC0  }
0x205: {  	_ =	swait.ge [sflag:s1], $0x40  }
0x206: {  	s24 =	simm.s32 $0x6800;
	[sflag:s1] =	ssyncset.done $0x0  }
0x207: {  	s23 =	simm.s32 $0xA;
	s31 =	simm.s32 $0x180;
	[sflag:s1] =	ssyncadd.s32 $0xFFFFFFC0  }
0x208: {  	[tilespmem:s24], [sflag:$0xC] =	stream.indirect.gather [hbm4b:s9+s15], $0x80, s31, s15, $0xb8;
	[tilespmem:$0x1C800] =	vst v63  }
0x209: {  	_ =	swait.ge [sflag:s23], $0x2000  }
0x20a: {  	[sflag:s23] =	ssyncset.done $0x0  }
0x20b: {  	s22 =	simm.s32 $0x2800;
	[sflag:s23] =	ssyncadd.s32 $0xFFFFE000  }
0x20c: {  	s14 =	simm.s32 $0x480;
	s26 =	simm.s32 $0xD;
	s0 =	rddreg [dreg:$0x1]  }
0x20d: {  	[spmem:s0] =	stream.indirect.scatter.add.f32 [tilespmem:s22], [sflag:$0xE], $0x80, s14, s15, $0xb8;
	[tilespmem:$0x1C800] =	vst v63  }
0x20e: {  	_ =	swait.ge [sflag:s26], $0x2000  }
0x20f: {  	s6 =	rddreg [dreg:$0xa];
	[sflag:s26] =	ssyncset.done $0x0  }
0x210: {  	s8 =	rddreg [dreg:$0x9];
	[sflag:s26] =	ssyncadd.s32 $0xFFFFE000;
	s11 =	sadd.s32 s10, s6  }
0x211: {  	[tilespmem:s3], [sflag:$0x1] =	stream.linear.gather [hbm4b:s11+s3], $0x40, $0x38;
	[tilespmem:$0x1C800] =	vst v63  }
0x212: {  	s19 =	simm.s32 $0x5;
	s12 =	sadd.s32 s10, s8  }
0x213: {  	[tilespmem:s2], [sflag:$0x1] =	stream.linear.gather [hbm4b:s12+s3], $0x40, $0x38;
	[tilespmem:$0x1C800] =	vst v63  }
0x214: {  	_ =	swait.ge [sflag:s19], $0x40  }
0x215: {  	[sflag:s19] =	ssyncset.done $0x0  }
0x216: {  	[sflag:s19] =	ssyncadd.s32 $0xFFFFFFC0  }
0x217: {  	_ =	swait.ge [sflag:s19], $0x40  }
0x218: {  	s16 =	simm.s32 $0x800;
	[sflag:s19] =	ssyncset.done $0x0  }
0x219: {  	s8 =	simm.s32 $0xB;
	[sflag:s19] =	ssyncadd.s32 $0xFFFFFFC0;
	s19 =	simm.s32 $0x200  }
0x21a: {  	[tilespmem:s16], [sflag:$0x9] =	stream.indirect.gather [hbm4b:s9+s15], $0x80, s19, s15, $0xb8;
	[tilespmem:$0x1C800] =	vst v63  }
0x21b: {  	_ =	swait.ge [sflag:s8], $0x2000  }
0x21c: {  	[sflag:s8] =	ssyncset.done $0x0  }
0x21d: {  	s29 =	simm.s32 $0xE;
	[sflag:s8] =	ssyncadd.s32 $0xFFFFE000  }
0x21e: {  	s13 =	simm.s32 $0x4800;
	s2 =	simm.s32 $0x500;
	s21 =	rddreg [dreg:$0x1]  }
0x21f: {  	[spmem:s21] =	stream.indirect.scatter.add.f32 [tilespmem:s13], [sflag:$0xF], $0x80, s2, s15, $0xb8;
	[tilespmem:$0x1C800] =	vst v63  }
0x220: {  	_ =	swait.ge [sflag:s29], $0x2000  }
0x221: {  	[sflag:s29] =	ssyncset.done $0x0  }
0x222: {  	s6 =	simm.s32 $0x80;
	s11 =	sadd.s32 $0x8, s11;
	[sflag:s29] =	ssyncadd.s32 $0xFFFFE000  }
0x223: {  	[tilespmem:s6], [sflag:$0x2] =	stream.linear.gather [hbm4b:s11+s3], $0x40, $0x38;
	[tilespmem:$0x1C800] =	vst v63  }
0x224: {  	s30 =	simm.s32 $0x6;
	s25 =	sadd.s32 $0x8, s12  }
0x225: {  	[tilespmem:s14], [sflag:$0x2] =	stream.linear.gather [hbm4b:s25+s3], $0x40, $0x38;
	[tilespmem:$0x1C800] =	vst v63  }
0x226: {  	_ =	swait.ge [sflag:s30], $0x40  }
0x227: {  	[sflag:s30] =	ssyncset.done $0x0  }
0x228: {  	[sflag:s30] =	ssyncadd.s32 $0xFFFFFFC0  }
0x229: {  	_ =	swait.ge [sflag:s30], $0x40  }
0x22a: {  	[sflag:s30] =	ssyncset.done $0x0  }
0x22b: {  	s1 =	simm.s32 $0x280;
	[sflag:s30] =	ssyncadd.s32 $0xFFFFFFC0;
	s30 =	simm.s32 $0xC  }
0x22c: {  	[tilespmem:s22], [sflag:$0xA] =	stream.indirect.gather [hbm4b:s9+s15], $0x80, s1, s15, $0xb8;
	[tilespmem:$0x1C800] =	vst v63  }
0x22d: {  	_ =	swait.ge [sflag:s30], $0x2000  }
0x22e: {  	[sflag:s30] =	ssyncset.done $0x0  }
0x22f: {  	[sflag:s30] =	ssyncadd.s32 $0xFFFFE000  }
0x230: {  	s21 =	simm.s32 $0x580;
	s0 =	rddreg [dreg:$0x1]  }
0x231: {  	[spmem:s0] =	stream.indirect.scatter.add.f32 [tilespmem:s24], [sflag:$0x10], $0x80, s21, s15, $0xb8;
	[tilespmem:$0x1C800] =	vst v63  }
0x232: {  	s0 =	simm.s32 $0xF  }
0x233: {  	_ =	swait.ge [sflag:s0], $0x2000  }
0x234: {  	s12 =	rddreg [dreg:$0x8];
	[sflag:s0] =	ssyncset.done $0x0  }
0x235: {  	s14 =	rddreg [dreg:$0x7];
	[sflag:s0] =	ssyncadd.s32 $0xFFFFE000;
	s11 =	sadd.s32 s10, s12  }
0x236: {  	[tilespmem:s17], [sflag:$0x3] =	stream.linear.gather [hbm4b:s11+s3], $0x40, $0x38;
	[tilespmem:$0x1C800] =	vst v63  }
0x237: {  	s25 =	simm.s32 $0x7;
	s12 =	sadd.s32 s10, s14  }
0x238: {  	[tilespmem:s2], [sflag:$0x3] =	stream.linear.gather [hbm4b:s12+s3], $0x40, $0x38;
	[tilespmem:$0x1C800] =	vst v63  }
0x239: {  	_ =	swait.ge [sflag:s25], $0x40  }
0x23a: {  	[sflag:s25] =	ssyncset.done $0x0  }
0x23b: {  	[sflag:s25] =	ssyncadd.s32 $0xFFFFFFC0  }
0x23c: {  	_ =	swait.ge [sflag:s25], $0x40  }
0x23d: {  	[sflag:s25] =	ssyncset.done $0x0  }
0x23e: {  	[sflag:s25] =	ssyncadd.s32 $0xFFFFFFC0;
	s25 =	simm.s32 $0x300  }
0x23f: {  	[tilespmem:s13], [sflag:$0xB] =	stream.indirect.gather [hbm4b:s9+s15], $0x80, s25, s15, $0xb8;
	[tilespmem:$0x1C800] =	vst v63  }
0x240: {  	_ =	swait.ge [sflag:s5], $0x2000  }
0x241: {  	[sflag:s5] =	ssyncset.done $0x0  }
0x242: {  	[sflag:s5] =	ssyncadd.s32 $0xFFFFE000  }
0x243: {  	s14 =	simm.s32 $0x600;
	s5 =	rddreg [dreg:$0x1]  }
0x244: {  	[spmem:s5] =	stream.indirect.scatter.add.f32 [tilespmem:s16], [sflag:$0xD], $0x80, s14, s15, $0xb8;
	[tilespmem:$0x1C800] =	vst v63  }
0x245: {  	_ =	swait.ge [sflag:s4], $0x2000  }
0x246: {  	[sflag:s4] =	ssyncset.done $0x0  }
0x247: {  	s11 =	sadd.s32 $0x8, s11;
	[sflag:s4] =	ssyncadd.s32 $0xFFFFE000  }
0x248: {  	[tilespmem:s31], [sflag:$0x4] =	stream.linear.gather [hbm4b:s11+s3], $0x40, $0x38;
	[tilespmem:$0x1C800] =	vst v63  }
0x249: {  	s12 =	sadd.s32 $0x8, s12  }
0x24a: {  	[tilespmem:s21], [sflag:$0x4] =	stream.linear.gather [hbm4b:s12+s3], $0x40, $0x38;
	[tilespmem:$0x1C800] =	vst v63  }
0x24b: {  	s21 =	simm.s32 $0x8  }
0x24c: {  	_ =	swait.ge [sflag:s21], $0x40  }
0x24d: {  	[sflag:s21] =	ssyncset.done $0x0  }
0x24e: {  	[sflag:s21] =	ssyncadd.s32 $0xFFFFFFC0  }
0x24f: {  	_ =	swait.ge [sflag:s21], $0x40  }
0x250: {  	[sflag:s21] =	ssyncset.done $0x0  }
0x251: {  	[sflag:s21] =	ssyncadd.s32 $0xFFFFFFC0  }
0x252: {  	[tilespmem:s24], [sflag:$0xC] =	stream.indirect.gather [hbm4b:s9+s15], $0x80, s28, s15, $0xb8;
	[tilespmem:$0x1C800] =	vst v63  }
0x253: {  	_ =	swait.ge [sflag:s23], $0x2000  }
0x254: {  	[sflag:s23] =	ssyncset.done $0x0  }
0x255: {  	[sflag:s23] =	ssyncadd.s32 $0xFFFFE000  }
0x256: {  	s31 =	simm.s32 $0x680;
	s23 =	rddreg [dreg:$0x1]  }
0x257: {  	[spmem:s23] =	stream.indirect.scatter.add.f32 [tilespmem:s22], [sflag:$0xE], $0x80, s31, s15, $0xb8;
	[tilespmem:$0x1C800] =	vst v63  }
0x258: {  	_ =	swait.ge [sflag:s26], $0x2000  }
0x259: {  	s4 =	rddreg [dreg:$0x6];
	[sflag:s26] =	ssyncset.done $0x0  }
0x25a: {  	s5 =	rddreg [dreg:$0x5];
	[sflag:s26] =	ssyncadd.s32 $0xFFFFE000;
	s11 =	sadd.s32 s10, s4  }
0x25b: {  	[tilespmem:s19], [sflag:$0x5] =	stream.linear.gather [hbm4b:s11+s3], $0x40, $0x38;
	[tilespmem:$0x1C800] =	vst v63  }
0x25c: {  	s12 =	sadd.s32 s10, s5  }
0x25d: {  	[tilespmem:s14], [sflag:$0x5] =	stream.linear.gather [hbm4b:s12+s3], $0x40, $0x38;
	[tilespmem:$0x1C800] =	vst v63  }
0x25e: {  	_ =	swait.ge [sflag:s20], $0x40  }
0x25f: {  	[sflag:s20] =	ssyncset.done $0x0  }
0x260: {  	[sflag:s20] =	ssyncadd.s32 $0xFFFFFFC0  }
0x261: {  	_ =	swait.ge [sflag:s20], $0x40  }
0x262: {  	[sflag:s20] =	ssyncset.done $0x0  }
0x263: {  	[sflag:s20] =	ssyncadd.s32 $0xFFFFFFC0  }
0x264: {  	[tilespmem:s16], [sflag:$0x9] =	stream.indirect.gather [hbm4b:s9+s15], $0x80, s3, s15, $0xb8;
	[tilespmem:$0x1C800] =	vst v63  }
0x265: {  	_ =	swait.ge [sflag:s8], $0x2000  }
0x266: {  	[sflag:s8] =	ssyncset.done $0x0  }
0x267: {  	[sflag:s8] =	ssyncadd.s32 $0xFFFFE000  }
0x268: {  	s22 =	simm.s32 $0x700;
	s23 =	rddreg [dreg:$0x1]  }
0x269: {  	[spmem:s23] =	stream.indirect.scatter.add.f32 [tilespmem:s13], [sflag:$0xF], $0x80, s22, s15, $0xb8;
	[tilespmem:$0x1C800] =	vst v63  }
0x26a: {  	_ =	swait.ge [sflag:s29], $0x2000  }
0x26b: {  	[sflag:s29] =	ssyncset.done $0x0  }
0x26c: {  	s11 =	sadd.s32 $0x8, s11;
	[sflag:s29] =	ssyncadd.s32 $0xFFFFE000  }
0x26d: {  	[tilespmem:s1], [sflag:$0x6] =	stream.linear.gather [hbm4b:s11+s3], $0x40, $0x38;
	[tilespmem:$0x1C800] =	vst v63  }
0x26e: {  	s26 =	sadd.s32 $0x8, s12;
	s14 =	simm.s32 $0x2  }
0x26f: {  	[tilespmem:s31], [sflag:$0x6] =	stream.linear.gather [hbm4b:s26+s3], $0x40, $0x38;
	[tilespmem:$0x1C800] =	vst v63  }
0x270: {  	_ =	swait.ge [sflag:s14], $0x40  }
0x271: {  	[sflag:s14] =	ssyncset.done $0x0  }
0x272: {  	[sflag:s14] =	ssyncadd.s32 $0xFFFFFFC0  }
0x273: {  	_ =	swait.ge [sflag:s14], $0x40  }
0x274: {  	[sflag:s14] =	ssyncset.done $0x0  }
0x275: {  	s22 =	simm.s32 $0x2800;
	[sflag:s14] =	ssyncadd.s32 $0xFFFFFFC0  }
0x276: {  	[tilespmem:s22], [sflag:$0xA] =	stream.indirect.gather [hbm4b:s9+s15], $0x80, s6, s15, $0xb8;
	[tilespmem:$0x1C800] =	vst v63  }
0x277: {  	_ =	swait.ge [sflag:s30], $0x2000  }
0x278: {  	[sflag:s30] =	ssyncset.done $0x0  }
0x279: {  	[sflag:s30] =	ssyncadd.s32 $0xFFFFE000  }
0x27a: {  	s29 =	rddreg [dreg:$0x1]  }
0x27b: {  	[spmem:s29] =	stream.indirect.scatter.add.f32 [tilespmem:s24], [sflag:$0x10], $0x80, s18, s15, $0xb8;
	[tilespmem:$0x1C800] =	vst v63  }
0x27c: {  	s18 =	rddreg [dreg:$0x1];
	_ =	swait.ge [sflag:s0], $0x2000  }
0x27d: {  	s30 =	rddreg [dreg:$0x4];
	[sflag:s0] =	ssyncset.done $0x0  }
0x27e: {  	s31 =	rddreg [dreg:$0x3];
	[sflag:s0] =	ssyncadd.s32 $0xFFFFE000;
	s11 =	sadd.s32 s10, s30  }
0x27f: {  	[tilespmem:s25], [sflag:$0x7] =	stream.linear.gather [hbm4b:s11+s3], $0x40, $0x38;
	[tilespmem:$0x1C800] =	vst v63  }
0x280: {  	s1 =	simm.s32 $0x3;
	s10 =	sadd.s32 s10, s31;
	s11 =	simm.s32 $0x700  }
0x281: {  	[tilespmem:s11], [sflag:$0x7] =	stream.linear.gather [hbm4b:s10+s3], $0x40, $0x38;
	[tilespmem:$0x1C800] =	vst v63  }
0x282: {  	p3 =	sne.s32 s7, $0x2200;
	s7 =	sadd.s32 $0x200, s7;
	_ =	swait.ge [sflag:s1], $0x40  }
.Ltmp1:
0x283: {  	s17 =	simm.s32 $0x580;
	[sflag:s1] =	ssyncset.done $0x0;
	(pc) =	sbr.rel @p3 .LBB2_4-.Ltmp1, $4  }
0x284: {  	s2 =	simm.s32 $0x180;
	s21 =	simm.s32 $0x200;
	[sflag:s1] =	ssyncadd.s32 $0xFFFFFFC0  }
0x285: {  	s28 =	simm.s32 $0x680;
	s19 =	simm.s32 $0x600;
	_ =	swait.ge [sflag:s1], $0x40  }
0x286: {  	s12 =	simm.s32 $0x800;
	s16 =	simm.s32 $0x280;
	[sflag:s1] =	ssyncset.done $0x0  }
0x287: {  	s13 =	simm.s32 $0x4800;
	s24 =	simm.s32 $0x300;
	[sflag:s1] =	ssyncadd.s32 $0xFFFFFFC0  }
0x288: {  	s0 =	simm.s32 $0x100;
	s29 =	simm.s32 $0x9  }
0x289: {  	[tilespmem:s13], [sflag:$0xB] =	stream.indirect.gather [hbm4b:s9+s15], $0x80, s0, s15, $0xb8;
	[tilespmem:$0x1C800] =	vst v63  }
0x28a: {  	_ =	swait.ge [sflag:s29], $0x2000  }
0x28b: {  	[sflag:s29] =	ssyncset.done $0x0  }
0x28c: {  	s7 =	simm.s32 $0x400;
	s4 =	simm.s32 $0x10;
	[sflag:s29] =	ssyncadd.s32 $0xFFFFE000  }
0x28d: {  	[spmem:s18] =	stream.indirect.scatter.add.f32 [tilespmem:s12], [sflag:$0xD], $0x80, s7, s15, $0xb8;
	[tilespmem:$0x1C800] =	vst v63  }
0x28e: {  	_ =	swait.ge [sflag:s4], $0x2000  }
0x28f: {  	s23 =	sld [smem:$0x7E9]  }
0x290: {  	[sflag:s4] =	ssyncset.done $0x0  }
0x291: {  	s20 =	simm.s32 $0x380;
	s25 =	sld [smem:$0x7EA];
	[sflag:s4] =	ssyncadd.s32 $0xFFFFE000  }
0x292: {  	[tilespmem:s20], [sflag:$0x8] =	stream.linear.gather [hbm4b:s23+s3], $0x40, $0x38;
	[tilespmem:$0x1C800] =	vst v63  }
0x293: {  	s10 =	simm.s32 $0x780;
	s26 =	simm.s32 $0x4  }
0x294: {  	[tilespmem:s10], [sflag:$0x8] =	stream.linear.gather [hbm4b:s25+s3], $0x40, $0x38;
	[tilespmem:$0x1C800] =	vst v63  }
0x295: {  	_ =	swait.ge [sflag:s26], $0x40  }
0x296: {  	[sflag:s26] =	ssyncset.done $0x0  }
0x297: {  	[sflag:s26] =	ssyncadd.s32 $0xFFFFFFC0  }
0x298: {  	_ =	swait.ge [sflag:s26], $0x40  }
0x299: {  	[sflag:s26] =	ssyncset.done $0x0  }
0x29a: {  	s7 =	simm.s32 $0x6800;
	s23 =	simm.s32 $0xA;
	[sflag:s26] =	ssyncadd.s32 $0xFFFFFFC0  }
0x29b: {  	[tilespmem:s7], [sflag:$0xC] =	stream.indirect.gather [hbm4b:s9+s15], $0x80, s2, s15, $0xb8;
	[tilespmem:$0x1C800] =	vst v63  }
0x29c: {  	_ =	swait.ge [sflag:s23], $0x2000  }
0x29d: {  	[sflag:s23] =	ssyncset.done $0x0  }
0x29e: {  	s31 =	simm.s32 $0x480;
	s26 =	simm.s32 $0xD;
	[sflag:s23] =	ssyncadd.s32 $0xFFFFE000  }
0x29f: {  	[spmem:s18] =	stream.indirect.scatter.add.f32 [tilespmem:s22], [sflag:$0xE], $0x80, s31, s15, $0xb8;
	[tilespmem:$0x1C800] =	vst v63  }
0x2a0: {  	_ =	swait.ge [sflag:s26], $0x2000  }
0x2a1: {  	[sflag:s26] =	ssyncset.done $0x0  }
0x2a2: {  	s25 =	simm.s32 $0x5;
	[sflag:s26] =	ssyncadd.s32 $0xFFFFE000  }
0x2a3: {  	_ =	swait.ge [sflag:s25], $0x40  }
0x2a4: {  	[sflag:s25] =	ssyncset.done $0x0  }
0x2a5: {  	[sflag:s25] =	ssyncadd.s32 $0xFFFFFFC0  }
0x2a6: {  	_ =	swait.ge [sflag:s25], $0x40  }
0x2a7: {  	[sflag:s25] =	ssyncset.done $0x0  }
0x2a8: {  	s8 =	simm.s32 $0xB;
	[sflag:s25] =	ssyncadd.s32 $0xFFFFFFC0  }
0x2a9: {  	[tilespmem:s12], [sflag:$0x9] =	stream.indirect.gather [hbm4b:s9+s15], $0x80, s21, s15, $0xb8;
	[tilespmem:$0x1C800] =	vst v63  }
0x2aa: {  	_ =	swait.ge [sflag:s8], $0x2000  }
0x2ab: {  	[sflag:s8] =	ssyncset.done $0x0  }
0x2ac: {  	s6 =	simm.s32 $0xE;
	s0 =	simm.s32 $0x500;
	[sflag:s8] =	ssyncadd.s32 $0xFFFFE000  }
0x2ad: {  	[spmem:s18] =	stream.indirect.scatter.add.f32 [tilespmem:s13], [sflag:$0xF], $0x80, s0, s15, $0xb8;
	[tilespmem:$0x1C800] =	vst v63  }
0x2ae: {  	_ =	swait.ge [sflag:s6], $0x2000  }
0x2af: {  	[sflag:s6] =	ssyncset.done $0x0  }
0x2b0: {  	s5 =	simm.s32 $0x6;
	[sflag:s6] =	ssyncadd.s32 $0xFFFFE000  }
0x2b1: {  	_ =	swait.ge [sflag:s5], $0x40  }
0x2b2: {  	[sflag:s5] =	ssyncset.done $0x0  }
0x2b3: {  	[sflag:s5] =	ssyncadd.s32 $0xFFFFFFC0  }
0x2b4: {  	_ =	swait.ge [sflag:s5], $0x40  }
0x2b5: {  	[sflag:s5] =	ssyncset.done $0x0  }
0x2b6: {  	[sflag:s5] =	ssyncadd.s32 $0xFFFFFFC0;
	s5 =	simm.s32 $0xC  }
0x2b7: {  	[tilespmem:s22], [sflag:$0xA] =	stream.indirect.gather [hbm4b:s9+s15], $0x80, s16, s15, $0xb8;
	[tilespmem:$0x1C800] =	vst v63  }
0x2b8: {  	_ =	swait.ge [sflag:s5], $0x2000  }
0x2b9: {  	[sflag:s5] =	ssyncset.done $0x0  }
0x2ba: {  	s25 =	simm.s32 $0xF;
	[sflag:s5] =	ssyncadd.s32 $0xFFFFE000  }
0x2bb: {  	[spmem:s18] =	stream.indirect.scatter.add.f32 [tilespmem:s7], [sflag:$0x10], $0x80, s17, s15, $0xb8;
	[tilespmem:$0x1C800] =	vst v63  }
0x2bc: {  	_ =	swait.ge [sflag:s25], $0x2000  }
0x2bd: {  	[sflag:s25] =	ssyncset.done $0x0  }
0x2be: {  	s31 =	simm.s32 $0x7;
	[sflag:s25] =	ssyncadd.s32 $0xFFFFE000  }
0x2bf: {  	_ =	swait.ge [sflag:s31], $0x40  }
0x2c0: {  	[sflag:s31] =	ssyncset.done $0x0  }
0x2c1: {  	[sflag:s31] =	ssyncadd.s32 $0xFFFFFFC0  }
0x2c2: {  	_ =	swait.ge [sflag:s31], $0x40  }
0x2c3: {  	[sflag:s31] =	ssyncset.done $0x0  }
0x2c4: {  	[sflag:s31] =	ssyncadd.s32 $0xFFFFFFC0  }
0x2c5: {  	[tilespmem:s13], [sflag:$0xB] =	stream.indirect.gather [hbm4b:s9+s15], $0x80, s24, s15, $0xb8;
	[tilespmem:$0x1C800] =	vst v63  }
0x2c6: {  	_ =	swait.ge [sflag:s29], $0x2000  }
0x2c7: {  	[sflag:s29] =	ssyncset.done $0x0  }
0x2c8: {  	[sflag:s29] =	ssyncadd.s32 $0xFFFFE000  }
0x2c9: {  	[spmem:s18] =	stream.indirect.scatter.add.f32 [tilespmem:s12], [sflag:$0xD], $0x80, s19, s15, $0xb8;
	[tilespmem:$0x1C800] =	vst v63  }
0x2ca: {  	_ =	swait.ge [sflag:s4], $0x2000  }
0x2cb: {  	[sflag:s4] =	ssyncset.done $0x0  }
0x2cc: {  	s12 =	simm.s32 $0x8;
	[sflag:s4] =	ssyncadd.s32 $0xFFFFE000  }
0x2cd: {  	_ =	swait.ge [sflag:s12], $0x40  }
0x2ce: {  	[sflag:s12] =	ssyncset.done $0x0  }
0x2cf: {  	[sflag:s12] =	ssyncadd.s32 $0xFFFFFFC0  }
0x2d0: {  	_ =	swait.ge [sflag:s12], $0x40  }
0x2d1: {  	[sflag:s12] =	ssyncset.done $0x0  }
0x2d2: {  	[sflag:s12] =	ssyncadd.s32 $0xFFFFFFC0  }
0x2d3: {  	[tilespmem:s7], [sflag:$0xC] =	stream.indirect.gather [hbm4b:s9+s15], $0x80, s20, s15, $0xb8;
	[tilespmem:$0x1C800] =	vst v63  }
0x2d4: {  	_ =	swait.ge [sflag:s23], $0x2000  }
0x2d5: {  	[sflag:s23] =	ssyncset.done $0x0  }
0x2d6: {  	[sflag:s23] =	ssyncadd.s32 $0xFFFFE000  }
0x2d7: {  	[spmem:s18] =	stream.indirect.scatter.add.f32 [tilespmem:s22], [sflag:$0xE], $0x80, s28, s15, $0xb8;
	[tilespmem:$0x1C800] =	vst v63  }
0x2d8: {  	_ =	swait.ge [sflag:s26], $0x2000  }
0x2d9: {  	[sflag:s26] =	ssyncset.done $0x0  }
0x2da: {  	[sflag:s26] =	ssyncadd.s32 $0xFFFFE000  }
0x2db: {  	_ =	swait.ge [sflag:s8], $0x2000  }
0x2dc: {  	[sflag:s8] =	ssyncset.done $0x0  }
0x2dd: {  	[sflag:s8] =	ssyncadd.s32 $0xFFFFE000  }
0x2de: {  	[spmem:s18] =	stream.indirect.scatter.add.f32 [tilespmem:s13], [sflag:$0xF], $0x80, s11, s15, $0xb8;
	[tilespmem:$0x1C800] =	vst v63  }
0x2df: {  	_ =	swait.ge [sflag:s6], $0x2000  }
0x2e0: {  	[sflag:s6] =	ssyncset.done $0x0  }
0x2e1: {  	[sflag:s6] =	ssyncadd.s32 $0xFFFFE000  }
0x2e2: {  	_ =	swait.ge [sflag:s5], $0x2000  }
0x2e3: {  	[sflag:s5] =	ssyncset.done $0x0  }
0x2e4: {  	[sflag:s5] =	ssyncadd.s32 $0xFFFFE000  }
0x2e5: {  	[spmem:s18] =	stream.indirect.scatter.add.f32 [tilespmem:s7], [sflag:$0x10], $0x80, s10, s15, $0xb8;
	[tilespmem:$0x1C800] =	vst v63  }
0x2e6: {  	_ =	swait.ge [sflag:s25], $0x2000  }
0x2e7: {  	[sflag:s25] =	ssyncset.done $0x0  }
0x2e8: {  	[sflag:s25] =	ssyncadd.s32 $0xFFFFE000  }
0x2e9: {  	_ =	swait.ge [sflag:s4], $0x2000  }
0x2ea: {  	[sflag:s4] =	ssyncset.done $0x0  }
0x2eb: {  	[sflag:s4] =	ssyncadd.s32 $0xFFFFE000  }
0x2ec: {  	[bflag:$0x0] =	sbarrier.arrive $0xFFFF  }
0x2ed: {  	s22 =	sld [smem:$0x7FC]  }
0x2ee: {  	s20 =	stileid.u32;
	s23 =	sld [smem:$0x7ED]  }
0x2ef: {  	s7 =	sshll.u32 s20, $0x6  }
0x2f0: {  	s7 =	sor.u32 $0x1C11, s7;
	s25 =	simm.s32 $0x11;
	s10 =	sshrl.u32 s22, $0x3  }
0x2f1: {  	[hbm:s23], [sflag:s7] =	dma.local [spmem:s10], $0x2800  }
0x2f2: {  	_ =	swait.ge [sflag:s25], $0x2800  }
0x2f3: {  	s26 =	sld [smem:$0x7DD]  }
0x2f4: {  	s31 =	sld [smem:$0x7EE];
	_ =	sdelay $0x1  }
0x2f5: {  	s30 =	simm.s32 $0xC;
	s2 =	simm.s32 $0x700;
	s13 =	sadd.s32 $0x1, s26  }
0x2f6: {  	s0 =	simm.s32 $0xF;
	s29 =	simm.s32 $0xE;
	p3 =	sne.s32 s13, s31  }
.Ltmp2:
0x2f7: {  	s12 =	simm.s32 $0x500;
	s8 =	simm.s32 $0xD;
	(pc) =	sbr.rel @p3 .LBB2_1-.Ltmp2, $4  }
0x2f8: {  	s11 =	simm.s32 $0x480;
	s6 =	simm.s32 $0x100;
	s5 =	simm.s32 $0x10  }
0x2f9: {  	s18 =	simm.s32 $0x1;
	s20 =	simm.s32 $0x9;
	s4 =	simm.s32 $0x400  }
0x2fa: {  	s22 =	simm.s32 $0x80;
	s10 =	simm.s32 $0x180;
	[sflag:s25] =	ssyncset.done $0x0  }
0x2fb: {  	s23 =	simm.s32 $0xA;
	[sflag:s25] =	ssyncadd.s32 $0xFFFFD800;
	s26 =	simm.s32 $0xB  }
0x2fc: {  	_ =	sfence.sel $0x180000  }
0x2fd: {  	[bflag:$0x0] =	sbarrier.arrive $0xFFFF  }
0x2fe: {  	_ =	strace $0x9000004A  }
0x2ff: {  	s0 =	stileid.u32;
	[bflag:$0x2] =	sbarrier.arrive $0xFFFF  }
0x300: {  	p0 =	sne.s32 s0, $0x0;
	s0 =	rddreg [dreg:$0x2]  }
0x301: {  	s0 =	sadd.s32 @!p0 $0x100000, s0  }
0x302: {  	[sflag:s0] =	ssyncadd.tile.s32 @!p0 $0x1;
	_ =	shalt  }
.Lfunc_end2:
_tile_overlayer_lowered:
.L_overlay_start_2:
0x303: {  	(tag) =	ssettag $0x2  }
0x304: {  	s0 =	rddreg [dreg:$0x0];
	s2 =	stileid.u32  }
0x305: {  	s1 =	rddreg [dreg:$0x1];
	p0 =	sne.s32 s2, $0x0  }
0x306: {  	s3 =	rddreg [dreg:$0x2];
	[bflag:$0x3] =	sbarrier.arrive $0xFFFF;
	s2 =	simm.s32 @!p0 $0x1C11  }
0x307: {  	[timem:s3], [sflag:s2] =	dma.local @!p0 [hbm:s0], s1  }
0x308: {  	s0 =	simm.s32 @!p0 $0x11  }
0x309: {  	_ =	swait.ge @!p0 [sflag:s0], s1  }
0x30a: {  	s1 =	ssub.s32 @!p0 $0x0, s1;
	[sflag:s0] =	ssyncset.done @!p0 $0x0  }
0x30b: {  	[sflag:s0] =	ssyncadd.s32 @!p0 s1  }
0x30c: {  	[bflag:$0x3] =	sbarrier.arrive $0xFFFF  }
0x30d: {  	_ =	shalt  }

// kernel: kernel.14.cloned.1.call-start
scs
__scs_entry_jumppad:
0x0: {  	(pc) =	sbr.rel $0x88, $3  }
0x1: {  	(tag) =	ssettag $0x0;
	lr =	simm.s32 $0x1  }
0x2: {  	[smem:$0x3F9B] =	sst lr;
	_ =	strace $0xD0000000  }
0x3: {  	_ = 	snop  }
0x4: {  	_ = 	snop  }
0x5: {  	_ = 	snop  }
0x6: {  	_ = 	snop  }
0x7: {  	_ = 	snop  }
__scs_overlays_trampoline_lowered:
0x8: {  	[smem:$0x3FAA] =	sst s0  }
0x9: {  	[smem:$0x3FAB] =	sst s1  }
0xa: {  	[smem:$0x3FAC] =	sst s2  }
0xb: {  	[smem:$0x3FAD] =	sst s3  }
0xc: {  	[smem:$0x3FAE] =	sst s4  }
0xd: {  	[smem:$0x3FAF] =	sst s5  }
0xe: {  	[smem:$0x3FB0] =	sst s6  }
0xf: {  	[smem:$0x3FB1] =	sst s7  }
0x10: {  	[smem:$0x3FB2] =	sst s8  }
0x11: {  	[smem:$0x3FB3] =	sst s9;
	s0 =	simm.s32 @!p0 $0x0  }
0x12: {  	s1 =	sld [smem:$0x3F99];
	s0 =	simm.s32 @p0 $0x1  }
0x13: {  	[smem:$0x3FB4] =	sst s0;
	s0 =	simm.s32 @!p1 $0x0  }
0x14: {  	s2 =	sld [smem:$0x3F98];
	s0 =	simm.s32 @p1 $0x1  }
0x15: {  	[smem:$0x3FB5] =	sst s0;
	s0 =	simm.s32 @!p2 $0x0  }
0x16: {  	s3 =	sld [smem:$0x3FDB];
	s0 =	simm.s32 @p2 $0x1  }
0x17: {  	s4 =	simm.s32 $0x1BF5;
	[smem:$0x3FB7] =	sst s0  }
0x18: {  	s0 =	sld [smem:$0x3F9A];
	_ =	swait.ge [sflag:s4], $0x0  }
0x19: {  	s7 =	sld [smem:$0x3F9B]  }
0x1a: {  	s8 =	sadd.s32 $0xFFFFE003, lr  }
0x1b: {  	s9 =	sadd.s32 $0xFFFFFEF7, lr;
	s5 =	simm.s32 $0xFFFFFFFF;
	p2 =	slt.u32 s8, $0xFFFFF086  }
0x1c: {  	p1 =	slt.u32 s9, $0xF7A;
	s5 =	simm.s32 @!p2 $0x0  }
0x1d: {  	s5 =	simm.s32 @p1 $0x1;
	p0 =	seq.s32 s7, s2  }
0x1e: {  	s7 =	smul.u32 @!p0 $0xF7A, s2;
	p2 =	seq.s32 @!p0 s5, $0x0  }
0x1f: {  	s9 =	smul.u32 $0xF7A, s1;
	s8 =	simm.s32 @!p0 $0x1BF5;
	p2 =	por !p2, p0  }
0x20: {  	[sflag:s8] =	ssyncset.s32 @!p0 $0xFFFFF086;
	s6 =	sadd.s32 @!p0 s3, s7;
	s7 =	simm.s32 @!p0 $0x108  }
0x21: {  	s3 =	sadd.s32 s3, s9;
	s6 =	sadd.s32 @!p0 $0x88, s6;
	s7 =	simm.s32 @p2 $0x1082  }
0x22: {  	[simem:s7], [sflag:s8] =	dma.local @!p0 [hbm:s6], $0xF7A  }
0x23: {  	s9 =	sor.u32 $0xD0000000, s2;
	s6 =	simm.s32 $0x108;
	_ =	swait.ge @!p0 [sflag:s8], $0x0  }
0x24: {  	s3 =	sadd.s32 $0x88, s3;
	s6 =	simm.s32 @!p1 $0x1082;
	[sflag:s4] =	ssyncset.s32 $0xFFFFF086  }
0x25: {  	[simem:s6], [sflag:s4] =	dma.local [hbm:s3], $0xF7A  }
0x26: {  	[smem:$0x3F9B] =	sst s1;
	(tag) =	ssettag s2;
	_ =	strace s9  }
0x27: {  	s1 =	sld [smem:$0x3FAB]  }
0x28: {  	s2 =	sld [smem:$0x3FAC]  }
0x29: {  	s4 =	sld [smem:$0x3FAE]  }
0x2a: {  	p0 =	seq.s32 s5, $0x0;
	s5 =	sld [smem:$0x3FAF]  }
0x2b: {  	s6 =	sld [smem:$0x3FB0]  }
0x2c: {  	s7 =	sld [smem:$0x3FB1]  }
0x2d: {  	s3 =	simm.s32 $0x108;
	s8 =	sld [smem:$0x3FB2]  }
0x2e: {  	s3 =	simm.s32 @!p0 $0x1082;
	s9 =	sld [smem:$0x3FB3]  }
0x2f: {  	lr =	sadd.s32 s0, s3;
	s0 =	sld [smem:$0x3FAA]  }
0x30: {  	s3 =	sld [smem:$0x3FAD]  }
0x31: {  	[smem:$0x3FB6] =	sst s10  }
0x32: {  	s10 =	sld [smem:$0x3FB4];
	_ =	sdelay $0x3  }
0x33: {  	p0 =	seq.s32 s10, $0x1;
	s10 =	sld [smem:$0x3FB6];
	_ =	sdelay $0x3  }
0x34: {  	[smem:$0x3FB6] =	sst s10  }
0x35: {  	s10 =	sld [smem:$0x3FB5];
	_ =	sdelay $0x3  }
0x36: {  	p1 =	seq.s32 s10, $0x1;
	s10 =	sld [smem:$0x3FB6];
	_ =	sdelay $0x3  }
0x37: {  	[smem:$0x3FB6] =	sst s10  }
0x38: {  	s10 =	sld [smem:$0x3FB7]  }
0x39: {  	_ = 	snop;
	(pc) =	sbr.ind lr, $3  }
0x3a: {  	_ = 	snop  }
0x3b: {  	_ = 	snop  }
0x3c: {  	p2 =	seq.s32 s10, $0x1;
	s10 =	sld [smem:$0x3FB6]  }
0x3d: {  	_ =	shalt  }
0x3e: {  	_ =	shalt  }
0x3f: {  	_ =	shalt  }
0x40: {  	_ =	shalt  }
0x41: {  	_ =	shalt  }
0x42: {  	_ =	shalt  }
0x43: {  	_ =	shalt  }
0x44: {  	_ =	shalt  }
0x45: {  	_ =	shalt  }
0x46: {  	_ =	shalt  }
0x47: {  	_ =	shalt  }
0x48: {  	_ =	shalt  }
0x49: {  	_ =	shalt  }
0x4a: {  	_ =	shalt  }
0x4b: {  	_ =	shalt  }
0x4c: {  	_ =	shalt  }
0x4d: {  	_ =	shalt  }
0x4e: {  	_ =	shalt  }
0x4f: {  	_ =	shalt  }
0x50: {  	_ =	shalt  }
0x51: {  	_ =	shalt  }
0x52: {  	_ =	shalt  }
0x53: {  	_ =	shalt  }
0x54: {  	_ =	shalt  }
0x55: {  	_ =	shalt  }
0x56: {  	_ =	shalt  }
0x57: {  	_ =	shalt  }
0x58: {  	_ =	shalt  }
0x59: {  	_ =	shalt  }
0x5a: {  	_ =	shalt  }
0x5b: {  	_ =	shalt  }
0x5c: {  	_ =	shalt  }
0x5d: {  	_ =	shalt  }
0x5e: {  	_ =	shalt  }
0x5f: {  	_ =	shalt  }
0x60: {  	_ =	shalt  }
0x61: {  	_ =	shalt  }
0x62: {  	_ =	shalt  }
0x63: {  	_ =	shalt  }
0x64: {  	_ =	shalt  }
0x65: {  	_ =	shalt  }
0x66: {  	_ =	shalt  }
0x67: {  	_ =	shalt  }
0x68: {  	_ =	shalt  }
0x69: {  	_ =	shalt  }
0x6a: {  	_ =	shalt  }
0x6b: {  	_ =	shalt  }
0x6c: {  	_ =	shalt  }
0x6d: {  	_ =	shalt  }
0x6e: {  	_ =	shalt  }
0x6f: {  	_ =	shalt  }
0x70: {  	_ =	shalt  }
0x71: {  	_ =	shalt  }
0x72: {  	_ =	shalt  }
0x73: {  	_ =	shalt  }
0x74: {  	_ =	shalt  }
0x75: {  	_ =	shalt  }
0x76: {  	_ =	shalt  }
0x77: {  	_ =	shalt  }
0x78: {  	_ =	shalt  }
0x79: {  	_ =	shalt  }
0x7a: {  	_ =	shalt  }
0x7b: {  	_ =	shalt  }
0x7c: {  	_ =	shalt  }
0x7d: {  	_ =	shalt  }
0x7e: {  	_ =	shalt  }
0x7f: {  	_ =	shalt  }
0x80: {  	_ =	shalt  }
0x81: {  	_ =	shalt  }
0x82: {  	_ =	shalt  }
0x83: {  	_ =	shalt  }
0x84: {  	_ =	shalt  }
0x85: {  	_ =	shalt  }
0x86: {  	_ =	shalt  }
0x87: {  	_ =	shalt  }
.Lfunc_end0:
.L_simem_size_0:
called_computation.2_lowered:
.L_overlay_start_0:
0x88: {  	s2 =	sld [smem:$0x3FD9]  }
0x89: {  	s3 =	sld [smem:$0x3FFE];
	_ =	sdelay $0x1  }
0x8a: {  	s1 =	srdreg.scid  }
0x8b: {  	s0 =	sand.u32 $0x1, s1  }
0x8c: {  	s17 =	sshll.u32 s0, $0xA;
	s2 =	sadd.s32 s3, s2  }
0x8d: {  	s2 =	sadd.s32 s2, s17  }
0x8e: {  	[smem:$0x3FC2] =	sst s2  }
0x8f: {  	_ = 	snop  }
0x90: {  	s2 =	sld [smem:$0x3FD0];
	(tm) =	ssettm $0x1  }
0x91: {  	s18 =	sld [smem:$0x3FFB];
	_ =	sdelay $0x3  }
0x92: {  	_ =	strace s18  }
0x93: {  	s3 =	sld [smem:$0x3FFC];
	_ =	sdelay $0x3  }
0x94: {  	_ =	strace s3  }
0x95: {  	s3 =	sld [smem:$0x3FFD];
	_ =	sdelay $0x3  }
0x96: {  	_ =	strace s3  }
0x97: {  	_ =	strace $0x8FFFFFFF  }
0x98: {  	s19 =	sld [smem:$0x3FDB];
	_ =	sdelay $0x1  }
0x99: {  	s4 =	simm.s32 $_scs_section_size  }
0x9a: {  	s5 =	simm.s32 $_size__tile_overlayer_lowered;
	s6 =	simm.s32 $_tile_overlayer_lowered  }
0x9b: {  	s22 =	simm.s32 $0x1BFF;
	s21 =	sshll.u32 s6, $0x1;
	s3 =	sadd.s32 s4, s19  }
0x9c: {  	s7 =	simm.s32 $0x0;
	s20 =	sshll.u32 s5, $0x1;
	s5 =	sadd.s32 s21, s3  }
0x9d: {  	[timem:s7], [sflag:s22] =	dma.local [hbm:s5], s20  }
0x9e: {  	_ =	swait.ge [sflag:s22], s20  }
0x9f: {  	s4 =	ssub.s32 $0x0, s20;
	[sflag:s22] =	ssyncset.done $0x0  }
0xa0: {  	[sflag:s22] =	ssyncadd.s32 s4;
	_ =	sdelay $0x1  }
0xa1: {  	s23 =	simm.s32 $0x1B8B  }
0xa2: {  	_ =	swait.ge [sflag:s23], $0x1  }
0xa3: {  	[sflag:s23] =	ssyncset.done $0x0  }
0xa4: {  	s25 =	simm.s32 $0x1B8E;
	s24 =	sld [smem:$0x3FFE];
	[sflag:s23] =	ssyncadd.s32 $0xFFFFFFFF  }
0xa5: {  	s26 =	simm.s32 $execute0_lowered;
	[smem:$0x3FD2] =	sst s25  }
0xa6: {  	s5 =	sshll.u32 s26, $0x1;
	_ =	strace $0x8000004C;
	[dreg:$0x1] =	wrdreg $0xFFFFFFFF  }
0xa7: {  	s28 =	simm.s32 $_size_execute0_lowered;
	s3 =	sadd.s32 s3, s5;
	[dreg:$0x0] =	wrdreg $0x0  }
0xa8: {  	s5 =	sshll.u32 s28, $0x1;
	[dreg:$0x2] =	wrdreg s3  }
0xa9: {  	[dreg:$0x3] =	wrdreg s5  }
0xaa: {  	[dreg:$0x4] =	wrdreg $0xC0  }
0xab: {  	_ =	task [dreg:s7], $0x5FFFF  }
0xac: {  	[dreg:$0x1] =	wrdreg $0xFFFFFFFF  }
0xad: {  	[dreg:$0x0] =	wrdreg $0x60  }
0xae: {  	[dreg:$0x2] =	wrdreg s2  }
0xaf: {  	[dreg:$0x3] =	wrdreg s24  }
0xb0: {  	[dreg:$0x4] =	wrdreg $0x9  }
0xb1: {  	_ =	task.clear_ibuf [dreg:s7], $0x5FFFF;
	_ =	strace $0x9000004C  }
0xb2: {  	s29 =	simm.s32 $0x9;
	_ =	strace $0x8000004E  }
0xb3: {  	_ =	swait.ge [sflag:s29], $0x1  }
0xb4: {  	[sflag:s29] =	ssyncadd.s32 $0xFFFFFFFF  }
0xb5: {  	_ =	strace $0x9000004E  }
0xb6: {  	_ =	sfence  }
0xb7: {  	s30 =	sld [smem:$0x0];
	_ =	sdelay $0x2  }
0xb8: {  	s31 =	sshll.u32 s1, $0xD;
	s1 =	sshrl.u32 s1, $0x2  }
0xb9: {  	s3 =	sand.u32 $0x4000, s31;
	s1 =	sadd.s32 s1, s30  }
0xba: {  	s0 =	sor.u32 s3, s0;
	s1 =	sshll.u32 s1, $0x11  }
0xbb: {  	s0 =	sor.u32 s1, s0  }
0xbc: {  	s0 =	sadd.s32 $0x8F2B, s0  }
0xbd: {  	[sflag:s0] =	ssyncadd.remote.s32 $0x1  }
0xbe: {  	_ =	sfence.sel $0xFFFF  }
0xbf: {  	[dreg:$0x0] =	wrdreg $0xFFFFFFFF;
	(pc) =	sbr.abs _section_cstart, $3  }
0xc0: {  	[dreg:$0x1] =	wrdreg $0xFFFFFFFF  }
0xc1: {  	_ =	task.clear_ibuf [dreg:s7], $0x2FFFF;
	_ =	strace $0x9FFFFFFF  }
0xc2: {  	(tm) =	ssettm $0x7FFFFFFF  }
0xc3: {  	_ =	shalt  }
tec
execute0_lowered:
.L_overlay_start_1:
0x0: {  	(tag) =	ssettag $0x1  }
0x1: {  	s0 =	srdreg.scid;
	s2 =	rddreg [dreg:$0x0]  }
0x2: {  	s5 =	rddreg [dreg:$0x1];
	s1 =	stileid.u32;
	s3 =	simm.s32 $0x0  }
0x3: {  	s10 =	simm.s32 $0x5000;
	s11 =	simm.s32 $0x7800;
	s13 =	simm.s32 $0x2800  }
0x4: {  	s14 =	simm.s32 $0x2;
	s4 =	sand.u32 $0x1, s0;
	s0 =	rddreg [dreg:$0x2]  }
0x5: {  	s15 =	simm.s32 $0x0;
	[smem:$0x7FF] =	sst s3;
	s6 =	sshll.u32 s4, $0x4  }
0x6: {  	s7 =	sshll.u32 s1, $0x8;
	s9 =	sshll.u32 s1, $0x7;
	s12 =	sor.u32 s1, s6  }
0x7: {  	s7 =	sand.u32 $0x300, s7;
	_ =	strace $0x8000004D;
	s6 =	sshrl.u32 s12, $0x2  }
0x8: {  	s30 =	sand.u32 $0x380, s9;
	s8 =	sshrl.u32 s12, $0x3;
	s6 =	smul.u32 $0x14000, s6  }
0x9: {  	s4 =	ssub.s32 $0x2, s4;
	s9 =	simm.s32 $0x400;
	s8 =	smul.u32 $0x14000, s8  }
0xa: {  	s31 =	sshrl.u32 s4, $0x1;
	p0 =	sne.s32 s12, $0x0;
	s6 =	sor.u32 s7, s6  }
0xb: {  	s12 =	simm.s32 $0x1;
	s7 =	sor.u32 s30, s8;
	s6 =	sshrl.u32 s6, $0x3  }
0xc: {  	s8 =	ssub.s32 s4, s31;
	s7 =	sshrl.u32 s7, $0x3;
	s6 =	sadd.s32 s6, s5  }
0xd: {  	s7 =	sadd.s32 s7, s5;
	s4 =	sadd.s32 $0x16600, s6;
	s5 =	sadd.s32 $0x16610, s6  }
0xe: {  	v0 =	vimm.f32 $0.0e+00;
	s6 =	sadd.s32 $0x2C00, s7;
	s7 =	smax.u32 s8, $0x1;
	s8 =	simm.s32 $0x80  }
.LBB2_1:
0xf: {  	[tilespmem:s3], [sflag:$0x1] =	stream.linear.gather [hbm4b:s2+s3], $0x2800, $0x38;
	[tilespmem:$0xA000] =	vst v63  }
0x10: {  	_ = 	snop  }
0x11: {  	[tilespmem:s10], [sflag:$0x1] =	stream.strided.gather [hbm4b:s4+s8], $0x2800, s9, s8, $0x38;
	[tilespmem:$0xA000] =	vst v63  }
0x12: {  	s16 =	simm.s32 $0x40;
	s17 =	simm.s32 $0x0  }
0x13: {  	[tilespmem:s11], [sflag:$0x1] =	stream.strided.gather [hbm4b:s5+s8], $0x2800, s9, s8, $0x38;
	[tilespmem:$0xA000] =	vst v63  }
.LBB2_2:
0x14: {  	p1 =	sne.s32 s16, $0x9FC0;
	[tilespmem:s17+$0x2800] =	vst v0;
	s17 =	smov.u32 s16;
	s16 =	sadd.s32 $0x40, s16  }
.Ltmp0:
0x15: {  	(pc) =	sbr.rel @p1 .LBB2_2-.Ltmp0, $2  }
0x16: {  	_ =	sdelay $0x2  }
0x17: {  	s17 =	sshra.s32 s17, $0x2  }
0x18: {  	[tilespmem:s17+$0x2800] =	vst v0  }
0x19: {  	_ =	swait.ge [sflag:s12], $0x2800  }
0x1a: {  	[sflag:s12] =	ssyncset.done $0x0  }
0x1b: {  	[sflag:s12] =	ssyncadd.s32 $0xFFFFD800  }
0x1c: {  	_ =	swait.ge [sflag:s12], $0x2800  }
0x1d: {  	[sflag:s12] =	ssyncset.done $0x0  }
0x1e: {  	[sflag:s12] =	ssyncadd.s32 $0xFFFFD800  }
0x1f: {  	_ =	swait.ge [sflag:s12], $0x2800  }
0x20: {  	[sflag:s12] =	ssyncset.done $0x0  }
0x21: {  	s16 =	simm.s32 @!p0 $0x0;
	s17 =	simm.s32 @!p0 $0x2800;
	[sflag:s12] =	ssyncadd.s32 $0xFFFFD800  }
0x22: {  	[tilespmem:s17], [sflag:$0x2] =	stream.linear.gather @!p0 [hbm4b:s2+s16], $0x2800, $0x38;
	[tilespmem:$0xA000] =	vst v63  }
0x23: {  	s16 =	simm.s32 @!p0 $0x2  }
0x24: {  	_ =	swait.ge @!p0 [sflag:s16], $0x2800  }
0x25: {  	[sflag:s16] =	ssyncset.done @!p0 $0x0  }
0x26: {  	[sflag:s16] =	ssyncadd.s32 @!p0 $0xFFFFD800;
	s16 =	simm.s32 $0x0  }
.LBB2_4:
0x27: {  	s17 =	sshra.s32 s16, $0x2  }
0x28: {  	v1 =	vld [tilespmem:s17+$0x5000];
	_ =	sdelay $0x4  }
0x29: {  	v2 =	vld [tilespmem:s17+$0x7800];
	_ =	sdelay $0x2  }
0x2a: {  	v1 =	vld.idx.msk [tilespmem:v1+s3+$0x0], $0xffff;
	_ =	sdelay $0x4  }
0x2b: {  	[tilespmem:v2+s13+$0x0] =	vst.idx.add.f32.msk $0xffff, v1  }
0x2c: {  	v1 =	vld [tilespmem:s17+$0x5010];
	_ =	sdelay $0x4  }
0x2d: {  	v2 =	vld [tilespmem:s17+$0x7810];
	_ =	sdelay $0x2  }
0x2e: {  	v1 =	vld.idx.msk [tilespmem:v1+s3+$0x0], $0xffff;
	_ =	sdelay $0x4  }
0x2f: {  	[tilespmem:v2+s13+$0x0] =	vst.idx.add.f32.msk $0xffff, v1  }
0x30: {  	v1 =	vld [tilespmem:s17+$0x5020];
	_ =	sdelay $0x4  }
0x31: {  	v2 =	vld [tilespmem:s17+$0x7820];
	_ =	sdelay $0x2  }
0x32: {  	v1 =	vld.idx.msk [tilespmem:v1+s3+$0x0], $0xffff;
	_ =	sdelay $0x4  }
0x33: {  	[tilespmem:v2+s13+$0x0] =	vst.idx.add.f32.msk $0xffff, v1  }
0x34: {  	v1 =	vld [tilespmem:s17+$0x5030];
	_ =	sdelay $0x4  }
0x35: {  	v2 =	vld [tilespmem:s17+$0x7830];
	_ =	sdelay $0x2  }
0x36: {  	p1 =	sne.s32 s16, $0x9F00;
	v1 =	vld.idx.msk [tilespmem:v1+s3+$0x0], $0xffff  }
.Ltmp1:
0x37: {  	_ = 	snop;
	(pc) =	sbr.rel @p1 .LBB2_4-.Ltmp1, $2  }
0x38: {  	_ =	sdelay $0x2  }
0x39: {  	s16 =	sadd.s32 $0x100, s16;
	[tilespmem:v2+s13+$0x0] =	vst.idx.add.f32.msk $0xffff, v1  }
0x3a: {  	s15 =	sadd.s32 $0x1, s15  }
0x3b: {  	p1 =	sne.s32 s15, s7  }
.Ltmp2:
0x3c: {  	_ = 	snop;
	(pc) =	sbr.rel @p1 .LBB2_1-.Ltmp2, $4  }
0x3d: {  	[hbm4b:s6+s8] =	stream.strided.scatter [tilespmem:s13], [sflag:$0x2], $0x2800, s9, s8, $0x38;
	[tilespmem:$0xA000] =	vst v63  }
0x3e: {  	_ =	swait.ge [sflag:s14], $0x2800  }
0x3f: {  	[sflag:s14] =	ssyncset.done $0x0  }
0x40: {  	[sflag:s14] =	ssyncadd.s32 $0xFFFFD800  }
0x41: {  	_ =	sfence.sel $0x180000  }
0x42: {  	[bflag:$0x0] =	sbarrier.arrive $0xFFFF  }
0x43: {  	p0 =	sne.s32 s1, $0x0;
	_ =	strace $0x9000004D  }
0x44: {  	s0 =	sadd.s32 @!p0 $0x100000, s0;
	[bflag:$0x2] =	sbarrier.arrive $0xFFFF  }
0x45: {  	[sflag:s0] =	ssyncadd.tile.s32 @!p0 $0x1;
	_ =	shalt  }
.Lfunc_end2:
_tile_overlayer_lowered:
.L_overlay_start_2:
0x46: {  	(tag) =	ssettag $0x2  }
0x47: {  	s0 =	rddreg [dreg:$0x0];
	s2 =	stileid.u32  }
0x48: {  	s1 =	rddreg [dreg:$0x1];
	p0 =	sne.s32 s2, $0x0  }
0x49: {  	s3 =	rddreg [dreg:$0x2];
	[bflag:$0x3] =	sbarrier.arrive $0xFFFF;
	s2 =	simm.s32 @!p0 $0x1C02  }
0x4a: {  	[timem:s3], [sflag:s2] =	dma.local @!p0 [hbm:s0], s1  }
0x4b: {  	s0 =	simm.s32 @!p0 $0x2  }
0x4c: {  	_ =	swait.ge @!p0 [sflag:s0], s1  }
0x4d: {  	s1 =	ssub.s32 @!p0 $0x0, s1;
	[sflag:s0] =	ssyncset.done @!p0 $0x0  }
0x4e: {  	[sflag:s0] =	ssyncadd.s32 @!p0 s1  }
0x4f: {  	[bflag:$0x3] =	sbarrier.arrive $0xFFFF  }
0x50: {  	_ =	shalt  }

// kernel: kernel.8.cloned.1.call-start
scs
__scs_entry_jumppad:
0x0: {  	(pc) =	sbr.rel $0x88, $3  }
0x1: {  	(tag) =	ssettag $0x0;
	lr =	simm.s32 $0x1  }
0x2: {  	[smem:$0x3F9B] =	sst lr;
	_ =	strace $0xD0000000  }
0x3: {  	_ = 	snop  }
0x4: {  	_ = 	snop  }
0x5: {  	_ = 	snop  }
0x6: {  	_ = 	snop  }
0x7: {  	_ = 	snop  }
__scs_overlays_trampoline_lowered:
0x8: {  	[smem:$0x3FAA] =	sst s0  }
0x9: {  	[smem:$0x3FAB] =	sst s1  }
0xa: {  	[smem:$0x3FAC] =	sst s2  }
0xb: {  	[smem:$0x3FAD] =	sst s3  }
0xc: {  	[smem:$0x3FAE] =	sst s4  }
0xd: {  	[smem:$0x3FAF] =	sst s5  }
0xe: {  	[smem:$0x3FB0] =	sst s6  }
0xf: {  	[smem:$0x3FB1] =	sst s7  }
0x10: {  	[smem:$0x3FB2] =	sst s8  }
0x11: {  	[smem:$0x3FB3] =	sst s9;
	s0 =	simm.s32 @!p0 $0x0  }
0x12: {  	s1 =	sld [smem:$0x3F99];
	s0 =	simm.s32 @p0 $0x1  }
0x13: {  	[smem:$0x3FB4] =	sst s0;
	s0 =	simm.s32 @!p1 $0x0  }
0x14: {  	s2 =	sld [smem:$0x3F98];
	s0 =	simm.s32 @p1 $0x1  }
0x15: {  	[smem:$0x3FB5] =	sst s0;
	s0 =	simm.s32 @!p2 $0x0  }
0x16: {  	s3 =	sld [smem:$0x3FDB];
	s0 =	simm.s32 @p2 $0x1  }
0x17: {  	s4 =	simm.s32 $0x1BF5;
	[smem:$0x3FB7] =	sst s0  }
0x18: {  	s0 =	sld [smem:$0x3F9A];
	_ =	swait.ge [sflag:s4], $0x0  }
0x19: {  	s7 =	sld [smem:$0x3F9B]  }
0x1a: {  	s8 =	sadd.s32 $0xFFFFE003, lr  }
0x1b: {  	s9 =	sadd.s32 $0xFFFFFEF7, lr;
	s5 =	simm.s32 $0xFFFFFFFF;
	p2 =	slt.u32 s8, $0xFFFFF086  }
0x1c: {  	p1 =	slt.u32 s9, $0xF7A;
	s5 =	simm.s32 @!p2 $0x0  }
0x1d: {  	s5 =	simm.s32 @p1 $0x1;
	p0 =	seq.s32 s7, s2  }
0x1e: {  	s7 =	smul.u32 @!p0 $0xF7A, s2;
	p2 =	seq.s32 @!p0 s5, $0x0  }
0x1f: {  	s9 =	smul.u32 $0xF7A, s1;
	s8 =	simm.s32 @!p0 $0x1BF5;
	p2 =	por !p2, p0  }
0x20: {  	[sflag:s8] =	ssyncset.s32 @!p0 $0xFFFFF086;
	s6 =	sadd.s32 @!p0 s3, s7;
	s7 =	simm.s32 @!p0 $0x108  }
0x21: {  	s3 =	sadd.s32 s3, s9;
	s6 =	sadd.s32 @!p0 $0x88, s6;
	s7 =	simm.s32 @p2 $0x1082  }
0x22: {  	[simem:s7], [sflag:s8] =	dma.local @!p0 [hbm:s6], $0xF7A  }
0x23: {  	s9 =	sor.u32 $0xD0000000, s2;
	s6 =	simm.s32 $0x108;
	_ =	swait.ge @!p0 [sflag:s8], $0x0  }
0x24: {  	s3 =	sadd.s32 $0x88, s3;
	s6 =	simm.s32 @!p1 $0x1082;
	[sflag:s4] =	ssyncset.s32 $0xFFFFF086  }
0x25: {  	[simem:s6], [sflag:s4] =	dma.local [hbm:s3], $0xF7A  }
0x26: {  	[smem:$0x3F9B] =	sst s1;
	(tag) =	ssettag s2;
	_ =	strace s9  }
0x27: {  	s1 =	sld [smem:$0x3FAB]  }
0x28: {  	s2 =	sld [smem:$0x3FAC]  }
0x29: {  	s4 =	sld [smem:$0x3FAE]  }
0x2a: {  	p0 =	seq.s32 s5, $0x0;
	s5 =	sld [smem:$0x3FAF]  }
0x2b: {  	s6 =	sld [smem:$0x3FB0]  }
0x2c: {  	s7 =	sld [smem:$0x3FB1]  }
0x2d: {  	s3 =	simm.s32 $0x108;
	s8 =	sld [smem:$0x3FB2]  }
0x2e: {  	s3 =	simm.s32 @!p0 $0x1082;
	s9 =	sld [smem:$0x3FB3]  }
0x2f: {  	lr =	sadd.s32 s0, s3;
	s0 =	sld [smem:$0x3FAA]  }
0x30: {  	s3 =	sld [smem:$0x3FAD]  }
0x31: {  	[smem:$0x3FB6] =	sst s10  }
0x32: {  	s10 =	sld [smem:$0x3FB4];
	_ =	sdelay $0x3  }
0x33: {  	p0 =	seq.s32 s10, $0x1;
	s10 =	sld [smem:$0x3FB6];
	_ =	sdelay $0x3  }
0x34: {  	[smem:$0x3FB6] =	sst s10  }
0x35: {  	s10 =	sld [smem:$0x3FB5];
	_ =	sdelay $0x3  }
0x36: {  	p1 =	seq.s32 s10, $0x1;
	s10 =	sld [smem:$0x3FB6];
	_ =	sdelay $0x3  }
0x37: {  	[smem:$0x3FB6] =	sst s10  }
0x38: {  	s10 =	sld [smem:$0x3FB7]  }
0x39: {  	_ = 	snop;
	(pc) =	sbr.ind lr, $3  }
0x3a: {  	_ = 	snop  }
0x3b: {  	_ = 	snop  }
0x3c: {  	p2 =	seq.s32 s10, $0x1;
	s10 =	sld [smem:$0x3FB6]  }
0x3d: {  	_ =	shalt  }
0x3e: {  	_ =	shalt  }
0x3f: {  	_ =	shalt  }
0x40: {  	_ =	shalt  }
0x41: {  	_ =	shalt  }
0x42: {  	_ =	shalt  }
0x43: {  	_ =	shalt  }
0x44: {  	_ =	shalt  }
0x45: {  	_ =	shalt  }
0x46: {  	_ =	shalt  }
0x47: {  	_ =	shalt  }
0x48: {  	_ =	shalt  }
0x49: {  	_ =	shalt  }
0x4a: {  	_ =	shalt  }
0x4b: {  	_ =	shalt  }
0x4c: {  	_ =	shalt  }
0x4d: {  	_ =	shalt  }
0x4e: {  	_ =	shalt  }
0x4f: {  	_ =	shalt  }
0x50: {  	_ =	shalt  }
0x51: {  	_ =	shalt  }
0x52: {  	_ =	shalt  }
0x53: {  	_ =	shalt  }
0x54: {  	_ =	shalt  }
0x55: {  	_ =	shalt  }
0x56: {  	_ =	shalt  }
0x57: {  	_ =	shalt  }
0x58: {  	_ =	shalt  }
0x59: {  	_ =	shalt  }
0x5a: {  	_ =	shalt  }
0x5b: {  	_ =	shalt  }
0x5c: {  	_ =	shalt  }
0x5d: {  	_ =	shalt  }
0x5e: {  	_ =	shalt  }
0x5f: {  	_ =	shalt  }
0x60: {  	_ =	shalt  }
0x61: {  	_ =	shalt  }
0x62: {  	_ =	shalt  }
0x63: {  	_ =	shalt  }
0x64: {  	_ =	shalt  }
0x65: {  	_ =	shalt  }
0x66: {  	_ =	shalt  }
0x67: {  	_ =	shalt  }
0x68: {  	_ =	shalt  }
0x69: {  	_ =	shalt  }
0x6a: {  	_ =	shalt  }
0x6b: {  	_ =	shalt  }
0x6c: {  	_ =	shalt  }
0x6d: {  	_ =	shalt  }
0x6e: {  	_ =	shalt  }
0x6f: {  	_ =	shalt  }
0x70: {  	_ =	shalt  }
0x71: {  	_ =	shalt  }
0x72: {  	_ =	shalt  }
0x73: {  	_ =	shalt  }
0x74: {  	_ =	shalt  }
0x75: {  	_ =	shalt  }
0x76: {  	_ =	shalt  }
0x77: {  	_ =	shalt  }
0x78: {  	_ =	shalt  }
0x79: {  	_ =	shalt  }
0x7a: {  	_ =	shalt  }
0x7b: {  	_ =	shalt  }
0x7c: {  	_ =	shalt  }
0x7d: {  	_ =	shalt  }
0x7e: {  	_ =	shalt  }
0x7f: {  	_ =	shalt  }
0x80: {  	_ =	shalt  }
0x81: {  	_ =	shalt  }
0x82: {  	_ =	shalt  }
0x83: {  	_ =	shalt  }
0x84: {  	_ =	shalt  }
0x85: {  	_ =	shalt  }
0x86: {  	_ =	shalt  }
0x87: {  	_ =	shalt  }
.Lfunc_end0:
.L_simem_size_0:
called_computation_lowered:
.L_overlay_start_0:
0x88: {  	s2 =	sld [smem:$0x3FD9]  }
0x89: {  	s3 =	sld [smem:$0x3FFE];
	_ =	sdelay $0x1  }
0x8a: {  	s1 =	srdreg.scid  }
0x8b: {  	s0 =	sand.u32 $0x1, s1  }
0x8c: {  	s16 =	sshll.u32 s0, $0xA;
	s2 =	sadd.s32 s3, s2  }
0x8d: {  	s2 =	sadd.s32 s2, s16  }
0x8e: {  	[smem:$0x3FC2] =	sst s2  }
0x8f: {  	_ = 	snop  }
0x90: {  	(tm) =	ssettm $0x1  }
0x91: {  	s17 =	sld [smem:$0x3FFB];
	_ =	sdelay $0x3  }
0x92: {  	_ =	strace s17  }
0x93: {  	s2 =	sld [smem:$0x3FFC];
	_ =	sdelay $0x3  }
0x94: {  	_ =	strace s2  }
0x95: {  	s2 =	sld [smem:$0x3FFD];
	_ =	sdelay $0x3  }
0x96: {  	_ =	strace s2  }
0x97: {  	_ =	strace $0x8FFFFFFF  }
0x98: {  	s18 =	sld [smem:$0x3FDB];
	_ =	sdelay $0x1  }
0x99: {  	s19 =	simm.s32 $_scs_section_size  }
0x9a: {  	s4 =	simm.s32 $_size__tile_overlayer_lowered;
	s5 =	simm.s32 $_tile_overlayer_lowered  }
0x9b: {  	s22 =	simm.s32 $0x1BFF;
	s21 =	sshll.u32 s5, $0x1;
	s2 =	sadd.s32 s19, s18  }
0x9c: {  	s6 =	simm.s32 $0x0;
	s20 =	sshll.u32 s4, $0x1;
	s4 =	sadd.s32 s21, s2  }
0x9d: {  	[timem:s6], [sflag:s22] =	dma.local [hbm:s4], s20  }
0x9e: {  	_ =	swait.ge [sflag:s22], s20  }
0x9f: {  	s3 =	ssub.s32 $0x0, s20;
	[sflag:s22] =	ssyncset.done $0x0  }
0xa0: {  	[sflag:s22] =	ssyncadd.s32 s3;
	_ =	sdelay $0x1  }
0xa1: {  	s23 =	simm.s32 $0x1B8B  }
0xa2: {  	_ =	swait.ge [sflag:s23], $0x1  }
0xa3: {  	[sflag:s23] =	ssyncset.done $0x0  }
0xa4: {  	s25 =	simm.s32 $0x1B8E;
	s24 =	sld [smem:$0x3FFE];
	[sflag:s23] =	ssyncadd.s32 $0xFFFFFFFF  }
0xa5: {  	s26 =	simm.s32 $execute0_lowered;
	[smem:$0x3FD2] =	sst s25  }
0xa6: {  	s4 =	sshll.u32 s26, $0x1;
	_ =	strace $0x80000046;
	[dreg:$0x1] =	wrdreg $0xFFFFFFFF  }
0xa7: {  	s28 =	simm.s32 $_size_execute0_lowered;
	s2 =	sadd.s32 s2, s4;
	[dreg:$0x0] =	wrdreg $0x0  }
0xa8: {  	s4 =	sshll.u32 s28, $0x1;
	[dreg:$0x2] =	wrdreg s2  }
0xa9: {  	[dreg:$0x3] =	wrdreg s4  }
0xaa: {  	[dreg:$0x4] =	wrdreg $0xC0  }
0xab: {  	_ =	task [dreg:s6], $0x5FFFF  }
0xac: {  	[dreg:$0x1] =	wrdreg $0xFFFFFFFF  }
0xad: {  	[dreg:$0x0] =	wrdreg $0x60  }
0xae: {  	[dreg:$0x2] =	wrdreg s24  }
0xaf: {  	[dreg:$0x3] =	wrdreg $0x9  }
0xb0: {  	_ =	task.clear_ibuf [dreg:s6], $0x4FFFF;
	_ =	strace $0x90000046  }
0xb1: {  	s29 =	simm.s32 $0x9;
	_ =	strace $0x80000048  }
0xb2: {  	_ =	swait.ge [sflag:s29], $0x1  }
0xb3: {  	[sflag:s29] =	ssyncadd.s32 $0xFFFFFFFF  }
0xb4: {  	_ =	strace $0x90000048  }
0xb5: {  	_ =	sfence  }
0xb6: {  	s30 =	sld [smem:$0x0];
	_ =	sdelay $0x2  }
0xb7: {  	s31 =	sshll.u32 s1, $0xD;
	s1 =	sshrl.u32 s1, $0x2  }
0xb8: {  	s3 =	sand.u32 $0x4000, s31;
	s1 =	sadd.s32 s1, s30  }
0xb9: {  	s0 =	sor.u32 s3, s0;
	s1 =	sshll.u32 s1, $0x11  }
0xba: {  	s0 =	sor.u32 s1, s0  }
0xbb: {  	s0 =	sadd.s32 $0x8F2B, s0  }
0xbc: {  	[sflag:s0] =	ssyncadd.remote.s32 $0x1  }
0xbd: {  	_ =	sfence.sel $0xFFFF  }
0xbe: {  	[dreg:$0x0] =	wrdreg $0xFFFFFFFF;
	(pc) =	sbr.abs _section_cstart, $3  }
0xbf: {  	[dreg:$0x1] =	wrdreg $0xFFFFFFFF  }
0xc0: {  	_ =	task.clear_ibuf [dreg:s6], $0x2FFFF;
	_ =	strace $0x9FFFFFFF  }
0xc1: {  	(tm) =	ssettm $0x7FFFFFFF  }
tec
execute0_lowered:
.L_overlay_start_1:
0x0: {  	(tag) =	ssettag $0x1  }
0x1: {  	s0 =	srdreg.scid;
	s4 =	rddreg [dreg:$0x0]  }
0x2: {  	s1 =	stileid.u32;
	s2 =	simm.s32 $0x0;
	s12 =	simm.s32 $0x80  }
0x3: {  	s13 =	simm.s32 $0x400;
	s3 =	sand.u32 $0x1, s0;
	s0 =	rddreg [dreg:$0x1]  }
0x4: {  	s14 =	simm.s32 $0x1;
	s15 =	simm.s32 $0x2;
	[smem:$0x7FF] =	sst s2  }
0x5: {  	s9 =	sshll.u32 s1, $0x7;
	s10 =	sshll.u32 s1, $0x8;
	s5 =	sshll.u32 s3, $0x4  }
0x6: {  	_ =	strace $0x80000047;
	s9 =	sand.u32 $0x380, s9;
	s5 =	sor.u32 s1, s5  }
0x7: {  	s16 =	sand.u32 $0x300, s10;
	s3 =	ssub.s32 $0x2, s3;
	s6 =	smul.u32 $0x2710, s5  }
0x8: {  	s7 =	sshrl.u32 s5, $0x3;
	s8 =	sshrl.u32 s5, $0x2;
	s5 =	smul.u32 $0xF0, s5  }
0x9: {  	s10 =	simm.s32 $0x5000;
	s30 =	sshrl.u32 s3, $0x1;
	s7 =	smul.u32 $0x14000, s7  }
0xa: {  	v29 =	vlaneseq.u32;
	v30 =	vimm.f32 $0.0e+00;
	v31 =	vimm.f32 $1.000000000e+00;
	s31 =	ssub.s32 s3, s30;
	s8 =	smul.u32 $0x14000, s8;
	s6 =	sshrl.u32 s6, $0x3  }
0xb: {  	v15 =	vor.u32 $0x2710, v29;
	v16 =	vor.u32 $0x2720, v29;
	v17 =	vor.u32 $0x2730, v29;
	s17 =	sadd.s32 $0x10, s5;
	s18 =	sadd.s32 $0x20, s5;
	s19 =	sadd.s32 $0x30, s5  }
0xc: {  	v18 =	vor.u32 $0x2740, v29;
	v19 =	vor.u32 $0x2750, v29;
	v20 =	vor.u32 $0x2760, v29;
	s11 =	sadd.s32 $0x40, s5;
	s20 =	sadd.s32 $0x50, s5;
	s21 =	sadd.s32 $0x60, s5  }
0xd: {  	v21 =	vor.u32 $0x2770, v29;
	v22 =	vor.u32 $0x2780, v29;
	v23 =	vor.u32 $0x2790, v29;
	s22 =	sadd.s32 $0x70, s5;
	s23 =	sadd.s32 $0x80, s5;
	s24 =	sadd.s32 $0x90, s5  }
0xe: {  	v24 =	vor.u32 $0x27A0, v29;
	v25 =	vor.u32 $0x27B0, v29;
	v26 =	vor.u32 $0x27C0, v29;
	s25 =	sadd.s32 $0xA0, s5;
	s26 =	sadd.s32 $0xB0, s5;
	s28 =	sadd.s32 $0xC0, s5  }
0xf: {  	v27 =	vor.u32 $0x27D0, v29;
	v28 =	vor.u32 $0x27E0, v29;
	v0 =	vor.u32 s5, v29;
	s29 =	sadd.s32 $0xD0, s5;
	s5 =	sadd.s32 $0xE0, s5;
	s6 =	sadd.s32 s6, s4  }
0x10: {  	s7 =	sor.u32 s9, s7;
	s8 =	sor.u32 s16, s8;
	v1 =	vor.u32 s17, v29;
	v2 =	vor.u32 s18, v29;
	v3 =	vor.u32 s19, v29;
	s9 =	simm.s32 $0x2800  }
0x11: {  	v4 =	vor.u32 s11, v29;
	v5 =	vor.u32 s20, v29;
	v6 =	vor.u32 s21, v29;
	s11 =	simm.s32 $0x3;
	s16 =	simm.s32 $0x0;
	s8 =	sshrl.u32 s8, $0x3  }
0x12: {  	v7 =	vor.u32 s22, v29;
	v8 =	vor.u32 s23, v29;
	v9 =	vor.u32 s24, v29;
	s7 =	sshrl.u32 s7, $0x3;
	s3 =	sadd.s32 $0x2C00, s6;
	s8 =	sadd.s32 s8, s4  }
0x13: {  	v10 =	vor.u32 s25, v29;
	v11 =	vor.u32 s26, v29;
	v14 =	vor.u32 s5, v29;
	s7 =	sadd.s32 s7, s4;
	s4 =	sadd.s32 $0xC840, s6;
	s5 =	sadd.s32 $0x16610, s8  }
0x14: {  	v12 =	vor.u32 s28, v29;
	v13 =	vor.u32 s29, v29;
	v29 =	vor.u32 $0x27F0, v29;
	s6 =	sadd.s32 $0x16600, s8;
	s7 =	sadd.s32 $0x2A600, s7;
	s8 =	smax.u32 s31, $0x1  }
.LBB2_1:
0x15: {  	[tilespmem:s9], [sflag:$0x1] =	stream.linear.gather [hbm4b:s3+s2], $0x2710, $0x38;
	[tilespmem:$0x7800] =	vst v63  }
0x16: {  	_ = 	snop  }
0x17: {  	[tilespmem:s10], [sflag:$0x3] =	stream.linear.gather [hbm4b:s4+s2], $0x2710, $0x38;
	[tilespmem:$0x7800] =	vst v63  }
0x18: {  	_ =	swait.ge [sflag:s11], $0x2710  }
0x19: {  	[sflag:s11] =	ssyncset.done $0x0  }
0x1a: {  	[sflag:s11] =	ssyncadd.s32 $0xFFFFD8F0  }
0x1b: {  	[tilespmem:$0x4F10] =	vst v0  }
0x1c: {  	[tilespmem:$0x7710] =	vst v15  }
0x1d: {  	[tilespmem:$0x4F20] =	vst v1  }
0x1e: {  	[tilespmem:$0x7720] =	vst v16  }
0x1f: {  	[tilespmem:$0x4F30] =	vst v2  }
0x20: {  	[tilespmem:$0x7730] =	vst v17  }
0x21: {  	[tilespmem:$0x4F40] =	vst v3  }
0x22: {  	[tilespmem:$0x7740] =	vst v18  }
0x23: {  	[tilespmem:$0x4F50] =	vst v4  }
0x24: {  	[tilespmem:$0x7750] =	vst v19  }
0x25: {  	[tilespmem:$0x4F60] =	vst v5  }
0x26: {  	[tilespmem:$0x7760] =	vst v20  }
0x27: {  	[tilespmem:$0x4F70] =	vst v6  }
0x28: {  	[tilespmem:$0x7770] =	vst v21  }
0x29: {  	[tilespmem:$0x4F80] =	vst v7  }
0x2a: {  	[tilespmem:$0x7780] =	vst v22  }
0x2b: {  	[tilespmem:$0x4F90] =	vst v8  }
0x2c: {  	[tilespmem:$0x7790] =	vst v23  }
0x2d: {  	[tilespmem:$0x4FA0] =	vst v9  }
0x2e: {  	[tilespmem:$0x77A0] =	vst v24  }
0x2f: {  	[tilespmem:$0x4FB0] =	vst v10  }
0x30: {  	[tilespmem:$0x77B0] =	vst v25  }
0x31: {  	[tilespmem:$0x4FC0] =	vst v11  }
0x32: {  	[tilespmem:$0x77C0] =	vst v26  }
0x33: {  	[tilespmem:$0x4FD0] =	vst v12  }
0x34: {  	[tilespmem:$0x77D0] =	vst v27  }
0x35: {  	[tilespmem:$0x4FE0] =	vst v13  }
0x36: {  	[tilespmem:$0x77E0] =	vst v28  }
0x37: {  	[tilespmem:$0x4FF0] =	vst v14  }
0x38: {  	s17 =	simm.s32 $0x40;
	s18 =	simm.s32 $0x0;
	[tilespmem:$0x77F0] =	vst v29  }
.LBB2_2:
0x39: {  	p0 =	sne.s32 s17, $0x9FC0;
	[tilespmem:s18+$0x0] =	vst v30;
	s18 =	smov.u32 s17;
	s17 =	sadd.s32 $0x40, s17  }
.Ltmp0:
0x3a: {  	(pc) =	sbr.rel @p0 .LBB2_2-.Ltmp0, $2  }
0x3b: {  	_ =	sdelay $0x2  }
0x3c: {  	s18 =	sshra.s32 s18, $0x2  }
0x3d: {  	[tilespmem:s18+$0x0] =	vst v30  }
0x3e: {  	[hbm4b:s5+s12] =	stream.strided.scatter [tilespmem:s10], [sflag:$0x2], $0x2800, s13, s12, $0x38;
	[tilespmem:$0x7800] =	vst v63  }
0x3f: {  	_ =	swait.ge [sflag:s14], $0x2710  }
0x40: {  	[sflag:s14] =	ssyncset.done $0x0  }
0x41: {  	s17 =	simm.s32 $0x0;
	[sflag:s14] =	ssyncadd.s32 $0xFFFFD8F0  }
0x42: {  	[hbm4b:s6+s12] =	stream.strided.scatter [tilespmem:s9], [sflag:$0x2], $0x2800, s13, s12, $0x38;
	[tilespmem:$0x7800] =	vst v63  }
.LBB2_4:
0x43: {  	s18 =	sshra.s32 s17, $0x2  }
0x44: {  	v32 =	vld [tilespmem:s18+$0x5000];
	_ =	sdelay $0x7  }
0x45: {  	[tilespmem:v32+s2+$0x0] =	vst.idx.add.f32.msk $0xffff, v31  }
0x46: {  	v32 =	vld [tilespmem:s18+$0x5010];
	_ =	sdelay $0x7  }
0x47: {  	[tilespmem:v32+s2+$0x0] =	vst.idx.add.f32.msk $0xffff, v31  }
0x48: {  	v32 =	vld [tilespmem:s18+$0x5020];
	_ =	sdelay $0x7  }
0x49: {  	[tilespmem:v32+s2+$0x0] =	vst.idx.add.f32.msk $0xffff, v31  }
0x4a: {  	v32 =	vld [tilespmem:s18+$0x5030];
	_ =	sdelay $0x7  }
0x4b: {  	[tilespmem:v32+s2+$0x0] =	vst.idx.add.f32.msk $0xffff, v31  }
0x4c: {  	v32 =	vld [tilespmem:s18+$0x5040];
	_ =	sdelay $0x2  }
0x4d: {  	p0 =	sne.s32 s17, $0x9B00  }
.Ltmp1:
0x4e: {  	_ = 	snop;
	(pc) =	sbr.rel @p0 .LBB2_4-.Ltmp1, $2  }
0x4f: {  	_ =	sdelay $0x2  }
0x50: {  	s17 =	sadd.s32 $0x140, s17;
	[tilespmem:v32+s2+$0x0] =	vst.idx.add.f32.msk $0xffff, v31  }
0x51: {  	[hbm4b:s7+s12] =	stream.strided.scatter [tilespmem:s2], [sflag:$0x3], $0x2800, s13, s12, $0x38;
	[tilespmem:$0x7800] =	vst v63  }
0x52: {  	_ =	swait.ge [sflag:s11], $0x2800  }
0x53: {  	[sflag:s11] =	ssyncset.done $0x0  }
0x54: {  	s16 =	sadd.s32 $0x1, s16;
	[sflag:s11] =	ssyncadd.s32 $0xFFFFD800  }
0x55: {  	p0 =	sne.s32 s16, s8;
	_ =	swait.ge [sflag:s15], $0x2800  }
.Ltmp2:
0x56: {  	[sflag:s15] =	ssyncset.done $0x0;
	(pc) =	sbr.rel @p0 .LBB2_1-.Ltmp2, $4  }
0x57: {  	[sflag:s15] =	ssyncadd.s32 $0xFFFFD800  }
0x58: {  	_ =	swait.ge [sflag:s15], $0x2800  }
0x59: {  	[sflag:s15] =	ssyncset.done $0x0  }
0x5a: {  	[sflag:s15] =	ssyncadd.s32 $0xFFFFD800  }
0x5b: {  	_ =	sfence.sel $0x180000  }
0x5c: {  	[bflag:$0x0] =	sbarrier.arrive $0xFFFF  }
0x5d: {  	p0 =	sne.s32 s1, $0x0;
	_ =	strace $0x90000047  }
0x5e: {  	s0 =	sadd.s32 @!p0 $0x100000, s0;
	[bflag:$0x2] =	sbarrier.arrive $0xFFFF  }
0x5f: {  	[sflag:s0] =	ssyncadd.tile.s32 @!p0 $0x1;
	_ =	shalt  }
.Lfunc_end2:
_tile_overlayer_lowered:
.L_overlay_start_2:
0x60: {  	(tag) =	ssettag $0x2  }
0x61: {  	s0 =	rddreg [dreg:$0x0];
	s2 =	stileid.u32  }
0x62: {  	s1 =	rddreg [dreg:$0x1];
	p0 =	sne.s32 s2, $0x0  }
0x63: {  	s3 =	rddreg [dreg:$0x2];
	[bflag:$0x3] =	sbarrier.arrive $0xFFFF;
	s2 =	simm.s32 @!p0 $0x1C03  }
0x64: {  	[timem:s3], [sflag:s2] =	dma.local @!p0 [hbm:s0], s1  }
0x65: {  	s0 =	simm.s32 @!p0 $0x3  }
0x66: {  	_ =	swait.ge @!p0 [sflag:s0], s1  }
0x67: {  	s1 =	ssub.s32 @!p0 $0x0, s1;
	[sflag:s0] =	ssyncset.done @!p0 $0x0  }
0x68: {  	[sflag:s0] =	ssyncadd.s32 @!p0 s1  }
0x69: {  	[bflag:$0x3] =	sbarrier.arrive $0xFFFF  }
0x6a: {  	_ =	shalt  }

</sc_bundles>
